<compile_context>
chip_gen: v7x
topology: tpu7x:2x2x1
jax: 0.10.2.dev20260603
libtpu: 0.0.44.dev20260713+nightly
codegen_flags: <defaults>
</compile_context>

<pallas_src>
import functools

import jax
import jax.numpy as jnp
from jax import lax
from jax.experimental import pallas as pl
from jax.experimental.pallas import tpu as pltpu
from jax.experimental.pallas import tpu_sc as plsc

_B = 2
_N = 4096
_F48 = 48
_M = 1000
_MCP = 1008
_NSUB = 16
_QPW = _N // _NSUB
_INV_DENOM = 0.08
_NEG_ID = -12.5


def _sc_body(cx, cy, cz, mcx, mcy, mcz, gp, cvx0, cvx1,
             wf, bb, out,
             vx, vy, vz, vxr, vyr, vzr, vsq, vmcx, vmcy, vmcz, vgp,
             vcvx0, vcvx1, vw0, vw1, vwf, vb, vout):
    c = lax.axis_index("c")
    s = lax.axis_index("s")
    base = c * _N
    pltpu.sync_copy(cx.at[pl.ds(base, _N)], vx)
    pltpu.sync_copy(cy.at[pl.ds(base, _N)], vy)
    pltpu.sync_copy(cz.at[pl.ds(base, _N)], vz)
    pltpu.sync_copy(mcx, vmcx)
    pltpu.sync_copy(mcy, vmcy)
    pltpu.sync_copy(mcz, vmcz)
    pltpu.sync_copy(gp, vgp)
    pltpu.sync_copy(cvx0, vcvx0)
    pltpu.sync_copy(cvx1, vcvx1)
    pltpu.sync_copy(wf, vwf)
    pltpu.sync_copy(bb, vb)

    iota = lax.broadcasted_iota(jnp.int32, (16,), 0)

    def _rcp(v):
        bits = lax.bitcast_convert_type(v, jnp.int32)
        y = lax.bitcast_convert_type(
            jnp.full((16,), 0x7EF311C3, jnp.int32) - bits, jnp.float32)
        for _ in range(3):
            y = y * (2.0 - v * y)
        return y

    def _bf16(v):
        bits = lax.bitcast_convert_type(v, jnp.int32)
        half = jnp.full((16,), 0x7FFF, jnp.int32)
        one = jnp.full((16,), 1, jnp.int32)
        mask = jnp.full((16,), -65536, jnp.int32)
        r = (bits + half + ((bits >> 16) & one)) & mask
        return lax.bitcast_convert_type(r, jnp.float32)

    def _sq_body(i, _):
        x = vx[pl.ds(i * 16, 16)]
        y = vy[pl.ds(i * 16, 16)]
        z = vz[pl.ds(i * 16, 16)]
        vsq[pl.ds(i * 16, 16)] = x * x + y * y + z * z
        vxr[pl.ds(i * 16, 16)] = _bf16(x)
        vyr[pl.ds(i * 16, 16)] = _bf16(y)
        vzr[pl.ds(i * 16, 16)] = _bf16(z)
        return 0

    lax.fori_loop(0, _N // 16, _sq_body, 0)

    for strat, (vcvx, vwn, scale) in enumerate(
            (((vcvx0, vw0, 1.0)), (vcvx1, vw1, 0.5))):
        rows = [vcvx[pl.ds(g * 16, 16)] for g in range(8)]
        mx = rows[0]
        for g in range(1, 8):
            mx = jnp.maximum(mx, rows[g])
        es = [jnp.exp(rows[g] - mx) for g in range(8)]
        ssum = es[0]
        for g in range(1, 8):
            ssum = ssum + es[g]
        for g in range(8):
            gxb = plsc.load_gather(vgp, [jnp.full((16,), strat * 24 + g,
                                                  jnp.int32)])
            gyb = plsc.load_gather(vgp, [jnp.full((16,), strat * 24 + 8 + g,
                                                  jnp.int32)])
            gzb = plsc.load_gather(vgp, [jnp.full((16,), strat * 24 + 16 + g,
                                                  jnp.int32)])

            def _mc_body(m, acc, gxb=gxb, gyb=gyb, gzb=gzb):
                ax = vmcx[pl.ds(m * 16, 16)] * gxb
                ay = vmcy[pl.ds(m * 16, 16)] * gyb
                az = vmcz[pl.ds(m * 16, 16)] * gzb
                e = jnp.exp((ax * ax + ay * ay + az * az) * _NEG_ID)
                valid = (m * 16 + iota) < _M
                return acc + jnp.where(valid, e, 0.0)

            acc = lax.fori_loop(0, _MCP // 16, _mc_body,
                                jnp.zeros((16,), jnp.float32))
            integv = jnp.full((16,), jnp.sum(acc) * (1.0 / _M), jnp.float32)
            vwn[pl.ds(g * 16, 16)] = (es[g] * _rcp(ssum)
                                      * _rcp(integv + 1e-8) * scale)

    inf16 = jnp.full((16,), jnp.inf, jnp.float32)

    def _query_body(ql, _):
        qi = s * _QPW + ql
        idxq = jnp.full((16,), qi, jnp.int32)
        qxu = plsc.load_gather(vx, [idxq])
        qyu = plsc.load_gather(vy, [idxq])
        qzu = plsc.load_gather(vz, [idxq])
        qxr = plsc.load_gather(vxr, [idxq])
        qyr = plsc.load_gather(vyr, [idxq])
        qzr = plsc.load_gather(vzr, [idxq])
        sqq = qxu * qxu + qyu * qyu + qzu * qzu

        def _chunk_body(ci, carry):
            kk, vv, t16 = carry
            off = ci * 16
            bx = vxr[pl.ds(off, 16)]
            by = vyr[pl.ds(off, 16)]
            bz = vzr[pl.ds(off, 16)]
            sqs = vsq[pl.ds(off, 16)]
            dot = bx * qxr + by * qyr + bz * qzr
            d2 = sqs + sqq - 2.0 * dot

            def _merge(args):
                kk, vv, _ = args
                ck, cv = plsc.sort_key_val(d2, iota + off)
                rk = lax.rev(ck, (0,))
                rv = lax.rev(cv, (0,))
                sel = rk < kk
                mk = jnp.where(sel, rk, kk)
                mv = jnp.where(sel, rv, vv)
                k2, v2 = plsc.sort_key_val(mk, mv)
                return k2, v2, jnp.full((16,), jnp.max(k2), jnp.float32)

            return lax.cond(jnp.any(d2 < t16), _merge, lambda a: a,
                            (kk, vv, t16))

        kk, vv, _ = lax.fori_loop(
            0, _N // 16, _chunk_body,
            (inf16, jnp.zeros((16,), jnp.int32), inf16))

        nx = plsc.load_gather(vx, [vv])
        ny = plsc.load_gather(vy, [vv])
        nz = plsc.load_gather(vz, [vv])
        relx = nx - qxu
        rely = ny - qyu
        relz = nz - qzu
        m8 = iota < 8

        qoff = ql * _F48
        for strat, vwn in ((0, vw0), (1, vw1)):
            out_acc = jnp.zeros((16,), jnp.float32)
            for g in range(8):
                gxb = plsc.load_gather(vgp, [jnp.full((16,), strat * 24 + g,
                                                      jnp.int32)])
                gyb = plsc.load_gather(vgp, [jnp.full((16,),
                                                      strat * 24 + 8 + g,
                                                      jnp.int32)])
                gzb = plsc.load_gather(vgp, [jnp.full((16,),
                                                      strat * 24 + 16 + g,
                                                      jnp.int32)])
                ax = relx * gxb
                ay = rely * gyb
                az = relz * gzb
                e = jnp.exp((ax * ax + ay * ay + az * az) * _NEG_ID)
                if strat == 0:
                    e = jnp.where(m8, e, 0.0)
                out_acc = out_acc + jnp.sum(e) * vwn[pl.ds(g * 16, 16)]
            vout[pl.ds(qoff + 16 + strat * 16, 16)] = out_acc

        x = vb[...]
        for f in range(32):
            bf = plsc.load_gather(vout, [jnp.full((16,), qoff + 16 + f,
                                                  jnp.int32)])
            x = x + bf * vwf[pl.ds(f * 16, 16)]
        vout[pl.ds(qoff, 16)] = jnp.maximum(x, 0.0)
        return 0

    lax.fori_loop(0, _QPW, _query_body, 0)

    pltpu.sync_copy(vout, out.at[pl.ds((c * _N + s * _QPW) * _F48,
                                       _QPW * _F48)])


def kernel(coords, feats, mc_points, gib_params_0, cvx_0, gib_params_1,
           cvx_1, W, b):
    del feats
    cx, cy, cz = (coords[:, :, d].reshape(-1) for d in range(3))
    mcp = jnp.pad(mc_points, ((0, _MCP - _M), (0, 0)))
    mcx, mcy, mcz = (mcp[:, d] for d in range(3))
    gp = jnp.concatenate([gib_params_0.T.reshape(-1),
                          gib_params_1.T.reshape(-1)])
    cvx0 = cvx_0.T.reshape(-1)
    cvx1 = cvx_1.T.reshape(-1)
    wf = W.reshape(-1)
    mesh = plsc.VectorSubcoreMesh(core_axis_name="c", subcore_axis_name="s")
    run = pl.kernel(
        _sc_body,
        out_type=jax.ShapeDtypeStruct((_B * _N * _F48,), jnp.float32),
        mesh=mesh,
        scratch_types=[
            pltpu.VMEM((_N,), jnp.float32),
            pltpu.VMEM((_N,), jnp.float32),
            pltpu.VMEM((_N,), jnp.float32),
            pltpu.VMEM((_N,), jnp.float32),
            pltpu.VMEM((_N,), jnp.float32),
            pltpu.VMEM((_N,), jnp.float32),
            pltpu.VMEM((_N,), jnp.float32),
            pltpu.VMEM((_MCP,), jnp.float32),
            pltpu.VMEM((_MCP,), jnp.float32),
            pltpu.VMEM((_MCP,), jnp.float32),
            pltpu.VMEM((48,), jnp.float32),
            pltpu.VMEM((128,), jnp.float32),
            pltpu.VMEM((128,), jnp.float32),
            pltpu.VMEM((128,), jnp.float32),
            pltpu.VMEM((128,), jnp.float32),
            pltpu.VMEM((512,), jnp.float32),
            pltpu.VMEM((16,), jnp.float32),
            pltpu.VMEM((_QPW * _F48,), jnp.float32),
        ],
        compiler_params=pltpu.CompilerParams(needs_layout_passes=False),
    )
    flat = run(cx, cy, cz, mcx, mcy, mcz, gp, cvx0, cvx1, wf, b)
    return flat.reshape(_B, _N, _F48)

# --- scband reference (transcript-rebuilt; emitter-appended) ---
"""Pipeline reference for scband-gibli-layer-4337916970039 (READ-ONLY COPY).

The authoritative reference and input builder live on the scoring server;
editing this copy changes nothing except your own understanding.
"""

import jax, jax.numpy as jnp
import numpy as np

B, N, F = 2, 4096, 32
NEIGH = [8, 16]
NUM_OBS = 16
G = 8  # total gibs from gib_dict {'cy':2,'ellip':2,'disk':2,'cone':2}
KS = 0.2
OUT_FEAT = 16
M = 1000


def setup_inputs(seed: int = 0) -> dict:
    key = jax.random.key(seed)
    ks = jax.random.split(key, 10)
    coords = jax.random.uniform(ks[0], (B, N, 3), dtype=jnp.float32)
    feats = jax.random.normal(ks[1], (B, N, F), dtype=jnp.float32)
    mc_points = jax.random.uniform(ks[2], (M, 3), dtype=jnp.float32)
    gib_params_0 = jax.random.normal(ks[3], (G, 3), dtype=jnp.float32)
    cvx_0 = jax.random.normal(ks[4], (NUM_OBS, G), dtype=jnp.float32)
    gib_params_1 = jax.random.normal(ks[5], (G, 3), dtype=jnp.float32)
    cvx_1 = jax.random.normal(ks[6], (NUM_OBS, G), dtype=jnp.float32)
    W = jax.random.normal(ks[7], (2 * NUM_OBS, OUT_FEAT), dtype=jnp.float32) * 0.05
    b = jnp.zeros((OUT_FEAT,), dtype=jnp.float32)
    return {"coords": coords, "feats": feats, "mc_points": mc_points,
            "gib_params_0": gib_params_0, "cvx_0": cvx_0,
            "gib_params_1": gib_params_1, "cvx_1": cvx_1, "W": W, "b": b}


def _knn_idx(coords, k):
    # brute-force knn: pairwise squared dist + top_k (retrieval core)
    sq = jnp.sum(coords * coords, axis=-1)
    d2 = sq[:, :, None] + sq[:, None, :] - 2.0 * jnp.einsum('bnd,bmd->bnm', coords, coords)
    _, idx = jax.lax.top_k(-d2, k)  # (B, N, k) indices of nearest support points
    return idx


def _gib(coords, idx, mc_points, gib_params, cvx, kernel_size):
    # gather neighbor coords: (B, N, k, 3)
    nbr = jax.vmap(lambda c, i: c[i])(coords, idx)
    rel = nbr - coords[:, :, None, :]
    # per-gib anisotropic gaussian response over neighbors: (B, N, k, G) -> sum_k -> (B, N, G)
    scaled = rel[..., None, :] * gib_params[None, None, None, :, :]
    resp = jnp.exp(-jnp.sum(scaled * scaled, axis=-1) / (2.0 * kernel_size ** 2)).sum(axis=2)
    # monte-carlo integral normalization using mc_points
    mc_scaled = mc_points[:, None, :] * gib_params[None, :, :]
    integ = jnp.exp(-jnp.sum(mc_scaled * mc_scaled, axis=-1) / (2.0 * kernel_size ** 2)).mean(axis=0)
    resp = resp / (integ[None, None, :] + 1e-8)
    # convex combination over gib primitives per observer
    w = jax.nn.softmax(cvx, axis=-1)  # (O, G)
    return jnp.einsum('bng,og->bno', resp, w)


def reference(coords, feats, mc_points, gib_params_0, cvx_0, gib_params_1, cvx_1, W, b):
    params = [(NEIGH[0], gib_params_0, cvx_0), (NEIGH[1], gib_params_1, cvx_1)]
    n_strat = len(params)
    out = None
    for i, (k, gp, cv) in enumerate(params):
        idx = _knn_idx(coords, k)
        f = _gib(coords, idx, mc_points, gp, cv, KS)
        f = f * ((n_strat - i) / n_strat)
        out = f if out is None else jnp.concatenate([out, f], axis=-1)
    x_out = jax.nn.relu(out @ W + b)
    return jnp.concatenate([x_out, out], axis=-1)

if __name__ == "__main__":
    import jax
    _d = setup_inputs()
    print(jax.jit(kernel)(*tuple(_d.values())))

</pallas_src>

<mosaic_0001>
#map = affine_map<(d0, d1) -> (0)>
module attributes {stable_mosaic.version = 14 : i64} {
  func.func @_sc_body(%arg0: i32, %arg1: i32, %arg2: memref<8192xf32, #tpu.memory_space<hbm>>, %arg3: memref<8192xf32, #tpu.memory_space<hbm>>, %arg4: memref<8192xf32, #tpu.memory_space<hbm>>, %arg5: memref<1008xf32, #tpu.memory_space<hbm>>, %arg6: memref<1008xf32, #tpu.memory_space<hbm>>, %arg7: memref<1008xf32, #tpu.memory_space<hbm>>, %arg8: memref<48xf32, #tpu.memory_space<hbm>>, %arg9: memref<128xf32, #tpu.memory_space<hbm>>, %arg10: memref<128xf32, #tpu.memory_space<hbm>>, %arg11: memref<512xf32, #tpu.memory_space<hbm>>, %arg12: memref<16xf32, #tpu.memory_space<hbm>>, %arg13: memref<393216xf32, #tpu.memory_space<hbm>>, %arg14: memref<4096xf32, #tpu.memory_space<vmem>>, %arg15: memref<4096xf32, #tpu.memory_space<vmem>>, %arg16: memref<4096xf32, #tpu.memory_space<vmem>>, %arg17: memref<4096xf32, #tpu.memory_space<vmem>>, %arg18: memref<4096xf32, #tpu.memory_space<vmem>>, %arg19: memref<4096xf32, #tpu.memory_space<vmem>>, %arg20: memref<4096xf32, #tpu.memory_space<vmem>>, %arg21: memref<1008xf32, #tpu.memory_space<vmem>>, %arg22: memref<1008xf32, #tpu.memory_space<vmem>>, %arg23: memref<1008xf32, #tpu.memory_space<vmem>>, %arg24: memref<48xf32, #tpu.memory_space<vmem>>, %arg25: memref<128xf32, #tpu.memory_space<vmem>>, %arg26: memref<128xf32, #tpu.memory_space<vmem>>, %arg27: memref<128xf32, #tpu.memory_space<vmem>>, %arg28: memref<128xf32, #tpu.memory_space<vmem>>, %arg29: memref<512xf32, #tpu.memory_space<vmem>>, %arg30: memref<16xf32, #tpu.memory_space<vmem>>, %arg31: memref<12288xf32, #tpu.memory_space<vmem>>) attributes {dimension_semantics = [#tpu.dimension_semantics<core_parallel>, #tpu.dimension_semantics<subcore_parallel>], iteration_bounds = array<i64: 2, 16>, scalar_prefetch = 0 : i64, scratch_operands = 18 : i64, tpu.core_type = #tpu.core_type<sc_vector_subcore>, window_params = [{transform_indices = #map}, {transform_indices = #map}, {transform_indices = #map}, {transform_indices = #map}, {transform_indices = #map}, {transform_indices = #map}, {transform_indices = #map}, {transform_indices = #map}, {transform_indices = #map}, {transform_indices = #map}, {transform_indices = #map}, {transform_indices = #map}]} {
    %mul3A = arith.constant 4096 : i32
    %mul3A_0 = arith.muli %arg0, %mul3A : i32
    "tpu.region"() ({
      %run_scoped3A = tpu.sem_alloc : memref<!tpu.dma_semaphore, #tpu.memory_space<semaphore_mem>>
      %dma_start3A = tpu.memref_slice %arg2[%mul3A_0] : memref<8192xf32, #tpu.memory_space<hbm>> -> memref<4096xf32, #tpu.memory_space<hbm>>
      %dma_start3A_1289 = tpu.memref_slice %arg2[%mul3A_0] : memref<8192xf32, #tpu.memory_space<hbm>> -> memref<4096xf32, #tpu.memory_space<hbm>>
      tpu.enqueue_dma source(%dma_start3A_1289 : memref<4096xf32, #tpu.memory_space<hbm>>) target(%arg14 : memref<4096xf32, #tpu.memory_space<vmem>>) target_semaphore(%run_scoped3A : memref<!tpu.dma_semaphore, #tpu.memory_space<semaphore_mem>>)
      %dma_wait3A = tpu.memref_slice %arg2[%mul3A_0] : memref<8192xf32, #tpu.memory_space<hbm>> -> memref<4096xf32, #tpu.memory_space<hbm>>
      %dma_wait3A_1290 = tpu.memref_slice %arg2[%mul3A_0] : memref<8192xf32, #tpu.memory_space<hbm>> -> memref<4096xf32, #tpu.memory_space<hbm>>
      tpu.wait_dma2 semaphore(%run_scoped3A : memref<!tpu.dma_semaphore, #tpu.memory_space<semaphore_mem>>) src(%dma_wait3A_1290 : memref<4096xf32, #tpu.memory_space<hbm>>) dst(%arg14 : memref<4096xf32, #tpu.memory_space<vmem>>)
      tpu.yield
    }) : () -> ()
    "tpu.region"() ({
      %run_scoped3A = tpu.sem_alloc : memref<!tpu.dma_semaphore, #tpu.memory_space<semaphore_mem>>
      %dma_start3A = tpu.memref_slice %arg3[%mul3A_0] : memref<8192xf32, #tpu.memory_space<hbm>> -> memref<4096xf32, #tpu.memory_space<hbm>>
      %dma_start3A_1289 = tpu.memref_slice %arg3[%mul3A_0] : memref<8192xf32, #tpu.memory_space<hbm>> -> memref<4096xf32, #tpu.memory_space<hbm>>
      tpu.enqueue_dma source(%dma_start3A_1289 : memref<4096xf32, #tpu.memory_space<hbm>>) target(%arg15 : memref<4096xf32, #tpu.memory_space<vmem>>) target_semaphore(%run_scoped3A : memref<!tpu.dma_semaphore, #tpu.memory_space<semaphore_mem>>)
      %dma_wait3A = tpu.memref_slice %arg3[%mul3A_0] : memref<8192xf32, #tpu.memory_space<hbm>> -> memref<4096xf32, #tpu.memory_space<hbm>>
      %dma_wait3A_1290 = tpu.memref_slice %arg3[%mul3A_0] : memref<8192xf32, #tpu.memory_space<hbm>> -> memref<4096xf32, #tpu.memory_space<hbm>>
      tpu.wait_dma2 semaphore(%run_scoped3A : memref<!tpu.dma_semaphore, #tpu.memory_space<semaphore_mem>>) src(%dma_wait3A_1290 : memref<4096xf32, #tpu.memory_space<hbm>>) dst(%arg15 : memref<4096xf32, #tpu.memory_space<vmem>>)
      tpu.yield
    }) : () -> ()
    "tpu.region"() ({
      %run_scoped3A = tpu.sem_alloc : memref<!tpu.dma_semaphore, #tpu.memory_space<semaphore_mem>>
      %dma_start3A = tpu.memref_slice %arg4[%mul3A_0] : memref<8192xf32, #tpu.memory_space<hbm>> -> memref<4096xf32, #tpu.memory_space<hbm>>
      %dma_start3A_1289 = tpu.memref_slice %arg4[%mul3A_0] : memref<8192xf32, #tpu.memory_space<hbm>> -> memref<4096xf32, #tpu.memory_space<hbm>>
      tpu.enqueue_dma source(%dma_start3A_1289 : memref<4096xf32, #tpu.memory_space<hbm>>) target(%arg16 : memref<4096xf32, #tpu.memory_space<vmem>>) target_semaphore(%run_scoped3A : memref<!tpu.dma_semaphore, #tpu.memory_space<semaphore_mem>>)
      %dma_wait3A = tpu.memref_slice %arg4[%mul3A_0] : memref<8192xf32, #tpu.memory_space<hbm>> -> memref<4096xf32, #tpu.memory_space<hbm>>
      %dma_wait3A_1290 = tpu.memref_slice %arg4[%mul3A_0] : memref<8192xf32, #tpu.memory_space<hbm>> -> memref<4096xf32, #tpu.memory_space<hbm>>
      tpu.wait_dma2 semaphore(%run_scoped3A : memref<!tpu.dma_semaphore, #tpu.memory_space<semaphore_mem>>) src(%dma_wait3A_1290 : memref<4096xf32, #tpu.memory_space<hbm>>) dst(%arg16 : memref<4096xf32, #tpu.memory_space<vmem>>)
      tpu.yield
    }) : () -> ()
    "tpu.region"() ({
      %run_scoped3A = tpu.sem_alloc : memref<!tpu.dma_semaphore, #tpu.memory_space<semaphore_mem>>
      tpu.enqueue_dma source(%arg5 : memref<1008xf32, #tpu.memory_space<hbm>>) target(%arg21 : memref<1008xf32, #tpu.memory_space<vmem>>) target_semaphore(%run_scoped3A : memref<!tpu.dma_semaphore, #tpu.memory_space<semaphore_mem>>)
      tpu.wait_dma2 semaphore(%run_scoped3A : memref<!tpu.dma_semaphore, #tpu.memory_space<semaphore_mem>>) src(%arg5 : memref<1008xf32, #tpu.memory_space<hbm>>) dst(%arg21 : memref<1008xf32, #tpu.memory_space<vmem>>)
      tpu.yield
    }) : () -> ()
    "tpu.region"() ({
      %run_scoped3A = tpu.sem_alloc : memref<!tpu.dma_semaphore, #tpu.memory_space<semaphore_mem>>
      tpu.enqueue_dma source(%arg6 : memref<1008xf32, #tpu.memory_space<hbm>>) target(%arg22 : memref<1008xf32, #tpu.memory_space<vmem>>) target_semaphore(%run_scoped3A : memref<!tpu.dma_semaphore, #tpu.memory_space<semaphore_mem>>)
      tpu.wait_dma2 semaphore(%run_scoped3A : memref<!tpu.dma_semaphore, #tpu.memory_space<semaphore_mem>>) src(%arg6 : memref<1008xf32, #tpu.memory_space<hbm>>) dst(%arg22 : memref<1008xf32, #tpu.memory_space<vmem>>)
      tpu.yield
    }) : () -> ()
    "tpu.region"() ({
      %run_scoped3A = tpu.sem_alloc : memref<!tpu.dma_semaphore, #tpu.memory_space<semaphore_mem>>
      tpu.enqueue_dma source(%arg7 : memref<1008xf32, #tpu.memory_space<hbm>>) target(%arg23 : memref<1008xf32, #tpu.memory_space<vmem>>) target_semaphore(%run_scoped3A : memref<!tpu.dma_semaphore, #tpu.memory_space<semaphore_mem>>)
      tpu.wait_dma2 semaphore(%run_scoped3A : memref<!tpu.dma_semaphore, #tpu.memory_space<semaphore_mem>>) src(%arg7 : memref<1008xf32, #tpu.memory_space<hbm>>) dst(%arg23 : memref<1008xf32, #tpu.memory_space<vmem>>)
      tpu.yield
    }) : () -> ()
    "tpu.region"() ({
      %run_scoped3A = tpu.sem_alloc : memref<!tpu.dma_semaphore, #tpu.memory_space<semaphore_mem>>
      tpu.enqueue_dma source(%arg8 : memref<48xf32, #tpu.memory_space<hbm>>) target(%arg24 : memref<48xf32, #tpu.memory_space<vmem>>) target_semaphore(%run_scoped3A : memref<!tpu.dma_semaphore, #tpu.memory_space<semaphore_mem>>)
      tpu.wait_dma2 semaphore(%run_scoped3A : memref<!tpu.dma_semaphore, #tpu.memory_space<semaphore_mem>>) src(%arg8 : memref<48xf32, #tpu.memory_space<hbm>>) dst(%arg24 : memref<48xf32, #tpu.memory_space<vmem>>)
      tpu.yield
    }) : () -> ()
    "tpu.region"() ({
      %run_scoped3A = tpu.sem_alloc : memref<!tpu.dma_semaphore, #tpu.memory_space<semaphore_mem>>
      tpu.enqueue_dma source(%arg9 : memref<128xf32, #tpu.memory_space<hbm>>) target(%arg25 : memref<128xf32, #tpu.memory_space<vmem>>) target_semaphore(%run_scoped3A : memref<!tpu.dma_semaphore, #tpu.memory_space<semaphore_mem>>)
      tpu.wait_dma2 semaphore(%run_scoped3A : memref<!tpu.dma_semaphore, #tpu.memory_space<semaphore_mem>>) src(%arg9 : memref<128xf32, #tpu.memory_space<hbm>>) dst(%arg25 : memref<128xf32, #tpu.memory_space<vmem>>)
      tpu.yield
    }) : () -> ()
    "tpu.region"() ({
      %run_scoped3A = tpu.sem_alloc : memref<!tpu.dma_semaphore, #tpu.memory_space<semaphore_mem>>
      tpu.enqueue_dma source(%arg10 : memref<128xf32, #tpu.memory_space<hbm>>) target(%arg26 : memref<128xf32, #tpu.memory_space<vmem>>) target_semaphore(%run_scoped3A : memref<!tpu.dma_semaphore, #tpu.memory_space<semaphore_mem>>)
      tpu.wait_dma2 semaphore(%run_scoped3A : memref<!tpu.dma_semaphore, #tpu.memory_space<semaphore_mem>>) src(%arg10 : memref<128xf32, #tpu.memory_space<hbm>>) dst(%arg26 : memref<128xf32, #tpu.memory_space<vmem>>)
      tpu.yield
    }) : () -> ()
    "tpu.region"() ({
      %run_scoped3A = tpu.sem_alloc : memref<!tpu.dma_semaphore, #tpu.memory_space<semaphore_mem>>
      tpu.enqueue_dma source(%arg11 : memref<512xf32, #tpu.memory_space<hbm>>) target(%arg29 : memref<512xf32, #tpu.memory_space<vmem>>) target_semaphore(%run_scoped3A : memref<!tpu.dma_semaphore, #tpu.memory_space<semaphore_mem>>)
      tpu.wait_dma2 semaphore(%run_scoped3A : memref<!tpu.dma_semaphore, #tpu.memory_space<semaphore_mem>>) src(%arg11 : memref<512xf32, #tpu.memory_space<hbm>>) dst(%arg29 : memref<512xf32, #tpu.memory_space<vmem>>)
      tpu.yield
    }) : () -> ()
    "tpu.region"() ({
      %run_scoped3A = tpu.sem_alloc : memref<!tpu.dma_semaphore, #tpu.memory_space<semaphore_mem>>
      tpu.enqueue_dma source(%arg12 : memref<16xf32, #tpu.memory_space<hbm>>) target(%arg30 : memref<16xf32, #tpu.memory_space<vmem>>) target_semaphore(%run_scoped3A : memref<!tpu.dma_semaphore, #tpu.memory_space<semaphore_mem>>)
      tpu.wait_dma2 semaphore(%run_scoped3A : memref<!tpu.dma_semaphore, #tpu.memory_space<semaphore_mem>>) src(%arg12 : memref<16xf32, #tpu.memory_space<hbm>>) dst(%arg30 : memref<16xf32, #tpu.memory_space<vmem>>)
      tpu.yield
    }) : () -> ()
    %iota3A = tpu.iota {dimensions = array<i32: 0>} : vector<16xi32>
    %scan3A = arith.constant 0 : i32
    %scan3A_1 = arith.constant 0 : i32
    %scan3A_2 = arith.constant 256 : i32
    %scan3A_3 = arith.addi %scan3A_1, %scan3A_2 : i32
    %scan3A_4 = arith.constant 1 : i32
    %scan3A_5 = scf.for %scan3A_1289 = %scan3A_1 to %scan3A_3 step %scan3A_4 iter_args(%scan3A_1290 = %scan3A) -> (i32)  : i32 {
      %mul3A_1291 = arith.constant 16 : i32
      %mul3A_1292 = arith.muli %scan3A_1289, %mul3A_1291 : i32
      %get3A_1293 = arith.index_cast %mul3A_1292 : i32 to index
      %get3A_1294 = tpu.vector_load %arg14[%get3A_1293] {strides = array<i32>} : memref<4096xf32, #tpu.memory_space<vmem>>, vector<16xf32>,
      %mul3A_1295 = arith.constant 16 : i32
      %mul3A_1296 = arith.muli %scan3A_1289, %mul3A_1295 : i32
      %get3A_1297 = arith.index_cast %mul3A_1296 : i32 to index
      %get3A_1298 = tpu.vector_load %arg15[%get3A_1297] {strides = array<i32>} : memref<4096xf32, #tpu.memory_space<vmem>>, vector<16xf32>,
      %mul3A_1299 = arith.constant 16 : i32
      %mul3A_1300 = arith.muli %scan3A_1289, %mul3A_1299 : i32
      %get3A_1301 = arith.index_cast %mul3A_1300 : i32 to index
      %get3A_1302 = tpu.vector_load %arg16[%get3A_1301] {strides = array<i32>} : memref<4096xf32, #tpu.memory_space<vmem>>, vector<16xf32>,
      %mul3A_1303 = arith.mulf %get3A_1294, %get3A_1294 : vector<16xf32>
      %mul3A_1304 = arith.mulf %get3A_1298, %get3A_1298 : vector<16xf32>
      %add3A_1305 = arith.addf %mul3A_1303, %mul3A_1304 : vector<16xf32>
      %mul3A_1306 = arith.mulf %get3A_1302, %get3A_1302 : vector<16xf32>
      %add3A_1307 = arith.addf %add3A_1305, %mul3A_1306 : vector<16xf32>
      %mul3A_1308 = arith.constant 16 : i32
      %mul3A_1309 = arith.muli %scan3A_1289, %mul3A_1308 : i32
      %swap3A_1310 = arith.index_cast %mul3A_1309 : i32 to index
      %swap3A_1311 = tpu.vector_load %arg20[%swap3A_1310] {strides = array<i32>} : memref<4096xf32, #tpu.memory_space<vmem>>, vector<16xf32>,
      tpu.vector_store %arg20[%swap3A_1310], %add3A_1307 {strides = array<i32>} : memref<4096xf32, #tpu.memory_space<vmem>>, vector<16xf32>,
      %bitcast_convert_type3A_1312 = tpu.bitcast %get3A_1294 : vector<16xf32> -> vector<16xi32>
      %broadcast_in_dim3A_1313 = arith.constant 32767 : i32
      %broadcast_in_dim3A_1314 = vector.broadcast %broadcast_in_dim3A_1313 : i32 to vector<16xi32>
      %broadcast_in_dim3A_1315 = arith.constant 1 : i32
      %broadcast_in_dim3A_1316 = vector.broadcast %broadcast_in_dim3A_1315 : i32 to vector<16xi32>
      %broadcast_in_dim3A_1317 = arith.constant -65536 : i32
      %broadcast_in_dim3A_1318 = vector.broadcast %broadcast_in_dim3A_1317 : i32 to vector<16xi32>
      %add3A_1319 = arith.addi %bitcast_convert_type3A_1312, %broadcast_in_dim3A_1314 : vector<16xi32>
      %shift_right_arithmetic3A = arith.constant 16 : i32
      %shift_right_arithmetic3A_1320 = vector.broadcast %shift_right_arithmetic3A : i32 to vector<16xi32>
      %shift_right_arithmetic3A_1321 = arith.shrsi %bitcast_convert_type3A_1312, %shift_right_arithmetic3A_1320 : vector<16xi32>
      %and3A = arith.andi %shift_right_arithmetic3A_1321, %broadcast_in_dim3A_1316 : vector<16xi32>
      %add3A_1322 = arith.addi %add3A_1319, %and3A : vector<16xi32>
      %and3A_1323 = arith.andi %add3A_1322, %broadcast_in_dim3A_1318 : vector<16xi32>
      %bitcast_convert_type3A_1324 = tpu.bitcast %and3A_1323 : vector<16xi32> -> vector<16xf32>
      %mul3A_1325 = arith.constant 16 : i32
      %mul3A_1326 = arith.muli %scan3A_1289, %mul3A_1325 : i32
      %swap3A_1327 = arith.index_cast %mul3A_1326 : i32 to index
      %swap3A_1328 = tpu.vector_load %arg17[%swap3A_1327] {strides = array<i32>} : memref<4096xf32, #tpu.memory_space<vmem>>, vector<16xf32>,
      tpu.vector_store %arg17[%swap3A_1327], %bitcast_convert_type3A_1324 {strides = array<i32>} : memref<4096xf32, #tpu.memory_space<vmem>>, vector<16xf32>,
      %bitcast_convert_type3A_1329 = tpu.bitcast %get3A_1298 : vector<16xf32> -> vector<16xi32>
      %broadcast_in_dim3A_1330 = arith.constant 32767 : i32
      %broadcast_in_dim3A_1331 = vector.broadcast %broadcast_in_dim3A_1330 : i32 to vector<16xi32>
      %broadcast_in_dim3A_1332 = arith.constant 1 : i32
      %broadcast_in_dim3A_1333 = vector.broadcast %broadcast_in_dim3A_1332 : i32 to vector<16xi32>
      %broadcast_in_dim3A_1334 = arith.constant -65536 : i32
      %broadcast_in_dim3A_1335 = vector.broadcast %broadcast_in_dim3A_1334 : i32 to vector<16xi32>
      %add3A_1336 = arith.addi %bitcast_convert_type3A_1329, %broadcast_in_dim3A_1331 : vector<16xi32>
      %shift_right_arithmetic3A_1337 = arith.constant 16 : i32
      %shift_right_arithmetic3A_1338 = vector.broadcast %shift_right_arithmetic3A_1337 : i32 to vector<16xi32>
      %shift_right_arithmetic3A_1339 = arith.shrsi %bitcast_convert_type3A_1329, %shift_right_arithmetic3A_1338 : vector<16xi32>
      %and3A_1340 = arith.andi %shift_right_arithmetic3A_1339, %broadcast_in_dim3A_1333 : vector<16xi32>
      %add3A_1341 = arith.addi %add3A_1336, %and3A_1340 : vector<16xi32>
      %and3A_1342 = arith.andi %add3A_1341, %broadcast_in_dim3A_1335 : vector<16xi32>
      %bitcast_convert_type3A_1343 = tpu.bitcast %and3A_1342 : vector<16xi32> -> vector<16xf32>
      %mul3A_1344 = arith.constant 16 : i32
      %mul3A_1345 = arith.muli %scan3A_1289, %mul3A_1344 : i32
      %swap3A_1346 = arith.index_cast %mul3A_1345 : i32 to index
      %swap3A_1347 = tpu.vector_load %arg18[%swap3A_1346] {strides = array<i32>} : memref<4096xf32, #tpu.memory_space<vmem>>, vector<16xf32>,
      tpu.vector_store %arg18[%swap3A_1346], %bitcast_convert_type3A_1343 {strides = array<i32>} : memref<4096xf32, #tpu.memory_space<vmem>>, vector<16xf32>,
      %bitcast_convert_type3A_1348 = tpu.bitcast %get3A_1302 : vector<16xf32> -> vector<16xi32>
      %broadcast_in_dim3A_1349 = arith.constant 32767 : i32
      %broadcast_in_dim3A_1350 = vector.broadcast %broadcast_in_dim3A_1349 : i32 to vector<16xi32>
      %broadcast_in_dim3A_1351 = arith.constant 1 : i32
      %broadcast_in_dim3A_1352 = vector.broadcast %broadcast_in_dim3A_1351 : i32 to vector<16xi32>
      %broadcast_in_dim3A_1353 = arith.constant -65536 : i32
      %broadcast_in_dim3A_1354 = vector.broadcast %broadcast_in_dim3A_1353 : i32 to vector<16xi32>
      %add3A_1355 = arith.addi %bitcast_convert_type3A_1348, %broadcast_in_dim3A_1350 : vector<16xi32>
      %shift_right_arithmetic3A_1356 = arith.constant 16 : i32
      %shift_right_arithmetic3A_1357 = vector.broadcast %shift_right_arithmetic3A_1356 : i32 to vector<16xi32>
      %shift_right_arithmetic3A_1358 = arith.shrsi %bitcast_convert_type3A_1348, %shift_right_arithmetic3A_1357 : vector<16xi32>
      %and3A_1359 = arith.andi %shift_right_arithmetic3A_1358, %broadcast_in_dim3A_1352 : vector<16xi32>
      %add3A_1360 = arith.addi %add3A_1355, %and3A_1359 : vector<16xi32>
      %and3A_1361 = arith.andi %add3A_1360, %broadcast_in_dim3A_1354 : vector<16xi32>
      %bitcast_convert_type3A_1362 = tpu.bitcast %and3A_1361 : vector<16xi32> -> vector<16xf32>
      %mul3A_1363 = arith.constant 16 : i32
      %mul3A_1364 = arith.muli %scan3A_1289, %mul3A_1363 : i32
      %swap3A_1365 = arith.index_cast %mul3A_1364 : i32 to index
      %swap3A_1366 = tpu.vector_load %arg19[%swap3A_1365] {strides = array<i32>} : memref<4096xf32, #tpu.memory_space<vmem>>, vector<16xf32>,
      tpu.vector_store %arg19[%swap3A_1365], %bitcast_convert_type3A_1362 {strides = array<i32>} : memref<4096xf32, #tpu.memory_space<vmem>>, vector<16xf32>,
      %scan3A_1367 = arith.constant 0 : i32
      scf.yield %scan3A_1367 : i32
    }
    %scan3A_6 = arith.constant 256 : i32
    %get3A = arith.constant 0 : index
    %get3A_7 = tpu.vector_load %arg25[%get3A] {strides = array<i32>} : memref<128xf32, #tpu.memory_space<vmem>>, vector<16xf32>,
    %get3A_8 = arith.constant 16 : index
    %get3A_9 = tpu.vector_load %arg25[%get3A_8] {strides = array<i32>} : memref<128xf32, #tpu.memory_space<vmem>>, vector<16xf32>,
    %get3A_10 = arith.constant 32 : index
    %get3A_11 = tpu.vector_load %arg25[%get3A_10] {strides = array<i32>} : memref<128xf32, #tpu.memory_space<vmem>>, vector<16xf32>,
    %get3A_12 = arith.constant 48 : index
    %get3A_13 = tpu.vector_load %arg25[%get3A_12] {strides = array<i32>} : memref<128xf32, #tpu.memory_space<vmem>>, vector<16xf32>,
    %get3A_14 = arith.constant 64 : index
    %get3A_15 = tpu.vector_load %arg25[%get3A_14] {strides = array<i32>} : memref<128xf32, #tpu.memory_space<vmem>>, vector<16xf32>,
    %get3A_16 = arith.constant 80 : index
    %get3A_17 = tpu.vector_load %arg25[%get3A_16] {strides = array<i32>} : memref<128xf32, #tpu.memory_space<vmem>>, vector<16xf32>,
    %get3A_18 = arith.constant 96 : index
    %get3A_19 = tpu.vector_load %arg25[%get3A_18] {strides = array<i32>} : memref<128xf32, #tpu.memory_space<vmem>>, vector<16xf32>,
    %get3A_20 = arith.constant 112 : index
    %get3A_21 = tpu.vector_load %arg25[%get3A_20] {strides = array<i32>} : memref<128xf32, #tpu.memory_space<vmem>>, vector<16xf32>,
    %max3A = arith.maximumf %get3A_7, %get3A_9 : vector<16xf32>
    %max3A_22 = arith.maximumf %max3A, %get3A_11 : vector<16xf32>
    %max3A_23 = arith.maximumf %max3A_22, %get3A_13 : vector<16xf32>
    %max3A_24 = arith.maximumf %max3A_23, %get3A_15 : vector<16xf32>
    %max3A_25 = arith.maximumf %max3A_24, %get3A_17 : vector<16xf32>
    %max3A_26 = arith.maximumf %max3A_25, %get3A_19 : vector<16xf32>
    %max3A_27 = arith.maximumf %max3A_26, %get3A_21 : vector<16xf32>
    %sub3A = arith.subf %get3A_7, %max3A_27 : vector<16xf32>
    %exp3A = math.exp %sub3A : vector<16xf32>
    %sub3A_28 = arith.subf %get3A_9, %max3A_27 : vector<16xf32>
    %exp3A_29 = math.exp %sub3A_28 : vector<16xf32>
    %sub3A_30 = arith.subf %get3A_11, %max3A_27 : vector<16xf32>
    %exp3A_31 = math.exp %sub3A_30 : vector<16xf32>
    %sub3A_32 = arith.subf %get3A_13, %max3A_27 : vector<16xf32>
    %exp3A_33 = math.exp %sub3A_32 : vector<16xf32>
    %sub3A_34 = arith.subf %get3A_15, %max3A_27 : vector<16xf32>
    %exp3A_35 = math.exp %sub3A_34 : vector<16xf32>
    %sub3A_36 = arith.subf %get3A_17, %max3A_27 : vector<16xf32>
    %exp3A_37 = math.exp %sub3A_36 : vector<16xf32>
    %sub3A_38 = arith.subf %get3A_19, %max3A_27 : vector<16xf32>
    %exp3A_39 = math.exp %sub3A_38 : vector<16xf32>
    %sub3A_40 = arith.subf %get3A_21, %max3A_27 : vector<16xf32>
    %exp3A_41 = math.exp %sub3A_40 : vector<16xf32>
    %add3A = arith.addf %exp3A, %exp3A_29 : vector<16xf32>
    %add3A_42 = arith.addf %add3A, %exp3A_31 : vector<16xf32>
    %add3A_43 = arith.addf %add3A_42, %exp3A_33 : vector<16xf32>
    %add3A_44 = arith.addf %add3A_43, %exp3A_35 : vector<16xf32>
    %add3A_45 = arith.addf %add3A_44, %exp3A_37 : vector<16xf32>
    %add3A_46 = arith.addf %add3A_45, %exp3A_39 : vector<16xf32>
    %add3A_47 = arith.addf %add3A_46, %exp3A_41 : vector<16xf32>
    %broadcast_in_dim3A = arith.constant 0 : i32
    %broadcast_in_dim3A_48 = vector.broadcast %broadcast_in_dim3A : i32 to vector<16xi32>
    %gather3A = tpu.vector_load_idx %arg24[%broadcast_in_dim3A_48] : memref<48xf32, #tpu.memory_space<vmem>>[vector<16xi32>], vector<16xf32>,
    %broadcast_in_dim3A_49 = arith.constant 8 : i32
    %broadcast_in_dim3A_50 = vector.broadcast %broadcast_in_dim3A_49 : i32 to vector<16xi32>
    %gather3A_51 = tpu.vector_load_idx %arg24[%broadcast_in_dim3A_50] : memref<48xf32, #tpu.memory_space<vmem>>[vector<16xi32>], vector<16xf32>,
    %broadcast_in_dim3A_52 = arith.constant 16 : i32
    %broadcast_in_dim3A_53 = vector.broadcast %broadcast_in_dim3A_52 : i32 to vector<16xi32>
    %gather3A_54 = tpu.vector_load_idx %arg24[%broadcast_in_dim3A_53] : memref<48xf32, #tpu.memory_space<vmem>>[vector<16xi32>], vector<16xf32>,
    %broadcast_in_dim3A_55 = arith.constant 0.000000e+00 : f32
    %broadcast_in_dim3A_56 = vector.broadcast %broadcast_in_dim3A_55 : f32 to vector<16xf32>
    %scan3A_57 = arith.constant 0 : i32
    %scan3A_58 = arith.constant 63 : i32
    %scan3A_59 = arith.addi %scan3A_57, %scan3A_58 : i32
    %scan3A_60 = arith.constant 1 : i32
    %scan3A_61 = scf.for %scan3A_1289 = %scan3A_57 to %scan3A_59 step %scan3A_60 iter_args(%scan3A_1290 = %broadcast_in_dim3A_56) -> (vector<16xf32>)  : i32 {
      %mul3A_1291 = arith.constant 16 : i32
      %mul3A_1292 = arith.muli %scan3A_1289, %mul3A_1291 : i32
      %get3A_1293 = arith.index_cast %mul3A_1292 : i32 to index
      %get3A_1294 = tpu.vector_load %arg21[%get3A_1293] {strides = array<i32>} : memref<1008xf32, #tpu.memory_space<vmem>>, vector<16xf32>,
      %mul3A_1295 = arith.mulf %get3A_1294, %gather3A : vector<16xf32>
      %mul3A_1296 = arith.constant 16 : i32
      %mul3A_1297 = arith.muli %scan3A_1289, %mul3A_1296 : i32
      %get3A_1298 = arith.index_cast %mul3A_1297 : i32 to index
      %get3A_1299 = tpu.vector_load %arg22[%get3A_1298] {strides = array<i32>} : memref<1008xf32, #tpu.memory_space<vmem>>, vector<16xf32>,
      %mul3A_1300 = arith.mulf %get3A_1299, %gather3A_51 : vector<16xf32>
      %mul3A_1301 = arith.constant 16 : i32
      %mul3A_1302 = arith.muli %scan3A_1289, %mul3A_1301 : i32
      %get3A_1303 = arith.index_cast %mul3A_1302 : i32 to index
      %get3A_1304 = tpu.vector_load %arg23[%get3A_1303] {strides = array<i32>} : memref<1008xf32, #tpu.memory_space<vmem>>, vector<16xf32>,
      %mul3A_1305 = arith.mulf %get3A_1304, %gather3A_54 : vector<16xf32>
      %mul3A_1306 = arith.mulf %mul3A_1295, %mul3A_1295 : vector<16xf32>
      %mul3A_1307 = arith.mulf %mul3A_1300, %mul3A_1300 : vector<16xf32>
      %add3A_1308 = arith.addf %mul3A_1306, %mul3A_1307 : vector<16xf32>
      %mul3A_1309 = arith.mulf %mul3A_1305, %mul3A_1305 : vector<16xf32>
      %add3A_1310 = arith.addf %add3A_1308, %mul3A_1309 : vector<16xf32>
      %mul3A_1311 = arith.constant -1.250000e+01 : f32
      %mul3A_1312 = vector.broadcast %mul3A_1311 : f32 to vector<16xf32>
      %mul3A_1313 = arith.mulf %add3A_1310, %mul3A_1312 : vector<16xf32>
      %exp3A_1314 = math.exp %mul3A_1313 : vector<16xf32>
      %mul3A_1315 = arith.constant 16 : i32
      %mul3A_1316 = arith.muli %scan3A_1289, %mul3A_1315 : i32
      %add3A_1317 = vector.broadcast %mul3A_1316 : i32 to vector<16xi32>
      %add3A_1318 = arith.addi %add3A_1317, %iota3A : vector<16xi32>
      %lt3A = arith.constant 1000 : i32
      %lt3A_1319 = vector.broadcast %lt3A : i32 to vector<16xi32>
      %lt3A_1320 = arith.cmpi slt, %add3A_1318, %lt3A_1319 : vector<16xi32>
      %jit3A = arith.constant 0.000000e+00 : f32
      %broadcast_in_dim3A_1321 = vector.broadcast %jit3A : f32 to vector<16xf32>
      %select_n3A = arith.select %lt3A_1320, %exp3A_1314, %broadcast_in_dim3A_1321 : vector<16xi1>, vector<16xf32>
      %add3A_1322 = arith.addf %scan3A_1290, %select_n3A : vector<16xf32>
      scf.yield %add3A_1322 : vector<16xf32>
    }
    %scan3A_62 = arith.constant 63 : i32
    %reduce_sum3A = arith.constant true
    %reduce_sum3A_63 = vector.broadcast %reduce_sum3A : i1 to vector<16xi1>
    %reduce_sum3A_64 = tpu.scan <sum>, %scan3A_61 masked %reduce_sum3A_63 : vector<16xf32>, vector<16xi1> -> vector<16xf32>
    %reduce_sum3A_65 = vector.extract %reduce_sum3A_64[15] : f32 from vector<16xf32>
    %mul3A_66 = arith.constant 1.000000e-03 : f32
    %mul3A_67 = arith.mulf %reduce_sum3A_65, %mul3A_66 : f32
    %broadcast_in_dim3A_68 = vector.broadcast %mul3A_67 : f32 to vector<16xf32>
    %bitcast_convert_type3A = tpu.bitcast %add3A_47 : vector<16xf32> -> vector<16xi32>
    %broadcast_in_dim3A_69 = arith.constant 2129859011 : i32
    %broadcast_in_dim3A_70 = vector.broadcast %broadcast_in_dim3A_69 : i32 to vector<16xi32>
    %sub3A_71 = arith.subi %broadcast_in_dim3A_70, %bitcast_convert_type3A : vector<16xi32>
    %bitcast_convert_type3A_72 = tpu.bitcast %sub3A_71 : vector<16xi32> -> vector<16xf32>
    %mul3A_73 = arith.mulf %add3A_47, %bitcast_convert_type3A_72 : vector<16xf32>
    %sub3A_74 = arith.constant 2.000000e+00 : f32
    %sub3A_75 = vector.broadcast %sub3A_74 : f32 to vector<16xf32>
    %sub3A_76 = arith.subf %sub3A_75, %mul3A_73 : vector<16xf32>
    %mul3A_77 = arith.mulf %bitcast_convert_type3A_72, %sub3A_76 : vector<16xf32>
    %mul3A_78 = arith.mulf %add3A_47, %mul3A_77 : vector<16xf32>
    %sub3A_79 = arith.constant 2.000000e+00 : f32
    %sub3A_80 = vector.broadcast %sub3A_79 : f32 to vector<16xf32>
    %sub3A_81 = arith.subf %sub3A_80, %mul3A_78 : vector<16xf32>
    %mul3A_82 = arith.mulf %mul3A_77, %sub3A_81 : vector<16xf32>
    %mul3A_83 = arith.mulf %add3A_47, %mul3A_82 : vector<16xf32>
    %sub3A_84 = arith.constant 2.000000e+00 : f32
    %sub3A_85 = vector.broadcast %sub3A_84 : f32 to vector<16xf32>
    %sub3A_86 = arith.subf %sub3A_85, %mul3A_83 : vector<16xf32>
    %mul3A_87 = arith.mulf %mul3A_82, %sub3A_86 : vector<16xf32>
    %mul3A_88 = arith.mulf %exp3A, %mul3A_87 : vector<16xf32>
    %add3A_89 = arith.constant 9.99999993E-9 : f32
    %add3A_90 = vector.broadcast %add3A_89 : f32 to vector<16xf32>
    %add3A_91 = arith.addf %broadcast_in_dim3A_68, %add3A_90 : vector<16xf32>
    %bitcast_convert_type3A_92 = tpu.bitcast %add3A_91 : vector<16xf32> -> vector<16xi32>
    %broadcast_in_dim3A_93 = arith.constant 2129859011 : i32
    %broadcast_in_dim3A_94 = vector.broadcast %broadcast_in_dim3A_93 : i32 to vector<16xi32>
    %sub3A_95 = arith.subi %broadcast_in_dim3A_94, %bitcast_convert_type3A_92 : vector<16xi32>
    %bitcast_convert_type3A_96 = tpu.bitcast %sub3A_95 : vector<16xi32> -> vector<16xf32>
    %mul3A_97 = arith.mulf %add3A_91, %bitcast_convert_type3A_96 : vector<16xf32>
    %sub3A_98 = arith.constant 2.000000e+00 : f32
    %sub3A_99 = vector.broadcast %sub3A_98 : f32 to vector<16xf32>
    %sub3A_100 = arith.subf %sub3A_99, %mul3A_97 : vector<16xf32>
    %mul3A_101 = arith.mulf %bitcast_convert_type3A_96, %sub3A_100 : vector<16xf32>
    %mul3A_102 = arith.mulf %add3A_91, %mul3A_101 : vector<16xf32>
    %sub3A_103 = arith.constant 2.000000e+00 : f32
    %sub3A_104 = vector.broadcast %sub3A_103 : f32 to vector<16xf32>
    %sub3A_105 = arith.subf %sub3A_104, %mul3A_102 : vector<16xf32>
    %mul3A_106 = arith.mulf %mul3A_101, %sub3A_105 : vector<16xf32>
    %mul3A_107 = arith.mulf %add3A_91, %mul3A_106 : vector<16xf32>
    %sub3A_108 = arith.constant 2.000000e+00 : f32
    %sub3A_109 = vector.broadcast %sub3A_108 : f32 to vector<16xf32>
    %sub3A_110 = arith.subf %sub3A_109, %mul3A_107 : vector<16xf32>
    %mul3A_111 = arith.mulf %mul3A_106, %sub3A_110 : vector<16xf32>
    %mul3A_112 = arith.mulf %mul3A_88, %mul3A_111 : vector<16xf32>
    %mul3A_113 = arith.constant 1.000000e+00 : f32
    %mul3A_114 = vector.broadcast %mul3A_113 : f32 to vector<16xf32>
    %mul3A_115 = arith.mulf %mul3A_112, %mul3A_114 : vector<16xf32>
    %swap3A = arith.constant 0 : index
    %swap3A_116 = tpu.vector_load %arg27[%swap3A] {strides = array<i32>} : memref<128xf32, #tpu.memory_space<vmem>>, vector<16xf32>,
    tpu.vector_store %arg27[%swap3A], %mul3A_115 {strides = array<i32>} : memref<128xf32, #tpu.memory_space<vmem>>, vector<16xf32>,
    %broadcast_in_dim3A_117 = arith.constant 1 : i32
    %broadcast_in_dim3A_118 = vector.broadcast %broadcast_in_dim3A_117 : i32 to vector<16xi32>
    %gather3A_119 = tpu.vector_load_idx %arg24[%broadcast_in_dim3A_118] : memref<48xf32, #tpu.memory_space<vmem>>[vector<16xi32>], vector<16xf32>,
    %broadcast_in_dim3A_120 = arith.constant 9 : i32
    %broadcast_in_dim3A_121 = vector.broadcast %broadcast_in_dim3A_120 : i32 to vector<16xi32>
    %gather3A_122 = tpu.vector_load_idx %arg24[%broadcast_in_dim3A_121] : memref<48xf32, #tpu.memory_space<vmem>>[vector<16xi32>], vector<16xf32>,
    %broadcast_in_dim3A_123 = arith.constant 17 : i32
    %broadcast_in_dim3A_124 = vector.broadcast %broadcast_in_dim3A_123 : i32 to vector<16xi32>
    %gather3A_125 = tpu.vector_load_idx %arg24[%broadcast_in_dim3A_124] : memref<48xf32, #tpu.memory_space<vmem>>[vector<16xi32>], vector<16xf32>,
    %broadcast_in_dim3A_126 = arith.constant 0.000000e+00 : f32
    %broadcast_in_dim3A_127 = vector.broadcast %broadcast_in_dim3A_126 : f32 to vector<16xf32>
    %scan3A_128 = arith.constant 0 : i32
    %scan3A_129 = arith.constant 63 : i32
    %scan3A_130 = arith.addi %scan3A_128, %scan3A_129 : i32
    %scan3A_131 = arith.constant 1 : i32
    %scan3A_132 = scf.for %scan3A_1289 = %scan3A_128 to %scan3A_130 step %scan3A_131 iter_args(%scan3A_1290 = %broadcast_in_dim3A_127) -> (vector<16xf32>)  : i32 {
      %mul3A_1291 = arith.constant 16 : i32
      %mul3A_1292 = arith.muli %scan3A_1289, %mul3A_1291 : i32
      %get3A_1293 = arith.index_cast %mul3A_1292 : i32 to index
      %get3A_1294 = tpu.vector_load %arg21[%get3A_1293] {strides = array<i32>} : memref<1008xf32, #tpu.memory_space<vmem>>, vector<16xf32>,
      %mul3A_1295 = arith.mulf %get3A_1294, %gather3A_119 : vector<16xf32>
      %mul3A_1296 = arith.constant 16 : i32
      %mul3A_1297 = arith.muli %scan3A_1289, %mul3A_1296 : i32
      %get3A_1298 = arith.index_cast %mul3A_1297 : i32 to index
      %get3A_1299 = tpu.vector_load %arg22[%get3A_1298] {strides = array<i32>} : memref<1008xf32, #tpu.memory_space<vmem>>, vector<16xf32>,
      %mul3A_1300 = arith.mulf %get3A_1299, %gather3A_122 : vector<16xf32>
      %mul3A_1301 = arith.constant 16 : i32
      %mul3A_1302 = arith.muli %scan3A_1289, %mul3A_1301 : i32
      %get3A_1303 = arith.index_cast %mul3A_1302 : i32 to index
      %get3A_1304 = tpu.vector_load %arg23[%get3A_1303] {strides = array<i32>} : memref<1008xf32, #tpu.memory_space<vmem>>, vector<16xf32>,
      %mul3A_1305 = arith.mulf %get3A_1304, %gather3A_125 : vector<16xf32>
      %mul3A_1306 = arith.mulf %mul3A_1295, %mul3A_1295 : vector<16xf32>
      %mul3A_1307 = arith.mulf %mul3A_1300, %mul3A_1300 : vector<16xf32>
      %add3A_1308 = arith.addf %mul3A_1306, %mul3A_1307 : vector<16xf32>
      %mul3A_1309 = arith.mulf %mul3A_1305, %mul3A_1305 : vector<16xf32>
      %add3A_1310 = arith.addf %add3A_1308, %mul3A_1309 : vector<16xf32>
      %mul3A_1311 = arith.constant -1.250000e+01 : f32
      %mul3A_1312 = vector.broadcast %mul3A_1311 : f32 to vector<16xf32>
      %mul3A_1313 = arith.mulf %add3A_1310, %mul3A_1312 : vector<16xf32>
      %exp3A_1314 = math.exp %mul3A_1313 : vector<16xf32>
      %mul3A_1315 = arith.constant 16 : i32
      %mul3A_1316 = arith.muli %scan3A_1289, %mul3A_1315 : i32
      %add3A_1317 = vector.broadcast %mul3A_1316 : i32 to vector<16xi32>
      %add3A_1318 = arith.addi %add3A_1317, %iota3A : vector<16xi32>
      %lt3A = arith.constant 1000 : i32
      %lt3A_1319 = vector.broadcast %lt3A : i32 to vector<16xi32>
      %lt3A_1320 = arith.cmpi slt, %add3A_1318, %lt3A_1319 : vector<16xi32>
      %jit3A = arith.constant 0.000000e+00 : f32
      %broadcast_in_dim3A_1321 = vector.broadcast %jit3A : f32 to vector<16xf32>
      %select_n3A = arith.select %lt3A_1320, %exp3A_1314, %broadcast_in_dim3A_1321 : vector<16xi1>, vector<16xf32>
      %add3A_1322 = arith.addf %scan3A_1290, %select_n3A : vector<16xf32>
      scf.yield %add3A_1322 : vector<16xf32>
    }
    %scan3A_133 = arith.constant 63 : i32
    %reduce_sum3A_134 = arith.constant true
    %reduce_sum3A_135 = vector.broadcast %reduce_sum3A_134 : i1 to vector<16xi1>
    %reduce_sum3A_136 = tpu.scan <sum>, %scan3A_132 masked %reduce_sum3A_135 : vector<16xf32>, vector<16xi1> -> vector<16xf32>
    %reduce_sum3A_137 = vector.extract %reduce_sum3A_136[15] : f32 from vector<16xf32>
    %mul3A_138 = arith.constant 1.000000e-03 : f32
    %mul3A_139 = arith.mulf %reduce_sum3A_137, %mul3A_138 : f32
    %broadcast_in_dim3A_140 = vector.broadcast %mul3A_139 : f32 to vector<16xf32>
    %bitcast_convert_type3A_141 = tpu.bitcast %add3A_47 : vector<16xf32> -> vector<16xi32>
    %broadcast_in_dim3A_142 = arith.constant 2129859011 : i32
    %broadcast_in_dim3A_143 = vector.broadcast %broadcast_in_dim3A_142 : i32 to vector<16xi32>
    %sub3A_144 = arith.subi %broadcast_in_dim3A_143, %bitcast_convert_type3A_141 : vector<16xi32>
    %bitcast_convert_type3A_145 = tpu.bitcast %sub3A_144 : vector<16xi32> -> vector<16xf32>
    %mul3A_146 = arith.mulf %add3A_47, %bitcast_convert_type3A_145 : vector<16xf32>
    %sub3A_147 = arith.constant 2.000000e+00 : f32
    %sub3A_148 = vector.broadcast %sub3A_147 : f32 to vector<16xf32>
    %sub3A_149 = arith.subf %sub3A_148, %mul3A_146 : vector<16xf32>
    %mul3A_150 = arith.mulf %bitcast_convert_type3A_145, %sub3A_149 : vector<16xf32>
    %mul3A_151 = arith.mulf %add3A_47, %mul3A_150 : vector<16xf32>
    %sub3A_152 = arith.constant 2.000000e+00 : f32
    %sub3A_153 = vector.broadcast %sub3A_152 : f32 to vector<16xf32>
    %sub3A_154 = arith.subf %sub3A_153, %mul3A_151 : vector<16xf32>
    %mul3A_155 = arith.mulf %mul3A_150, %sub3A_154 : vector<16xf32>
    %mul3A_156 = arith.mulf %add3A_47, %mul3A_155 : vector<16xf32>
    %sub3A_157 = arith.constant 2.000000e+00 : f32
    %sub3A_158 = vector.broadcast %sub3A_157 : f32 to vector<16xf32>
    %sub3A_159 = arith.subf %sub3A_158, %mul3A_156 : vector<16xf32>
    %mul3A_160 = arith.mulf %mul3A_155, %sub3A_159 : vector<16xf32>
    %mul3A_161 = arith.mulf %exp3A_29, %mul3A_160 : vector<16xf32>
    %add3A_162 = arith.constant 9.99999993E-9 : f32
    %add3A_163 = vector.broadcast %add3A_162 : f32 to vector<16xf32>
    %add3A_164 = arith.addf %broadcast_in_dim3A_140, %add3A_163 : vector<16xf32>
    %bitcast_convert_type3A_165 = tpu.bitcast %add3A_164 : vector<16xf32> -> vector<16xi32>
    %broadcast_in_dim3A_166 = arith.constant 2129859011 : i32
    %broadcast_in_dim3A_167 = vector.broadcast %broadcast_in_dim3A_166 : i32 to vector<16xi32>
    %sub3A_168 = arith.subi %broadcast_in_dim3A_167, %bitcast_convert_type3A_165 : vector<16xi32>
    %bitcast_convert_type3A_169 = tpu.bitcast %sub3A_168 : vector<16xi32> -> vector<16xf32>
    %mul3A_170 = arith.mulf %add3A_164, %bitcast_convert_type3A_169 : vector<16xf32>
    %sub3A_171 = arith.constant 2.000000e+00 : f32
    %sub3A_172 = vector.broadcast %sub3A_171 : f32 to vector<16xf32>
    %sub3A_173 = arith.subf %sub3A_172, %mul3A_170 : vector<16xf32>
    %mul3A_174 = arith.mulf %bitcast_convert_type3A_169, %sub3A_173 : vector<16xf32>
    %mul3A_175 = arith.mulf %add3A_164, %mul3A_174 : vector<16xf32>
    %sub3A_176 = arith.constant 2.000000e+00 : f32
    %sub3A_177 = vector.broadcast %sub3A_176 : f32 to vector<16xf32>
    %sub3A_178 = arith.subf %sub3A_177, %mul3A_175 : vector<16xf32>
    %mul3A_179 = arith.mulf %mul3A_174, %sub3A_178 : vector<16xf32>
    %mul3A_180 = arith.mulf %add3A_164, %mul3A_179 : vector<16xf32>
    %sub3A_181 = arith.constant 2.000000e+00 : f32
    %sub3A_182 = vector.broadcast %sub3A_181 : f32 to vector<16xf32>
    %sub3A_183 = arith.subf %sub3A_182, %mul3A_180 : vector<16xf32>
    %mul3A_184 = arith.mulf %mul3A_179, %sub3A_183 : vector<16xf32>
    %mul3A_185 = arith.mulf %mul3A_161, %mul3A_184 : vector<16xf32>
    %mul3A_186 = arith.constant 1.000000e+00 : f32
    %mul3A_187 = vector.broadcast %mul3A_186 : f32 to vector<16xf32>
    %mul3A_188 = arith.mulf %mul3A_185, %mul3A_187 : vector<16xf32>
    %swap3A_189 = arith.constant 16 : index
    %swap3A_190 = tpu.vector_load %arg27[%swap3A_189] {strides = array<i32>} : memref<128xf32, #tpu.memory_space<vmem>>, vector<16xf32>,
    tpu.vector_store %arg27[%swap3A_189], %mul3A_188 {strides = array<i32>} : memref<128xf32, #tpu.memory_space<vmem>>, vector<16xf32>,
    %broadcast_in_dim3A_191 = arith.constant 2 : i32
    %broadcast_in_dim3A_192 = vector.broadcast %broadcast_in_dim3A_191 : i32 to vector<16xi32>
    %gather3A_193 = tpu.vector_load_idx %arg24[%broadcast_in_dim3A_192] : memref<48xf32, #tpu.memory_space<vmem>>[vector<16xi32>], vector<16xf32>,
    %broadcast_in_dim3A_194 = arith.constant 10 : i32
    %broadcast_in_dim3A_195 = vector.broadcast %broadcast_in_dim3A_194 : i32 to vector<16xi32>
    %gather3A_196 = tpu.vector_load_idx %arg24[%broadcast_in_dim3A_195] : memref<48xf32, #tpu.memory_space<vmem>>[vector<16xi32>], vector<16xf32>,
    %broadcast_in_dim3A_197 = arith.constant 18 : i32
    %broadcast_in_dim3A_198 = vector.broadcast %broadcast_in_dim3A_197 : i32 to vector<16xi32>
    %gather3A_199 = tpu.vector_load_idx %arg24[%broadcast_in_dim3A_198] : memref<48xf32, #tpu.memory_space<vmem>>[vector<16xi32>], vector<16xf32>,
    %broadcast_in_dim3A_200 = arith.constant 0.000000e+00 : f32
    %broadcast_in_dim3A_201 = vector.broadcast %broadcast_in_dim3A_200 : f32 to vector<16xf32>
    %scan3A_202 = arith.constant 0 : i32
    %scan3A_203 = arith.constant 63 : i32
    %scan3A_204 = arith.addi %scan3A_202, %scan3A_203 : i32
    %scan3A_205 = arith.constant 1 : i32
    %scan3A_206 = scf.for %scan3A_1289 = %scan3A_202 to %scan3A_204 step %scan3A_205 iter_args(%scan3A_1290 = %broadcast_in_dim3A_201) -> (vector<16xf32>)  : i32 {
      %mul3A_1291 = arith.constant 16 : i32
      %mul3A_1292 = arith.muli %scan3A_1289, %mul3A_1291 : i32
      %get3A_1293 = arith.index_cast %mul3A_1292 : i32 to index
      %get3A_1294 = tpu.vector_load %arg21[%get3A_1293] {strides = array<i32>} : memref<1008xf32, #tpu.memory_space<vmem>>, vector<16xf32>,
      %mul3A_1295 = arith.mulf %get3A_1294, %gather3A_193 : vector<16xf32>
      %mul3A_1296 = arith.constant 16 : i32
      %mul3A_1297 = arith.muli %scan3A_1289, %mul3A_1296 : i32
      %get3A_1298 = arith.index_cast %mul3A_1297 : i32 to index
      %get3A_1299 = tpu.vector_load %arg22[%get3A_1298] {strides = array<i32>} : memref<1008xf32, #tpu.memory_space<vmem>>, vector<16xf32>,
      %mul3A_1300 = arith.mulf %get3A_1299, %gather3A_196 : vector<16xf32>
      %mul3A_1301 = arith.constant 16 : i32
      %mul3A_1302 = arith.muli %scan3A_1289, %mul3A_1301 : i32
      %get3A_1303 = arith.index_cast %mul3A_1302 : i32 to index
      %get3A_1304 = tpu.vector_load %arg23[%get3A_1303] {strides = array<i32>} : memref<1008xf32, #tpu.memory_space<vmem>>, vector<16xf32>,
      %mul3A_1305 = arith.mulf %get3A_1304, %gather3A_199 : vector<16xf32>
      %mul3A_1306 = arith.mulf %mul3A_1295, %mul3A_1295 : vector<16xf32>
      %mul3A_1307 = arith.mulf %mul3A_1300, %mul3A_1300 : vector<16xf32>
      %add3A_1308 = arith.addf %mul3A_1306, %mul3A_1307 : vector<16xf32>
      %mul3A_1309 = arith.mulf %mul3A_1305, %mul3A_1305 : vector<16xf32>
      %add3A_1310 = arith.addf %add3A_1308, %mul3A_1309 : vector<16xf32>
      %mul3A_1311 = arith.constant -1.250000e+01 : f32
      %mul3A_1312 = vector.broadcast %mul3A_1311 : f32 to vector<16xf32>
      %mul3A_1313 = arith.mulf %add3A_1310, %mul3A_1312 : vector<16xf32>
      %exp3A_1314 = math.exp %mul3A_1313 : vector<16xf32>
      %mul3A_1315 = arith.constant 16 : i32
      %mul3A_1316 = arith.muli %scan3A_1289, %mul3A_1315 : i32
      %add3A_1317 = vector.broadcast %mul3A_1316 : i32 to vector<16xi32>
      %add3A_1318 = arith.addi %add3A_1317, %iota3A : vector<16xi32>
      %lt3A = arith.constant 1000 : i32
      %lt3A_1319 = vector.broadcast %lt3A : i32 to vector<16xi32>
      %lt3A_1320 = arith.cmpi slt, %add3A_1318, %lt3A_1319 : vector<16xi32>
      %jit3A = arith.constant 0.000000e+00 : f32
      %broadcast_in_dim3A_1321 = vector.broadcast %jit3A : f32 to vector<16xf32>
      %select_n3A = arith.select %lt3A_1320, %exp3A_1314, %broadcast_in_dim3A_1321 : vector<16xi1>, vector<16xf32>
      %add3A_1322 = arith.addf %scan3A_1290, %select_n3A : vector<16xf32>
      scf.yield %add3A_1322 : vector<16xf32>
    }
    %scan3A_207 = arith.constant 63 : i32
    %reduce_sum3A_208 = arith.constant true
    %reduce_sum3A_209 = vector.broadcast %reduce_sum3A_208 : i1 to vector<16xi1>
    %reduce_sum3A_210 = tpu.scan <sum>, %scan3A_206 masked %reduce_sum3A_209 : vector<16xf32>, vector<16xi1> -> vector<16xf32>
    %reduce_sum3A_211 = vector.extract %reduce_sum3A_210[15] : f32 from vector<16xf32>
    %mul3A_212 = arith.constant 1.000000e-03 : f32
    %mul3A_213 = arith.mulf %reduce_sum3A_211, %mul3A_212 : f32
    %broadcast_in_dim3A_214 = vector.broadcast %mul3A_213 : f32 to vector<16xf32>
    %bitcast_convert_type3A_215 = tpu.bitcast %add3A_47 : vector<16xf32> -> vector<16xi32>
    %broadcast_in_dim3A_216 = arith.constant 2129859011 : i32
    %broadcast_in_dim3A_217 = vector.broadcast %broadcast_in_dim3A_216 : i32 to vector<16xi32>
    %sub3A_218 = arith.subi %broadcast_in_dim3A_217, %bitcast_convert_type3A_215 : vector<16xi32>
    %bitcast_convert_type3A_219 = tpu.bitcast %sub3A_218 : vector<16xi32> -> vector<16xf32>
    %mul3A_220 = arith.mulf %add3A_47, %bitcast_convert_type3A_219 : vector<16xf32>
    %sub3A_221 = arith.constant 2.000000e+00 : f32
    %sub3A_222 = vector.broadcast %sub3A_221 : f32 to vector<16xf32>
    %sub3A_223 = arith.subf %sub3A_222, %mul3A_220 : vector<16xf32>
    %mul3A_224 = arith.mulf %bitcast_convert_type3A_219, %sub3A_223 : vector<16xf32>
    %mul3A_225 = arith.mulf %add3A_47, %mul3A_224 : vector<16xf32>
    %sub3A_226 = arith.constant 2.000000e+00 : f32
    %sub3A_227 = vector.broadcast %sub3A_226 : f32 to vector<16xf32>
    %sub3A_228 = arith.subf %sub3A_227, %mul3A_225 : vector<16xf32>
    %mul3A_229 = arith.mulf %mul3A_224, %sub3A_228 : vector<16xf32>
    %mul3A_230 = arith.mulf %add3A_47, %mul3A_229 : vector<16xf32>
    %sub3A_231 = arith.constant 2.000000e+00 : f32
    %sub3A_232 = vector.broadcast %sub3A_231 : f32 to vector<16xf32>
    %sub3A_233 = arith.subf %sub3A_232, %mul3A_230 : vector<16xf32>
    %mul3A_234 = arith.mulf %mul3A_229, %sub3A_233 : vector<16xf32>
    %mul3A_235 = arith.mulf %exp3A_31, %mul3A_234 : vector<16xf32>
    %add3A_236 = arith.constant 9.99999993E-9 : f32
    %add3A_237 = vector.broadcast %add3A_236 : f32 to vector<16xf32>
    %add3A_238 = arith.addf %broadcast_in_dim3A_214, %add3A_237 : vector<16xf32>
    %bitcast_convert_type3A_239 = tpu.bitcast %add3A_238 : vector<16xf32> -> vector<16xi32>
    %broadcast_in_dim3A_240 = arith.constant 2129859011 : i32
    %broadcast_in_dim3A_241 = vector.broadcast %broadcast_in_dim3A_240 : i32 to vector<16xi32>
    %sub3A_242 = arith.subi %broadcast_in_dim3A_241, %bitcast_convert_type3A_239 : vector<16xi32>
    %bitcast_convert_type3A_243 = tpu.bitcast %sub3A_242 : vector<16xi32> -> vector<16xf32>
    %mul3A_244 = arith.mulf %add3A_238, %bitcast_convert_type3A_243 : vector<16xf32>
    %sub3A_245 = arith.constant 2.000000e+00 : f32
    %sub3A_246 = vector.broadcast %sub3A_245 : f32 to vector<16xf32>
    %sub3A_247 = arith.subf %sub3A_246, %mul3A_244 : vector<16xf32>
    %mul3A_248 = arith.mulf %bitcast_convert_type3A_243, %sub3A_247 : vector<16xf32>
    %mul3A_249 = arith.mulf %add3A_238, %mul3A_248 : vector<16xf32>
    %sub3A_250 = arith.constant 2.000000e+00 : f32
    %sub3A_251 = vector.broadcast %sub3A_250 : f32 to vector<16xf32>
    %sub3A_252 = arith.subf %sub3A_251, %mul3A_249 : vector<16xf32>
    %mul3A_253 = arith.mulf %mul3A_248, %sub3A_252 : vector<16xf32>
    %mul3A_254 = arith.mulf %add3A_238, %mul3A_253 : vector<16xf32>
    %sub3A_255 = arith.constant 2.000000e+00 : f32
    %sub3A_256 = vector.broadcast %sub3A_255 : f32 to vector<16xf32>
    %sub3A_257 = arith.subf %sub3A_256, %mul3A_254 : vector<16xf32>
    %mul3A_258 = arith.mulf %mul3A_253, %sub3A_257 : vector<16xf32>
    %mul3A_259 = arith.mulf %mul3A_235, %mul3A_258 : vector<16xf32>
    %mul3A_260 = arith.constant 1.000000e+00 : f32
    %mul3A_261 = vector.broadcast %mul3A_260 : f32 to vector<16xf32>
    %mul3A_262 = arith.mulf %mul3A_259, %mul3A_261 : vector<16xf32>
    %swap3A_263 = arith.constant 32 : index
    %swap3A_264 = tpu.vector_load %arg27[%swap3A_263] {strides = array<i32>} : memref<128xf32, #tpu.memory_space<vmem>>, vector<16xf32>,
    tpu.vector_store %arg27[%swap3A_263], %mul3A_262 {strides = array<i32>} : memref<128xf32, #tpu.memory_space<vmem>>, vector<16xf32>,
    %broadcast_in_dim3A_265 = arith.constant 3 : i32
    %broadcast_in_dim3A_266 = vector.broadcast %broadcast_in_dim3A_265 : i32 to vector<16xi32>
    %gather3A_267 = tpu.vector_load_idx %arg24[%broadcast_in_dim3A_266] : memref<48xf32, #tpu.memory_space<vmem>>[vector<16xi32>], vector<16xf32>,
    %broadcast_in_dim3A_268 = arith.constant 11 : i32
    %broadcast_in_dim3A_269 = vector.broadcast %broadcast_in_dim3A_268 : i32 to vector<16xi32>
    %gather3A_270 = tpu.vector_load_idx %arg24[%broadcast_in_dim3A_269] : memref<48xf32, #tpu.memory_space<vmem>>[vector<16xi32>], vector<16xf32>,
    %broadcast_in_dim3A_271 = arith.constant 19 : i32
    %broadcast_in_dim3A_272 = vector.broadcast %broadcast_in_dim3A_271 : i32 to vector<16xi32>
    %gather3A_273 = tpu.vector_load_idx %arg24[%broadcast_in_dim3A_272] : memref<48xf32, #tpu.memory_space<vmem>>[vector<16xi32>], vector<16xf32>,
    %broadcast_in_dim3A_274 = arith.constant 0.000000e+00 : f32
    %broadcast_in_dim3A_275 = vector.broadcast %broadcast_in_dim3A_274 : f32 to vector<16xf32>
    %scan3A_276 = arith.constant 0 : i32
    %scan3A_277 = arith.constant 63 : i32
    %scan3A_278 = arith.addi %scan3A_276, %scan3A_277 : i32
    %scan3A_279 = arith.constant 1 : i32
    %scan3A_280 = scf.for %scan3A_1289 = %scan3A_276 to %scan3A_278 step %scan3A_279 iter_args(%scan3A_1290 = %broadcast_in_dim3A_275) -> (vector<16xf32>)  : i32 {
      %mul3A_1291 = arith.constant 16 : i32
      %mul3A_1292 = arith.muli %scan3A_1289, %mul3A_1291 : i32
      %get3A_1293 = arith.index_cast %mul3A_1292 : i32 to index
      %get3A_1294 = tpu.vector_load %arg21[%get3A_1293] {strides = array<i32>} : memref<1008xf32, #tpu.memory_space<vmem>>, vector<16xf32>,
      %mul3A_1295 = arith.mulf %get3A_1294, %gather3A_267 : vector<16xf32>
      %mul3A_1296 = arith.constant 16 : i32
      %mul3A_1297 = arith.muli %scan3A_1289, %mul3A_1296 : i32
      %get3A_1298 = arith.index_cast %mul3A_1297 : i32 to index
      %get3A_1299 = tpu.vector_load %arg22[%get3A_1298] {strides = array<i32>} : memref<1008xf32, #tpu.memory_space<vmem>>, vector<16xf32>,
      %mul3A_1300 = arith.mulf %get3A_1299, %gather3A_270 : vector<16xf32>
      %mul3A_1301 = arith.constant 16 : i32
      %mul3A_1302 = arith.muli %scan3A_1289, %mul3A_1301 : i32
      %get3A_1303 = arith.index_cast %mul3A_1302 : i32 to index
      %get3A_1304 = tpu.vector_load %arg23[%get3A_1303] {strides = array<i32>} : memref<1008xf32, #tpu.memory_space<vmem>>, vector<16xf32>,
      %mul3A_1305 = arith.mulf %get3A_1304, %gather3A_273 : vector<16xf32>
      %mul3A_1306 = arith.mulf %mul3A_1295, %mul3A_1295 : vector<16xf32>
      %mul3A_1307 = arith.mulf %mul3A_1300, %mul3A_1300 : vector<16xf32>
      %add3A_1308 = arith.addf %mul3A_1306, %mul3A_1307 : vector<16xf32>
      %mul3A_1309 = arith.mulf %mul3A_1305, %mul3A_1305 : vector<16xf32>
      %add3A_1310 = arith.addf %add3A_1308, %mul3A_1309 : vector<16xf32>
      %mul3A_1311 = arith.constant -1.250000e+01 : f32
      %mul3A_1312 = vector.broadcast %mul3A_1311 : f32 to vector<16xf32>
      %mul3A_1313 = arith.mulf %add3A_1310, %mul3A_1312 : vector<16xf32>
      %exp3A_1314 = math.exp %mul3A_1313 : vector<16xf32>
      %mul3A_1315 = arith.constant 16 : i32
      %mul3A_1316 = arith.muli %scan3A_1289, %mul3A_1315 : i32
      %add3A_1317 = vector.broadcast %mul3A_1316 : i32 to vector<16xi32>
      %add3A_1318 = arith.addi %add3A_1317, %iota3A : vector<16xi32>
      %lt3A = arith.constant 1000 : i32
      %lt3A_1319 = vector.broadcast %lt3A : i32 to vector<16xi32>
      %lt3A_1320 = arith.cmpi slt, %add3A_1318, %lt3A_1319 : vector<16xi32>
      %jit3A = arith.constant 0.000000e+00 : f32
      %broadcast_in_dim3A_1321 = vector.broadcast %jit3A : f32 to vector<16xf32>
      %select_n3A = arith.select %lt3A_1320, %exp3A_1314, %broadcast_in_dim3A_1321 : vector<16xi1>, vector<16xf32>
      %add3A_1322 = arith.addf %scan3A_1290, %select_n3A : vector<16xf32>
      scf.yield %add3A_1322 : vector<16xf32>
    }
    %scan3A_281 = arith.constant 63 : i32
    %reduce_sum3A_282 = arith.constant true
    %reduce_sum3A_283 = vector.broadcast %reduce_sum3A_282 : i1 to vector<16xi1>
    %reduce_sum3A_284 = tpu.scan <sum>, %scan3A_280 masked %reduce_sum3A_283 : vector<16xf32>, vector<16xi1> -> vector<16xf32>
    %reduce_sum3A_285 = vector.extract %reduce_sum3A_284[15] : f32 from vector<16xf32>
    %mul3A_286 = arith.constant 1.000000e-03 : f32
    %mul3A_287 = arith.mulf %reduce_sum3A_285, %mul3A_286 : f32
    %broadcast_in_dim3A_288 = vector.broadcast %mul3A_287 : f32 to vector<16xf32>
    %bitcast_convert_type3A_289 = tpu.bitcast %add3A_47 : vector<16xf32> -> vector<16xi32>
    %broadcast_in_dim3A_290 = arith.constant 2129859011 : i32
    %broadcast_in_dim3A_291 = vector.broadcast %broadcast_in_dim3A_290 : i32 to vector<16xi32>
    %sub3A_292 = arith.subi %broadcast_in_dim3A_291, %bitcast_convert_type3A_289 : vector<16xi32>
    %bitcast_convert_type3A_293 = tpu.bitcast %sub3A_292 : vector<16xi32> -> vector<16xf32>
    %mul3A_294 = arith.mulf %add3A_47, %bitcast_convert_type3A_293 : vector<16xf32>
    %sub3A_295 = arith.constant 2.000000e+00 : f32
    %sub3A_296 = vector.broadcast %sub3A_295 : f32 to vector<16xf32>
    %sub3A_297 = arith.subf %sub3A_296, %mul3A_294 : vector<16xf32>
    %mul3A_298 = arith.mulf %bitcast_convert_type3A_293, %sub3A_297 : vector<16xf32>
    %mul3A_299 = arith.mulf %add3A_47, %mul3A_298 : vector<16xf32>
    %sub3A_300 = arith.constant 2.000000e+00 : f32
    %sub3A_301 = vector.broadcast %sub3A_300 : f32 to vector<16xf32>
    %sub3A_302 = arith.subf %sub3A_301, %mul3A_299 : vector<16xf32>
    %mul3A_303 = arith.mulf %mul3A_298, %sub3A_302 : vector<16xf32>
    %mul3A_304 = arith.mulf %add3A_47, %mul3A_303 : vector<16xf32>
    %sub3A_305 = arith.constant 2.000000e+00 : f32
    %sub3A_306 = vector.broadcast %sub3A_305 : f32 to vector<16xf32>
    %sub3A_307 = arith.subf %sub3A_306, %mul3A_304 : vector<16xf32>
    %mul3A_308 = arith.mulf %mul3A_303, %sub3A_307 : vector<16xf32>
    %mul3A_309 = arith.mulf %exp3A_33, %mul3A_308 : vector<16xf32>
    %add3A_310 = arith.constant 9.99999993E-9 : f32
    %add3A_311 = vector.broadcast %add3A_310 : f32 to vector<16xf32>
    %add3A_312 = arith.addf %broadcast_in_dim3A_288, %add3A_311 : vector<16xf32>
    %bitcast_convert_type3A_313 = tpu.bitcast %add3A_312 : vector<16xf32> -> vector<16xi32>
    %broadcast_in_dim3A_314 = arith.constant 2129859011 : i32
    %broadcast_in_dim3A_315 = vector.broadcast %broadcast_in_dim3A_314 : i32 to vector<16xi32>
    %sub3A_316 = arith.subi %broadcast_in_dim3A_315, %bitcast_convert_type3A_313 : vector<16xi32>
    %bitcast_convert_type3A_317 = tpu.bitcast %sub3A_316 : vector<16xi32> -> vector<16xf32>
    %mul3A_318 = arith.mulf %add3A_312, %bitcast_convert_type3A_317 : vector<16xf32>
    %sub3A_319 = arith.constant 2.000000e+00 : f32
    %sub3A_320 = vector.broadcast %sub3A_319 : f32 to vector<16xf32>
    %sub3A_321 = arith.subf %sub3A_320, %mul3A_318 : vector<16xf32>
    %mul3A_322 = arith.mulf %bitcast_convert_type3A_317, %sub3A_321 : vector<16xf32>
    %mul3A_323 = arith.mulf %add3A_312, %mul3A_322 : vector<16xf32>
    %sub3A_324 = arith.constant 2.000000e+00 : f32
    %sub3A_325 = vector.broadcast %sub3A_324 : f32 to vector<16xf32>
    %sub3A_326 = arith.subf %sub3A_325, %mul3A_323 : vector<16xf32>
    %mul3A_327 = arith.mulf %mul3A_322, %sub3A_326 : vector<16xf32>
    %mul3A_328 = arith.mulf %add3A_312, %mul3A_327 : vector<16xf32>
    %sub3A_329 = arith.constant 2.000000e+00 : f32
    %sub3A_330 = vector.broadcast %sub3A_329 : f32 to vector<16xf32>
    %sub3A_331 = arith.subf %sub3A_330, %mul3A_328 : vector<16xf32>
    %mul3A_332 = arith.mulf %mul3A_327, %sub3A_331 : vector<16xf32>
    %mul3A_333 = arith.mulf %mul3A_309, %mul3A_332 : vector<16xf32>
    %mul3A_334 = arith.constant 1.000000e+00 : f32
    %mul3A_335 = vector.broadcast %mul3A_334 : f32 to vector<16xf32>
    %mul3A_336 = arith.mulf %mul3A_333, %mul3A_335 : vector<16xf32>
    %swap3A_337 = arith.constant 48 : index
    %swap3A_338 = tpu.vector_load %arg27[%swap3A_337] {strides = array<i32>} : memref<128xf32, #tpu.memory_space<vmem>>, vector<16xf32>,
    tpu.vector_store %arg27[%swap3A_337], %mul3A_336 {strides = array<i32>} : memref<128xf32, #tpu.memory_space<vmem>>, vector<16xf32>,
    %broadcast_in_dim3A_339 = arith.constant 4 : i32
    %broadcast_in_dim3A_340 = vector.broadcast %broadcast_in_dim3A_339 : i32 to vector<16xi32>
    %gather3A_341 = tpu.vector_load_idx %arg24[%broadcast_in_dim3A_340] : memref<48xf32, #tpu.memory_space<vmem>>[vector<16xi32>], vector<16xf32>,
    %broadcast_in_dim3A_342 = arith.constant 12 : i32
    %broadcast_in_dim3A_343 = vector.broadcast %broadcast_in_dim3A_342 : i32 to vector<16xi32>
    %gather3A_344 = tpu.vector_load_idx %arg24[%broadcast_in_dim3A_343] : memref<48xf32, #tpu.memory_space<vmem>>[vector<16xi32>], vector<16xf32>,
    %broadcast_in_dim3A_345 = arith.constant 20 : i32
    %broadcast_in_dim3A_346 = vector.broadcast %broadcast_in_dim3A_345 : i32 to vector<16xi32>
    %gather3A_347 = tpu.vector_load_idx %arg24[%broadcast_in_dim3A_346] : memref<48xf32, #tpu.memory_space<vmem>>[vector<16xi32>], vector<16xf32>,
    %broadcast_in_dim3A_348 = arith.constant 0.000000e+00 : f32
    %broadcast_in_dim3A_349 = vector.broadcast %broadcast_in_dim3A_348 : f32 to vector<16xf32>
    %scan3A_350 = arith.constant 0 : i32
    %scan3A_351 = arith.constant 63 : i32
    %scan3A_352 = arith.addi %scan3A_350, %scan3A_351 : i32
    %scan3A_353 = arith.constant 1 : i32
    %scan3A_354 = scf.for %scan3A_1289 = %scan3A_350 to %scan3A_352 step %scan3A_353 iter_args(%scan3A_1290 = %broadcast_in_dim3A_349) -> (vector<16xf32>)  : i32 {
      %mul3A_1291 = arith.constant 16 : i32
      %mul3A_1292 = arith.muli %scan3A_1289, %mul3A_1291 : i32
      %get3A_1293 = arith.index_cast %mul3A_1292 : i32 to index
      %get3A_1294 = tpu.vector_load %arg21[%get3A_1293] {strides = array<i32>} : memref<1008xf32, #tpu.memory_space<vmem>>, vector<16xf32>,
      %mul3A_1295 = arith.mulf %get3A_1294, %gather3A_341 : vector<16xf32>
      %mul3A_1296 = arith.constant 16 : i32
      %mul3A_1297 = arith.muli %scan3A_1289, %mul3A_1296 : i32
      %get3A_1298 = arith.index_cast %mul3A_1297 : i32 to index
      %get3A_1299 = tpu.vector_load %arg22[%get3A_1298] {strides = array<i32>} : memref<1008xf32, #tpu.memory_space<vmem>>, vector<16xf32>,
      %mul3A_1300 = arith.mulf %get3A_1299, %gather3A_344 : vector<16xf32>
      %mul3A_1301 = arith.constant 16 : i32
      %mul3A_1302 = arith.muli %scan3A_1289, %mul3A_1301 : i32
      %get3A_1303 = arith.index_cast %mul3A_1302 : i32 to index
      %get3A_1304 = tpu.vector_load %arg23[%get3A_1303] {strides = array<i32>} : memref<1008xf32, #tpu.memory_space<vmem>>, vector<16xf32>,
      %mul3A_1305 = arith.mulf %get3A_1304, %gather3A_347 : vector<16xf32>
      %mul3A_1306 = arith.mulf %mul3A_1295, %mul3A_1295 : vector<16xf32>
      %mul3A_1307 = arith.mulf %mul3A_1300, %mul3A_1300 : vector<16xf32>
      %add3A_1308 = arith.addf %mul3A_1306, %mul3A_1307 : vector<16xf32>
      %mul3A_1309 = arith.mulf %mul3A_1305, %mul3A_1305 : vector<16xf32>
      %add3A_1310 = arith.addf %add3A_1308, %mul3A_1309 : vector<16xf32>
      %mul3A_1311 = arith.constant -1.250000e+01 : f32
      %mul3A_1312 = vector.broadcast %mul3A_1311 : f32 to vector<16xf32>
      %mul3A_1313 = arith.mulf %add3A_1310, %mul3A_1312 : vector<16xf32>
      %exp3A_1314 = math.exp %mul3A_1313 : vector<16xf32>
      %mul3A_1315 = arith.constant 16 : i32
      %mul3A_1316 = arith.muli %scan3A_1289, %mul3A_1315 : i32
      %add3A_1317 = vector.broadcast %mul3A_1316 : i32 to vector<16xi32>
      %add3A_1318 = arith.addi %add3A_1317, %iota3A : vector<16xi32>
      %lt3A = arith.constant 1000 : i32
      %lt3A_1319 = vector.broadcast %lt3A : i32 to vector<16xi32>
      %lt3A_1320 = arith.cmpi slt, %add3A_1318, %lt3A_1319 : vector<16xi32>
      %jit3A = arith.constant 0.000000e+00 : f32
      %broadcast_in_dim3A_1321 = vector.broadcast %jit3A : f32 to vector<16xf32>
      %select_n3A = arith.select %lt3A_1320, %exp3A_1314, %broadcast_in_dim3A_1321 : vector<16xi1>, vector<16xf32>
      %add3A_1322 = arith.addf %scan3A_1290, %select_n3A : vector<16xf32>
      scf.yield %add3A_1322 : vector<16xf32>
    }
    %scan3A_355 = arith.constant 63 : i32
    %reduce_sum3A_356 = arith.constant true
    %reduce_sum3A_357 = vector.broadcast %reduce_sum3A_356 : i1 to vector<16xi1>
    %reduce_sum3A_358 = tpu.scan <sum>, %scan3A_354 masked %reduce_sum3A_357 : vector<16xf32>, vector<16xi1> -> vector<16xf32>
    %reduce_sum3A_359 = vector.extract %reduce_sum3A_358[15] : f32 from vector<16xf32>
    %mul3A_360 = arith.constant 1.000000e-03 : f32
    %mul3A_361 = arith.mulf %reduce_sum3A_359, %mul3A_360 : f32
    %broadcast_in_dim3A_362 = vector.broadcast %mul3A_361 : f32 to vector<16xf32>
    %bitcast_convert_type3A_363 = tpu.bitcast %add3A_47 : vector<16xf32> -> vector<16xi32>
    %broadcast_in_dim3A_364 = arith.constant 2129859011 : i32
    %broadcast_in_dim3A_365 = vector.broadcast %broadcast_in_dim3A_364 : i32 to vector<16xi32>
    %sub3A_366 = arith.subi %broadcast_in_dim3A_365, %bitcast_convert_type3A_363 : vector<16xi32>
    %bitcast_convert_type3A_367 = tpu.bitcast %sub3A_366 : vector<16xi32> -> vector<16xf32>
    %mul3A_368 = arith.mulf %add3A_47, %bitcast_convert_type3A_367 : vector<16xf32>
    %sub3A_369 = arith.constant 2.000000e+00 : f32
    %sub3A_370 = vector.broadcast %sub3A_369 : f32 to vector<16xf32>
    %sub3A_371 = arith.subf %sub3A_370, %mul3A_368 : vector<16xf32>
    %mul3A_372 = arith.mulf %bitcast_convert_type3A_367, %sub3A_371 : vector<16xf32>
    %mul3A_373 = arith.mulf %add3A_47, %mul3A_372 : vector<16xf32>
    %sub3A_374 = arith.constant 2.000000e+00 : f32
    %sub3A_375 = vector.broadcast %sub3A_374 : f32 to vector<16xf32>
    %sub3A_376 = arith.subf %sub3A_375, %mul3A_373 : vector<16xf32>
    %mul3A_377 = arith.mulf %mul3A_372, %sub3A_376 : vector<16xf32>
    %mul3A_378 = arith.mulf %add3A_47, %mul3A_377 : vector<16xf32>
    %sub3A_379 = arith.constant 2.000000e+00 : f32
    %sub3A_380 = vector.broadcast %sub3A_379 : f32 to vector<16xf32>
    %sub3A_381 = arith.subf %sub3A_380, %mul3A_378 : vector<16xf32>
    %mul3A_382 = arith.mulf %mul3A_377, %sub3A_381 : vector<16xf32>
    %mul3A_383 = arith.mulf %exp3A_35, %mul3A_382 : vector<16xf32>
    %add3A_384 = arith.constant 9.99999993E-9 : f32
    %add3A_385 = vector.broadcast %add3A_384 : f32 to vector<16xf32>
    %add3A_386 = arith.addf %broadcast_in_dim3A_362, %add3A_385 : vector<16xf32>
    %bitcast_convert_type3A_387 = tpu.bitcast %add3A_386 : vector<16xf32> -> vector<16xi32>
    %broadcast_in_dim3A_388 = arith.constant 2129859011 : i32
    %broadcast_in_dim3A_389 = vector.broadcast %broadcast_in_dim3A_388 : i32 to vector<16xi32>
    %sub3A_390 = arith.subi %broadcast_in_dim3A_389, %bitcast_convert_type3A_387 : vector<16xi32>
    %bitcast_convert_type3A_391 = tpu.bitcast %sub3A_390 : vector<16xi32> -> vector<16xf32>
    %mul3A_392 = arith.mulf %add3A_386, %bitcast_convert_type3A_391 : vector<16xf32>
    %sub3A_393 = arith.constant 2.000000e+00 : f32
    %sub3A_394 = vector.broadcast %sub3A_393 : f32 to vector<16xf32>
    %sub3A_395 = arith.subf %sub3A_394, %mul3A_392 : vector<16xf32>
    %mul3A_396 = arith.mulf %bitcast_convert_type3A_391, %sub3A_395 : vector<16xf32>
    %mul3A_397 = arith.mulf %add3A_386, %mul3A_396 : vector<16xf32>
    %sub3A_398 = arith.constant 2.000000e+00 : f32
    %sub3A_399 = vector.broadcast %sub3A_398 : f32 to vector<16xf32>
    %sub3A_400 = arith.subf %sub3A_399, %mul3A_397 : vector<16xf32>
    %mul3A_401 = arith.mulf %mul3A_396, %sub3A_400 : vector<16xf32>
    %mul3A_402 = arith.mulf %add3A_386, %mul3A_401 : vector<16xf32>
    %sub3A_403 = arith.constant 2.000000e+00 : f32
    %sub3A_404 = vector.broadcast %sub3A_403 : f32 to vector<16xf32>
    %sub3A_405 = arith.subf %sub3A_404, %mul3A_402 : vector<16xf32>
    %mul3A_406 = arith.mulf %mul3A_401, %sub3A_405 : vector<16xf32>
    %mul3A_407 = arith.mulf %mul3A_383, %mul3A_406 : vector<16xf32>
    %mul3A_408 = arith.constant 1.000000e+00 : f32
    %mul3A_409 = vector.broadcast %mul3A_408 : f32 to vector<16xf32>
    %mul3A_410 = arith.mulf %mul3A_407, %mul3A_409 : vector<16xf32>
    %swap3A_411 = arith.constant 64 : index
    %swap3A_412 = tpu.vector_load %arg27[%swap3A_411] {strides = array<i32>} : memref<128xf32, #tpu.memory_space<vmem>>, vector<16xf32>,
    tpu.vector_store %arg27[%swap3A_411], %mul3A_410 {strides = array<i32>} : memref<128xf32, #tpu.memory_space<vmem>>, vector<16xf32>,
    %broadcast_in_dim3A_413 = arith.constant 5 : i32
    %broadcast_in_dim3A_414 = vector.broadcast %broadcast_in_dim3A_413 : i32 to vector<16xi32>
    %gather3A_415 = tpu.vector_load_idx %arg24[%broadcast_in_dim3A_414] : memref<48xf32, #tpu.memory_space<vmem>>[vector<16xi32>], vector<16xf32>,
    %broadcast_in_dim3A_416 = arith.constant 13 : i32
    %broadcast_in_dim3A_417 = vector.broadcast %broadcast_in_dim3A_416 : i32 to vector<16xi32>
    %gather3A_418 = tpu.vector_load_idx %arg24[%broadcast_in_dim3A_417] : memref<48xf32, #tpu.memory_space<vmem>>[vector<16xi32>], vector<16xf32>,
    %broadcast_in_dim3A_419 = arith.constant 21 : i32
    %broadcast_in_dim3A_420 = vector.broadcast %broadcast_in_dim3A_419 : i32 to vector<16xi32>
    %gather3A_421 = tpu.vector_load_idx %arg24[%broadcast_in_dim3A_420] : memref<48xf32, #tpu.memory_space<vmem>>[vector<16xi32>], vector<16xf32>,
    %broadcast_in_dim3A_422 = arith.constant 0.000000e+00 : f32
    %broadcast_in_dim3A_423 = vector.broadcast %broadcast_in_dim3A_422 : f32 to vector<16xf32>
    %scan3A_424 = arith.constant 0 : i32
    %scan3A_425 = arith.constant 63 : i32
    %scan3A_426 = arith.addi %scan3A_424, %scan3A_425 : i32
    %scan3A_427 = arith.constant 1 : i32
    %scan3A_428 = scf.for %scan3A_1289 = %scan3A_424 to %scan3A_426 step %scan3A_427 iter_args(%scan3A_1290 = %broadcast_in_dim3A_423) -> (vector<16xf32>)  : i32 {
      %mul3A_1291 = arith.constant 16 : i32
      %mul3A_1292 = arith.muli %scan3A_1289, %mul3A_1291 : i32
      %get3A_1293 = arith.index_cast %mul3A_1292 : i32 to index
      %get3A_1294 = tpu.vector_load %arg21[%get3A_1293] {strides = array<i32>} : memref<1008xf32, #tpu.memory_space<vmem>>, vector<16xf32>,
      %mul3A_1295 = arith.mulf %get3A_1294, %gather3A_415 : vector<16xf32>
      %mul3A_1296 = arith.constant 16 : i32
      %mul3A_1297 = arith.muli %scan3A_1289, %mul3A_1296 : i32
      %get3A_1298 = arith.index_cast %mul3A_1297 : i32 to index
      %get3A_1299 = tpu.vector_load %arg22[%get3A_1298] {strides = array<i32>} : memref<1008xf32, #tpu.memory_space<vmem>>, vector<16xf32>,
      %mul3A_1300 = arith.mulf %get3A_1299, %gather3A_418 : vector<16xf32>
      %mul3A_1301 = arith.constant 16 : i32
      %mul3A_1302 = arith.muli %scan3A_1289, %mul3A_1301 : i32
      %get3A_1303 = arith.index_cast %mul3A_1302 : i32 to index
      %get3A_1304 = tpu.vector_load %arg23[%get3A_1303] {strides = array<i32>} : memref<1008xf32, #tpu.memory_space<vmem>>, vector<16xf32>,
      %mul3A_1305 = arith.mulf %get3A_1304, %gather3A_421 : vector<16xf32>
      %mul3A_1306 = arith.mulf %mul3A_1295, %mul3A_1295 : vector<16xf32>
      %mul3A_1307 = arith.mulf %mul3A_1300, %mul3A_1300 : vector<16xf32>
      %add3A_1308 = arith.addf %mul3A_1306, %mul3A_1307 : vector<16xf32>
      %mul3A_1309 = arith.mulf %mul3A_1305, %mul3A_1305 : vector<16xf32>
      %add3A_1310 = arith.addf %add3A_1308, %mul3A_1309 : vector<16xf32>
      %mul3A_1311 = arith.constant -1.250000e+01 : f32
      %mul3A_1312 = vector.broadcast %mul3A_1311 : f32 to vector<16xf32>
      %mul3A_1313 = arith.mulf %add3A_1310, %mul3A_1312 : vector<16xf32>
      %exp3A_1314 = math.exp %mul3A_1313 : vector<16xf32>
      %mul3A_1315 = arith.constant 16 : i32
      %mul3A_1316 = arith.muli %scan3A_1289, %mul3A_1315 : i32
      %add3A_1317 = vector.broadcast %mul3A_1316 : i32 to vector<16xi32>
      %add3A_1318 = arith.addi %add3A_1317, %iota3A : vector<16xi32>
      %lt3A = arith.constant 1000 : i32
      %lt3A_1319 = vector.broadcast %lt3A : i32 to vector<16xi32>
      %lt3A_1320 = arith.cmpi slt, %add3A_1318, %lt3A_1319 : vector<16xi32>
      %jit3A = arith.constant 0.000000e+00 : f32
      %broadcast_in_dim3A_1321 = vector.broadcast %jit3A : f32 to vector<16xf32>
      %select_n3A = arith.select %lt3A_1320, %exp3A_1314, %broadcast_in_dim3A_1321 : vector<16xi1>, vector<16xf32>
      %add3A_1322 = arith.addf %scan3A_1290, %select_n3A : vector<16xf32>
      scf.yield %add3A_1322 : vector<16xf32>
    }
    %scan3A_429 = arith.constant 63 : i32
    %reduce_sum3A_430 = arith.constant true
    %reduce_sum3A_431 = vector.broadcast %reduce_sum3A_430 : i1 to vector<16xi1>
    %reduce_sum3A_432 = tpu.scan <sum>, %scan3A_428 masked %reduce_sum3A_431 : vector<16xf32>, vector<16xi1> -> vector<16xf32>
    %reduce_sum3A_433 = vector.extract %reduce_sum3A_432[15] : f32 from vector<16xf32>
    %mul3A_434 = arith.constant 1.000000e-03 : f32
    %mul3A_435 = arith.mulf %reduce_sum3A_433, %mul3A_434 : f32
    %broadcast_in_dim3A_436 = vector.broadcast %mul3A_435 : f32 to vector<16xf32>
    %bitcast_convert_type3A_437 = tpu.bitcast %add3A_47 : vector<16xf32> -> vector<16xi32>
    %broadcast_in_dim3A_438 = arith.constant 2129859011 : i32
    %broadcast_in_dim3A_439 = vector.broadcast %broadcast_in_dim3A_438 : i32 to vector<16xi32>
    %sub3A_440 = arith.subi %broadcast_in_dim3A_439, %bitcast_convert_type3A_437 : vector<16xi32>
    %bitcast_convert_type3A_441 = tpu.bitcast %sub3A_440 : vector<16xi32> -> vector<16xf32>
    %mul3A_442 = arith.mulf %add3A_47, %bitcast_convert_type3A_441 : vector<16xf32>
    %sub3A_443 = arith.constant 2.000000e+00 : f32
    %sub3A_444 = vector.broadcast %sub3A_443 : f32 to vector<16xf32>
    %sub3A_445 = arith.subf %sub3A_444, %mul3A_442 : vector<16xf32>
    %mul3A_446 = arith.mulf %bitcast_convert_type3A_441, %sub3A_445 : vector<16xf32>
    %mul3A_447 = arith.mulf %add3A_47, %mul3A_446 : vector<16xf32>
    %sub3A_448 = arith.constant 2.000000e+00 : f32
    %sub3A_449 = vector.broadcast %sub3A_448 : f32 to vector<16xf32>
    %sub3A_450 = arith.subf %sub3A_449, %mul3A_447 : vector<16xf32>
    %mul3A_451 = arith.mulf %mul3A_446, %sub3A_450 : vector<16xf32>
    %mul3A_452 = arith.mulf %add3A_47, %mul3A_451 : vector<16xf32>
    %sub3A_453 = arith.constant 2.000000e+00 : f32
    %sub3A_454 = vector.broadcast %sub3A_453 : f32 to vector<16xf32>
    %sub3A_455 = arith.subf %sub3A_454, %mul3A_452 : vector<16xf32>
    %mul3A_456 = arith.mulf %mul3A_451, %sub3A_455 : vector<16xf32>
    %mul3A_457 = arith.mulf %exp3A_37, %mul3A_456 : vector<16xf32>
    %add3A_458 = arith.constant 9.99999993E-9 : f32
    %add3A_459 = vector.broadcast %add3A_458 : f32 to vector<16xf32>
    %add3A_460 = arith.addf %broadcast_in_dim3A_436, %add3A_459 : vector<16xf32>
    %bitcast_convert_type3A_461 = tpu.bitcast %add3A_460 : vector<16xf32> -> vector<16xi32>
    %broadcast_in_dim3A_462 = arith.constant 2129859011 : i32
    %broadcast_in_dim3A_463 = vector.broadcast %broadcast_in_dim3A_462 : i32 to vector<16xi32>
    %sub3A_464 = arith.subi %broadcast_in_dim3A_463, %bitcast_convert_type3A_461 : vector<16xi32>
    %bitcast_convert_type3A_465 = tpu.bitcast %sub3A_464 : vector<16xi32> -> vector<16xf32>
    %mul3A_466 = arith.mulf %add3A_460, %bitcast_convert_type3A_465 : vector<16xf32>
    %sub3A_467 = arith.constant 2.000000e+00 : f32
    %sub3A_468 = vector.broadcast %sub3A_467 : f32 to vector<16xf32>
    %sub3A_469 = arith.subf %sub3A_468, %mul3A_466 : vector<16xf32>
    %mul3A_470 = arith.mulf %bitcast_convert_type3A_465, %sub3A_469 : vector<16xf32>
    %mul3A_471 = arith.mulf %add3A_460, %mul3A_470 : vector<16xf32>
    %sub3A_472 = arith.constant 2.000000e+00 : f32
    %sub3A_473 = vector.broadcast %sub3A_472 : f32 to vector<16xf32>
    %sub3A_474 = arith.subf %sub3A_473, %mul3A_471 : vector<16xf32>
    %mul3A_475 = arith.mulf %mul3A_470, %sub3A_474 : vector<16xf32>
    %mul3A_476 = arith.mulf %add3A_460, %mul3A_475 : vector<16xf32>
    %sub3A_477 = arith.constant 2.000000e+00 : f32
    %sub3A_478 = vector.broadcast %sub3A_477 : f32 to vector<16xf32>
    %sub3A_479 = arith.subf %sub3A_478, %mul3A_476 : vector<16xf32>
    %mul3A_480 = arith.mulf %mul3A_475, %sub3A_479 : vector<16xf32>
    %mul3A_481 = arith.mulf %mul3A_457, %mul3A_480 : vector<16xf32>
    %mul3A_482 = arith.constant 1.000000e+00 : f32
    %mul3A_483 = vector.broadcast %mul3A_482 : f32 to vector<16xf32>
    %mul3A_484 = arith.mulf %mul3A_481, %mul3A_483 : vector<16xf32>
    %swap3A_485 = arith.constant 80 : index
    %swap3A_486 = tpu.vector_load %arg27[%swap3A_485] {strides = array<i32>} : memref<128xf32, #tpu.memory_space<vmem>>, vector<16xf32>,
    tpu.vector_store %arg27[%swap3A_485], %mul3A_484 {strides = array<i32>} : memref<128xf32, #tpu.memory_space<vmem>>, vector<16xf32>,
    %broadcast_in_dim3A_487 = arith.constant 6 : i32
    %broadcast_in_dim3A_488 = vector.broadcast %broadcast_in_dim3A_487 : i32 to vector<16xi32>
    %gather3A_489 = tpu.vector_load_idx %arg24[%broadcast_in_dim3A_488] : memref<48xf32, #tpu.memory_space<vmem>>[vector<16xi32>], vector<16xf32>,
    %broadcast_in_dim3A_490 = arith.constant 14 : i32
    %broadcast_in_dim3A_491 = vector.broadcast %broadcast_in_dim3A_490 : i32 to vector<16xi32>
    %gather3A_492 = tpu.vector_load_idx %arg24[%broadcast_in_dim3A_491] : memref<48xf32, #tpu.memory_space<vmem>>[vector<16xi32>], vector<16xf32>,
    %broadcast_in_dim3A_493 = arith.constant 22 : i32
    %broadcast_in_dim3A_494 = vector.broadcast %broadcast_in_dim3A_493 : i32 to vector<16xi32>
    %gather3A_495 = tpu.vector_load_idx %arg24[%broadcast_in_dim3A_494] : memref<48xf32, #tpu.memory_space<vmem>>[vector<16xi32>], vector<16xf32>,
    %broadcast_in_dim3A_496 = arith.constant 0.000000e+00 : f32
    %broadcast_in_dim3A_497 = vector.broadcast %broadcast_in_dim3A_496 : f32 to vector<16xf32>
    %scan3A_498 = arith.constant 0 : i32
    %scan3A_499 = arith.constant 63 : i32
    %scan3A_500 = arith.addi %scan3A_498, %scan3A_499 : i32
    %scan3A_501 = arith.constant 1 : i32
    %scan3A_502 = scf.for %scan3A_1289 = %scan3A_498 to %scan3A_500 step %scan3A_501 iter_args(%scan3A_1290 = %broadcast_in_dim3A_497) -> (vector<16xf32>)  : i32 {
      %mul3A_1291 = arith.constant 16 : i32
      %mul3A_1292 = arith.muli %scan3A_1289, %mul3A_1291 : i32
      %get3A_1293 = arith.index_cast %mul3A_1292 : i32 to index
      %get3A_1294 = tpu.vector_load %arg21[%get3A_1293] {strides = array<i32>} : memref<1008xf32, #tpu.memory_space<vmem>>, vector<16xf32>,
      %mul3A_1295 = arith.mulf %get3A_1294, %gather3A_489 : vector<16xf32>
      %mul3A_1296 = arith.constant 16 : i32
      %mul3A_1297 = arith.muli %scan3A_1289, %mul3A_1296 : i32
      %get3A_1298 = arith.index_cast %mul3A_1297 : i32 to index
      %get3A_1299 = tpu.vector_load %arg22[%get3A_1298] {strides = array<i32>} : memref<1008xf32, #tpu.memory_space<vmem>>, vector<16xf32>,
      %mul3A_1300 = arith.mulf %get3A_1299, %gather3A_492 : vector<16xf32>
      %mul3A_1301 = arith.constant 16 : i32
      %mul3A_1302 = arith.muli %scan3A_1289, %mul3A_1301 : i32
      %get3A_1303 = arith.index_cast %mul3A_1302 : i32 to index
      %get3A_1304 = tpu.vector_load %arg23[%get3A_1303] {strides = array<i32>} : memref<1008xf32, #tpu.memory_space<vmem>>, vector<16xf32>,
      %mul3A_1305 = arith.mulf %get3A_1304, %gather3A_495 : vector<16xf32>
      %mul3A_1306 = arith.mulf %mul3A_1295, %mul3A_1295 : vector<16xf32>
      %mul3A_1307 = arith.mulf %mul3A_1300, %mul3A_1300 : vector<16xf32>
      %add3A_1308 = arith.addf %mul3A_1306, %mul3A_1307 : vector<16xf32>
      %mul3A_1309 = arith.mulf %mul3A_1305, %mul3A_1305 : vector<16xf32>
      %add3A_1310 = arith.addf %add3A_1308, %mul3A_1309 : vector<16xf32>
      %mul3A_1311 = arith.constant -1.250000e+01 : f32
      %mul3A_1312 = vector.broadcast %mul3A_1311 : f32 to vector<16xf32>
      %mul3A_1313 = arith.mulf %add3A_1310, %mul3A_1312 : vector<16xf32>
      %exp3A_1314 = math.exp %mul3A_1313 : vector<16xf32>
      %mul3A_1315 = arith.constant 16 : i32
      %mul3A_1316 = arith.muli %scan3A_1289, %mul3A_1315 : i32
      %add3A_1317 = vector.broadcast %mul3A_1316 : i32 to vector<16xi32>
      %add3A_1318 = arith.addi %add3A_1317, %iota3A : vector<16xi32>
      %lt3A = arith.constant 1000 : i32
      %lt3A_1319 = vector.broadcast %lt3A : i32 to vector<16xi32>
      %lt3A_1320 = arith.cmpi slt, %add3A_1318, %lt3A_1319 : vector<16xi32>
      %jit3A = arith.constant 0.000000e+00 : f32
      %broadcast_in_dim3A_1321 = vector.broadcast %jit3A : f32 to vector<16xf32>
      %select_n3A = arith.select %lt3A_1320, %exp3A_1314, %broadcast_in_dim3A_1321 : vector<16xi1>, vector<16xf32>
      %add3A_1322 = arith.addf %scan3A_1290, %select_n3A : vector<16xf32>
      scf.yield %add3A_1322 : vector<16xf32>
    }
    %scan3A_503 = arith.constant 63 : i32
    %reduce_sum3A_504 = arith.constant true
    %reduce_sum3A_505 = vector.broadcast %reduce_sum3A_504 : i1 to vector<16xi1>
    %reduce_sum3A_506 = tpu.scan <sum>, %scan3A_502 masked %reduce_sum3A_505 : vector<16xf32>, vector<16xi1> -> vector<16xf32>
    %reduce_sum3A_507 = vector.extract %reduce_sum3A_506[15] : f32 from vector<16xf32>
    %mul3A_508 = arith.constant 1.000000e-03 : f32
    %mul3A_509 = arith.mulf %reduce_sum3A_507, %mul3A_508 : f32
    %broadcast_in_dim3A_510 = vector.broadcast %mul3A_509 : f32 to vector<16xf32>
    %bitcast_convert_type3A_511 = tpu.bitcast %add3A_47 : vector<16xf32> -> vector<16xi32>
    %broadcast_in_dim3A_512 = arith.constant 2129859011 : i32
    %broadcast_in_dim3A_513 = vector.broadcast %broadcast_in_dim3A_512 : i32 to vector<16xi32>
    %sub3A_514 = arith.subi %broadcast_in_dim3A_513, %bitcast_convert_type3A_511 : vector<16xi32>
    %bitcast_convert_type3A_515 = tpu.bitcast %sub3A_514 : vector<16xi32> -> vector<16xf32>
    %mul3A_516 = arith.mulf %add3A_47, %bitcast_convert_type3A_515 : vector<16xf32>
    %sub3A_517 = arith.constant 2.000000e+00 : f32
    %sub3A_518 = vector.broadcast %sub3A_517 : f32 to vector<16xf32>
    %sub3A_519 = arith.subf %sub3A_518, %mul3A_516 : vector<16xf32>
    %mul3A_520 = arith.mulf %bitcast_convert_type3A_515, %sub3A_519 : vector<16xf32>
    %mul3A_521 = arith.mulf %add3A_47, %mul3A_520 : vector<16xf32>
    %sub3A_522 = arith.constant 2.000000e+00 : f32
    %sub3A_523 = vector.broadcast %sub3A_522 : f32 to vector<16xf32>
    %sub3A_524 = arith.subf %sub3A_523, %mul3A_521 : vector<16xf32>
    %mul3A_525 = arith.mulf %mul3A_520, %sub3A_524 : vector<16xf32>
    %mul3A_526 = arith.mulf %add3A_47, %mul3A_525 : vector<16xf32>
    %sub3A_527 = arith.constant 2.000000e+00 : f32
    %sub3A_528 = vector.broadcast %sub3A_527 : f32 to vector<16xf32>
    %sub3A_529 = arith.subf %sub3A_528, %mul3A_526 : vector<16xf32>
    %mul3A_530 = arith.mulf %mul3A_525, %sub3A_529 : vector<16xf32>
    %mul3A_531 = arith.mulf %exp3A_39, %mul3A_530 : vector<16xf32>
    %add3A_532 = arith.constant 9.99999993E-9 : f32
    %add3A_533 = vector.broadcast %add3A_532 : f32 to vector<16xf32>
    %add3A_534 = arith.addf %broadcast_in_dim3A_510, %add3A_533 : vector<16xf32>
    %bitcast_convert_type3A_535 = tpu.bitcast %add3A_534 : vector<16xf32> -> vector<16xi32>
    %broadcast_in_dim3A_536 = arith.constant 2129859011 : i32
    %broadcast_in_dim3A_537 = vector.broadcast %broadcast_in_dim3A_536 : i32 to vector<16xi32>
    %sub3A_538 = arith.subi %broadcast_in_dim3A_537, %bitcast_convert_type3A_535 : vector<16xi32>
    %bitcast_convert_type3A_539 = tpu.bitcast %sub3A_538 : vector<16xi32> -> vector<16xf32>
    %mul3A_540 = arith.mulf %add3A_534, %bitcast_convert_type3A_539 : vector<16xf32>
    %sub3A_541 = arith.constant 2.000000e+00 : f32
    %sub3A_542 = vector.broadcast %sub3A_541 : f32 to vector<16xf32>
    %sub3A_543 = arith.subf %sub3A_542, %mul3A_540 : vector<16xf32>
    %mul3A_544 = arith.mulf %bitcast_convert_type3A_539, %sub3A_543 : vector<16xf32>
    %mul3A_545 = arith.mulf %add3A_534, %mul3A_544 : vector<16xf32>
    %sub3A_546 = arith.constant 2.000000e+00 : f32
    %sub3A_547 = vector.broadcast %sub3A_546 : f32 to vector<16xf32>
    %sub3A_548 = arith.subf %sub3A_547, %mul3A_545 : vector<16xf32>
    %mul3A_549 = arith.mulf %mul3A_544, %sub3A_548 : vector<16xf32>
    %mul3A_550 = arith.mulf %add3A_534, %mul3A_549 : vector<16xf32>
    %sub3A_551 = arith.constant 2.000000e+00 : f32
    %sub3A_552 = vector.broadcast %sub3A_551 : f32 to vector<16xf32>
    %sub3A_553 = arith.subf %sub3A_552, %mul3A_550 : vector<16xf32>
    %mul3A_554 = arith.mulf %mul3A_549, %sub3A_553 : vector<16xf32>
    %mul3A_555 = arith.mulf %mul3A_531, %mul3A_554 : vector<16xf32>
    %mul3A_556 = arith.constant 1.000000e+00 : f32
    %mul3A_557 = vector.broadcast %mul3A_556 : f32 to vector<16xf32>
    %mul3A_558 = arith.mulf %mul3A_555, %mul3A_557 : vector<16xf32>
    %swap3A_559 = arith.constant 96 : index
    %swap3A_560 = tpu.vector_load %arg27[%swap3A_559] {strides = array<i32>} : memref<128xf32, #tpu.memory_space<vmem>>, vector<16xf32>,
    tpu.vector_store %arg27[%swap3A_559], %mul3A_558 {strides = array<i32>} : memref<128xf32, #tpu.memory_space<vmem>>, vector<16xf32>,
    %broadcast_in_dim3A_561 = arith.constant 7 : i32
    %broadcast_in_dim3A_562 = vector.broadcast %broadcast_in_dim3A_561 : i32 to vector<16xi32>
    %gather3A_563 = tpu.vector_load_idx %arg24[%broadcast_in_dim3A_562] : memref<48xf32, #tpu.memory_space<vmem>>[vector<16xi32>], vector<16xf32>,
    %broadcast_in_dim3A_564 = arith.constant 15 : i32
    %broadcast_in_dim3A_565 = vector.broadcast %broadcast_in_dim3A_564 : i32 to vector<16xi32>
    %gather3A_566 = tpu.vector_load_idx %arg24[%broadcast_in_dim3A_565] : memref<48xf32, #tpu.memory_space<vmem>>[vector<16xi32>], vector<16xf32>,
    %broadcast_in_dim3A_567 = arith.constant 23 : i32
    %broadcast_in_dim3A_568 = vector.broadcast %broadcast_in_dim3A_567 : i32 to vector<16xi32>
    %gather3A_569 = tpu.vector_load_idx %arg24[%broadcast_in_dim3A_568] : memref<48xf32, #tpu.memory_space<vmem>>[vector<16xi32>], vector<16xf32>,
    %broadcast_in_dim3A_570 = arith.constant 0.000000e+00 : f32
    %broadcast_in_dim3A_571 = vector.broadcast %broadcast_in_dim3A_570 : f32 to vector<16xf32>
    %scan3A_572 = arith.constant 0 : i32
    %scan3A_573 = arith.constant 63 : i32
    %scan3A_574 = arith.addi %scan3A_572, %scan3A_573 : i32
    %scan3A_575 = arith.constant 1 : i32
    %scan3A_576 = scf.for %scan3A_1289 = %scan3A_572 to %scan3A_574 step %scan3A_575 iter_args(%scan3A_1290 = %broadcast_in_dim3A_571) -> (vector<16xf32>)  : i32 {
      %mul3A_1291 = arith.constant 16 : i32
      %mul3A_1292 = arith.muli %scan3A_1289, %mul3A_1291 : i32
      %get3A_1293 = arith.index_cast %mul3A_1292 : i32 to index
      %get3A_1294 = tpu.vector_load %arg21[%get3A_1293] {strides = array<i32>} : memref<1008xf32, #tpu.memory_space<vmem>>, vector<16xf32>,
      %mul3A_1295 = arith.mulf %get3A_1294, %gather3A_563 : vector<16xf32>
      %mul3A_1296 = arith.constant 16 : i32
      %mul3A_1297 = arith.muli %scan3A_1289, %mul3A_1296 : i32
      %get3A_1298 = arith.index_cast %mul3A_1297 : i32 to index
      %get3A_1299 = tpu.vector_load %arg22[%get3A_1298] {strides = array<i32>} : memref<1008xf32, #tpu.memory_space<vmem>>, vector<16xf32>,
      %mul3A_1300 = arith.mulf %get3A_1299, %gather3A_566 : vector<16xf32>
      %mul3A_1301 = arith.constant 16 : i32
      %mul3A_1302 = arith.muli %scan3A_1289, %mul3A_1301 : i32
      %get3A_1303 = arith.index_cast %mul3A_1302 : i32 to index
      %get3A_1304 = tpu.vector_load %arg23[%get3A_1303] {strides = array<i32>} : memref<1008xf32, #tpu.memory_space<vmem>>, vector<16xf32>,
      %mul3A_1305 = arith.mulf %get3A_1304, %gather3A_569 : vector<16xf32>
      %mul3A_1306 = arith.mulf %mul3A_1295, %mul3A_1295 : vector<16xf32>
      %mul3A_1307 = arith.mulf %mul3A_1300, %mul3A_1300 : vector<16xf32>
      %add3A_1308 = arith.addf %mul3A_1306, %mul3A_1307 : vector<16xf32>
      %mul3A_1309 = arith.mulf %mul3A_1305, %mul3A_1305 : vector<16xf32>
      %add3A_1310 = arith.addf %add3A_1308, %mul3A_1309 : vector<16xf32>
      %mul3A_1311 = arith.constant -1.250000e+01 : f32
      %mul3A_1312 = vector.broadcast %mul3A_1311 : f32 to vector<16xf32>
      %mul3A_1313 = arith.mulf %add3A_1310, %mul3A_1312 : vector<16xf32>
      %exp3A_1314 = math.exp %mul3A_1313 : vector<16xf32>
      %mul3A_1315 = arith.constant 16 : i32
      %mul3A_1316 = arith.muli %scan3A_1289, %mul3A_1315 : i32
      %add3A_1317 = vector.broadcast %mul3A_1316 : i32 to vector<16xi32>
      %add3A_1318 = arith.addi %add3A_1317, %iota3A : vector<16xi32>
      %lt3A = arith.constant 1000 : i32
      %lt3A_1319 = vector.broadcast %lt3A : i32 to vector<16xi32>
      %lt3A_1320 = arith.cmpi slt, %add3A_1318, %lt3A_1319 : vector<16xi32>
      %jit3A = arith.constant 0.000000e+00 : f32
      %broadcast_in_dim3A_1321 = vector.broadcast %jit3A : f32 to vector<16xf32>
      %select_n3A = arith.select %lt3A_1320, %exp3A_1314, %broadcast_in_dim3A_1321 : vector<16xi1>, vector<16xf32>
      %add3A_1322 = arith.addf %scan3A_1290, %select_n3A : vector<16xf32>
      scf.yield %add3A_1322 : vector<16xf32>
    }
    %scan3A_577 = arith.constant 63 : i32
    %reduce_sum3A_578 = arith.constant true
    %reduce_sum3A_579 = vector.broadcast %reduce_sum3A_578 : i1 to vector<16xi1>
    %reduce_sum3A_580 = tpu.scan <sum>, %scan3A_576 masked %reduce_sum3A_579 : vector<16xf32>, vector<16xi1> -> vector<16xf32>
    %reduce_sum3A_581 = vector.extract %reduce_sum3A_580[15] : f32 from vector<16xf32>
    %mul3A_582 = arith.constant 1.000000e-03 : f32
    %mul3A_583 = arith.mulf %reduce_sum3A_581, %mul3A_582 : f32
    %broadcast_in_dim3A_584 = vector.broadcast %mul3A_583 : f32 to vector<16xf32>
    %bitcast_convert_type3A_585 = tpu.bitcast %add3A_47 : vector<16xf32> -> vector<16xi32>
    %broadcast_in_dim3A_586 = arith.constant 2129859011 : i32
    %broadcast_in_dim3A_587 = vector.broadcast %broadcast_in_dim3A_586 : i32 to vector<16xi32>
    %sub3A_588 = arith.subi %broadcast_in_dim3A_587, %bitcast_convert_type3A_585 : vector<16xi32>
    %bitcast_convert_type3A_589 = tpu.bitcast %sub3A_588 : vector<16xi32> -> vector<16xf32>
    %mul3A_590 = arith.mulf %add3A_47, %bitcast_convert_type3A_589 : vector<16xf32>
    %sub3A_591 = arith.constant 2.000000e+00 : f32
    %sub3A_592 = vector.broadcast %sub3A_591 : f32 to vector<16xf32>
    %sub3A_593 = arith.subf %sub3A_592, %mul3A_590 : vector<16xf32>
    %mul3A_594 = arith.mulf %bitcast_convert_type3A_589, %sub3A_593 : vector<16xf32>
    %mul3A_595 = arith.mulf %add3A_47, %mul3A_594 : vector<16xf32>
    %sub3A_596 = arith.constant 2.000000e+00 : f32
    %sub3A_597 = vector.broadcast %sub3A_596 : f32 to vector<16xf32>
    %sub3A_598 = arith.subf %sub3A_597, %mul3A_595 : vector<16xf32>
    %mul3A_599 = arith.mulf %mul3A_594, %sub3A_598 : vector<16xf32>
    %mul3A_600 = arith.mulf %add3A_47, %mul3A_599 : vector<16xf32>
    %sub3A_601 = arith.constant 2.000000e+00 : f32
    %sub3A_602 = vector.broadcast %sub3A_601 : f32 to vector<16xf32>
    %sub3A_603 = arith.subf %sub3A_602, %mul3A_600 : vector<16xf32>
    %mul3A_604 = arith.mulf %mul3A_599, %sub3A_603 : vector<16xf32>
    %mul3A_605 = arith.mulf %exp3A_41, %mul3A_604 : vector<16xf32>
    %add3A_606 = arith.constant 9.99999993E-9 : f32
    %add3A_607 = vector.broadcast %add3A_606 : f32 to vector<16xf32>
    %add3A_608 = arith.addf %broadcast_in_dim3A_584, %add3A_607 : vector<16xf32>
    %bitcast_convert_type3A_609 = tpu.bitcast %add3A_608 : vector<16xf32> -> vector<16xi32>
    %broadcast_in_dim3A_610 = arith.constant 2129859011 : i32
    %broadcast_in_dim3A_611 = vector.broadcast %broadcast_in_dim3A_610 : i32 to vector<16xi32>
    %sub3A_612 = arith.subi %broadcast_in_dim3A_611, %bitcast_convert_type3A_609 : vector<16xi32>
    %bitcast_convert_type3A_613 = tpu.bitcast %sub3A_612 : vector<16xi32> -> vector<16xf32>
    %mul3A_614 = arith.mulf %add3A_608, %bitcast_convert_type3A_613 : vector<16xf32>
    %sub3A_615 = arith.constant 2.000000e+00 : f32
    %sub3A_616 = vector.broadcast %sub3A_615 : f32 to vector<16xf32>
    %sub3A_617 = arith.subf %sub3A_616, %mul3A_614 : vector<16xf32>
    %mul3A_618 = arith.mulf %bitcast_convert_type3A_613, %sub3A_617 : vector<16xf32>
    %mul3A_619 = arith.mulf %add3A_608, %mul3A_618 : vector<16xf32>
    %sub3A_620 = arith.constant 2.000000e+00 : f32
    %sub3A_621 = vector.broadcast %sub3A_620 : f32 to vector<16xf32>
    %sub3A_622 = arith.subf %sub3A_621, %mul3A_619 : vector<16xf32>
    %mul3A_623 = arith.mulf %mul3A_618, %sub3A_622 : vector<16xf32>
    %mul3A_624 = arith.mulf %add3A_608, %mul3A_623 : vector<16xf32>
    %sub3A_625 = arith.constant 2.000000e+00 : f32
    %sub3A_626 = vector.broadcast %sub3A_625 : f32 to vector<16xf32>
    %sub3A_627 = arith.subf %sub3A_626, %mul3A_624 : vector<16xf32>
    %mul3A_628 = arith.mulf %mul3A_623, %sub3A_627 : vector<16xf32>
    %mul3A_629 = arith.mulf %mul3A_605, %mul3A_628 : vector<16xf32>
    %mul3A_630 = arith.constant 1.000000e+00 : f32
    %mul3A_631 = vector.broadcast %mul3A_630 : f32 to vector<16xf32>
    %mul3A_632 = arith.mulf %mul3A_629, %mul3A_631 : vector<16xf32>
    %swap3A_633 = arith.constant 112 : index
    %swap3A_634 = tpu.vector_load %arg27[%swap3A_633] {strides = array<i32>} : memref<128xf32, #tpu.memory_space<vmem>>, vector<16xf32>,
    tpu.vector_store %arg27[%swap3A_633], %mul3A_632 {strides = array<i32>} : memref<128xf32, #tpu.memory_space<vmem>>, vector<16xf32>,
    %get3A_635 = arith.constant 0 : index
    %get3A_636 = tpu.vector_load %arg26[%get3A_635] {strides = array<i32>} : memref<128xf32, #tpu.memory_space<vmem>>, vector<16xf32>,
    %get3A_637 = arith.constant 16 : index
    %get3A_638 = tpu.vector_load %arg26[%get3A_637] {strides = array<i32>} : memref<128xf32, #tpu.memory_space<vmem>>, vector<16xf32>,
    %get3A_639 = arith.constant 32 : index
    %get3A_640 = tpu.vector_load %arg26[%get3A_639] {strides = array<i32>} : memref<128xf32, #tpu.memory_space<vmem>>, vector<16xf32>,
    %get3A_641 = arith.constant 48 : index
    %get3A_642 = tpu.vector_load %arg26[%get3A_641] {strides = array<i32>} : memref<128xf32, #tpu.memory_space<vmem>>, vector<16xf32>,
    %get3A_643 = arith.constant 64 : index
    %get3A_644 = tpu.vector_load %arg26[%get3A_643] {strides = array<i32>} : memref<128xf32, #tpu.memory_space<vmem>>, vector<16xf32>,
    %get3A_645 = arith.constant 80 : index
    %get3A_646 = tpu.vector_load %arg26[%get3A_645] {strides = array<i32>} : memref<128xf32, #tpu.memory_space<vmem>>, vector<16xf32>,
    %get3A_647 = arith.constant 96 : index
    %get3A_648 = tpu.vector_load %arg26[%get3A_647] {strides = array<i32>} : memref<128xf32, #tpu.memory_space<vmem>>, vector<16xf32>,
    %get3A_649 = arith.constant 112 : index
    %get3A_650 = tpu.vector_load %arg26[%get3A_649] {strides = array<i32>} : memref<128xf32, #tpu.memory_space<vmem>>, vector<16xf32>,
    %max3A_651 = arith.maximumf %get3A_636, %get3A_638 : vector<16xf32>
    %max3A_652 = arith.maximumf %max3A_651, %get3A_640 : vector<16xf32>
    %max3A_653 = arith.maximumf %max3A_652, %get3A_642 : vector<16xf32>
    %max3A_654 = arith.maximumf %max3A_653, %get3A_644 : vector<16xf32>
    %max3A_655 = arith.maximumf %max3A_654, %get3A_646 : vector<16xf32>
    %max3A_656 = arith.maximumf %max3A_655, %get3A_648 : vector<16xf32>
    %max3A_657 = arith.maximumf %max3A_656, %get3A_650 : vector<16xf32>
    %sub3A_658 = arith.subf %get3A_636, %max3A_657 : vector<16xf32>
    %exp3A_659 = math.exp %sub3A_658 : vector<16xf32>
    %sub3A_660 = arith.subf %get3A_638, %max3A_657 : vector<16xf32>
    %exp3A_661 = math.exp %sub3A_660 : vector<16xf32>
    %sub3A_662 = arith.subf %get3A_640, %max3A_657 : vector<16xf32>
    %exp3A_663 = math.exp %sub3A_662 : vector<16xf32>
    %sub3A_664 = arith.subf %get3A_642, %max3A_657 : vector<16xf32>
    %exp3A_665 = math.exp %sub3A_664 : vector<16xf32>
    %sub3A_666 = arith.subf %get3A_644, %max3A_657 : vector<16xf32>
    %exp3A_667 = math.exp %sub3A_666 : vector<16xf32>
    %sub3A_668 = arith.subf %get3A_646, %max3A_657 : vector<16xf32>
    %exp3A_669 = math.exp %sub3A_668 : vector<16xf32>
    %sub3A_670 = arith.subf %get3A_648, %max3A_657 : vector<16xf32>
    %exp3A_671 = math.exp %sub3A_670 : vector<16xf32>
    %sub3A_672 = arith.subf %get3A_650, %max3A_657 : vector<16xf32>
    %exp3A_673 = math.exp %sub3A_672 : vector<16xf32>
    %add3A_674 = arith.addf %exp3A_659, %exp3A_661 : vector<16xf32>
    %add3A_675 = arith.addf %add3A_674, %exp3A_663 : vector<16xf32>
    %add3A_676 = arith.addf %add3A_675, %exp3A_665 : vector<16xf32>
    %add3A_677 = arith.addf %add3A_676, %exp3A_667 : vector<16xf32>
    %add3A_678 = arith.addf %add3A_677, %exp3A_669 : vector<16xf32>
    %add3A_679 = arith.addf %add3A_678, %exp3A_671 : vector<16xf32>
    %add3A_680 = arith.addf %add3A_679, %exp3A_673 : vector<16xf32>
    %broadcast_in_dim3A_681 = arith.constant 24 : i32
    %broadcast_in_dim3A_682 = vector.broadcast %broadcast_in_dim3A_681 : i32 to vector<16xi32>
    %gather3A_683 = tpu.vector_load_idx %arg24[%broadcast_in_dim3A_682] : memref<48xf32, #tpu.memory_space<vmem>>[vector<16xi32>], vector<16xf32>,
    %broadcast_in_dim3A_684 = arith.constant 32 : i32
    %broadcast_in_dim3A_685 = vector.broadcast %broadcast_in_dim3A_684 : i32 to vector<16xi32>
    %gather3A_686 = tpu.vector_load_idx %arg24[%broadcast_in_dim3A_685] : memref<48xf32, #tpu.memory_space<vmem>>[vector<16xi32>], vector<16xf32>,
    %broadcast_in_dim3A_687 = arith.constant 40 : i32
    %broadcast_in_dim3A_688 = vector.broadcast %broadcast_in_dim3A_687 : i32 to vector<16xi32>
    %gather3A_689 = tpu.vector_load_idx %arg24[%broadcast_in_dim3A_688] : memref<48xf32, #tpu.memory_space<vmem>>[vector<16xi32>], vector<16xf32>,
    %broadcast_in_dim3A_690 = arith.constant 0.000000e+00 : f32
    %broadcast_in_dim3A_691 = vector.broadcast %broadcast_in_dim3A_690 : f32 to vector<16xf32>
    %scan3A_692 = arith.constant 0 : i32
    %scan3A_693 = arith.constant 63 : i32
    %scan3A_694 = arith.addi %scan3A_692, %scan3A_693 : i32
    %scan3A_695 = arith.constant 1 : i32
    %scan3A_696 = scf.for %scan3A_1289 = %scan3A_692 to %scan3A_694 step %scan3A_695 iter_args(%scan3A_1290 = %broadcast_in_dim3A_691) -> (vector<16xf32>)  : i32 {
      %mul3A_1291 = arith.constant 16 : i32
      %mul3A_1292 = arith.muli %scan3A_1289, %mul3A_1291 : i32
      %get3A_1293 = arith.index_cast %mul3A_1292 : i32 to index
      %get3A_1294 = tpu.vector_load %arg21[%get3A_1293] {strides = array<i32>} : memref<1008xf32, #tpu.memory_space<vmem>>, vector<16xf32>,
      %mul3A_1295 = arith.mulf %get3A_1294, %gather3A_683 : vector<16xf32>
      %mul3A_1296 = arith.constant 16 : i32
      %mul3A_1297 = arith.muli %scan3A_1289, %mul3A_1296 : i32
      %get3A_1298 = arith.index_cast %mul3A_1297 : i32 to index
      %get3A_1299 = tpu.vector_load %arg22[%get3A_1298] {strides = array<i32>} : memref<1008xf32, #tpu.memory_space<vmem>>, vector<16xf32>,
      %mul3A_1300 = arith.mulf %get3A_1299, %gather3A_686 : vector<16xf32>
      %mul3A_1301 = arith.constant 16 : i32
      %mul3A_1302 = arith.muli %scan3A_1289, %mul3A_1301 : i32
      %get3A_1303 = arith.index_cast %mul3A_1302 : i32 to index
      %get3A_1304 = tpu.vector_load %arg23[%get3A_1303] {strides = array<i32>} : memref<1008xf32, #tpu.memory_space<vmem>>, vector<16xf32>,
      %mul3A_1305 = arith.mulf %get3A_1304, %gather3A_689 : vector<16xf32>
      %mul3A_1306 = arith.mulf %mul3A_1295, %mul3A_1295 : vector<16xf32>
      %mul3A_1307 = arith.mulf %mul3A_1300, %mul3A_1300 : vector<16xf32>
      %add3A_1308 = arith.addf %mul3A_1306, %mul3A_1307 : vector<16xf32>
      %mul3A_1309 = arith.mulf %mul3A_1305, %mul3A_1305 : vector<16xf32>
      %add3A_1310 = arith.addf %add3A_1308, %mul3A_1309 : vector<16xf32>
      %mul3A_1311 = arith.constant -1.250000e+01 : f32
      %mul3A_1312 = vector.broadcast %mul3A_1311 : f32 to vector<16xf32>
      %mul3A_1313 = arith.mulf %add3A_1310, %mul3A_1312 : vector<16xf32>
      %exp3A_1314 = math.exp %mul3A_1313 : vector<16xf32>
      %mul3A_1315 = arith.constant 16 : i32
      %mul3A_1316 = arith.muli %scan3A_1289, %mul3A_1315 : i32
      %add3A_1317 = vector.broadcast %mul3A_1316 : i32 to vector<16xi32>
      %add3A_1318 = arith.addi %add3A_1317, %iota3A : vector<16xi32>
      %lt3A = arith.constant 1000 : i32
      %lt3A_1319 = vector.broadcast %lt3A : i32 to vector<16xi32>
      %lt3A_1320 = arith.cmpi slt, %add3A_1318, %lt3A_1319 : vector<16xi32>
      %jit3A = arith.constant 0.000000e+00 : f32
      %broadcast_in_dim3A_1321 = vector.broadcast %jit3A : f32 to vector<16xf32>
      %select_n3A = arith.select %lt3A_1320, %exp3A_1314, %broadcast_in_dim3A_1321 : vector<16xi1>, vector<16xf32>
      %add3A_1322 = arith.addf %scan3A_1290, %select_n3A : vector<16xf32>
      scf.yield %add3A_1322 : vector<16xf32>
    }
    %scan3A_697 = arith.constant 63 : i32
    %reduce_sum3A_698 = arith.constant true
    %reduce_sum3A_699 = vector.broadcast %reduce_sum3A_698 : i1 to vector<16xi1>
    %reduce_sum3A_700 = tpu.scan <sum>, %scan3A_696 masked %reduce_sum3A_699 : vector<16xf32>, vector<16xi1> -> vector<16xf32>
    %reduce_sum3A_701 = vector.extract %reduce_sum3A_700[15] : f32 from vector<16xf32>
    %mul3A_702 = arith.constant 1.000000e-03 : f32
    %mul3A_703 = arith.mulf %reduce_sum3A_701, %mul3A_702 : f32
    %broadcast_in_dim3A_704 = vector.broadcast %mul3A_703 : f32 to vector<16xf32>
    %bitcast_convert_type3A_705 = tpu.bitcast %add3A_680 : vector<16xf32> -> vector<16xi32>
    %broadcast_in_dim3A_706 = arith.constant 2129859011 : i32
    %broadcast_in_dim3A_707 = vector.broadcast %broadcast_in_dim3A_706 : i32 to vector<16xi32>
    %sub3A_708 = arith.subi %broadcast_in_dim3A_707, %bitcast_convert_type3A_705 : vector<16xi32>
    %bitcast_convert_type3A_709 = tpu.bitcast %sub3A_708 : vector<16xi32> -> vector<16xf32>
    %mul3A_710 = arith.mulf %add3A_680, %bitcast_convert_type3A_709 : vector<16xf32>
    %sub3A_711 = arith.constant 2.000000e+00 : f32
    %sub3A_712 = vector.broadcast %sub3A_711 : f32 to vector<16xf32>
    %sub3A_713 = arith.subf %sub3A_712, %mul3A_710 : vector<16xf32>
    %mul3A_714 = arith.mulf %bitcast_convert_type3A_709, %sub3A_713 : vector<16xf32>
    %mul3A_715 = arith.mulf %add3A_680, %mul3A_714 : vector<16xf32>
    %sub3A_716 = arith.constant 2.000000e+00 : f32
    %sub3A_717 = vector.broadcast %sub3A_716 : f32 to vector<16xf32>
    %sub3A_718 = arith.subf %sub3A_717, %mul3A_715 : vector<16xf32>
    %mul3A_719 = arith.mulf %mul3A_714, %sub3A_718 : vector<16xf32>
    %mul3A_720 = arith.mulf %add3A_680, %mul3A_719 : vector<16xf32>
    %sub3A_721 = arith.constant 2.000000e+00 : f32
    %sub3A_722 = vector.broadcast %sub3A_721 : f32 to vector<16xf32>
    %sub3A_723 = arith.subf %sub3A_722, %mul3A_720 : vector<16xf32>
    %mul3A_724 = arith.mulf %mul3A_719, %sub3A_723 : vector<16xf32>
    %mul3A_725 = arith.mulf %exp3A_659, %mul3A_724 : vector<16xf32>
    %add3A_726 = arith.constant 9.99999993E-9 : f32
    %add3A_727 = vector.broadcast %add3A_726 : f32 to vector<16xf32>
    %add3A_728 = arith.addf %broadcast_in_dim3A_704, %add3A_727 : vector<16xf32>
    %bitcast_convert_type3A_729 = tpu.bitcast %add3A_728 : vector<16xf32> -> vector<16xi32>
    %broadcast_in_dim3A_730 = arith.constant 2129859011 : i32
    %broadcast_in_dim3A_731 = vector.broadcast %broadcast_in_dim3A_730 : i32 to vector<16xi32>
    %sub3A_732 = arith.subi %broadcast_in_dim3A_731, %bitcast_convert_type3A_729 : vector<16xi32>
    %bitcast_convert_type3A_733 = tpu.bitcast %sub3A_732 : vector<16xi32> -> vector<16xf32>
    %mul3A_734 = arith.mulf %add3A_728, %bitcast_convert_type3A_733 : vector<16xf32>
    %sub3A_735 = arith.constant 2.000000e+00 : f32
    %sub3A_736 = vector.broadcast %sub3A_735 : f32 to vector<16xf32>
    %sub3A_737 = arith.subf %sub3A_736, %mul3A_734 : vector<16xf32>
    %mul3A_738 = arith.mulf %bitcast_convert_type3A_733, %sub3A_737 : vector<16xf32>
    %mul3A_739 = arith.mulf %add3A_728, %mul3A_738 : vector<16xf32>
    %sub3A_740 = arith.constant 2.000000e+00 : f32
    %sub3A_741 = vector.broadcast %sub3A_740 : f32 to vector<16xf32>
    %sub3A_742 = arith.subf %sub3A_741, %mul3A_739 : vector<16xf32>
    %mul3A_743 = arith.mulf %mul3A_738, %sub3A_742 : vector<16xf32>
    %mul3A_744 = arith.mulf %add3A_728, %mul3A_743 : vector<16xf32>
    %sub3A_745 = arith.constant 2.000000e+00 : f32
    %sub3A_746 = vector.broadcast %sub3A_745 : f32 to vector<16xf32>
    %sub3A_747 = arith.subf %sub3A_746, %mul3A_744 : vector<16xf32>
    %mul3A_748 = arith.mulf %mul3A_743, %sub3A_747 : vector<16xf32>
    %mul3A_749 = arith.mulf %mul3A_725, %mul3A_748 : vector<16xf32>
    %mul3A_750 = arith.constant 5.000000e-01 : f32
    %mul3A_751 = vector.broadcast %mul3A_750 : f32 to vector<16xf32>
    %mul3A_752 = arith.mulf %mul3A_749, %mul3A_751 : vector<16xf32>
    %swap3A_753 = arith.constant 0 : index
    %swap3A_754 = tpu.vector_load %arg28[%swap3A_753] {strides = array<i32>} : memref<128xf32, #tpu.memory_space<vmem>>, vector<16xf32>,
    tpu.vector_store %arg28[%swap3A_753], %mul3A_752 {strides = array<i32>} : memref<128xf32, #tpu.memory_space<vmem>>, vector<16xf32>,
    %broadcast_in_dim3A_755 = arith.constant 25 : i32
    %broadcast_in_dim3A_756 = vector.broadcast %broadcast_in_dim3A_755 : i32 to vector<16xi32>
    %gather3A_757 = tpu.vector_load_idx %arg24[%broadcast_in_dim3A_756] : memref<48xf32, #tpu.memory_space<vmem>>[vector<16xi32>], vector<16xf32>,
    %broadcast_in_dim3A_758 = arith.constant 33 : i32
    %broadcast_in_dim3A_759 = vector.broadcast %broadcast_in_dim3A_758 : i32 to vector<16xi32>
    %gather3A_760 = tpu.vector_load_idx %arg24[%broadcast_in_dim3A_759] : memref<48xf32, #tpu.memory_space<vmem>>[vector<16xi32>], vector<16xf32>,
    %broadcast_in_dim3A_761 = arith.constant 41 : i32
    %broadcast_in_dim3A_762 = vector.broadcast %broadcast_in_dim3A_761 : i32 to vector<16xi32>
    %gather3A_763 = tpu.vector_load_idx %arg24[%broadcast_in_dim3A_762] : memref<48xf32, #tpu.memory_space<vmem>>[vector<16xi32>], vector<16xf32>,
    %broadcast_in_dim3A_764 = arith.constant 0.000000e+00 : f32
    %broadcast_in_dim3A_765 = vector.broadcast %broadcast_in_dim3A_764 : f32 to vector<16xf32>
    %scan3A_766 = arith.constant 0 : i32
    %scan3A_767 = arith.constant 63 : i32
    %scan3A_768 = arith.addi %scan3A_766, %scan3A_767 : i32
    %scan3A_769 = arith.constant 1 : i32
    %scan3A_770 = scf.for %scan3A_1289 = %scan3A_766 to %scan3A_768 step %scan3A_769 iter_args(%scan3A_1290 = %broadcast_in_dim3A_765) -> (vector<16xf32>)  : i32 {
      %mul3A_1291 = arith.constant 16 : i32
      %mul3A_1292 = arith.muli %scan3A_1289, %mul3A_1291 : i32
      %get3A_1293 = arith.index_cast %mul3A_1292 : i32 to index
      %get3A_1294 = tpu.vector_load %arg21[%get3A_1293] {strides = array<i32>} : memref<1008xf32, #tpu.memory_space<vmem>>, vector<16xf32>,
      %mul3A_1295 = arith.mulf %get3A_1294, %gather3A_757 : vector<16xf32>
      %mul3A_1296 = arith.constant 16 : i32
      %mul3A_1297 = arith.muli %scan3A_1289, %mul3A_1296 : i32
      %get3A_1298 = arith.index_cast %mul3A_1297 : i32 to index
      %get3A_1299 = tpu.vector_load %arg22[%get3A_1298] {strides = array<i32>} : memref<1008xf32, #tpu.memory_space<vmem>>, vector<16xf32>,
      %mul3A_1300 = arith.mulf %get3A_1299, %gather3A_760 : vector<16xf32>
      %mul3A_1301 = arith.constant 16 : i32
      %mul3A_1302 = arith.muli %scan3A_1289, %mul3A_1301 : i32
      %get3A_1303 = arith.index_cast %mul3A_1302 : i32 to index
      %get3A_1304 = tpu.vector_load %arg23[%get3A_1303] {strides = array<i32>} : memref<1008xf32, #tpu.memory_space<vmem>>, vector<16xf32>,
      %mul3A_1305 = arith.mulf %get3A_1304, %gather3A_763 : vector<16xf32>
      %mul3A_1306 = arith.mulf %mul3A_1295, %mul3A_1295 : vector<16xf32>
      %mul3A_1307 = arith.mulf %mul3A_1300, %mul3A_1300 : vector<16xf32>
      %add3A_1308 = arith.addf %mul3A_1306, %mul3A_1307 : vector<16xf32>
      %mul3A_1309 = arith.mulf %mul3A_1305, %mul3A_1305 : vector<16xf32>
      %add3A_1310 = arith.addf %add3A_1308, %mul3A_1309 : vector<16xf32>
      %mul3A_1311 = arith.constant -1.250000e+01 : f32
      %mul3A_1312 = vector.broadcast %mul3A_1311 : f32 to vector<16xf32>
      %mul3A_1313 = arith.mulf %add3A_1310, %mul3A_1312 : vector<16xf32>
      %exp3A_1314 = math.exp %mul3A_1313 : vector<16xf32>
      %mul3A_1315 = arith.constant 16 : i32
      %mul3A_1316 = arith.muli %scan3A_1289, %mul3A_1315 : i32
      %add3A_1317 = vector.broadcast %mul3A_1316 : i32 to vector<16xi32>
      %add3A_1318 = arith.addi %add3A_1317, %iota3A : vector<16xi32>
      %lt3A = arith.constant 1000 : i32
      %lt3A_1319 = vector.broadcast %lt3A : i32 to vector<16xi32>
      %lt3A_1320 = arith.cmpi slt, %add3A_1318, %lt3A_1319 : vector<16xi32>
      %jit3A = arith.constant 0.000000e+00 : f32
      %broadcast_in_dim3A_1321 = vector.broadcast %jit3A : f32 to vector<16xf32>
      %select_n3A = arith.select %lt3A_1320, %exp3A_1314, %broadcast_in_dim3A_1321 : vector<16xi1>, vector<16xf32>
      %add3A_1322 = arith.addf %scan3A_1290, %select_n3A : vector<16xf32>
      scf.yield %add3A_1322 : vector<16xf32>
    }
    %scan3A_771 = arith.constant 63 : i32
    %reduce_sum3A_772 = arith.constant true
    %reduce_sum3A_773 = vector.broadcast %reduce_sum3A_772 : i1 to vector<16xi1>
    %reduce_sum3A_774 = tpu.scan <sum>, %scan3A_770 masked %reduce_sum3A_773 : vector<16xf32>, vector<16xi1> -> vector<16xf32>
    %reduce_sum3A_775 = vector.extract %reduce_sum3A_774[15] : f32 from vector<16xf32>
    %mul3A_776 = arith.constant 1.000000e-03 : f32
    %mul3A_777 = arith.mulf %reduce_sum3A_775, %mul3A_776 : f32
    %broadcast_in_dim3A_778 = vector.broadcast %mul3A_777 : f32 to vector<16xf32>
    %bitcast_convert_type3A_779 = tpu.bitcast %add3A_680 : vector<16xf32> -> vector<16xi32>
    %broadcast_in_dim3A_780 = arith.constant 2129859011 : i32
    %broadcast_in_dim3A_781 = vector.broadcast %broadcast_in_dim3A_780 : i32 to vector<16xi32>
    %sub3A_782 = arith.subi %broadcast_in_dim3A_781, %bitcast_convert_type3A_779 : vector<16xi32>
    %bitcast_convert_type3A_783 = tpu.bitcast %sub3A_782 : vector<16xi32> -> vector<16xf32>
    %mul3A_784 = arith.mulf %add3A_680, %bitcast_convert_type3A_783 : vector<16xf32>
    %sub3A_785 = arith.constant 2.000000e+00 : f32
    %sub3A_786 = vector.broadcast %sub3A_785 : f32 to vector<16xf32>
    %sub3A_787 = arith.subf %sub3A_786, %mul3A_784 : vector<16xf32>
    %mul3A_788 = arith.mulf %bitcast_convert_type3A_783, %sub3A_787 : vector<16xf32>
    %mul3A_789 = arith.mulf %add3A_680, %mul3A_788 : vector<16xf32>
    %sub3A_790 = arith.constant 2.000000e+00 : f32
    %sub3A_791 = vector.broadcast %sub3A_790 : f32 to vector<16xf32>
    %sub3A_792 = arith.subf %sub3A_791, %mul3A_789 : vector<16xf32>
    %mul3A_793 = arith.mulf %mul3A_788, %sub3A_792 : vector<16xf32>
    %mul3A_794 = arith.mulf %add3A_680, %mul3A_793 : vector<16xf32>
    %sub3A_795 = arith.constant 2.000000e+00 : f32
    %sub3A_796 = vector.broadcast %sub3A_795 : f32 to vector<16xf32>
    %sub3A_797 = arith.subf %sub3A_796, %mul3A_794 : vector<16xf32>
    %mul3A_798 = arith.mulf %mul3A_793, %sub3A_797 : vector<16xf32>
    %mul3A_799 = arith.mulf %exp3A_661, %mul3A_798 : vector<16xf32>
    %add3A_800 = arith.constant 9.99999993E-9 : f32
    %add3A_801 = vector.broadcast %add3A_800 : f32 to vector<16xf32>
    %add3A_802 = arith.addf %broadcast_in_dim3A_778, %add3A_801 : vector<16xf32>
    %bitcast_convert_type3A_803 = tpu.bitcast %add3A_802 : vector<16xf32> -> vector<16xi32>
    %broadcast_in_dim3A_804 = arith.constant 2129859011 : i32
    %broadcast_in_dim3A_805 = vector.broadcast %broadcast_in_dim3A_804 : i32 to vector<16xi32>
    %sub3A_806 = arith.subi %broadcast_in_dim3A_805, %bitcast_convert_type3A_803 : vector<16xi32>
    %bitcast_convert_type3A_807 = tpu.bitcast %sub3A_806 : vector<16xi32> -> vector<16xf32>
    %mul3A_808 = arith.mulf %add3A_802, %bitcast_convert_type3A_807 : vector<16xf32>
    %sub3A_809 = arith.constant 2.000000e+00 : f32
    %sub3A_810 = vector.broadcast %sub3A_809 : f32 to vector<16xf32>
    %sub3A_811 = arith.subf %sub3A_810, %mul3A_808 : vector<16xf32>
    %mul3A_812 = arith.mulf %bitcast_convert_type3A_807, %sub3A_811 : vector<16xf32>
    %mul3A_813 = arith.mulf %add3A_802, %mul3A_812 : vector<16xf32>
    %sub3A_814 = arith.constant 2.000000e+00 : f32
    %sub3A_815 = vector.broadcast %sub3A_814 : f32 to vector<16xf32>
    %sub3A_816 = arith.subf %sub3A_815, %mul3A_813 : vector<16xf32>
    %mul3A_817 = arith.mulf %mul3A_812, %sub3A_816 : vector<16xf32>
    %mul3A_818 = arith.mulf %add3A_802, %mul3A_817 : vector<16xf32>
    %sub3A_819 = arith.constant 2.000000e+00 : f32
    %sub3A_820 = vector.broadcast %sub3A_819 : f32 to vector<16xf32>
    %sub3A_821 = arith.subf %sub3A_820, %mul3A_818 : vector<16xf32>
    %mul3A_822 = arith.mulf %mul3A_817, %sub3A_821 : vector<16xf32>
    %mul3A_823 = arith.mulf %mul3A_799, %mul3A_822 : vector<16xf32>
    %mul3A_824 = arith.constant 5.000000e-01 : f32
    %mul3A_825 = vector.broadcast %mul3A_824 : f32 to vector<16xf32>
    %mul3A_826 = arith.mulf %mul3A_823, %mul3A_825 : vector<16xf32>
    %swap3A_827 = arith.constant 16 : index
    %swap3A_828 = tpu.vector_load %arg28[%swap3A_827] {strides = array<i32>} : memref<128xf32, #tpu.memory_space<vmem>>, vector<16xf32>,
    tpu.vector_store %arg28[%swap3A_827], %mul3A_826 {strides = array<i32>} : memref<128xf32, #tpu.memory_space<vmem>>, vector<16xf32>,
    %broadcast_in_dim3A_829 = arith.constant 26 : i32
    %broadcast_in_dim3A_830 = vector.broadcast %broadcast_in_dim3A_829 : i32 to vector<16xi32>
    %gather3A_831 = tpu.vector_load_idx %arg24[%broadcast_in_dim3A_830] : memref<48xf32, #tpu.memory_space<vmem>>[vector<16xi32>], vector<16xf32>,
    %broadcast_in_dim3A_832 = arith.constant 34 : i32
    %broadcast_in_dim3A_833 = vector.broadcast %broadcast_in_dim3A_832 : i32 to vector<16xi32>
    %gather3A_834 = tpu.vector_load_idx %arg24[%broadcast_in_dim3A_833] : memref<48xf32, #tpu.memory_space<vmem>>[vector<16xi32>], vector<16xf32>,
    %broadcast_in_dim3A_835 = arith.constant 42 : i32
    %broadcast_in_dim3A_836 = vector.broadcast %broadcast_in_dim3A_835 : i32 to vector<16xi32>
    %gather3A_837 = tpu.vector_load_idx %arg24[%broadcast_in_dim3A_836] : memref<48xf32, #tpu.memory_space<vmem>>[vector<16xi32>], vector<16xf32>,
    %broadcast_in_dim3A_838 = arith.constant 0.000000e+00 : f32
    %broadcast_in_dim3A_839 = vector.broadcast %broadcast_in_dim3A_838 : f32 to vector<16xf32>
    %scan3A_840 = arith.constant 0 : i32
    %scan3A_841 = arith.constant 63 : i32
    %scan3A_842 = arith.addi %scan3A_840, %scan3A_841 : i32
    %scan3A_843 = arith.constant 1 : i32
    %scan3A_844 = scf.for %scan3A_1289 = %scan3A_840 to %scan3A_842 step %scan3A_843 iter_args(%scan3A_1290 = %broadcast_in_dim3A_839) -> (vector<16xf32>)  : i32 {
      %mul3A_1291 = arith.constant 16 : i32
      %mul3A_1292 = arith.muli %scan3A_1289, %mul3A_1291 : i32
      %get3A_1293 = arith.index_cast %mul3A_1292 : i32 to index
      %get3A_1294 = tpu.vector_load %arg21[%get3A_1293] {strides = array<i32>} : memref<1008xf32, #tpu.memory_space<vmem>>, vector<16xf32>,
      %mul3A_1295 = arith.mulf %get3A_1294, %gather3A_831 : vector<16xf32>
      %mul3A_1296 = arith.constant 16 : i32
      %mul3A_1297 = arith.muli %scan3A_1289, %mul3A_1296 : i32
      %get3A_1298 = arith.index_cast %mul3A_1297 : i32 to index
      %get3A_1299 = tpu.vector_load %arg22[%get3A_1298] {strides = array<i32>} : memref<1008xf32, #tpu.memory_space<vmem>>, vector<16xf32>,
      %mul3A_1300 = arith.mulf %get3A_1299, %gather3A_834 : vector<16xf32>
      %mul3A_1301 = arith.constant 16 : i32
      %mul3A_1302 = arith.muli %scan3A_1289, %mul3A_1301 : i32
      %get3A_1303 = arith.index_cast %mul3A_1302 : i32 to index
      %get3A_1304 = tpu.vector_load %arg23[%get3A_1303] {strides = array<i32>} : memref<1008xf32, #tpu.memory_space<vmem>>, vector<16xf32>,
      %mul3A_1305 = arith.mulf %get3A_1304, %gather3A_837 : vector<16xf32>
      %mul3A_1306 = arith.mulf %mul3A_1295, %mul3A_1295 : vector<16xf32>
      %mul3A_1307 = arith.mulf %mul3A_1300, %mul3A_1300 : vector<16xf32>
      %add3A_1308 = arith.addf %mul3A_1306, %mul3A_1307 : vector<16xf32>
      %mul3A_1309 = arith.mulf %mul3A_1305, %mul3A_1305 : vector<16xf32>
      %add3A_1310 = arith.addf %add3A_1308, %mul3A_1309 : vector<16xf32>
      %mul3A_1311 = arith.constant -1.250000e+01 : f32
      %mul3A_1312 = vector.broadcast %mul3A_1311 : f32 to vector<16xf32>
      %mul3A_1313 = arith.mulf %add3A_1310, %mul3A_1312 : vector<16xf32>
      %exp3A_1314 = math.exp %mul3A_1313 : vector<16xf32>
      %mul3A_1315 = arith.constant 16 : i32
      %mul3A_1316 = arith.muli %scan3A_1289, %mul3A_1315 : i32
      %add3A_1317 = vector.broadcast %mul3A_1316 : i32 to vector<16xi32>
      %add3A_1318 = arith.addi %add3A_1317, %iota3A : vector<16xi32>
      %lt3A = arith.constant 1000 : i32
      %lt3A_1319 = vector.broadcast %lt3A : i32 to vector<16xi32>
      %lt3A_1320 = arith.cmpi slt, %add3A_1318, %lt3A_1319 : vector<16xi32>
      %jit3A = arith.constant 0.000000e+00 : f32
      %broadcast_in_dim3A_1321 = vector.broadcast %jit3A : f32 to vector<16xf32>
      %select_n3A = arith.select %lt3A_1320, %exp3A_1314, %broadcast_in_dim3A_1321 : vector<16xi1>, vector<16xf32>
      %add3A_1322 = arith.addf %scan3A_1290, %select_n3A : vector<16xf32>
      scf.yield %add3A_1322 : vector<16xf32>
    }
    %scan3A_845 = arith.constant 63 : i32
    %reduce_sum3A_846 = arith.constant true
    %reduce_sum3A_847 = vector.broadcast %reduce_sum3A_846 : i1 to vector<16xi1>
    %reduce_sum3A_848 = tpu.scan <sum>, %scan3A_844 masked %reduce_sum3A_847 : vector<16xf32>, vector<16xi1> -> vector<16xf32>
    %reduce_sum3A_849 = vector.extract %reduce_sum3A_848[15] : f32 from vector<16xf32>
    %mul3A_850 = arith.constant 1.000000e-03 : f32
    %mul3A_851 = arith.mulf %reduce_sum3A_849, %mul3A_850 : f32
    %broadcast_in_dim3A_852 = vector.broadcast %mul3A_851 : f32 to vector<16xf32>
    %bitcast_convert_type3A_853 = tpu.bitcast %add3A_680 : vector<16xf32> -> vector<16xi32>
    %broadcast_in_dim3A_854 = arith.constant 2129859011 : i32
    %broadcast_in_dim3A_855 = vector.broadcast %broadcast_in_dim3A_854 : i32 to vector<16xi32>
    %sub3A_856 = arith.subi %broadcast_in_dim3A_855, %bitcast_convert_type3A_853 : vector<16xi32>
    %bitcast_convert_type3A_857 = tpu.bitcast %sub3A_856 : vector<16xi32> -> vector<16xf32>
    %mul3A_858 = arith.mulf %add3A_680, %bitcast_convert_type3A_857 : vector<16xf32>
    %sub3A_859 = arith.constant 2.000000e+00 : f32
    %sub3A_860 = vector.broadcast %sub3A_859 : f32 to vector<16xf32>
    %sub3A_861 = arith.subf %sub3A_860, %mul3A_858 : vector<16xf32>
    %mul3A_862 = arith.mulf %bitcast_convert_type3A_857, %sub3A_861 : vector<16xf32>
    %mul3A_863 = arith.mulf %add3A_680, %mul3A_862 : vector<16xf32>
    %sub3A_864 = arith.constant 2.000000e+00 : f32
    %sub3A_865 = vector.broadcast %sub3A_864 : f32 to vector<16xf32>
    %sub3A_866 = arith.subf %sub3A_865, %mul3A_863 : vector<16xf32>
    %mul3A_867 = arith.mulf %mul3A_862, %sub3A_866 : vector<16xf32>
    %mul3A_868 = arith.mulf %add3A_680, %mul3A_867 : vector<16xf32>
    %sub3A_869 = arith.constant 2.000000e+00 : f32
    %sub3A_870 = vector.broadcast %sub3A_869 : f32 to vector<16xf32>
    %sub3A_871 = arith.subf %sub3A_870, %mul3A_868 : vector<16xf32>
    %mul3A_872 = arith.mulf %mul3A_867, %sub3A_871 : vector<16xf32>
    %mul3A_873 = arith.mulf %exp3A_663, %mul3A_872 : vector<16xf32>
    %add3A_874 = arith.constant 9.99999993E-9 : f32
    %add3A_875 = vector.broadcast %add3A_874 : f32 to vector<16xf32>
    %add3A_876 = arith.addf %broadcast_in_dim3A_852, %add3A_875 : vector<16xf32>
    %bitcast_convert_type3A_877 = tpu.bitcast %add3A_876 : vector<16xf32> -> vector<16xi32>
    %broadcast_in_dim3A_878 = arith.constant 2129859011 : i32
    %broadcast_in_dim3A_879 = vector.broadcast %broadcast_in_dim3A_878 : i32 to vector<16xi32>
    %sub3A_880 = arith.subi %broadcast_in_dim3A_879, %bitcast_convert_type3A_877 : vector<16xi32>
    %bitcast_convert_type3A_881 = tpu.bitcast %sub3A_880 : vector<16xi32> -> vector<16xf32>
    %mul3A_882 = arith.mulf %add3A_876, %bitcast_convert_type3A_881 : vector<16xf32>
    %sub3A_883 = arith.constant 2.000000e+00 : f32
    %sub3A_884 = vector.broadcast %sub3A_883 : f32 to vector<16xf32>
    %sub3A_885 = arith.subf %sub3A_884, %mul3A_882 : vector<16xf32>
    %mul3A_886 = arith.mulf %bitcast_convert_type3A_881, %sub3A_885 : vector<16xf32>
    %mul3A_887 = arith.mulf %add3A_876, %mul3A_886 : vector<16xf32>
    %sub3A_888 = arith.constant 2.000000e+00 : f32
    %sub3A_889 = vector.broadcast %sub3A_888 : f32 to vector<16xf32>
    %sub3A_890 = arith.subf %sub3A_889, %mul3A_887 : vector<16xf32>
    %mul3A_891 = arith.mulf %mul3A_886, %sub3A_890 : vector<16xf32>
    %mul3A_892 = arith.mulf %add3A_876, %mul3A_891 : vector<16xf32>
    %sub3A_893 = arith.constant 2.000000e+00 : f32
    %sub3A_894 = vector.broadcast %sub3A_893 : f32 to vector<16xf32>
    %sub3A_895 = arith.subf %sub3A_894, %mul3A_892 : vector<16xf32>
    %mul3A_896 = arith.mulf %mul3A_891, %sub3A_895 : vector<16xf32>
    %mul3A_897 = arith.mulf %mul3A_873, %mul3A_896 : vector<16xf32>
    %mul3A_898 = arith.constant 5.000000e-01 : f32
    %mul3A_899 = vector.broadcast %mul3A_898 : f32 to vector<16xf32>
    %mul3A_900 = arith.mulf %mul3A_897, %mul3A_899 : vector<16xf32>
    %swap3A_901 = arith.constant 32 : index
    %swap3A_902 = tpu.vector_load %arg28[%swap3A_901] {strides = array<i32>} : memref<128xf32, #tpu.memory_space<vmem>>, vector<16xf32>,
    tpu.vector_store %arg28[%swap3A_901], %mul3A_900 {strides = array<i32>} : memref<128xf32, #tpu.memory_space<vmem>>, vector<16xf32>,
    %broadcast_in_dim3A_903 = arith.constant 27 : i32
    %broadcast_in_dim3A_904 = vector.broadcast %broadcast_in_dim3A_903 : i32 to vector<16xi32>
    %gather3A_905 = tpu.vector_load_idx %arg24[%broadcast_in_dim3A_904] : memref<48xf32, #tpu.memory_space<vmem>>[vector<16xi32>], vector<16xf32>,
    %broadcast_in_dim3A_906 = arith.constant 35 : i32
    %broadcast_in_dim3A_907 = vector.broadcast %broadcast_in_dim3A_906 : i32 to vector<16xi32>
    %gather3A_908 = tpu.vector_load_idx %arg24[%broadcast_in_dim3A_907] : memref<48xf32, #tpu.memory_space<vmem>>[vector<16xi32>], vector<16xf32>,
    %broadcast_in_dim3A_909 = arith.constant 43 : i32
    %broadcast_in_dim3A_910 = vector.broadcast %broadcast_in_dim3A_909 : i32 to vector<16xi32>
    %gather3A_911 = tpu.vector_load_idx %arg24[%broadcast_in_dim3A_910] : memref<48xf32, #tpu.memory_space<vmem>>[vector<16xi32>], vector<16xf32>,
    %broadcast_in_dim3A_912 = arith.constant 0.000000e+00 : f32
    %broadcast_in_dim3A_913 = vector.broadcast %broadcast_in_dim3A_912 : f32 to vector<16xf32>
    %scan3A_914 = arith.constant 0 : i32
    %scan3A_915 = arith.constant 63 : i32
    %scan3A_916 = arith.addi %scan3A_914, %scan3A_915 : i32
    %scan3A_917 = arith.constant 1 : i32
    %scan3A_918 = scf.for %scan3A_1289 = %scan3A_914 to %scan3A_916 step %scan3A_917 iter_args(%scan3A_1290 = %broadcast_in_dim3A_913) -> (vector<16xf32>)  : i32 {
      %mul3A_1291 = arith.constant 16 : i32
      %mul3A_1292 = arith.muli %scan3A_1289, %mul3A_1291 : i32
      %get3A_1293 = arith.index_cast %mul3A_1292 : i32 to index
      %get3A_1294 = tpu.vector_load %arg21[%get3A_1293] {strides = array<i32>} : memref<1008xf32, #tpu.memory_space<vmem>>, vector<16xf32>,
      %mul3A_1295 = arith.mulf %get3A_1294, %gather3A_905 : vector<16xf32>
      %mul3A_1296 = arith.constant 16 : i32
      %mul3A_1297 = arith.muli %scan3A_1289, %mul3A_1296 : i32
      %get3A_1298 = arith.index_cast %mul3A_1297 : i32 to index
      %get3A_1299 = tpu.vector_load %arg22[%get3A_1298] {strides = array<i32>} : memref<1008xf32, #tpu.memory_space<vmem>>, vector<16xf32>,
      %mul3A_1300 = arith.mulf %get3A_1299, %gather3A_908 : vector<16xf32>
      %mul3A_1301 = arith.constant 16 : i32
      %mul3A_1302 = arith.muli %scan3A_1289, %mul3A_1301 : i32
      %get3A_1303 = arith.index_cast %mul3A_1302 : i32 to index
      %get3A_1304 = tpu.vector_load %arg23[%get3A_1303] {strides = array<i32>} : memref<1008xf32, #tpu.memory_space<vmem>>, vector<16xf32>,
      %mul3A_1305 = arith.mulf %get3A_1304, %gather3A_911 : vector<16xf32>
      %mul3A_1306 = arith.mulf %mul3A_1295, %mul3A_1295 : vector<16xf32>
      %mul3A_1307 = arith.mulf %mul3A_1300, %mul3A_1300 : vector<16xf32>
      %add3A_1308 = arith.addf %mul3A_1306, %mul3A_1307 : vector<16xf32>
      %mul3A_1309 = arith.mulf %mul3A_1305, %mul3A_1305 : vector<16xf32>
      %add3A_1310 = arith.addf %add3A_1308, %mul3A_1309 : vector<16xf32>
      %mul3A_1311 = arith.constant -1.250000e+01 : f32
      %mul3A_1312 = vector.broadcast %mul3A_1311 : f32 to vector<16xf32>
      %mul3A_1313 = arith.mulf %add3A_1310, %mul3A_1312 : vector<16xf32>
      %exp3A_1314 = math.exp %mul3A_1313 : vector<16xf32>
      %mul3A_1315 = arith.constant 16 : i32
      %mul3A_1316 = arith.muli %scan3A_1289, %mul3A_1315 : i32
      %add3A_1317 = vector.broadcast %mul3A_1316 : i32 to vector<16xi32>
      %add3A_1318 = arith.addi %add3A_1317, %iota3A : vector<16xi32>
      %lt3A = arith.constant 1000 : i32
      %lt3A_1319 = vector.broadcast %lt3A : i32 to vector<16xi32>
      %lt3A_1320 = arith.cmpi slt, %add3A_1318, %lt3A_1319 : vector<16xi32>
      %jit3A = arith.constant 0.000000e+00 : f32
      %broadcast_in_dim3A_1321 = vector.broadcast %jit3A : f32 to vector<16xf32>
      %select_n3A = arith.select %lt3A_1320, %exp3A_1314, %broadcast_in_dim3A_1321 : vector<16xi1>, vector<16xf32>
      %add3A_1322 = arith.addf %scan3A_1290, %select_n3A : vector<16xf32>
      scf.yield %add3A_1322 : vector<16xf32>
    }
    %scan3A_919 = arith.constant 63 : i32
    %reduce_sum3A_920 = arith.constant true
    %reduce_sum3A_921 = vector.broadcast %reduce_sum3A_920 : i1 to vector<16xi1>
    %reduce_sum3A_922 = tpu.scan <sum>, %scan3A_918 masked %reduce_sum3A_921 : vector<16xf32>, vector<16xi1> -> vector<16xf32>
    %reduce_sum3A_923 = vector.extract %reduce_sum3A_922[15] : f32 from vector<16xf32>
    %mul3A_924 = arith.constant 1.000000e-03 : f32
    %mul3A_925 = arith.mulf %reduce_sum3A_923, %mul3A_924 : f32
    %broadcast_in_dim3A_926 = vector.broadcast %mul3A_925 : f32 to vector<16xf32>
    %bitcast_convert_type3A_927 = tpu.bitcast %add3A_680 : vector<16xf32> -> vector<16xi32>
    %broadcast_in_dim3A_928 = arith.constant 2129859011 : i32
    %broadcast_in_dim3A_929 = vector.broadcast %broadcast_in_dim3A_928 : i32 to vector<16xi32>
    %sub3A_930 = arith.subi %broadcast_in_dim3A_929, %bitcast_convert_type3A_927 : vector<16xi32>
    %bitcast_convert_type3A_931 = tpu.bitcast %sub3A_930 : vector<16xi32> -> vector<16xf32>
    %mul3A_932 = arith.mulf %add3A_680, %bitcast_convert_type3A_931 : vector<16xf32>
    %sub3A_933 = arith.constant 2.000000e+00 : f32
    %sub3A_934 = vector.broadcast %sub3A_933 : f32 to vector<16xf32>
    %sub3A_935 = arith.subf %sub3A_934, %mul3A_932 : vector<16xf32>
    %mul3A_936 = arith.mulf %bitcast_convert_type3A_931, %sub3A_935 : vector<16xf32>
    %mul3A_937 = arith.mulf %add3A_680, %mul3A_936 : vector<16xf32>
    %sub3A_938 = arith.constant 2.000000e+00 : f32
    %sub3A_939 = vector.broadcast %sub3A_938 : f32 to vector<16xf32>
    %sub3A_940 = arith.subf %sub3A_939, %mul3A_937 : vector<16xf32>
    %mul3A_941 = arith.mulf %mul3A_936, %sub3A_940 : vector<16xf32>
    %mul3A_942 = arith.mulf %add3A_680, %mul3A_941 : vector<16xf32>
    %sub3A_943 = arith.constant 2.000000e+00 : f32
    %sub3A_944 = vector.broadcast %sub3A_943 : f32 to vector<16xf32>
    %sub3A_945 = arith.subf %sub3A_944, %mul3A_942 : vector<16xf32>
    %mul3A_946 = arith.mulf %mul3A_941, %sub3A_945 : vector<16xf32>
    %mul3A_947 = arith.mulf %exp3A_665, %mul3A_946 : vector<16xf32>
    %add3A_948 = arith.constant 9.99999993E-9 : f32
    %add3A_949 = vector.broadcast %add3A_948 : f32 to vector<16xf32>
    %add3A_950 = arith.addf %broadcast_in_dim3A_926, %add3A_949 : vector<16xf32>
    %bitcast_convert_type3A_951 = tpu.bitcast %add3A_950 : vector<16xf32> -> vector<16xi32>
    %broadcast_in_dim3A_952 = arith.constant 2129859011 : i32
    %broadcast_in_dim3A_953 = vector.broadcast %broadcast_in_dim3A_952 : i32 to vector<16xi32>
    %sub3A_954 = arith.subi %broadcast_in_dim3A_953, %bitcast_convert_type3A_951 : vector<16xi32>
    %bitcast_convert_type3A_955 = tpu.bitcast %sub3A_954 : vector<16xi32> -> vector<16xf32>
    %mul3A_956 = arith.mulf %add3A_950, %bitcast_convert_type3A_955 : vector<16xf32>
    %sub3A_957 = arith.constant 2.000000e+00 : f32
    %sub3A_958 = vector.broadcast %sub3A_957 : f32 to vector<16xf32>
    %sub3A_959 = arith.subf %sub3A_958, %mul3A_956 : vector<16xf32>
    %mul3A_960 = arith.mulf %bitcast_convert_type3A_955, %sub3A_959 : vector<16xf32>
    %mul3A_961 = arith.mulf %add3A_950, %mul3A_960 : vector<16xf32>
    %sub3A_962 = arith.constant 2.000000e+00 : f32
    %sub3A_963 = vector.broadcast %sub3A_962 : f32 to vector<16xf32>
    %sub3A_964 = arith.subf %sub3A_963, %mul3A_961 : vector<16xf32>
    %mul3A_965 = arith.mulf %mul3A_960, %sub3A_964 : vector<16xf32>
    %mul3A_966 = arith.mulf %add3A_950, %mul3A_965 : vector<16xf32>
    %sub3A_967 = arith.constant 2.000000e+00 : f32
    %sub3A_968 = vector.broadcast %sub3A_967 : f32 to vector<16xf32>
    %sub3A_969 = arith.subf %sub3A_968, %mul3A_966 : vector<16xf32>
    %mul3A_970 = arith.mulf %mul3A_965, %sub3A_969 : vector<16xf32>
    %mul3A_971 = arith.mulf %mul3A_947, %mul3A_970 : vector<16xf32>
    %mul3A_972 = arith.constant 5.000000e-01 : f32
    %mul3A_973 = vector.broadcast %mul3A_972 : f32 to vector<16xf32>
    %mul3A_974 = arith.mulf %mul3A_971, %mul3A_973 : vector<16xf32>
    %swap3A_975 = arith.constant 48 : index
    %swap3A_976 = tpu.vector_load %arg28[%swap3A_975] {strides = array<i32>} : memref<128xf32, #tpu.memory_space<vmem>>, vector<16xf32>,
    tpu.vector_store %arg28[%swap3A_975], %mul3A_974 {strides = array<i32>} : memref<128xf32, #tpu.memory_space<vmem>>, vector<16xf32>,
    %broadcast_in_dim3A_977 = arith.constant 28 : i32
    %broadcast_in_dim3A_978 = vector.broadcast %broadcast_in_dim3A_977 : i32 to vector<16xi32>
    %gather3A_979 = tpu.vector_load_idx %arg24[%broadcast_in_dim3A_978] : memref<48xf32, #tpu.memory_space<vmem>>[vector<16xi32>], vector<16xf32>,
    %broadcast_in_dim3A_980 = arith.constant 36 : i32
    %broadcast_in_dim3A_981 = vector.broadcast %broadcast_in_dim3A_980 : i32 to vector<16xi32>
    %gather3A_982 = tpu.vector_load_idx %arg24[%broadcast_in_dim3A_981] : memref<48xf32, #tpu.memory_space<vmem>>[vector<16xi32>], vector<16xf32>,
    %broadcast_in_dim3A_983 = arith.constant 44 : i32
    %broadcast_in_dim3A_984 = vector.broadcast %broadcast_in_dim3A_983 : i32 to vector<16xi32>
    %gather3A_985 = tpu.vector_load_idx %arg24[%broadcast_in_dim3A_984] : memref<48xf32, #tpu.memory_space<vmem>>[vector<16xi32>], vector<16xf32>,
    %broadcast_in_dim3A_986 = arith.constant 0.000000e+00 : f32
    %broadcast_in_dim3A_987 = vector.broadcast %broadcast_in_dim3A_986 : f32 to vector<16xf32>
    %scan3A_988 = arith.constant 0 : i32
    %scan3A_989 = arith.constant 63 : i32
    %scan3A_990 = arith.addi %scan3A_988, %scan3A_989 : i32
    %scan3A_991 = arith.constant 1 : i32
    %scan3A_992 = scf.for %scan3A_1289 = %scan3A_988 to %scan3A_990 step %scan3A_991 iter_args(%scan3A_1290 = %broadcast_in_dim3A_987) -> (vector<16xf32>)  : i32 {
      %mul3A_1291 = arith.constant 16 : i32
      %mul3A_1292 = arith.muli %scan3A_1289, %mul3A_1291 : i32
      %get3A_1293 = arith.index_cast %mul3A_1292 : i32 to index
      %get3A_1294 = tpu.vector_load %arg21[%get3A_1293] {strides = array<i32>} : memref<1008xf32, #tpu.memory_space<vmem>>, vector<16xf32>,
      %mul3A_1295 = arith.mulf %get3A_1294, %gather3A_979 : vector<16xf32>
      %mul3A_1296 = arith.constant 16 : i32
      %mul3A_1297 = arith.muli %scan3A_1289, %mul3A_1296 : i32
      %get3A_1298 = arith.index_cast %mul3A_1297 : i32 to index
      %get3A_1299 = tpu.vector_load %arg22[%get3A_1298] {strides = array<i32>} : memref<1008xf32, #tpu.memory_space<vmem>>, vector<16xf32>,
      %mul3A_1300 = arith.mulf %get3A_1299, %gather3A_982 : vector<16xf32>
      %mul3A_1301 = arith.constant 16 : i32
      %mul3A_1302 = arith.muli %scan3A_1289, %mul3A_1301 : i32
      %get3A_1303 = arith.index_cast %mul3A_1302 : i32 to index
      %get3A_1304 = tpu.vector_load %arg23[%get3A_1303] {strides = array<i32>} : memref<1008xf32, #tpu.memory_space<vmem>>, vector<16xf32>,
      %mul3A_1305 = arith.mulf %get3A_1304, %gather3A_985 : vector<16xf32>
      %mul3A_1306 = arith.mulf %mul3A_1295, %mul3A_1295 : vector<16xf32>
      %mul3A_1307 = arith.mulf %mul3A_1300, %mul3A_1300 : vector<16xf32>
      %add3A_1308 = arith.addf %mul3A_1306, %mul3A_1307 : vector<16xf32>
      %mul3A_1309 = arith.mulf %mul3A_1305, %mul3A_1305 : vector<16xf32>
      %add3A_1310 = arith.addf %add3A_1308, %mul3A_1309 : vector<16xf32>
      %mul3A_1311 = arith.constant -1.250000e+01 : f32
      %mul3A_1312 = vector.broadcast %mul3A_1311 : f32 to vector<16xf32>
      %mul3A_1313 = arith.mulf %add3A_1310, %mul3A_1312 : vector<16xf32>
      %exp3A_1314 = math.exp %mul3A_1313 : vector<16xf32>
      %mul3A_1315 = arith.constant 16 : i32
      %mul3A_1316 = arith.muli %scan3A_1289, %mul3A_1315 : i32
      %add3A_1317 = vector.broadcast %mul3A_1316 : i32 to vector<16xi32>
      %add3A_1318 = arith.addi %add3A_1317, %iota3A : vector<16xi32>
      %lt3A = arith.constant 1000 : i32
      %lt3A_1319 = vector.broadcast %lt3A : i32 to vector<16xi32>
      %lt3A_1320 = arith.cmpi slt, %add3A_1318, %lt3A_1319 : vector<16xi32>
      %jit3A = arith.constant 0.000000e+00 : f32
      %broadcast_in_dim3A_1321 = vector.broadcast %jit3A : f32 to vector<16xf32>
      %select_n3A = arith.select %lt3A_1320, %exp3A_1314, %broadcast_in_dim3A_1321 : vector<16xi1>, vector<16xf32>
      %add3A_1322 = arith.addf %scan3A_1290, %select_n3A : vector<16xf32>
      scf.yield %add3A_1322 : vector<16xf32>
    }
    %scan3A_993 = arith.constant 63 : i32
    %reduce_sum3A_994 = arith.constant true
    %reduce_sum3A_995 = vector.broadcast %reduce_sum3A_994 : i1 to vector<16xi1>
    %reduce_sum3A_996 = tpu.scan <sum>, %scan3A_992 masked %reduce_sum3A_995 : vector<16xf32>, vector<16xi1> -> vector<16xf32>
    %reduce_sum3A_997 = vector.extract %reduce_sum3A_996[15] : f32 from vector<16xf32>
    %mul3A_998 = arith.constant 1.000000e-03 : f32
    %mul3A_999 = arith.mulf %reduce_sum3A_997, %mul3A_998 : f32
    %broadcast_in_dim3A_1000 = vector.broadcast %mul3A_999 : f32 to vector<16xf32>
    %bitcast_convert_type3A_1001 = tpu.bitcast %add3A_680 : vector<16xf32> -> vector<16xi32>
    %broadcast_in_dim3A_1002 = arith.constant 2129859011 : i32
    %broadcast_in_dim3A_1003 = vector.broadcast %broadcast_in_dim3A_1002 : i32 to vector<16xi32>
    %sub3A_1004 = arith.subi %broadcast_in_dim3A_1003, %bitcast_convert_type3A_1001 : vector<16xi32>
    %bitcast_convert_type3A_1005 = tpu.bitcast %sub3A_1004 : vector<16xi32> -> vector<16xf32>
    %mul3A_1006 = arith.mulf %add3A_680, %bitcast_convert_type3A_1005 : vector<16xf32>
    %sub3A_1007 = arith.constant 2.000000e+00 : f32
    %sub3A_1008 = vector.broadcast %sub3A_1007 : f32 to vector<16xf32>
    %sub3A_1009 = arith.subf %sub3A_1008, %mul3A_1006 : vector<16xf32>
    %mul3A_1010 = arith.mulf %bitcast_convert_type3A_1005, %sub3A_1009 : vector<16xf32>
    %mul3A_1011 = arith.mulf %add3A_680, %mul3A_1010 : vector<16xf32>
    %sub3A_1012 = arith.constant 2.000000e+00 : f32
    %sub3A_1013 = vector.broadcast %sub3A_1012 : f32 to vector<16xf32>
    %sub3A_1014 = arith.subf %sub3A_1013, %mul3A_1011 : vector<16xf32>
    %mul3A_1015 = arith.mulf %mul3A_1010, %sub3A_1014 : vector<16xf32>
    %mul3A_1016 = arith.mulf %add3A_680, %mul3A_1015 : vector<16xf32>
    %sub3A_1017 = arith.constant 2.000000e+00 : f32
    %sub3A_1018 = vector.broadcast %sub3A_1017 : f32 to vector<16xf32>
    %sub3A_1019 = arith.subf %sub3A_1018, %mul3A_1016 : vector<16xf32>
    %mul3A_1020 = arith.mulf %mul3A_1015, %sub3A_1019 : vector<16xf32>
    %mul3A_1021 = arith.mulf %exp3A_667, %mul3A_1020 : vector<16xf32>
    %add3A_1022 = arith.constant 9.99999993E-9 : f32
    %add3A_1023 = vector.broadcast %add3A_1022 : f32 to vector<16xf32>
    %add3A_1024 = arith.addf %broadcast_in_dim3A_1000, %add3A_1023 : vector<16xf32>
    %bitcast_convert_type3A_1025 = tpu.bitcast %add3A_1024 : vector<16xf32> -> vector<16xi32>
    %broadcast_in_dim3A_1026 = arith.constant 2129859011 : i32
    %broadcast_in_dim3A_1027 = vector.broadcast %broadcast_in_dim3A_1026 : i32 to vector<16xi32>
    %sub3A_1028 = arith.subi %broadcast_in_dim3A_1027, %bitcast_convert_type3A_1025 : vector<16xi32>
    %bitcast_convert_type3A_1029 = tpu.bitcast %sub3A_1028 : vector<16xi32> -> vector<16xf32>
    %mul3A_1030 = arith.mulf %add3A_1024, %bitcast_convert_type3A_1029 : vector<16xf32>
    %sub3A_1031 = arith.constant 2.000000e+00 : f32
    %sub3A_1032 = vector.broadcast %sub3A_1031 : f32 to vector<16xf32>
    %sub3A_1033 = arith.subf %sub3A_1032, %mul3A_1030 : vector<16xf32>
    %mul3A_1034 = arith.mulf %bitcast_convert_type3A_1029, %sub3A_1033 : vector<16xf32>
    %mul3A_1035 = arith.mulf %add3A_1024, %mul3A_1034 : vector<16xf32>
    %sub3A_1036 = arith.constant 2.000000e+00 : f32
    %sub3A_1037 = vector.broadcast %sub3A_1036 : f32 to vector<16xf32>
    %sub3A_1038 = arith.subf %sub3A_1037, %mul3A_1035 : vector<16xf32>
    %mul3A_1039 = arith.mulf %mul3A_1034, %sub3A_1038 : vector<16xf32>
    %mul3A_1040 = arith.mulf %add3A_1024, %mul3A_1039 : vector<16xf32>
    %sub3A_1041 = arith.constant 2.000000e+00 : f32
    %sub3A_1042 = vector.broadcast %sub3A_1041 : f32 to vector<16xf32>
    %sub3A_1043 = arith.subf %sub3A_1042, %mul3A_1040 : vector<16xf32>
    %mul3A_1044 = arith.mulf %mul3A_1039, %sub3A_1043 : vector<16xf32>
    %mul3A_1045 = arith.mulf %mul3A_1021, %mul3A_1044 : vector<16xf32>
    %mul3A_1046 = arith.constant 5.000000e-01 : f32
    %mul3A_1047 = vector.broadcast %mul3A_1046 : f32 to vector<16xf32>
    %mul3A_1048 = arith.mulf %mul3A_1045, %mul3A_1047 : vector<16xf32>
    %swap3A_1049 = arith.constant 64 : index
    %swap3A_1050 = tpu.vector_load %arg28[%swap3A_1049] {strides = array<i32>} : memref<128xf32, #tpu.memory_space<vmem>>, vector<16xf32>,
    tpu.vector_store %arg28[%swap3A_1049], %mul3A_1048 {strides = array<i32>} : memref<128xf32, #tpu.memory_space<vmem>>, vector<16xf32>,
    %broadcast_in_dim3A_1051 = arith.constant 29 : i32
    %broadcast_in_dim3A_1052 = vector.broadcast %broadcast_in_dim3A_1051 : i32 to vector<16xi32>
    %gather3A_1053 = tpu.vector_load_idx %arg24[%broadcast_in_dim3A_1052] : memref<48xf32, #tpu.memory_space<vmem>>[vector<16xi32>], vector<16xf32>,
    %broadcast_in_dim3A_1054 = arith.constant 37 : i32
    %broadcast_in_dim3A_1055 = vector.broadcast %broadcast_in_dim3A_1054 : i32 to vector<16xi32>
    %gather3A_1056 = tpu.vector_load_idx %arg24[%broadcast_in_dim3A_1055] : memref<48xf32, #tpu.memory_space<vmem>>[vector<16xi32>], vector<16xf32>,
    %broadcast_in_dim3A_1057 = arith.constant 45 : i32
    %broadcast_in_dim3A_1058 = vector.broadcast %broadcast_in_dim3A_1057 : i32 to vector<16xi32>
    %gather3A_1059 = tpu.vector_load_idx %arg24[%broadcast_in_dim3A_1058] : memref<48xf32, #tpu.memory_space<vmem>>[vector<16xi32>], vector<16xf32>,
    %broadcast_in_dim3A_1060 = arith.constant 0.000000e+00 : f32
    %broadcast_in_dim3A_1061 = vector.broadcast %broadcast_in_dim3A_1060 : f32 to vector<16xf32>
    %scan3A_1062 = arith.constant 0 : i32
    %scan3A_1063 = arith.constant 63 : i32
    %scan3A_1064 = arith.addi %scan3A_1062, %scan3A_1063 : i32
    %scan3A_1065 = arith.constant 1 : i32
    %scan3A_1066 = scf.for %scan3A_1289 = %scan3A_1062 to %scan3A_1064 step %scan3A_1065 iter_args(%scan3A_1290 = %broadcast_in_dim3A_1061) -> (vector<16xf32>)  : i32 {
      %mul3A_1291 = arith.constant 16 : i32
      %mul3A_1292 = arith.muli %scan3A_1289, %mul3A_1291 : i32
      %get3A_1293 = arith.index_cast %mul3A_1292 : i32 to index
      %get3A_1294 = tpu.vector_load %arg21[%get3A_1293] {strides = array<i32>} : memref<1008xf32, #tpu.memory_space<vmem>>, vector<16xf32>,
      %mul3A_1295 = arith.mulf %get3A_1294, %gather3A_1053 : vector<16xf32>
      %mul3A_1296 = arith.constant 16 : i32
      %mul3A_1297 = arith.muli %scan3A_1289, %mul3A_1296 : i32
      %get3A_1298 = arith.index_cast %mul3A_1297 : i32 to index
      %get3A_1299 = tpu.vector_load %arg22[%get3A_1298] {strides = array<i32>} : memref<1008xf32, #tpu.memory_space<vmem>>, vector<16xf32>,
      %mul3A_1300 = arith.mulf %get3A_1299, %gather3A_1056 : vector<16xf32>
      %mul3A_1301 = arith.constant 16 : i32
      %mul3A_1302 = arith.muli %scan3A_1289, %mul3A_1301 : i32
      %get3A_1303 = arith.index_cast %mul3A_1302 : i32 to index
      %get3A_1304 = tpu.vector_load %arg23[%get3A_1303] {strides = array<i32>} : memref<1008xf32, #tpu.memory_space<vmem>>, vector<16xf32>,
      %mul3A_1305 = arith.mulf %get3A_1304, %gather3A_1059 : vector<16xf32>
      %mul3A_1306 = arith.mulf %mul3A_1295, %mul3A_1295 : vector<16xf32>
      %mul3A_1307 = arith.mulf %mul3A_1300, %mul3A_1300 : vector<16xf32>
      %add3A_1308 = arith.addf %mul3A_1306, %mul3A_1307 : vector<16xf32>
      %mul3A_1309 = arith.mulf %mul3A_1305, %mul3A_1305 : vector<16xf32>
      %add3A_1310 = arith.addf %add3A_1308, %mul3A_1309 : vector<16xf32>
      %mul3A_1311 = arith.constant -1.250000e+01 : f32
      %mul3A_1312 = vector.broadcast %mul3A_1311 : f32 to vector<16xf32>
      %mul3A_1313 = arith.mulf %add3A_1310, %mul3A_1312 : vector<16xf32>
      %exp3A_1314 = math.exp %mul3A_1313 : vector<16xf32>
      %mul3A_1315 = arith.constant 16 : i32
      %mul3A_1316 = arith.muli %scan3A_1289, %mul3A_1315 : i32
      %add3A_1317 = vector.broadcast %mul3A_1316 : i32 to vector<16xi32>
      %add3A_1318 = arith.addi %add3A_1317, %iota3A : vector<16xi32>
      %lt3A = arith.constant 1000 : i32
      %lt3A_1319 = vector.broadcast %lt3A : i32 to vector<16xi32>
      %lt3A_1320 = arith.cmpi slt, %add3A_1318, %lt3A_1319 : vector<16xi32>
      %jit3A = arith.constant 0.000000e+00 : f32
      %broadcast_in_dim3A_1321 = vector.broadcast %jit3A : f32 to vector<16xf32>
      %select_n3A = arith.select %lt3A_1320, %exp3A_1314, %broadcast_in_dim3A_1321 : vector<16xi1>, vector<16xf32>
      %add3A_1322 = arith.addf %scan3A_1290, %select_n3A : vector<16xf32>
      scf.yield %add3A_1322 : vector<16xf32>
    }
    %scan3A_1067 = arith.constant 63 : i32
    %reduce_sum3A_1068 = arith.constant true
    %reduce_sum3A_1069 = vector.broadcast %reduce_sum3A_1068 : i1 to vector<16xi1>
    %reduce_sum3A_1070 = tpu.scan <sum>, %scan3A_1066 masked %reduce_sum3A_1069 : vector<16xf32>, vector<16xi1> -> vector<16xf32>
    %reduce_sum3A_1071 = vector.extract %reduce_sum3A_1070[15] : f32 from vector<16xf32>
    %mul3A_1072 = arith.constant 1.000000e-03 : f32
    %mul3A_1073 = arith.mulf %reduce_sum3A_1071, %mul3A_1072 : f32
    %broadcast_in_dim3A_1074 = vector.broadcast %mul3A_1073 : f32 to vector<16xf32>
    %bitcast_convert_type3A_1075 = tpu.bitcast %add3A_680 : vector<16xf32> -> vector<16xi32>
    %broadcast_in_dim3A_1076 = arith.constant 2129859011 : i32
    %broadcast_in_dim3A_1077 = vector.broadcast %broadcast_in_dim3A_1076 : i32 to vector<16xi32>
    %sub3A_1078 = arith.subi %broadcast_in_dim3A_1077, %bitcast_convert_type3A_1075 : vector<16xi32>
    %bitcast_convert_type3A_1079 = tpu.bitcast %sub3A_1078 : vector<16xi32> -> vector<16xf32>
    %mul3A_1080 = arith.mulf %add3A_680, %bitcast_convert_type3A_1079 : vector<16xf32>
    %sub3A_1081 = arith.constant 2.000000e+00 : f32
    %sub3A_1082 = vector.broadcast %sub3A_1081 : f32 to vector<16xf32>
    %sub3A_1083 = arith.subf %sub3A_1082, %mul3A_1080 : vector<16xf32>
    %mul3A_1084 = arith.mulf %bitcast_convert_type3A_1079, %sub3A_1083 : vector<16xf32>
    %mul3A_1085 = arith.mulf %add3A_680, %mul3A_1084 : vector<16xf32>
    %sub3A_1086 = arith.constant 2.000000e+00 : f32
    %sub3A_1087 = vector.broadcast %sub3A_1086 : f32 to vector<16xf32>
    %sub3A_1088 = arith.subf %sub3A_1087, %mul3A_1085 : vector<16xf32>
    %mul3A_1089 = arith.mulf %mul3A_1084, %sub3A_1088 : vector<16xf32>
    %mul3A_1090 = arith.mulf %add3A_680, %mul3A_1089 : vector<16xf32>
    %sub3A_1091 = arith.constant 2.000000e+00 : f32
    %sub3A_1092 = vector.broadcast %sub3A_1091 : f32 to vector<16xf32>
    %sub3A_1093 = arith.subf %sub3A_1092, %mul3A_1090 : vector<16xf32>
    %mul3A_1094 = arith.mulf %mul3A_1089, %sub3A_1093 : vector<16xf32>
    %mul3A_1095 = arith.mulf %exp3A_669, %mul3A_1094 : vector<16xf32>
    %add3A_1096 = arith.constant 9.99999993E-9 : f32
    %add3A_1097 = vector.broadcast %add3A_1096 : f32 to vector<16xf32>
    %add3A_1098 = arith.addf %broadcast_in_dim3A_1074, %add3A_1097 : vector<16xf32>
    %bitcast_convert_type3A_1099 = tpu.bitcast %add3A_1098 : vector<16xf32> -> vector<16xi32>
    %broadcast_in_dim3A_1100 = arith.constant 2129859011 : i32
    %broadcast_in_dim3A_1101 = vector.broadcast %broadcast_in_dim3A_1100 : i32 to vector<16xi32>
    %sub3A_1102 = arith.subi %broadcast_in_dim3A_1101, %bitcast_convert_type3A_1099 : vector<16xi32>
    %bitcast_convert_type3A_1103 = tpu.bitcast %sub3A_1102 : vector<16xi32> -> vector<16xf32>
    %mul3A_1104 = arith.mulf %add3A_1098, %bitcast_convert_type3A_1103 : vector<16xf32>
    %sub3A_1105 = arith.constant 2.000000e+00 : f32
    %sub3A_1106 = vector.broadcast %sub3A_1105 : f32 to vector<16xf32>
    %sub3A_1107 = arith.subf %sub3A_1106, %mul3A_1104 : vector<16xf32>
    %mul3A_1108 = arith.mulf %bitcast_convert_type3A_1103, %sub3A_1107 : vector<16xf32>
    %mul3A_1109 = arith.mulf %add3A_1098, %mul3A_1108 : vector<16xf32>
    %sub3A_1110 = arith.constant 2.000000e+00 : f32
    %sub3A_1111 = vector.broadcast %sub3A_1110 : f32 to vector<16xf32>
    %sub3A_1112 = arith.subf %sub3A_1111, %mul3A_1109 : vector<16xf32>
    %mul3A_1113 = arith.mulf %mul3A_1108, %sub3A_1112 : vector<16xf32>
    %mul3A_1114 = arith.mulf %add3A_1098, %mul3A_1113 : vector<16xf32>
    %sub3A_1115 = arith.constant 2.000000e+00 : f32
    %sub3A_1116 = vector.broadcast %sub3A_1115 : f32 to vector<16xf32>
    %sub3A_1117 = arith.subf %sub3A_1116, %mul3A_1114 : vector<16xf32>
    %mul3A_1118 = arith.mulf %mul3A_1113, %sub3A_1117 : vector<16xf32>
    %mul3A_1119 = arith.mulf %mul3A_1095, %mul3A_1118 : vector<16xf32>
    %mul3A_1120 = arith.constant 5.000000e-01 : f32
    %mul3A_1121 = vector.broadcast %mul3A_1120 : f32 to vector<16xf32>
    %mul3A_1122 = arith.mulf %mul3A_1119, %mul3A_1121 : vector<16xf32>
    %swap3A_1123 = arith.constant 80 : index
    %swap3A_1124 = tpu.vector_load %arg28[%swap3A_1123] {strides = array<i32>} : memref<128xf32, #tpu.memory_space<vmem>>, vector<16xf32>,
    tpu.vector_store %arg28[%swap3A_1123], %mul3A_1122 {strides = array<i32>} : memref<128xf32, #tpu.memory_space<vmem>>, vector<16xf32>,
    %broadcast_in_dim3A_1125 = arith.constant 30 : i32
    %broadcast_in_dim3A_1126 = vector.broadcast %broadcast_in_dim3A_1125 : i32 to vector<16xi32>
    %gather3A_1127 = tpu.vector_load_idx %arg24[%broadcast_in_dim3A_1126] : memref<48xf32, #tpu.memory_space<vmem>>[vector<16xi32>], vector<16xf32>,
    %broadcast_in_dim3A_1128 = arith.constant 38 : i32
    %broadcast_in_dim3A_1129 = vector.broadcast %broadcast_in_dim3A_1128 : i32 to vector<16xi32>
    %gather3A_1130 = tpu.vector_load_idx %arg24[%broadcast_in_dim3A_1129] : memref<48xf32, #tpu.memory_space<vmem>>[vector<16xi32>], vector<16xf32>,
    %broadcast_in_dim3A_1131 = arith.constant 46 : i32
    %broadcast_in_dim3A_1132 = vector.broadcast %broadcast_in_dim3A_1131 : i32 to vector<16xi32>
    %gather3A_1133 = tpu.vector_load_idx %arg24[%broadcast_in_dim3A_1132] : memref<48xf32, #tpu.memory_space<vmem>>[vector<16xi32>], vector<16xf32>,
    %broadcast_in_dim3A_1134 = arith.constant 0.000000e+00 : f32
    %broadcast_in_dim3A_1135 = vector.broadcast %broadcast_in_dim3A_1134 : f32 to vector<16xf32>
    %scan3A_1136 = arith.constant 0 : i32
    %scan3A_1137 = arith.constant 63 : i32
    %scan3A_1138 = arith.addi %scan3A_1136, %scan3A_1137 : i32
    %scan3A_1139 = arith.constant 1 : i32
    %scan3A_1140 = scf.for %scan3A_1289 = %scan3A_1136 to %scan3A_1138 step %scan3A_1139 iter_args(%scan3A_1290 = %broadcast_in_dim3A_1135) -> (vector<16xf32>)  : i32 {
      %mul3A_1291 = arith.constant 16 : i32
      %mul3A_1292 = arith.muli %scan3A_1289, %mul3A_1291 : i32
      %get3A_1293 = arith.index_cast %mul3A_1292 : i32 to index
      %get3A_1294 = tpu.vector_load %arg21[%get3A_1293] {strides = array<i32>} : memref<1008xf32, #tpu.memory_space<vmem>>, vector<16xf32>,
      %mul3A_1295 = arith.mulf %get3A_1294, %gather3A_1127 : vector<16xf32>
      %mul3A_1296 = arith.constant 16 : i32
      %mul3A_1297 = arith.muli %scan3A_1289, %mul3A_1296 : i32
      %get3A_1298 = arith.index_cast %mul3A_1297 : i32 to index
      %get3A_1299 = tpu.vector_load %arg22[%get3A_1298] {strides = array<i32>} : memref<1008xf32, #tpu.memory_space<vmem>>, vector<16xf32>,
      %mul3A_1300 = arith.mulf %get3A_1299, %gather3A_1130 : vector<16xf32>
      %mul3A_1301 = arith.constant 16 : i32
      %mul3A_1302 = arith.muli %scan3A_1289, %mul3A_1301 : i32
      %get3A_1303 = arith.index_cast %mul3A_1302 : i32 to index
      %get3A_1304 = tpu.vector_load %arg23[%get3A_1303] {strides = array<i32>} : memref<1008xf32, #tpu.memory_space<vmem>>, vector<16xf32>,
      %mul3A_1305 = arith.mulf %get3A_1304, %gather3A_1133 : vector<16xf32>
      %mul3A_1306 = arith.mulf %mul3A_1295, %mul3A_1295 : vector<16xf32>
      %mul3A_1307 = arith.mulf %mul3A_1300, %mul3A_1300 : vector<16xf32>
      %add3A_1308 = arith.addf %mul3A_1306, %mul3A_1307 : vector<16xf32>
      %mul3A_1309 = arith.mulf %mul3A_1305, %mul3A_1305 : vector<16xf32>
      %add3A_1310 = arith.addf %add3A_1308, %mul3A_1309 : vector<16xf32>
      %mul3A_1311 = arith.constant -1.250000e+01 : f32
      %mul3A_1312 = vector.broadcast %mul3A_1311 : f32 to vector<16xf32>
      %mul3A_1313 = arith.mulf %add3A_1310, %mul3A_1312 : vector<16xf32>
      %exp3A_1314 = math.exp %mul3A_1313 : vector<16xf32>
      %mul3A_1315 = arith.constant 16 : i32
      %mul3A_1316 = arith.muli %scan3A_1289, %mul3A_1315 : i32
      %add3A_1317 = vector.broadcast %mul3A_1316 : i32 to vector<16xi32>
      %add3A_1318 = arith.addi %add3A_1317, %iota3A : vector<16xi32>
      %lt3A = arith.constant 1000 : i32
      %lt3A_1319 = vector.broadcast %lt3A : i32 to vector<16xi32>
      %lt3A_1320 = arith.cmpi slt, %add3A_1318, %lt3A_1319 : vector<16xi32>
      %jit3A = arith.constant 0.000000e+00 : f32
      %broadcast_in_dim3A_1321 = vector.broadcast %jit3A : f32 to vector<16xf32>
      %select_n3A = arith.select %lt3A_1320, %exp3A_1314, %broadcast_in_dim3A_1321 : vector<16xi1>, vector<16xf32>
      %add3A_1322 = arith.addf %scan3A_1290, %select_n3A : vector<16xf32>
      scf.yield %add3A_1322 : vector<16xf32>
    }
    %scan3A_1141 = arith.constant 63 : i32
    %reduce_sum3A_1142 = arith.constant true
    %reduce_sum3A_1143 = vector.broadcast %reduce_sum3A_1142 : i1 to vector<16xi1>
    %reduce_sum3A_1144 = tpu.scan <sum>, %scan3A_1140 masked %reduce_sum3A_1143 : vector<16xf32>, vector<16xi1> -> vector<16xf32>
    %reduce_sum3A_1145 = vector.extract %reduce_sum3A_1144[15] : f32 from vector<16xf32>
    %mul3A_1146 = arith.constant 1.000000e-03 : f32
    %mul3A_1147 = arith.mulf %reduce_sum3A_1145, %mul3A_1146 : f32
    %broadcast_in_dim3A_1148 = vector.broadcast %mul3A_1147 : f32 to vector<16xf32>
    %bitcast_convert_type3A_1149 = tpu.bitcast %add3A_680 : vector<16xf32> -> vector<16xi32>
    %broadcast_in_dim3A_1150 = arith.constant 2129859011 : i32
    %broadcast_in_dim3A_1151 = vector.broadcast %broadcast_in_dim3A_1150 : i32 to vector<16xi32>
    %sub3A_1152 = arith.subi %broadcast_in_dim3A_1151, %bitcast_convert_type3A_1149 : vector<16xi32>
    %bitcast_convert_type3A_1153 = tpu.bitcast %sub3A_1152 : vector<16xi32> -> vector<16xf32>
    %mul3A_1154 = arith.mulf %add3A_680, %bitcast_convert_type3A_1153 : vector<16xf32>
    %sub3A_1155 = arith.constant 2.000000e+00 : f32
    %sub3A_1156 = vector.broadcast %sub3A_1155 : f32 to vector<16xf32>
    %sub3A_1157 = arith.subf %sub3A_1156, %mul3A_1154 : vector<16xf32>
    %mul3A_1158 = arith.mulf %bitcast_convert_type3A_1153, %sub3A_1157 : vector<16xf32>
    %mul3A_1159 = arith.mulf %add3A_680, %mul3A_1158 : vector<16xf32>
    %sub3A_1160 = arith.constant 2.000000e+00 : f32
    %sub3A_1161 = vector.broadcast %sub3A_1160 : f32 to vector<16xf32>
    %sub3A_1162 = arith.subf %sub3A_1161, %mul3A_1159 : vector<16xf32>
    %mul3A_1163 = arith.mulf %mul3A_1158, %sub3A_1162 : vector<16xf32>
    %mul3A_1164 = arith.mulf %add3A_680, %mul3A_1163 : vector<16xf32>
    %sub3A_1165 = arith.constant 2.000000e+00 : f32
    %sub3A_1166 = vector.broadcast %sub3A_1165 : f32 to vector<16xf32>
    %sub3A_1167 = arith.subf %sub3A_1166, %mul3A_1164 : vector<16xf32>
    %mul3A_1168 = arith.mulf %mul3A_1163, %sub3A_1167 : vector<16xf32>
    %mul3A_1169 = arith.mulf %exp3A_671, %mul3A_1168 : vector<16xf32>
    %add3A_1170 = arith.constant 9.99999993E-9 : f32
    %add3A_1171 = vector.broadcast %add3A_1170 : f32 to vector<16xf32>
    %add3A_1172 = arith.addf %broadcast_in_dim3A_1148, %add3A_1171 : vector<16xf32>
    %bitcast_convert_type3A_1173 = tpu.bitcast %add3A_1172 : vector<16xf32> -> vector<16xi32>
    %broadcast_in_dim3A_1174 = arith.constant 2129859011 : i32
    %broadcast_in_dim3A_1175 = vector.broadcast %broadcast_in_dim3A_1174 : i32 to vector<16xi32>
    %sub3A_1176 = arith.subi %broadcast_in_dim3A_1175, %bitcast_convert_type3A_1173 : vector<16xi32>
    %bitcast_convert_type3A_1177 = tpu.bitcast %sub3A_1176 : vector<16xi32> -> vector<16xf32>
    %mul3A_1178 = arith.mulf %add3A_1172, %bitcast_convert_type3A_1177 : vector<16xf32>
    %sub3A_1179 = arith.constant 2.000000e+00 : f32
    %sub3A_1180 = vector.broadcast %sub3A_1179 : f32 to vector<16xf32>
    %sub3A_1181 = arith.subf %sub3A_1180, %mul3A_1178 : vector<16xf32>
    %mul3A_1182 = arith.mulf %bitcast_convert_type3A_1177, %sub3A_1181 : vector<16xf32>
    %mul3A_1183 = arith.mulf %add3A_1172, %mul3A_1182 : vector<16xf32>
    %sub3A_1184 = arith.constant 2.000000e+00 : f32
    %sub3A_1185 = vector.broadcast %sub3A_1184 : f32 to vector<16xf32>
    %sub3A_1186 = arith.subf %sub3A_1185, %mul3A_1183 : vector<16xf32>
    %mul3A_1187 = arith.mulf %mul3A_1182, %sub3A_1186 : vector<16xf32>
    %mul3A_1188 = arith.mulf %add3A_1172, %mul3A_1187 : vector<16xf32>
    %sub3A_1189 = arith.constant 2.000000e+00 : f32
    %sub3A_1190 = vector.broadcast %sub3A_1189 : f32 to vector<16xf32>
    %sub3A_1191 = arith.subf %sub3A_1190, %mul3A_1188 : vector<16xf32>
    %mul3A_1192 = arith.mulf %mul3A_1187, %sub3A_1191 : vector<16xf32>
    %mul3A_1193 = arith.mulf %mul3A_1169, %mul3A_1192 : vector<16xf32>
    %mul3A_1194 = arith.constant 5.000000e-01 : f32
    %mul3A_1195 = vector.broadcast %mul3A_1194 : f32 to vector<16xf32>
    %mul3A_1196 = arith.mulf %mul3A_1193, %mul3A_1195 : vector<16xf32>
    %swap3A_1197 = arith.constant 96 : index
    %swap3A_1198 = tpu.vector_load %arg28[%swap3A_1197] {strides = array<i32>} : memref<128xf32, #tpu.memory_space<vmem>>, vector<16xf32>,
    tpu.vector_store %arg28[%swap3A_1197], %mul3A_1196 {strides = array<i32>} : memref<128xf32, #tpu.memory_space<vmem>>, vector<16xf32>,
    %broadcast_in_dim3A_1199 = arith.constant 31 : i32
    %broadcast_in_dim3A_1200 = vector.broadcast %broadcast_in_dim3A_1199 : i32 to vector<16xi32>
    %gather3A_1201 = tpu.vector_load_idx %arg24[%broadcast_in_dim3A_1200] : memref<48xf32, #tpu.memory_space<vmem>>[vector<16xi32>], vector<16xf32>,
    %broadcast_in_dim3A_1202 = arith.constant 39 : i32
    %broadcast_in_dim3A_1203 = vector.broadcast %broadcast_in_dim3A_1202 : i32 to vector<16xi32>
    %gather3A_1204 = tpu.vector_load_idx %arg24[%broadcast_in_dim3A_1203] : memref<48xf32, #tpu.memory_space<vmem>>[vector<16xi32>], vector<16xf32>,
    %broadcast_in_dim3A_1205 = arith.constant 47 : i32
    %broadcast_in_dim3A_1206 = vector.broadcast %broadcast_in_dim3A_1205 : i32 to vector<16xi32>
    %gather3A_1207 = tpu.vector_load_idx %arg24[%broadcast_in_dim3A_1206] : memref<48xf32, #tpu.memory_space<vmem>>[vector<16xi32>], vector<16xf32>,
    %broadcast_in_dim3A_1208 = arith.constant 0.000000e+00 : f32
    %broadcast_in_dim3A_1209 = vector.broadcast %broadcast_in_dim3A_1208 : f32 to vector<16xf32>
    %scan3A_1210 = arith.constant 0 : i32
    %scan3A_1211 = arith.constant 63 : i32
    %scan3A_1212 = arith.addi %scan3A_1210, %scan3A_1211 : i32
    %scan3A_1213 = arith.constant 1 : i32
    %scan3A_1214 = scf.for %scan3A_1289 = %scan3A_1210 to %scan3A_1212 step %scan3A_1213 iter_args(%scan3A_1290 = %broadcast_in_dim3A_1209) -> (vector<16xf32>)  : i32 {
      %mul3A_1291 = arith.constant 16 : i32
      %mul3A_1292 = arith.muli %scan3A_1289, %mul3A_1291 : i32
      %get3A_1293 = arith.index_cast %mul3A_1292 : i32 to index
      %get3A_1294 = tpu.vector_load %arg21[%get3A_1293] {strides = array<i32>} : memref<1008xf32, #tpu.memory_space<vmem>>, vector<16xf32>,
      %mul3A_1295 = arith.mulf %get3A_1294, %gather3A_1201 : vector<16xf32>
      %mul3A_1296 = arith.constant 16 : i32
      %mul3A_1297 = arith.muli %scan3A_1289, %mul3A_1296 : i32
      %get3A_1298 = arith.index_cast %mul3A_1297 : i32 to index
      %get3A_1299 = tpu.vector_load %arg22[%get3A_1298] {strides = array<i32>} : memref<1008xf32, #tpu.memory_space<vmem>>, vector<16xf32>,
      %mul3A_1300 = arith.mulf %get3A_1299, %gather3A_1204 : vector<16xf32>
      %mul3A_1301 = arith.constant 16 : i32
      %mul3A_1302 = arith.muli %scan3A_1289, %mul3A_1301 : i32
      %get3A_1303 = arith.index_cast %mul3A_1302 : i32 to index
      %get3A_1304 = tpu.vector_load %arg23[%get3A_1303] {strides = array<i32>} : memref<1008xf32, #tpu.memory_space<vmem>>, vector<16xf32>,
      %mul3A_1305 = arith.mulf %get3A_1304, %gather3A_1207 : vector<16xf32>
      %mul3A_1306 = arith.mulf %mul3A_1295, %mul3A_1295 : vector<16xf32>
      %mul3A_1307 = arith.mulf %mul3A_1300, %mul3A_1300 : vector<16xf32>
      %add3A_1308 = arith.addf %mul3A_1306, %mul3A_1307 : vector<16xf32>
      %mul3A_1309 = arith.mulf %mul3A_1305, %mul3A_1305 : vector<16xf32>
      %add3A_1310 = arith.addf %add3A_1308, %mul3A_1309 : vector<16xf32>
      %mul3A_1311 = arith.constant -1.250000e+01 : f32
      %mul3A_1312 = vector.broadcast %mul3A_1311 : f32 to vector<16xf32>
      %mul3A_1313 = arith.mulf %add3A_1310, %mul3A_1312 : vector<16xf32>
      %exp3A_1314 = math.exp %mul3A_1313 : vector<16xf32>
      %mul3A_1315 = arith.constant 16 : i32
      %mul3A_1316 = arith.muli %scan3A_1289, %mul3A_1315 : i32
      %add3A_1317 = vector.broadcast %mul3A_1316 : i32 to vector<16xi32>
      %add3A_1318 = arith.addi %add3A_1317, %iota3A : vector<16xi32>
      %lt3A = arith.constant 1000 : i32
      %lt3A_1319 = vector.broadcast %lt3A : i32 to vector<16xi32>
      %lt3A_1320 = arith.cmpi slt, %add3A_1318, %lt3A_1319 : vector<16xi32>
      %jit3A = arith.constant 0.000000e+00 : f32
      %broadcast_in_dim3A_1321 = vector.broadcast %jit3A : f32 to vector<16xf32>
      %select_n3A = arith.select %lt3A_1320, %exp3A_1314, %broadcast_in_dim3A_1321 : vector<16xi1>, vector<16xf32>
      %add3A_1322 = arith.addf %scan3A_1290, %select_n3A : vector<16xf32>
      scf.yield %add3A_1322 : vector<16xf32>
    }
    %scan3A_1215 = arith.constant 63 : i32
    %reduce_sum3A_1216 = arith.constant true
    %reduce_sum3A_1217 = vector.broadcast %reduce_sum3A_1216 : i1 to vector<16xi1>
    %reduce_sum3A_1218 = tpu.scan <sum>, %scan3A_1214 masked %reduce_sum3A_1217 : vector<16xf32>, vector<16xi1> -> vector<16xf32>
    %reduce_sum3A_1219 = vector.extract %reduce_sum3A_1218[15] : f32 from vector<16xf32>
    %mul3A_1220 = arith.constant 1.000000e-03 : f32
    %mul3A_1221 = arith.mulf %reduce_sum3A_1219, %mul3A_1220 : f32
    %broadcast_in_dim3A_1222 = vector.broadcast %mul3A_1221 : f32 to vector<16xf32>
    %bitcast_convert_type3A_1223 = tpu.bitcast %add3A_680 : vector<16xf32> -> vector<16xi32>
    %broadcast_in_dim3A_1224 = arith.constant 2129859011 : i32
    %broadcast_in_dim3A_1225 = vector.broadcast %broadcast_in_dim3A_1224 : i32 to vector<16xi32>
    %sub3A_1226 = arith.subi %broadcast_in_dim3A_1225, %bitcast_convert_type3A_1223 : vector<16xi32>
    %bitcast_convert_type3A_1227 = tpu.bitcast %sub3A_1226 : vector<16xi32> -> vector<16xf32>
    %mul3A_1228 = arith.mulf %add3A_680, %bitcast_convert_type3A_1227 : vector<16xf32>
    %sub3A_1229 = arith.constant 2.000000e+00 : f32
    %sub3A_1230 = vector.broadcast %sub3A_1229 : f32 to vector<16xf32>
    %sub3A_1231 = arith.subf %sub3A_1230, %mul3A_1228 : vector<16xf32>
    %mul3A_1232 = arith.mulf %bitcast_convert_type3A_1227, %sub3A_1231 : vector<16xf32>
    %mul3A_1233 = arith.mulf %add3A_680, %mul3A_1232 : vector<16xf32>
    %sub3A_1234 = arith.constant 2.000000e+00 : f32
    %sub3A_1235 = vector.broadcast %sub3A_1234 : f32 to vector<16xf32>
    %sub3A_1236 = arith.subf %sub3A_1235, %mul3A_1233 : vector<16xf32>
    %mul3A_1237 = arith.mulf %mul3A_1232, %sub3A_1236 : vector<16xf32>
    %mul3A_1238 = arith.mulf %add3A_680, %mul3A_1237 : vector<16xf32>
    %sub3A_1239 = arith.constant 2.000000e+00 : f32
    %sub3A_1240 = vector.broadcast %sub3A_1239 : f32 to vector<16xf32>
    %sub3A_1241 = arith.subf %sub3A_1240, %mul3A_1238 : vector<16xf32>
    %mul3A_1242 = arith.mulf %mul3A_1237, %sub3A_1241 : vector<16xf32>
    %mul3A_1243 = arith.mulf %exp3A_673, %mul3A_1242 : vector<16xf32>
    %add3A_1244 = arith.constant 9.99999993E-9 : f32
    %add3A_1245 = vector.broadcast %add3A_1244 : f32 to vector<16xf32>
    %add3A_1246 = arith.addf %broadcast_in_dim3A_1222, %add3A_1245 : vector<16xf32>
    %bitcast_convert_type3A_1247 = tpu.bitcast %add3A_1246 : vector<16xf32> -> vector<16xi32>
    %broadcast_in_dim3A_1248 = arith.constant 2129859011 : i32
    %broadcast_in_dim3A_1249 = vector.broadcast %broadcast_in_dim3A_1248 : i32 to vector<16xi32>
    %sub3A_1250 = arith.subi %broadcast_in_dim3A_1249, %bitcast_convert_type3A_1247 : vector<16xi32>
    %bitcast_convert_type3A_1251 = tpu.bitcast %sub3A_1250 : vector<16xi32> -> vector<16xf32>
    %mul3A_1252 = arith.mulf %add3A_1246, %bitcast_convert_type3A_1251 : vector<16xf32>
    %sub3A_1253 = arith.constant 2.000000e+00 : f32
    %sub3A_1254 = vector.broadcast %sub3A_1253 : f32 to vector<16xf32>
    %sub3A_1255 = arith.subf %sub3A_1254, %mul3A_1252 : vector<16xf32>
    %mul3A_1256 = arith.mulf %bitcast_convert_type3A_1251, %sub3A_1255 : vector<16xf32>
    %mul3A_1257 = arith.mulf %add3A_1246, %mul3A_1256 : vector<16xf32>
    %sub3A_1258 = arith.constant 2.000000e+00 : f32
    %sub3A_1259 = vector.broadcast %sub3A_1258 : f32 to vector<16xf32>
    %sub3A_1260 = arith.subf %sub3A_1259, %mul3A_1257 : vector<16xf32>
    %mul3A_1261 = arith.mulf %mul3A_1256, %sub3A_1260 : vector<16xf32>
    %mul3A_1262 = arith.mulf %add3A_1246, %mul3A_1261 : vector<16xf32>
    %sub3A_1263 = arith.constant 2.000000e+00 : f32
    %sub3A_1264 = vector.broadcast %sub3A_1263 : f32 to vector<16xf32>
    %sub3A_1265 = arith.subf %sub3A_1264, %mul3A_1262 : vector<16xf32>
    %mul3A_1266 = arith.mulf %mul3A_1261, %sub3A_1265 : vector<16xf32>
    %mul3A_1267 = arith.mulf %mul3A_1243, %mul3A_1266 : vector<16xf32>
    %mul3A_1268 = arith.constant 5.000000e-01 : f32
    %mul3A_1269 = vector.broadcast %mul3A_1268 : f32 to vector<16xf32>
    %mul3A_1270 = arith.mulf %mul3A_1267, %mul3A_1269 : vector<16xf32>
    %swap3A_1271 = arith.constant 112 : index
    %swap3A_1272 = tpu.vector_load %arg28[%swap3A_1271] {strides = array<i32>} : memref<128xf32, #tpu.memory_space<vmem>>, vector<16xf32>,
    tpu.vector_store %arg28[%swap3A_1271], %mul3A_1270 {strides = array<i32>} : memref<128xf32, #tpu.memory_space<vmem>>, vector<16xf32>,
    %broadcast_in_dim3A_1273 = arith.constant 0x7F800000 : f32
    %broadcast_in_dim3A_1274 = vector.broadcast %broadcast_in_dim3A_1273 : f32 to vector<16xf32>
    %scan3A_1275 = arith.constant 0 : i32
    %scan3A_1276 = arith.constant 0 : i32
    %scan3A_1277 = arith.constant 256 : i32
    %scan3A_1278 = arith.addi %scan3A_1276, %scan3A_1277 : i32
    %scan3A_1279 = arith.constant 1 : i32
    %scan3A_1280 = scf.for %scan3A_1289 = %scan3A_1276 to %scan3A_1278 step %scan3A_1279 iter_args(%scan3A_1290 = %scan3A_1275) -> (i32)  : i32 {
      %mul3A_1291 = arith.constant 256 : i32
      %mul3A_1292 = arith.muli %arg1, %mul3A_1291 : i32
      %add3A_1293 = arith.addi %mul3A_1292, %scan3A_1289 : i32
      %broadcast_in_dim3A_1294 = vector.broadcast %add3A_1293 : i32 to vector<16xi32>
      %gather3A_1295 = tpu.vector_load_idx %arg14[%broadcast_in_dim3A_1294] : memref<4096xf32, #tpu.memory_space<vmem>>[vector<16xi32>], vector<16xf32>,
      %gather3A_1296 = tpu.vector_load_idx %arg15[%broadcast_in_dim3A_1294] : memref<4096xf32, #tpu.memory_space<vmem>>[vector<16xi32>], vector<16xf32>,
      %gather3A_1297 = tpu.vector_load_idx %arg16[%broadcast_in_dim3A_1294] : memref<4096xf32, #tpu.memory_space<vmem>>[vector<16xi32>], vector<16xf32>,
      %gather3A_1298 = tpu.vector_load_idx %arg17[%broadcast_in_dim3A_1294] : memref<4096xf32, #tpu.memory_space<vmem>>[vector<16xi32>], vector<16xf32>,
      %gather3A_1299 = tpu.vector_load_idx %arg18[%broadcast_in_dim3A_1294] : memref<4096xf32, #tpu.memory_space<vmem>>[vector<16xi32>], vector<16xf32>,
      %gather3A_1300 = tpu.vector_load_idx %arg19[%broadcast_in_dim3A_1294] : memref<4096xf32, #tpu.memory_space<vmem>>[vector<16xi32>], vector<16xf32>,
      %mul3A_1301 = arith.mulf %gather3A_1295, %gather3A_1295 : vector<16xf32>
      %mul3A_1302 = arith.mulf %gather3A_1296, %gather3A_1296 : vector<16xf32>
      %add3A_1303 = arith.addf %mul3A_1301, %mul3A_1302 : vector<16xf32>
      %mul3A_1304 = arith.mulf %gather3A_1297, %gather3A_1297 : vector<16xf32>
      %add3A_1305 = arith.addf %add3A_1303, %mul3A_1304 : vector<16xf32>
      %broadcast_in_dim3A_1306 = arith.constant 0 : i32
      %broadcast_in_dim3A_1307 = vector.broadcast %broadcast_in_dim3A_1306 : i32 to vector<16xi32>
      %scan3A_1308 = arith.constant 0 : i32
      %scan3A_1309 = arith.constant 256 : i32
      %scan3A_1310 = arith.addi %scan3A_1308, %scan3A_1309 : i32
      %scan3A_1311 = arith.constant 1 : i32
      %scan3A_1312:3 = scf.for %scan3A_2170 = %scan3A_1308 to %scan3A_1310 step %scan3A_1311 iter_args(%scan3A_2171 = %broadcast_in_dim3A_1274, %scan3A_2172 = %broadcast_in_dim3A_1307, %scan3A_2173 = %broadcast_in_dim3A_1274) -> (vector<16xf32>, vector<16xi32>, vector<16xf32>)  : i32 {
        %mul3A_2174 = arith.constant 16 : i32
        %mul3A_2175 = arith.muli %scan3A_2170, %mul3A_2174 : i32
        %get3A_2176 = arith.index_cast %mul3A_2175 : i32 to index
        %get3A_2177 = tpu.vector_load %arg17[%get3A_2176] {strides = array<i32>} : memref<4096xf32, #tpu.memory_space<vmem>>, vector<16xf32>,
        %get3A_2178 = arith.index_cast %mul3A_2175 : i32 to index
        %get3A_2179 = tpu.vector_load %arg18[%get3A_2178] {strides = array<i32>} : memref<4096xf32, #tpu.memory_space<vmem>>, vector<16xf32>,
        %get3A_2180 = arith.index_cast %mul3A_2175 : i32 to index
        %get3A_2181 = tpu.vector_load %arg19[%get3A_2180] {strides = array<i32>} : memref<4096xf32, #tpu.memory_space<vmem>>, vector<16xf32>,
        %get3A_2182 = arith.index_cast %mul3A_2175 : i32 to index
        %get3A_2183 = tpu.vector_load %arg20[%get3A_2182] {strides = array<i32>} : memref<4096xf32, #tpu.memory_space<vmem>>, vector<16xf32>,
        %mul3A_2184 = arith.mulf %get3A_2177, %gather3A_1298 : vector<16xf32>
        %mul3A_2185 = arith.mulf %get3A_2179, %gather3A_1299 : vector<16xf32>
        %add3A_2186 = arith.addf %mul3A_2184, %mul3A_2185 : vector<16xf32>
        %mul3A_2187 = arith.mulf %get3A_2181, %gather3A_1300 : vector<16xf32>
        %add3A_2188 = arith.addf %add3A_2186, %mul3A_2187 : vector<16xf32>
        %add3A_2189 = arith.addf %get3A_2183, %add3A_1305 : vector<16xf32>
        %mul3A_2190 = arith.constant 2.000000e+00 : f32
        %mul3A_2191 = vector.broadcast %mul3A_2190 : f32 to vector<16xf32>
        %mul3A_2192 = arith.mulf %mul3A_2191, %add3A_2188 : vector<16xf32>
        %sub3A_2193 = arith.subf %add3A_2189, %mul3A_2192 : vector<16xf32>
        %lt3A_2194 = arith.cmpf olt, %sub3A_2193, %scan3A_2173 : vector<16xf32>
        %reduce_or3A = arith.constant 1.000000e+00 : f32
        %reduce_or3A_2195 = arith.constant 0.000000e+00 : f32
        %reduce_or3A_2196 = vector.broadcast %reduce_or3A : f32 to vector<16xf32>
        %reduce_or3A_2197 = vector.broadcast %reduce_or3A_2195 : f32 to vector<16xf32>
        %reduce_or3A_2198 = arith.select %lt3A_2194, %reduce_or3A_2196, %reduce_or3A_2197 : vector<16xi1>, vector<16xf32>
        %reduce_or3A_2199 = arith.constant true
        %reduce_or3A_2200 = vector.broadcast %reduce_or3A_2199 : i1 to vector<16xi1>
        %reduce_or3A_2201 = tpu.scan <max>, %reduce_or3A_2198 masked %reduce_or3A_2200 : vector<16xf32>, vector<16xi1> -> vector<16xf32>
        %reduce_or3A_2202 = vector.extract %reduce_or3A_2201[15] : f32 from vector<16xf32>
        %reduce_or3A_2203 = arith.constant 0.000000e+00 : f32
        %reduce_or3A_2204 = arith.cmpf ogt, %reduce_or3A_2202, %reduce_or3A_2203 : f32
        %convert_element_type3A = arith.extui %reduce_or3A_2204 : i1 to i32
        %cond3A = arith.constant 0 : i32
        %cond3A_2205 = arith.cmpi ne, %convert_element_type3A, %cond3A : i32
        %cond3A_2206:3 = scf.if %cond3A_2205 -> (vector<16xf32>, vector<16xi32>, vector<16xf32>) {
          %add3A_2207 = vector.broadcast %mul3A_2175 : i32 to vector<16xi32>
          %add3A_2208 = arith.addi %iota3A, %add3A_2207 : vector<16xi32>
          %masked_sort3A = arith.constant dense<true> : vector<16xi1>
          %masked_sort3A_2209, %masked_sort3A_2210, %masked_sort3A_2211 = tpu.sort %sub3A_2193, %add3A_2208 masked %masked_sort3A : (vector<16xf32>, vector<16xi32>, vector<16xi1>) -> (vector<16xi1>, vector<16xf32>, vector<16xi32>)
          %rev3A = arith.constant 15 : i32
          %rev3A_2212 = vector.broadcast %rev3A : i32 to vector<16xi32>
          %rev3A_2213 = tpu.iota {dimensions = array<i32: 0>} : vector<16xi32>
          %rev3A_2214 = arith.subi %rev3A_2212, %rev3A_2213 : vector<16xi32>
          %rev3A_2215 = tpu.dynamic_gather %masked_sort3A_2210[%rev3A_2214] in [0] : vector<16xf32>, vector<16xi32> -> vector<16xf32>
          %rev3A_2216 = arith.constant 15 : i32
          %rev3A_2217 = vector.broadcast %rev3A_2216 : i32 to vector<16xi32>
          %rev3A_2218 = tpu.iota {dimensions = array<i32: 0>} : vector<16xi32>
          %rev3A_2219 = arith.subi %rev3A_2217, %rev3A_2218 : vector<16xi32>
          %rev3A_2220 = tpu.dynamic_gather %masked_sort3A_2211[%rev3A_2219] in [0] : vector<16xi32>, vector<16xi32> -> vector<16xi32>
          %lt3A_2221 = arith.cmpf olt, %rev3A_2215, %scan3A_2171 : vector<16xf32>
          %select_n3A_2222 = arith.select %lt3A_2221, %rev3A_2215, %scan3A_2171 : vector<16xi1>, vector<16xf32>
          %select_n3A_2223 = arith.select %lt3A_2221, %rev3A_2220, %scan3A_2172 : vector<16xi1>, vector<16xi32>
          %masked_sort3A_2224 = arith.constant dense<true> : vector<16xi1>
          %masked_sort3A_2225, %masked_sort3A_2226, %masked_sort3A_2227 = tpu.sort %select_n3A_2222, %select_n3A_2223 masked %masked_sort3A_2224 : (vector<16xf32>, vector<16xi32>, vector<16xi1>) -> (vector<16xi1>, vector<16xf32>, vector<16xi32>)
          %reduce_max3A = arith.constant true
          %reduce_max3A_2228 = vector.broadcast %reduce_max3A : i1 to vector<16xi1>
          %reduce_max3A_2229 = tpu.scan <max>, %masked_sort3A_2226 masked %reduce_max3A_2228 : vector<16xf32>, vector<16xi1> -> vector<16xf32>
          %reduce_max3A_2230 = vector.extract %reduce_max3A_2229[15] : f32 from vector<16xf32>
          %broadcast_in_dim3A_2231 = vector.broadcast %reduce_max3A_2230 : f32 to vector<16xf32>
          scf.yield %masked_sort3A_2226, %masked_sort3A_2227, %broadcast_in_dim3A_2231 : vector<16xf32>, vector<16xi32>, vector<16xf32>
        } else {
          scf.yield %scan3A_2171, %scan3A_2172, %scan3A_2173 : vector<16xf32>, vector<16xi32>, vector<16xf32>
        }
        scf.yield %cond3A_2206#0, %cond3A_2206#1, %cond3A_2206#2 : vector<16xf32>, vector<16xi32>, vector<16xf32>
      }
      %scan3A_1313 = arith.constant 256 : i32
      %gather3A_1314 = tpu.vector_load_idx %arg14[%scan3A_1312#1] : memref<4096xf32, #tpu.memory_space<vmem>>[vector<16xi32>], vector<16xf32>,
      %gather3A_1315 = tpu.vector_load_idx %arg15[%scan3A_1312#1] : memref<4096xf32, #tpu.memory_space<vmem>>[vector<16xi32>], vector<16xf32>,
      %gather3A_1316 = tpu.vector_load_idx %arg16[%scan3A_1312#1] : memref<4096xf32, #tpu.memory_space<vmem>>[vector<16xi32>], vector<16xf32>,
      %sub3A_1317 = arith.subf %gather3A_1314, %gather3A_1295 : vector<16xf32>
      %sub3A_1318 = arith.subf %gather3A_1315, %gather3A_1296 : vector<16xf32>
      %sub3A_1319 = arith.subf %gather3A_1316, %gather3A_1297 : vector<16xf32>
      %lt3A = arith.constant 8 : i32
      %lt3A_1320 = vector.broadcast %lt3A : i32 to vector<16xi32>
      %lt3A_1321 = arith.cmpi slt, %iota3A, %lt3A_1320 : vector<16xi32>
      %mul3A_1322 = arith.constant 48 : i32
      %mul3A_1323 = arith.muli %scan3A_1289, %mul3A_1322 : i32
      %broadcast_in_dim3A_1324 = arith.constant 0.000000e+00 : f32
      %broadcast_in_dim3A_1325 = vector.broadcast %broadcast_in_dim3A_1324 : f32 to vector<16xf32>
      %broadcast_in_dim3A_1326 = arith.constant 0 : i32
      %broadcast_in_dim3A_1327 = vector.broadcast %broadcast_in_dim3A_1326 : i32 to vector<16xi32>
      %gather3A_1328 = tpu.vector_load_idx %arg24[%broadcast_in_dim3A_1327] : memref<48xf32, #tpu.memory_space<vmem>>[vector<16xi32>], vector<16xf32>,
      %broadcast_in_dim3A_1329 = arith.constant 8 : i32
      %broadcast_in_dim3A_1330 = vector.broadcast %broadcast_in_dim3A_1329 : i32 to vector<16xi32>
      %gather3A_1331 = tpu.vector_load_idx %arg24[%broadcast_in_dim3A_1330] : memref<48xf32, #tpu.memory_space<vmem>>[vector<16xi32>], vector<16xf32>,
      %broadcast_in_dim3A_1332 = arith.constant 16 : i32
      %broadcast_in_dim3A_1333 = vector.broadcast %broadcast_in_dim3A_1332 : i32 to vector<16xi32>
      %gather3A_1334 = tpu.vector_load_idx %arg24[%broadcast_in_dim3A_1333] : memref<48xf32, #tpu.memory_space<vmem>>[vector<16xi32>], vector<16xf32>,
      %mul3A_1335 = arith.mulf %sub3A_1317, %gather3A_1328 : vector<16xf32>
      %mul3A_1336 = arith.mulf %sub3A_1318, %gather3A_1331 : vector<16xf32>
      %mul3A_1337 = arith.mulf %sub3A_1319, %gather3A_1334 : vector<16xf32>
      %mul3A_1338 = arith.mulf %mul3A_1335, %mul3A_1335 : vector<16xf32>
      %mul3A_1339 = arith.mulf %mul3A_1336, %mul3A_1336 : vector<16xf32>
      %add3A_1340 = arith.addf %mul3A_1338, %mul3A_1339 : vector<16xf32>
      %mul3A_1341 = arith.mulf %mul3A_1337, %mul3A_1337 : vector<16xf32>
      %add3A_1342 = arith.addf %add3A_1340, %mul3A_1341 : vector<16xf32>
      %mul3A_1343 = arith.constant -1.250000e+01 : f32
      %mul3A_1344 = vector.broadcast %mul3A_1343 : f32 to vector<16xf32>
      %mul3A_1345 = arith.mulf %add3A_1342, %mul3A_1344 : vector<16xf32>
      %exp3A_1346 = math.exp %mul3A_1345 : vector<16xf32>
      %jit3A = arith.constant 0.000000e+00 : f32
      %broadcast_in_dim3A_1347 = vector.broadcast %jit3A : f32 to vector<16xf32>
      %select_n3A = arith.select %lt3A_1321, %exp3A_1346, %broadcast_in_dim3A_1347 : vector<16xi1>, vector<16xf32>
      %reduce_sum3A_1348 = arith.constant true
      %reduce_sum3A_1349 = vector.broadcast %reduce_sum3A_1348 : i1 to vector<16xi1>
      %reduce_sum3A_1350 = tpu.scan <sum>, %select_n3A masked %reduce_sum3A_1349 : vector<16xf32>, vector<16xi1> -> vector<16xf32>
      %reduce_sum3A_1351 = vector.extract %reduce_sum3A_1350[15] : f32 from vector<16xf32>
      %get3A_1352 = arith.constant 0 : index
      %get3A_1353 = tpu.vector_load %arg27[%get3A_1352] {strides = array<i32>} : memref<128xf32, #tpu.memory_space<vmem>>, vector<16xf32>,
      %mul3A_1354 = vector.broadcast %reduce_sum3A_1351 : f32 to vector<16xf32>
      %mul3A_1355 = arith.mulf %mul3A_1354, %get3A_1353 : vector<16xf32>
      %add3A_1356 = arith.addf %broadcast_in_dim3A_1325, %mul3A_1355 : vector<16xf32>
      %broadcast_in_dim3A_1357 = arith.constant 1 : i32
      %broadcast_in_dim3A_1358 = vector.broadcast %broadcast_in_dim3A_1357 : i32 to vector<16xi32>
      %gather3A_1359 = tpu.vector_load_idx %arg24[%broadcast_in_dim3A_1358] : memref<48xf32, #tpu.memory_space<vmem>>[vector<16xi32>], vector<16xf32>,
      %broadcast_in_dim3A_1360 = arith.constant 9 : i32
      %broadcast_in_dim3A_1361 = vector.broadcast %broadcast_in_dim3A_1360 : i32 to vector<16xi32>
      %gather3A_1362 = tpu.vector_load_idx %arg24[%broadcast_in_dim3A_1361] : memref<48xf32, #tpu.memory_space<vmem>>[vector<16xi32>], vector<16xf32>,
      %broadcast_in_dim3A_1363 = arith.constant 17 : i32
      %broadcast_in_dim3A_1364 = vector.broadcast %broadcast_in_dim3A_1363 : i32 to vector<16xi32>
      %gather3A_1365 = tpu.vector_load_idx %arg24[%broadcast_in_dim3A_1364] : memref<48xf32, #tpu.memory_space<vmem>>[vector<16xi32>], vector<16xf32>,
      %mul3A_1366 = arith.mulf %sub3A_1317, %gather3A_1359 : vector<16xf32>
      %mul3A_1367 = arith.mulf %sub3A_1318, %gather3A_1362 : vector<16xf32>
      %mul3A_1368 = arith.mulf %sub3A_1319, %gather3A_1365 : vector<16xf32>
      %mul3A_1369 = arith.mulf %mul3A_1366, %mul3A_1366 : vector<16xf32>
      %mul3A_1370 = arith.mulf %mul3A_1367, %mul3A_1367 : vector<16xf32>
      %add3A_1371 = arith.addf %mul3A_1369, %mul3A_1370 : vector<16xf32>
      %mul3A_1372 = arith.mulf %mul3A_1368, %mul3A_1368 : vector<16xf32>
      %add3A_1373 = arith.addf %add3A_1371, %mul3A_1372 : vector<16xf32>
      %mul3A_1374 = arith.constant -1.250000e+01 : f32
      %mul3A_1375 = vector.broadcast %mul3A_1374 : f32 to vector<16xf32>
      %mul3A_1376 = arith.mulf %add3A_1373, %mul3A_1375 : vector<16xf32>
      %exp3A_1377 = math.exp %mul3A_1376 : vector<16xf32>
      %jit3A_1378 = arith.constant 0.000000e+00 : f32
      %broadcast_in_dim3A_1379 = vector.broadcast %jit3A_1378 : f32 to vector<16xf32>
      %select_n3A_1380 = arith.select %lt3A_1321, %exp3A_1377, %broadcast_in_dim3A_1379 : vector<16xi1>, vector<16xf32>
      %reduce_sum3A_1381 = arith.constant true
      %reduce_sum3A_1382 = vector.broadcast %reduce_sum3A_1381 : i1 to vector<16xi1>
      %reduce_sum3A_1383 = tpu.scan <sum>, %select_n3A_1380 masked %reduce_sum3A_1382 : vector<16xf32>, vector<16xi1> -> vector<16xf32>
      %reduce_sum3A_1384 = vector.extract %reduce_sum3A_1383[15] : f32 from vector<16xf32>
      %get3A_1385 = arith.constant 16 : index
      %get3A_1386 = tpu.vector_load %arg27[%get3A_1385] {strides = array<i32>} : memref<128xf32, #tpu.memory_space<vmem>>, vector<16xf32>,
      %mul3A_1387 = vector.broadcast %reduce_sum3A_1384 : f32 to vector<16xf32>
      %mul3A_1388 = arith.mulf %mul3A_1387, %get3A_1386 : vector<16xf32>
      %add3A_1389 = arith.addf %add3A_1356, %mul3A_1388 : vector<16xf32>
      %broadcast_in_dim3A_1390 = arith.constant 2 : i32
      %broadcast_in_dim3A_1391 = vector.broadcast %broadcast_in_dim3A_1390 : i32 to vector<16xi32>
      %gather3A_1392 = tpu.vector_load_idx %arg24[%broadcast_in_dim3A_1391] : memref<48xf32, #tpu.memory_space<vmem>>[vector<16xi32>], vector<16xf32>,
      %broadcast_in_dim3A_1393 = arith.constant 10 : i32
      %broadcast_in_dim3A_1394 = vector.broadcast %broadcast_in_dim3A_1393 : i32 to vector<16xi32>
      %gather3A_1395 = tpu.vector_load_idx %arg24[%broadcast_in_dim3A_1394] : memref<48xf32, #tpu.memory_space<vmem>>[vector<16xi32>], vector<16xf32>,
      %broadcast_in_dim3A_1396 = arith.constant 18 : i32
      %broadcast_in_dim3A_1397 = vector.broadcast %broadcast_in_dim3A_1396 : i32 to vector<16xi32>
      %gather3A_1398 = tpu.vector_load_idx %arg24[%broadcast_in_dim3A_1397] : memref<48xf32, #tpu.memory_space<vmem>>[vector<16xi32>], vector<16xf32>,
      %mul3A_1399 = arith.mulf %sub3A_1317, %gather3A_1392 : vector<16xf32>
      %mul3A_1400 = arith.mulf %sub3A_1318, %gather3A_1395 : vector<16xf32>
      %mul3A_1401 = arith.mulf %sub3A_1319, %gather3A_1398 : vector<16xf32>
      %mul3A_1402 = arith.mulf %mul3A_1399, %mul3A_1399 : vector<16xf32>
      %mul3A_1403 = arith.mulf %mul3A_1400, %mul3A_1400 : vector<16xf32>
      %add3A_1404 = arith.addf %mul3A_1402, %mul3A_1403 : vector<16xf32>
      %mul3A_1405 = arith.mulf %mul3A_1401, %mul3A_1401 : vector<16xf32>
      %add3A_1406 = arith.addf %add3A_1404, %mul3A_1405 : vector<16xf32>
      %mul3A_1407 = arith.constant -1.250000e+01 : f32
      %mul3A_1408 = vector.broadcast %mul3A_1407 : f32 to vector<16xf32>
      %mul3A_1409 = arith.mulf %add3A_1406, %mul3A_1408 : vector<16xf32>
      %exp3A_1410 = math.exp %mul3A_1409 : vector<16xf32>
      %jit3A_1411 = arith.constant 0.000000e+00 : f32
      %broadcast_in_dim3A_1412 = vector.broadcast %jit3A_1411 : f32 to vector<16xf32>
      %select_n3A_1413 = arith.select %lt3A_1321, %exp3A_1410, %broadcast_in_dim3A_1412 : vector<16xi1>, vector<16xf32>
      %reduce_sum3A_1414 = arith.constant true
      %reduce_sum3A_1415 = vector.broadcast %reduce_sum3A_1414 : i1 to vector<16xi1>
      %reduce_sum3A_1416 = tpu.scan <sum>, %select_n3A_1413 masked %reduce_sum3A_1415 : vector<16xf32>, vector<16xi1> -> vector<16xf32>
      %reduce_sum3A_1417 = vector.extract %reduce_sum3A_1416[15] : f32 from vector<16xf32>
      %get3A_1418 = arith.constant 32 : index
      %get3A_1419 = tpu.vector_load %arg27[%get3A_1418] {strides = array<i32>} : memref<128xf32, #tpu.memory_space<vmem>>, vector<16xf32>,
      %mul3A_1420 = vector.broadcast %reduce_sum3A_1417 : f32 to vector<16xf32>
      %mul3A_1421 = arith.mulf %mul3A_1420, %get3A_1419 : vector<16xf32>
      %add3A_1422 = arith.addf %add3A_1389, %mul3A_1421 : vector<16xf32>
      %broadcast_in_dim3A_1423 = arith.constant 3 : i32
      %broadcast_in_dim3A_1424 = vector.broadcast %broadcast_in_dim3A_1423 : i32 to vector<16xi32>
      %gather3A_1425 = tpu.vector_load_idx %arg24[%broadcast_in_dim3A_1424] : memref<48xf32, #tpu.memory_space<vmem>>[vector<16xi32>], vector<16xf32>,
      %broadcast_in_dim3A_1426 = arith.constant 11 : i32
      %broadcast_in_dim3A_1427 = vector.broadcast %broadcast_in_dim3A_1426 : i32 to vector<16xi32>
      %gather3A_1428 = tpu.vector_load_idx %arg24[%broadcast_in_dim3A_1427] : memref<48xf32, #tpu.memory_space<vmem>>[vector<16xi32>], vector<16xf32>,
      %broadcast_in_dim3A_1429 = arith.constant 19 : i32
      %broadcast_in_dim3A_1430 = vector.broadcast %broadcast_in_dim3A_1429 : i32 to vector<16xi32>
      %gather3A_1431 = tpu.vector_load_idx %arg24[%broadcast_in_dim3A_1430] : memref<48xf32, #tpu.memory_space<vmem>>[vector<16xi32>], vector<16xf32>,
      %mul3A_1432 = arith.mulf %sub3A_1317, %gather3A_1425 : vector<16xf32>
      %mul3A_1433 = arith.mulf %sub3A_1318, %gather3A_1428 : vector<16xf32>
      %mul3A_1434 = arith.mulf %sub3A_1319, %gather3A_1431 : vector<16xf32>
      %mul3A_1435 = arith.mulf %mul3A_1432, %mul3A_1432 : vector<16xf32>
      %mul3A_1436 = arith.mulf %mul3A_1433, %mul3A_1433 : vector<16xf32>
      %add3A_1437 = arith.addf %mul3A_1435, %mul3A_1436 : vector<16xf32>
      %mul3A_1438 = arith.mulf %mul3A_1434, %mul3A_1434 : vector<16xf32>
      %add3A_1439 = arith.addf %add3A_1437, %mul3A_1438 : vector<16xf32>
      %mul3A_1440 = arith.constant -1.250000e+01 : f32
      %mul3A_1441 = vector.broadcast %mul3A_1440 : f32 to vector<16xf32>
      %mul3A_1442 = arith.mulf %add3A_1439, %mul3A_1441 : vector<16xf32>
      %exp3A_1443 = math.exp %mul3A_1442 : vector<16xf32>
      %jit3A_1444 = arith.constant 0.000000e+00 : f32
      %broadcast_in_dim3A_1445 = vector.broadcast %jit3A_1444 : f32 to vector<16xf32>
      %select_n3A_1446 = arith.select %lt3A_1321, %exp3A_1443, %broadcast_in_dim3A_1445 : vector<16xi1>, vector<16xf32>
      %reduce_sum3A_1447 = arith.constant true
      %reduce_sum3A_1448 = vector.broadcast %reduce_sum3A_1447 : i1 to vector<16xi1>
      %reduce_sum3A_1449 = tpu.scan <sum>, %select_n3A_1446 masked %reduce_sum3A_1448 : vector<16xf32>, vector<16xi1> -> vector<16xf32>
      %reduce_sum3A_1450 = vector.extract %reduce_sum3A_1449[15] : f32 from vector<16xf32>
      %get3A_1451 = arith.constant 48 : index
      %get3A_1452 = tpu.vector_load %arg27[%get3A_1451] {strides = array<i32>} : memref<128xf32, #tpu.memory_space<vmem>>, vector<16xf32>,
      %mul3A_1453 = vector.broadcast %reduce_sum3A_1450 : f32 to vector<16xf32>
      %mul3A_1454 = arith.mulf %mul3A_1453, %get3A_1452 : vector<16xf32>
      %add3A_1455 = arith.addf %add3A_1422, %mul3A_1454 : vector<16xf32>
      %broadcast_in_dim3A_1456 = arith.constant 4 : i32
      %broadcast_in_dim3A_1457 = vector.broadcast %broadcast_in_dim3A_1456 : i32 to vector<16xi32>
      %gather3A_1458 = tpu.vector_load_idx %arg24[%broadcast_in_dim3A_1457] : memref<48xf32, #tpu.memory_space<vmem>>[vector<16xi32>], vector<16xf32>,
      %broadcast_in_dim3A_1459 = arith.constant 12 : i32
      %broadcast_in_dim3A_1460 = vector.broadcast %broadcast_in_dim3A_1459 : i32 to vector<16xi32>
      %gather3A_1461 = tpu.vector_load_idx %arg24[%broadcast_in_dim3A_1460] : memref<48xf32, #tpu.memory_space<vmem>>[vector<16xi32>], vector<16xf32>,
      %broadcast_in_dim3A_1462 = arith.constant 20 : i32
      %broadcast_in_dim3A_1463 = vector.broadcast %broadcast_in_dim3A_1462 : i32 to vector<16xi32>
      %gather3A_1464 = tpu.vector_load_idx %arg24[%broadcast_in_dim3A_1463] : memref<48xf32, #tpu.memory_space<vmem>>[vector<16xi32>], vector<16xf32>,
      %mul3A_1465 = arith.mulf %sub3A_1317, %gather3A_1458 : vector<16xf32>
      %mul3A_1466 = arith.mulf %sub3A_1318, %gather3A_1461 : vector<16xf32>
      %mul3A_1467 = arith.mulf %sub3A_1319, %gather3A_1464 : vector<16xf32>
      %mul3A_1468 = arith.mulf %mul3A_1465, %mul3A_1465 : vector<16xf32>
      %mul3A_1469 = arith.mulf %mul3A_1466, %mul3A_1466 : vector<16xf32>
      %add3A_1470 = arith.addf %mul3A_1468, %mul3A_1469 : vector<16xf32>
      %mul3A_1471 = arith.mulf %mul3A_1467, %mul3A_1467 : vector<16xf32>
      %add3A_1472 = arith.addf %add3A_1470, %mul3A_1471 : vector<16xf32>
      %mul3A_1473 = arith.constant -1.250000e+01 : f32
      %mul3A_1474 = vector.broadcast %mul3A_1473 : f32 to vector<16xf32>
      %mul3A_1475 = arith.mulf %add3A_1472, %mul3A_1474 : vector<16xf32>
      %exp3A_1476 = math.exp %mul3A_1475 : vector<16xf32>
      %jit3A_1477 = arith.constant 0.000000e+00 : f32
      %broadcast_in_dim3A_1478 = vector.broadcast %jit3A_1477 : f32 to vector<16xf32>
      %select_n3A_1479 = arith.select %lt3A_1321, %exp3A_1476, %broadcast_in_dim3A_1478 : vector<16xi1>, vector<16xf32>
      %reduce_sum3A_1480 = arith.constant true
      %reduce_sum3A_1481 = vector.broadcast %reduce_sum3A_1480 : i1 to vector<16xi1>
      %reduce_sum3A_1482 = tpu.scan <sum>, %select_n3A_1479 masked %reduce_sum3A_1481 : vector<16xf32>, vector<16xi1> -> vector<16xf32>
      %reduce_sum3A_1483 = vector.extract %reduce_sum3A_1482[15] : f32 from vector<16xf32>
      %get3A_1484 = arith.constant 64 : index
      %get3A_1485 = tpu.vector_load %arg27[%get3A_1484] {strides = array<i32>} : memref<128xf32, #tpu.memory_space<vmem>>, vector<16xf32>,
      %mul3A_1486 = vector.broadcast %reduce_sum3A_1483 : f32 to vector<16xf32>
      %mul3A_1487 = arith.mulf %mul3A_1486, %get3A_1485 : vector<16xf32>
      %add3A_1488 = arith.addf %add3A_1455, %mul3A_1487 : vector<16xf32>
      %broadcast_in_dim3A_1489 = arith.constant 5 : i32
      %broadcast_in_dim3A_1490 = vector.broadcast %broadcast_in_dim3A_1489 : i32 to vector<16xi32>
      %gather3A_1491 = tpu.vector_load_idx %arg24[%broadcast_in_dim3A_1490] : memref<48xf32, #tpu.memory_space<vmem>>[vector<16xi32>], vector<16xf32>,
      %broadcast_in_dim3A_1492 = arith.constant 13 : i32
      %broadcast_in_dim3A_1493 = vector.broadcast %broadcast_in_dim3A_1492 : i32 to vector<16xi32>
      %gather3A_1494 = tpu.vector_load_idx %arg24[%broadcast_in_dim3A_1493] : memref<48xf32, #tpu.memory_space<vmem>>[vector<16xi32>], vector<16xf32>,
      %broadcast_in_dim3A_1495 = arith.constant 21 : i32
      %broadcast_in_dim3A_1496 = vector.broadcast %broadcast_in_dim3A_1495 : i32 to vector<16xi32>
      %gather3A_1497 = tpu.vector_load_idx %arg24[%broadcast_in_dim3A_1496] : memref<48xf32, #tpu.memory_space<vmem>>[vector<16xi32>], vector<16xf32>,
      %mul3A_1498 = arith.mulf %sub3A_1317, %gather3A_1491 : vector<16xf32>
      %mul3A_1499 = arith.mulf %sub3A_1318, %gather3A_1494 : vector<16xf32>
      %mul3A_1500 = arith.mulf %sub3A_1319, %gather3A_1497 : vector<16xf32>
      %mul3A_1501 = arith.mulf %mul3A_1498, %mul3A_1498 : vector<16xf32>
      %mul3A_1502 = arith.mulf %mul3A_1499, %mul3A_1499 : vector<16xf32>
      %add3A_1503 = arith.addf %mul3A_1501, %mul3A_1502 : vector<16xf32>
      %mul3A_1504 = arith.mulf %mul3A_1500, %mul3A_1500 : vector<16xf32>
      %add3A_1505 = arith.addf %add3A_1503, %mul3A_1504 : vector<16xf32>
      %mul3A_1506 = arith.constant -1.250000e+01 : f32
      %mul3A_1507 = vector.broadcast %mul3A_1506 : f32 to vector<16xf32>
      %mul3A_1508 = arith.mulf %add3A_1505, %mul3A_1507 : vector<16xf32>
      %exp3A_1509 = math.exp %mul3A_1508 : vector<16xf32>
      %jit3A_1510 = arith.constant 0.000000e+00 : f32
      %broadcast_in_dim3A_1511 = vector.broadcast %jit3A_1510 : f32 to vector<16xf32>
      %select_n3A_1512 = arith.select %lt3A_1321, %exp3A_1509, %broadcast_in_dim3A_1511 : vector<16xi1>, vector<16xf32>
      %reduce_sum3A_1513 = arith.constant true
      %reduce_sum3A_1514 = vector.broadcast %reduce_sum3A_1513 : i1 to vector<16xi1>
      %reduce_sum3A_1515 = tpu.scan <sum>, %select_n3A_1512 masked %reduce_sum3A_1514 : vector<16xf32>, vector<16xi1> -> vector<16xf32>
      %reduce_sum3A_1516 = vector.extract %reduce_sum3A_1515[15] : f32 from vector<16xf32>
      %get3A_1517 = arith.constant 80 : index
      %get3A_1518 = tpu.vector_load %arg27[%get3A_1517] {strides = array<i32>} : memref<128xf32, #tpu.memory_space<vmem>>, vector<16xf32>,
      %mul3A_1519 = vector.broadcast %reduce_sum3A_1516 : f32 to vector<16xf32>
      %mul3A_1520 = arith.mulf %mul3A_1519, %get3A_1518 : vector<16xf32>
      %add3A_1521 = arith.addf %add3A_1488, %mul3A_1520 : vector<16xf32>
      %broadcast_in_dim3A_1522 = arith.constant 6 : i32
      %broadcast_in_dim3A_1523 = vector.broadcast %broadcast_in_dim3A_1522 : i32 to vector<16xi32>
      %gather3A_1524 = tpu.vector_load_idx %arg24[%broadcast_in_dim3A_1523] : memref<48xf32, #tpu.memory_space<vmem>>[vector<16xi32>], vector<16xf32>,
      %broadcast_in_dim3A_1525 = arith.constant 14 : i32
      %broadcast_in_dim3A_1526 = vector.broadcast %broadcast_in_dim3A_1525 : i32 to vector<16xi32>
      %gather3A_1527 = tpu.vector_load_idx %arg24[%broadcast_in_dim3A_1526] : memref<48xf32, #tpu.memory_space<vmem>>[vector<16xi32>], vector<16xf32>,
      %broadcast_in_dim3A_1528 = arith.constant 22 : i32
      %broadcast_in_dim3A_1529 = vector.broadcast %broadcast_in_dim3A_1528 : i32 to vector<16xi32>
      %gather3A_1530 = tpu.vector_load_idx %arg24[%broadcast_in_dim3A_1529] : memref<48xf32, #tpu.memory_space<vmem>>[vector<16xi32>], vector<16xf32>,
      %mul3A_1531 = arith.mulf %sub3A_1317, %gather3A_1524 : vector<16xf32>
      %mul3A_1532 = arith.mulf %sub3A_1318, %gather3A_1527 : vector<16xf32>
      %mul3A_1533 = arith.mulf %sub3A_1319, %gather3A_1530 : vector<16xf32>
      %mul3A_1534 = arith.mulf %mul3A_1531, %mul3A_1531 : vector<16xf32>
      %mul3A_1535 = arith.mulf %mul3A_1532, %mul3A_1532 : vector<16xf32>
      %add3A_1536 = arith.addf %mul3A_1534, %mul3A_1535 : vector<16xf32>
      %mul3A_1537 = arith.mulf %mul3A_1533, %mul3A_1533 : vector<16xf32>
      %add3A_1538 = arith.addf %add3A_1536, %mul3A_1537 : vector<16xf32>
      %mul3A_1539 = arith.constant -1.250000e+01 : f32
      %mul3A_1540 = vector.broadcast %mul3A_1539 : f32 to vector<16xf32>
      %mul3A_1541 = arith.mulf %add3A_1538, %mul3A_1540 : vector<16xf32>
      %exp3A_1542 = math.exp %mul3A_1541 : vector<16xf32>
      %jit3A_1543 = arith.constant 0.000000e+00 : f32
      %broadcast_in_dim3A_1544 = vector.broadcast %jit3A_1543 : f32 to vector<16xf32>
      %select_n3A_1545 = arith.select %lt3A_1321, %exp3A_1542, %broadcast_in_dim3A_1544 : vector<16xi1>, vector<16xf32>
      %reduce_sum3A_1546 = arith.constant true
      %reduce_sum3A_1547 = vector.broadcast %reduce_sum3A_1546 : i1 to vector<16xi1>
      %reduce_sum3A_1548 = tpu.scan <sum>, %select_n3A_1545 masked %reduce_sum3A_1547 : vector<16xf32>, vector<16xi1> -> vector<16xf32>
      %reduce_sum3A_1549 = vector.extract %reduce_sum3A_1548[15] : f32 from vector<16xf32>
      %get3A_1550 = arith.constant 96 : index
      %get3A_1551 = tpu.vector_load %arg27[%get3A_1550] {strides = array<i32>} : memref<128xf32, #tpu.memory_space<vmem>>, vector<16xf32>,
      %mul3A_1552 = vector.broadcast %reduce_sum3A_1549 : f32 to vector<16xf32>
      %mul3A_1553 = arith.mulf %mul3A_1552, %get3A_1551 : vector<16xf32>
      %add3A_1554 = arith.addf %add3A_1521, %mul3A_1553 : vector<16xf32>
      %broadcast_in_dim3A_1555 = arith.constant 7 : i32
      %broadcast_in_dim3A_1556 = vector.broadcast %broadcast_in_dim3A_1555 : i32 to vector<16xi32>
      %gather3A_1557 = tpu.vector_load_idx %arg24[%broadcast_in_dim3A_1556] : memref<48xf32, #tpu.memory_space<vmem>>[vector<16xi32>], vector<16xf32>,
      %broadcast_in_dim3A_1558 = arith.constant 15 : i32
      %broadcast_in_dim3A_1559 = vector.broadcast %broadcast_in_dim3A_1558 : i32 to vector<16xi32>
      %gather3A_1560 = tpu.vector_load_idx %arg24[%broadcast_in_dim3A_1559] : memref<48xf32, #tpu.memory_space<vmem>>[vector<16xi32>], vector<16xf32>,
      %broadcast_in_dim3A_1561 = arith.constant 23 : i32
      %broadcast_in_dim3A_1562 = vector.broadcast %broadcast_in_dim3A_1561 : i32 to vector<16xi32>
      %gather3A_1563 = tpu.vector_load_idx %arg24[%broadcast_in_dim3A_1562] : memref<48xf32, #tpu.memory_space<vmem>>[vector<16xi32>], vector<16xf32>,
      %mul3A_1564 = arith.mulf %sub3A_1317, %gather3A_1557 : vector<16xf32>
      %mul3A_1565 = arith.mulf %sub3A_1318, %gather3A_1560 : vector<16xf32>
      %mul3A_1566 = arith.mulf %sub3A_1319, %gather3A_1563 : vector<16xf32>
      %mul3A_1567 = arith.mulf %mul3A_1564, %mul3A_1564 : vector<16xf32>
      %mul3A_1568 = arith.mulf %mul3A_1565, %mul3A_1565 : vector<16xf32>
      %add3A_1569 = arith.addf %mul3A_1567, %mul3A_1568 : vector<16xf32>
      %mul3A_1570 = arith.mulf %mul3A_1566, %mul3A_1566 : vector<16xf32>
      %add3A_1571 = arith.addf %add3A_1569, %mul3A_1570 : vector<16xf32>
      %mul3A_1572 = arith.constant -1.250000e+01 : f32
      %mul3A_1573 = vector.broadcast %mul3A_1572 : f32 to vector<16xf32>
      %mul3A_1574 = arith.mulf %add3A_1571, %mul3A_1573 : vector<16xf32>
      %exp3A_1575 = math.exp %mul3A_1574 : vector<16xf32>
      %jit3A_1576 = arith.constant 0.000000e+00 : f32
      %broadcast_in_dim3A_1577 = vector.broadcast %jit3A_1576 : f32 to vector<16xf32>
      %select_n3A_1578 = arith.select %lt3A_1321, %exp3A_1575, %broadcast_in_dim3A_1577 : vector<16xi1>, vector<16xf32>
      %reduce_sum3A_1579 = arith.constant true
      %reduce_sum3A_1580 = vector.broadcast %reduce_sum3A_1579 : i1 to vector<16xi1>
      %reduce_sum3A_1581 = tpu.scan <sum>, %select_n3A_1578 masked %reduce_sum3A_1580 : vector<16xf32>, vector<16xi1> -> vector<16xf32>
      %reduce_sum3A_1582 = vector.extract %reduce_sum3A_1581[15] : f32 from vector<16xf32>
      %get3A_1583 = arith.constant 112 : index
      %get3A_1584 = tpu.vector_load %arg27[%get3A_1583] {strides = array<i32>} : memref<128xf32, #tpu.memory_space<vmem>>, vector<16xf32>,
      %mul3A_1585 = vector.broadcast %reduce_sum3A_1582 : f32 to vector<16xf32>
      %mul3A_1586 = arith.mulf %mul3A_1585, %get3A_1584 : vector<16xf32>
      %add3A_1587 = arith.addf %add3A_1554, %mul3A_1586 : vector<16xf32>
      %add3A_1588 = arith.constant 16 : i32
      %add3A_1589 = arith.addi %mul3A_1323, %add3A_1588 : i32
      %add3A_1590 = arith.constant 0 : i32
      %add3A_1591 = arith.addi %add3A_1589, %add3A_1590 : i32
      %swap3A_1592 = arith.index_cast %add3A_1591 : i32 to index
      %swap3A_1593 = tpu.vector_load %arg31[%swap3A_1592] {strides = array<i32>} : memref<12288xf32, #tpu.memory_space<vmem>>, vector<16xf32>,
      tpu.vector_store %arg31[%swap3A_1592], %add3A_1587 {strides = array<i32>} : memref<12288xf32, #tpu.memory_space<vmem>>, vector<16xf32>,
      %broadcast_in_dim3A_1594 = arith.constant 0.000000e+00 : f32
      %broadcast_in_dim3A_1595 = vector.broadcast %broadcast_in_dim3A_1594 : f32 to vector<16xf32>
      %broadcast_in_dim3A_1596 = arith.constant 24 : i32
      %broadcast_in_dim3A_1597 = vector.broadcast %broadcast_in_dim3A_1596 : i32 to vector<16xi32>
      %gather3A_1598 = tpu.vector_load_idx %arg24[%broadcast_in_dim3A_1597] : memref<48xf32, #tpu.memory_space<vmem>>[vector<16xi32>], vector<16xf32>,
      %broadcast_in_dim3A_1599 = arith.constant 32 : i32
      %broadcast_in_dim3A_1600 = vector.broadcast %broadcast_in_dim3A_1599 : i32 to vector<16xi32>
      %gather3A_1601 = tpu.vector_load_idx %arg24[%broadcast_in_dim3A_1600] : memref<48xf32, #tpu.memory_space<vmem>>[vector<16xi32>], vector<16xf32>,
      %broadcast_in_dim3A_1602 = arith.constant 40 : i32
      %broadcast_in_dim3A_1603 = vector.broadcast %broadcast_in_dim3A_1602 : i32 to vector<16xi32>
      %gather3A_1604 = tpu.vector_load_idx %arg24[%broadcast_in_dim3A_1603] : memref<48xf32, #tpu.memory_space<vmem>>[vector<16xi32>], vector<16xf32>,
      %mul3A_1605 = arith.mulf %sub3A_1317, %gather3A_1598 : vector<16xf32>
      %mul3A_1606 = arith.mulf %sub3A_1318, %gather3A_1601 : vector<16xf32>
      %mul3A_1607 = arith.mulf %sub3A_1319, %gather3A_1604 : vector<16xf32>
      %mul3A_1608 = arith.mulf %mul3A_1605, %mul3A_1605 : vector<16xf32>
      %mul3A_1609 = arith.mulf %mul3A_1606, %mul3A_1606 : vector<16xf32>
      %add3A_1610 = arith.addf %mul3A_1608, %mul3A_1609 : vector<16xf32>
      %mul3A_1611 = arith.mulf %mul3A_1607, %mul3A_1607 : vector<16xf32>
      %add3A_1612 = arith.addf %add3A_1610, %mul3A_1611 : vector<16xf32>
      %mul3A_1613 = arith.constant -1.250000e+01 : f32
      %mul3A_1614 = vector.broadcast %mul3A_1613 : f32 to vector<16xf32>
      %mul3A_1615 = arith.mulf %add3A_1612, %mul3A_1614 : vector<16xf32>
      %exp3A_1616 = math.exp %mul3A_1615 : vector<16xf32>
      %reduce_sum3A_1617 = arith.constant true
      %reduce_sum3A_1618 = vector.broadcast %reduce_sum3A_1617 : i1 to vector<16xi1>
      %reduce_sum3A_1619 = tpu.scan <sum>, %exp3A_1616 masked %reduce_sum3A_1618 : vector<16xf32>, vector<16xi1> -> vector<16xf32>
      %reduce_sum3A_1620 = vector.extract %reduce_sum3A_1619[15] : f32 from vector<16xf32>
      %get3A_1621 = arith.constant 0 : index
      %get3A_1622 = tpu.vector_load %arg28[%get3A_1621] {strides = array<i32>} : memref<128xf32, #tpu.memory_space<vmem>>, vector<16xf32>,
      %mul3A_1623 = vector.broadcast %reduce_sum3A_1620 : f32 to vector<16xf32>
      %mul3A_1624 = arith.mulf %mul3A_1623, %get3A_1622 : vector<16xf32>
      %add3A_1625 = arith.addf %broadcast_in_dim3A_1595, %mul3A_1624 : vector<16xf32>
      %broadcast_in_dim3A_1626 = arith.constant 25 : i32
      %broadcast_in_dim3A_1627 = vector.broadcast %broadcast_in_dim3A_1626 : i32 to vector<16xi32>
      %gather3A_1628 = tpu.vector_load_idx %arg24[%broadcast_in_dim3A_1627] : memref<48xf32, #tpu.memory_space<vmem>>[vector<16xi32>], vector<16xf32>,
      %broadcast_in_dim3A_1629 = arith.constant 33 : i32
      %broadcast_in_dim3A_1630 = vector.broadcast %broadcast_in_dim3A_1629 : i32 to vector<16xi32>
      %gather3A_1631 = tpu.vector_load_idx %arg24[%broadcast_in_dim3A_1630] : memref<48xf32, #tpu.memory_space<vmem>>[vector<16xi32>], vector<16xf32>,
      %broadcast_in_dim3A_1632 = arith.constant 41 : i32
      %broadcast_in_dim3A_1633 = vector.broadcast %broadcast_in_dim3A_1632 : i32 to vector<16xi32>
      %gather3A_1634 = tpu.vector_load_idx %arg24[%broadcast_in_dim3A_1633] : memref<48xf32, #tpu.memory_space<vmem>>[vector<16xi32>], vector<16xf32>,
      %mul3A_1635 = arith.mulf %sub3A_1317, %gather3A_1628 : vector<16xf32>
      %mul3A_1636 = arith.mulf %sub3A_1318, %gather3A_1631 : vector<16xf32>
      %mul3A_1637 = arith.mulf %sub3A_1319, %gather3A_1634 : vector<16xf32>
      %mul3A_1638 = arith.mulf %mul3A_1635, %mul3A_1635 : vector<16xf32>
      %mul3A_1639 = arith.mulf %mul3A_1636, %mul3A_1636 : vector<16xf32>
      %add3A_1640 = arith.addf %mul3A_1638, %mul3A_1639 : vector<16xf32>
      %mul3A_1641 = arith.mulf %mul3A_1637, %mul3A_1637 : vector<16xf32>
      %add3A_1642 = arith.addf %add3A_1640, %mul3A_1641 : vector<16xf32>
      %mul3A_1643 = arith.constant -1.250000e+01 : f32
      %mul3A_1644 = vector.broadcast %mul3A_1643 : f32 to vector<16xf32>
      %mul3A_1645 = arith.mulf %add3A_1642, %mul3A_1644 : vector<16xf32>
      %exp3A_1646 = math.exp %mul3A_1645 : vector<16xf32>
      %reduce_sum3A_1647 = arith.constant true
      %reduce_sum3A_1648 = vector.broadcast %reduce_sum3A_1647 : i1 to vector<16xi1>
      %reduce_sum3A_1649 = tpu.scan <sum>, %exp3A_1646 masked %reduce_sum3A_1648 : vector<16xf32>, vector<16xi1> -> vector<16xf32>
      %reduce_sum3A_1650 = vector.extract %reduce_sum3A_1649[15] : f32 from vector<16xf32>
      %get3A_1651 = arith.constant 16 : index
      %get3A_1652 = tpu.vector_load %arg28[%get3A_1651] {strides = array<i32>} : memref<128xf32, #tpu.memory_space<vmem>>, vector<16xf32>,
      %mul3A_1653 = vector.broadcast %reduce_sum3A_1650 : f32 to vector<16xf32>
      %mul3A_1654 = arith.mulf %mul3A_1653, %get3A_1652 : vector<16xf32>
      %add3A_1655 = arith.addf %add3A_1625, %mul3A_1654 : vector<16xf32>
      %broadcast_in_dim3A_1656 = arith.constant 26 : i32
      %broadcast_in_dim3A_1657 = vector.broadcast %broadcast_in_dim3A_1656 : i32 to vector<16xi32>
      %gather3A_1658 = tpu.vector_load_idx %arg24[%broadcast_in_dim3A_1657] : memref<48xf32, #tpu.memory_space<vmem>>[vector<16xi32>], vector<16xf32>,
      %broadcast_in_dim3A_1659 = arith.constant 34 : i32
      %broadcast_in_dim3A_1660 = vector.broadcast %broadcast_in_dim3A_1659 : i32 to vector<16xi32>
      %gather3A_1661 = tpu.vector_load_idx %arg24[%broadcast_in_dim3A_1660] : memref<48xf32, #tpu.memory_space<vmem>>[vector<16xi32>], vector<16xf32>,
      %broadcast_in_dim3A_1662 = arith.constant 42 : i32
      %broadcast_in_dim3A_1663 = vector.broadcast %broadcast_in_dim3A_1662 : i32 to vector<16xi32>
      %gather3A_1664 = tpu.vector_load_idx %arg24[%broadcast_in_dim3A_1663] : memref<48xf32, #tpu.memory_space<vmem>>[vector<16xi32>], vector<16xf32>,
      %mul3A_1665 = arith.mulf %sub3A_1317, %gather3A_1658 : vector<16xf32>
      %mul3A_1666 = arith.mulf %sub3A_1318, %gather3A_1661 : vector<16xf32>
      %mul3A_1667 = arith.mulf %sub3A_1319, %gather3A_1664 : vector<16xf32>
      %mul3A_1668 = arith.mulf %mul3A_1665, %mul3A_1665 : vector<16xf32>
      %mul3A_1669 = arith.mulf %mul3A_1666, %mul3A_1666 : vector<16xf32>
      %add3A_1670 = arith.addf %mul3A_1668, %mul3A_1669 : vector<16xf32>
      %mul3A_1671 = arith.mulf %mul3A_1667, %mul3A_1667 : vector<16xf32>
      %add3A_1672 = arith.addf %add3A_1670, %mul3A_1671 : vector<16xf32>
      %mul3A_1673 = arith.constant -1.250000e+01 : f32
      %mul3A_1674 = vector.broadcast %mul3A_1673 : f32 to vector<16xf32>
      %mul3A_1675 = arith.mulf %add3A_1672, %mul3A_1674 : vector<16xf32>
      %exp3A_1676 = math.exp %mul3A_1675 : vector<16xf32>
      %reduce_sum3A_1677 = arith.constant true
      %reduce_sum3A_1678 = vector.broadcast %reduce_sum3A_1677 : i1 to vector<16xi1>
      %reduce_sum3A_1679 = tpu.scan <sum>, %exp3A_1676 masked %reduce_sum3A_1678 : vector<16xf32>, vector<16xi1> -> vector<16xf32>
      %reduce_sum3A_1680 = vector.extract %reduce_sum3A_1679[15] : f32 from vector<16xf32>
      %get3A_1681 = arith.constant 32 : index
      %get3A_1682 = tpu.vector_load %arg28[%get3A_1681] {strides = array<i32>} : memref<128xf32, #tpu.memory_space<vmem>>, vector<16xf32>,
      %mul3A_1683 = vector.broadcast %reduce_sum3A_1680 : f32 to vector<16xf32>
      %mul3A_1684 = arith.mulf %mul3A_1683, %get3A_1682 : vector<16xf32>
      %add3A_1685 = arith.addf %add3A_1655, %mul3A_1684 : vector<16xf32>
      %broadcast_in_dim3A_1686 = arith.constant 27 : i32
      %broadcast_in_dim3A_1687 = vector.broadcast %broadcast_in_dim3A_1686 : i32 to vector<16xi32>
      %gather3A_1688 = tpu.vector_load_idx %arg24[%broadcast_in_dim3A_1687] : memref<48xf32, #tpu.memory_space<vmem>>[vector<16xi32>], vector<16xf32>,
      %broadcast_in_dim3A_1689 = arith.constant 35 : i32
      %broadcast_in_dim3A_1690 = vector.broadcast %broadcast_in_dim3A_1689 : i32 to vector<16xi32>
      %gather3A_1691 = tpu.vector_load_idx %arg24[%broadcast_in_dim3A_1690] : memref<48xf32, #tpu.memory_space<vmem>>[vector<16xi32>], vector<16xf32>,
      %broadcast_in_dim3A_1692 = arith.constant 43 : i32
      %broadcast_in_dim3A_1693 = vector.broadcast %broadcast_in_dim3A_1692 : i32 to vector<16xi32>
      %gather3A_1694 = tpu.vector_load_idx %arg24[%broadcast_in_dim3A_1693] : memref<48xf32, #tpu.memory_space<vmem>>[vector<16xi32>], vector<16xf32>,
      %mul3A_1695 = arith.mulf %sub3A_1317, %gather3A_1688 : vector<16xf32>
      %mul3A_1696 = arith.mulf %sub3A_1318, %gather3A_1691 : vector<16xf32>
      %mul3A_1697 = arith.mulf %sub3A_1319, %gather3A_1694 : vector<16xf32>
      %mul3A_1698 = arith.mulf %mul3A_1695, %mul3A_1695 : vector<16xf32>
      %mul3A_1699 = arith.mulf %mul3A_1696, %mul3A_1696 : vector<16xf32>
      %add3A_1700 = arith.addf %mul3A_1698, %mul3A_1699 : vector<16xf32>
      %mul3A_1701 = arith.mulf %mul3A_1697, %mul3A_1697 : vector<16xf32>
      %add3A_1702 = arith.addf %add3A_1700, %mul3A_1701 : vector<16xf32>
      %mul3A_1703 = arith.constant -1.250000e+01 : f32
      %mul3A_1704 = vector.broadcast %mul3A_1703 : f32 to vector<16xf32>
      %mul3A_1705 = arith.mulf %add3A_1702, %mul3A_1704 : vector<16xf32>
      %exp3A_1706 = math.exp %mul3A_1705 : vector<16xf32>
      %reduce_sum3A_1707 = arith.constant true
      %reduce_sum3A_1708 = vector.broadcast %reduce_sum3A_1707 : i1 to vector<16xi1>
      %reduce_sum3A_1709 = tpu.scan <sum>, %exp3A_1706 masked %reduce_sum3A_1708 : vector<16xf32>, vector<16xi1> -> vector<16xf32>
      %reduce_sum3A_1710 = vector.extract %reduce_sum3A_1709[15] : f32 from vector<16xf32>
      %get3A_1711 = arith.constant 48 : index
      %get3A_1712 = tpu.vector_load %arg28[%get3A_1711] {strides = array<i32>} : memref<128xf32, #tpu.memory_space<vmem>>, vector<16xf32>,
      %mul3A_1713 = vector.broadcast %reduce_sum3A_1710 : f32 to vector<16xf32>
      %mul3A_1714 = arith.mulf %mul3A_1713, %get3A_1712 : vector<16xf32>
      %add3A_1715 = arith.addf %add3A_1685, %mul3A_1714 : vector<16xf32>
      %broadcast_in_dim3A_1716 = arith.constant 28 : i32
      %broadcast_in_dim3A_1717 = vector.broadcast %broadcast_in_dim3A_1716 : i32 to vector<16xi32>
      %gather3A_1718 = tpu.vector_load_idx %arg24[%broadcast_in_dim3A_1717] : memref<48xf32, #tpu.memory_space<vmem>>[vector<16xi32>], vector<16xf32>,
      %broadcast_in_dim3A_1719 = arith.constant 36 : i32
      %broadcast_in_dim3A_1720 = vector.broadcast %broadcast_in_dim3A_1719 : i32 to vector<16xi32>
      %gather3A_1721 = tpu.vector_load_idx %arg24[%broadcast_in_dim3A_1720] : memref<48xf32, #tpu.memory_space<vmem>>[vector<16xi32>], vector<16xf32>,
      %broadcast_in_dim3A_1722 = arith.constant 44 : i32
      %broadcast_in_dim3A_1723 = vector.broadcast %broadcast_in_dim3A_1722 : i32 to vector<16xi32>
      %gather3A_1724 = tpu.vector_load_idx %arg24[%broadcast_in_dim3A_1723] : memref<48xf32, #tpu.memory_space<vmem>>[vector<16xi32>], vector<16xf32>,
      %mul3A_1725 = arith.mulf %sub3A_1317, %gather3A_1718 : vector<16xf32>
      %mul3A_1726 = arith.mulf %sub3A_1318, %gather3A_1721 : vector<16xf32>
      %mul3A_1727 = arith.mulf %sub3A_1319, %gather3A_1724 : vector<16xf32>
      %mul3A_1728 = arith.mulf %mul3A_1725, %mul3A_1725 : vector<16xf32>
      %mul3A_1729 = arith.mulf %mul3A_1726, %mul3A_1726 : vector<16xf32>
      %add3A_1730 = arith.addf %mul3A_1728, %mul3A_1729 : vector<16xf32>
      %mul3A_1731 = arith.mulf %mul3A_1727, %mul3A_1727 : vector<16xf32>
      %add3A_1732 = arith.addf %add3A_1730, %mul3A_1731 : vector<16xf32>
      %mul3A_1733 = arith.constant -1.250000e+01 : f32
      %mul3A_1734 = vector.broadcast %mul3A_1733 : f32 to vector<16xf32>
      %mul3A_1735 = arith.mulf %add3A_1732, %mul3A_1734 : vector<16xf32>
      %exp3A_1736 = math.exp %mul3A_1735 : vector<16xf32>
      %reduce_sum3A_1737 = arith.constant true
      %reduce_sum3A_1738 = vector.broadcast %reduce_sum3A_1737 : i1 to vector<16xi1>
      %reduce_sum3A_1739 = tpu.scan <sum>, %exp3A_1736 masked %reduce_sum3A_1738 : vector<16xf32>, vector<16xi1> -> vector<16xf32>
      %reduce_sum3A_1740 = vector.extract %reduce_sum3A_1739[15] : f32 from vector<16xf32>
      %get3A_1741 = arith.constant 64 : index
      %get3A_1742 = tpu.vector_load %arg28[%get3A_1741] {strides = array<i32>} : memref<128xf32, #tpu.memory_space<vmem>>, vector<16xf32>,
      %mul3A_1743 = vector.broadcast %reduce_sum3A_1740 : f32 to vector<16xf32>
      %mul3A_1744 = arith.mulf %mul3A_1743, %get3A_1742 : vector<16xf32>
      %add3A_1745 = arith.addf %add3A_1715, %mul3A_1744 : vector<16xf32>
      %broadcast_in_dim3A_1746 = arith.constant 29 : i32
      %broadcast_in_dim3A_1747 = vector.broadcast %broadcast_in_dim3A_1746 : i32 to vector<16xi32>
      %gather3A_1748 = tpu.vector_load_idx %arg24[%broadcast_in_dim3A_1747] : memref<48xf32, #tpu.memory_space<vmem>>[vector<16xi32>], vector<16xf32>,
      %broadcast_in_dim3A_1749 = arith.constant 37 : i32
      %broadcast_in_dim3A_1750 = vector.broadcast %broadcast_in_dim3A_1749 : i32 to vector<16xi32>
      %gather3A_1751 = tpu.vector_load_idx %arg24[%broadcast_in_dim3A_1750] : memref<48xf32, #tpu.memory_space<vmem>>[vector<16xi32>], vector<16xf32>,
      %broadcast_in_dim3A_1752 = arith.constant 45 : i32
      %broadcast_in_dim3A_1753 = vector.broadcast %broadcast_in_dim3A_1752 : i32 to vector<16xi32>
      %gather3A_1754 = tpu.vector_load_idx %arg24[%broadcast_in_dim3A_1753] : memref<48xf32, #tpu.memory_space<vmem>>[vector<16xi32>], vector<16xf32>,
      %mul3A_1755 = arith.mulf %sub3A_1317, %gather3A_1748 : vector<16xf32>
      %mul3A_1756 = arith.mulf %sub3A_1318, %gather3A_1751 : vector<16xf32>
      %mul3A_1757 = arith.mulf %sub3A_1319, %gather3A_1754 : vector<16xf32>
      %mul3A_1758 = arith.mulf %mul3A_1755, %mul3A_1755 : vector<16xf32>
      %mul3A_1759 = arith.mulf %mul3A_1756, %mul3A_1756 : vector<16xf32>
      %add3A_1760 = arith.addf %mul3A_1758, %mul3A_1759 : vector<16xf32>
      %mul3A_1761 = arith.mulf %mul3A_1757, %mul3A_1757 : vector<16xf32>
      %add3A_1762 = arith.addf %add3A_1760, %mul3A_1761 : vector<16xf32>
      %mul3A_1763 = arith.constant -1.250000e+01 : f32
      %mul3A_1764 = vector.broadcast %mul3A_1763 : f32 to vector<16xf32>
      %mul3A_1765 = arith.mulf %add3A_1762, %mul3A_1764 : vector<16xf32>
      %exp3A_1766 = math.exp %mul3A_1765 : vector<16xf32>
      %reduce_sum3A_1767 = arith.constant true
      %reduce_sum3A_1768 = vector.broadcast %reduce_sum3A_1767 : i1 to vector<16xi1>
      %reduce_sum3A_1769 = tpu.scan <sum>, %exp3A_1766 masked %reduce_sum3A_1768 : vector<16xf32>, vector<16xi1> -> vector<16xf32>
      %reduce_sum3A_1770 = vector.extract %reduce_sum3A_1769[15] : f32 from vector<16xf32>
      %get3A_1771 = arith.constant 80 : index
      %get3A_1772 = tpu.vector_load %arg28[%get3A_1771] {strides = array<i32>} : memref<128xf32, #tpu.memory_space<vmem>>, vector<16xf32>,
      %mul3A_1773 = vector.broadcast %reduce_sum3A_1770 : f32 to vector<16xf32>
      %mul3A_1774 = arith.mulf %mul3A_1773, %get3A_1772 : vector<16xf32>
      %add3A_1775 = arith.addf %add3A_1745, %mul3A_1774 : vector<16xf32>
      %broadcast_in_dim3A_1776 = arith.constant 30 : i32
      %broadcast_in_dim3A_1777 = vector.broadcast %broadcast_in_dim3A_1776 : i32 to vector<16xi32>
      %gather3A_1778 = tpu.vector_load_idx %arg24[%broadcast_in_dim3A_1777] : memref<48xf32, #tpu.memory_space<vmem>>[vector<16xi32>], vector<16xf32>,
      %broadcast_in_dim3A_1779 = arith.constant 38 : i32
      %broadcast_in_dim3A_1780 = vector.broadcast %broadcast_in_dim3A_1779 : i32 to vector<16xi32>
      %gather3A_1781 = tpu.vector_load_idx %arg24[%broadcast_in_dim3A_1780] : memref<48xf32, #tpu.memory_space<vmem>>[vector<16xi32>], vector<16xf32>,
      %broadcast_in_dim3A_1782 = arith.constant 46 : i32
      %broadcast_in_dim3A_1783 = vector.broadcast %broadcast_in_dim3A_1782 : i32 to vector<16xi32>
      %gather3A_1784 = tpu.vector_load_idx %arg24[%broadcast_in_dim3A_1783] : memref<48xf32, #tpu.memory_space<vmem>>[vector<16xi32>], vector<16xf32>,
      %mul3A_1785 = arith.mulf %sub3A_1317, %gather3A_1778 : vector<16xf32>
      %mul3A_1786 = arith.mulf %sub3A_1318, %gather3A_1781 : vector<16xf32>
      %mul3A_1787 = arith.mulf %sub3A_1319, %gather3A_1784 : vector<16xf32>
      %mul3A_1788 = arith.mulf %mul3A_1785, %mul3A_1785 : vector<16xf32>
      %mul3A_1789 = arith.mulf %mul3A_1786, %mul3A_1786 : vector<16xf32>
      %add3A_1790 = arith.addf %mul3A_1788, %mul3A_1789 : vector<16xf32>
      %mul3A_1791 = arith.mulf %mul3A_1787, %mul3A_1787 : vector<16xf32>
      %add3A_1792 = arith.addf %add3A_1790, %mul3A_1791 : vector<16xf32>
      %mul3A_1793 = arith.constant -1.250000e+01 : f32
      %mul3A_1794 = vector.broadcast %mul3A_1793 : f32 to vector<16xf32>
      %mul3A_1795 = arith.mulf %add3A_1792, %mul3A_1794 : vector<16xf32>
      %exp3A_1796 = math.exp %mul3A_1795 : vector<16xf32>
      %reduce_sum3A_1797 = arith.constant true
      %reduce_sum3A_1798 = vector.broadcast %reduce_sum3A_1797 : i1 to vector<16xi1>
      %reduce_sum3A_1799 = tpu.scan <sum>, %exp3A_1796 masked %reduce_sum3A_1798 : vector<16xf32>, vector<16xi1> -> vector<16xf32>
      %reduce_sum3A_1800 = vector.extract %reduce_sum3A_1799[15] : f32 from vector<16xf32>
      %get3A_1801 = arith.constant 96 : index
      %get3A_1802 = tpu.vector_load %arg28[%get3A_1801] {strides = array<i32>} : memref<128xf32, #tpu.memory_space<vmem>>, vector<16xf32>,
      %mul3A_1803 = vector.broadcast %reduce_sum3A_1800 : f32 to vector<16xf32>
      %mul3A_1804 = arith.mulf %mul3A_1803, %get3A_1802 : vector<16xf32>
      %add3A_1805 = arith.addf %add3A_1775, %mul3A_1804 : vector<16xf32>
      %broadcast_in_dim3A_1806 = arith.constant 31 : i32
      %broadcast_in_dim3A_1807 = vector.broadcast %broadcast_in_dim3A_1806 : i32 to vector<16xi32>
      %gather3A_1808 = tpu.vector_load_idx %arg24[%broadcast_in_dim3A_1807] : memref<48xf32, #tpu.memory_space<vmem>>[vector<16xi32>], vector<16xf32>,
      %broadcast_in_dim3A_1809 = arith.constant 39 : i32
      %broadcast_in_dim3A_1810 = vector.broadcast %broadcast_in_dim3A_1809 : i32 to vector<16xi32>
      %gather3A_1811 = tpu.vector_load_idx %arg24[%broadcast_in_dim3A_1810] : memref<48xf32, #tpu.memory_space<vmem>>[vector<16xi32>], vector<16xf32>,
      %broadcast_in_dim3A_1812 = arith.constant 47 : i32
      %broadcast_in_dim3A_1813 = vector.broadcast %broadcast_in_dim3A_1812 : i32 to vector<16xi32>
      %gather3A_1814 = tpu.vector_load_idx %arg24[%broadcast_in_dim3A_1813] : memref<48xf32, #tpu.memory_space<vmem>>[vector<16xi32>], vector<16xf32>,
      %mul3A_1815 = arith.mulf %sub3A_1317, %gather3A_1808 : vector<16xf32>
      %mul3A_1816 = arith.mulf %sub3A_1318, %gather3A_1811 : vector<16xf32>
      %mul3A_1817 = arith.mulf %sub3A_1319, %gather3A_1814 : vector<16xf32>
      %mul3A_1818 = arith.mulf %mul3A_1815, %mul3A_1815 : vector<16xf32>
      %mul3A_1819 = arith.mulf %mul3A_1816, %mul3A_1816 : vector<16xf32>
      %add3A_1820 = arith.addf %mul3A_1818, %mul3A_1819 : vector<16xf32>
      %mul3A_1821 = arith.mulf %mul3A_1817, %mul3A_1817 : vector<16xf32>
      %add3A_1822 = arith.addf %add3A_1820, %mul3A_1821 : vector<16xf32>
      %mul3A_1823 = arith.constant -1.250000e+01 : f32
      %mul3A_1824 = vector.broadcast %mul3A_1823 : f32 to vector<16xf32>
      %mul3A_1825 = arith.mulf %add3A_1822, %mul3A_1824 : vector<16xf32>
      %exp3A_1826 = math.exp %mul3A_1825 : vector<16xf32>
      %reduce_sum3A_1827 = arith.constant true
      %reduce_sum3A_1828 = vector.broadcast %reduce_sum3A_1827 : i1 to vector<16xi1>
      %reduce_sum3A_1829 = tpu.scan <sum>, %exp3A_1826 masked %reduce_sum3A_1828 : vector<16xf32>, vector<16xi1> -> vector<16xf32>
      %reduce_sum3A_1830 = vector.extract %reduce_sum3A_1829[15] : f32 from vector<16xf32>
      %get3A_1831 = arith.constant 112 : index
      %get3A_1832 = tpu.vector_load %arg28[%get3A_1831] {strides = array<i32>} : memref<128xf32, #tpu.memory_space<vmem>>, vector<16xf32>,
      %mul3A_1833 = vector.broadcast %reduce_sum3A_1830 : f32 to vector<16xf32>
      %mul3A_1834 = arith.mulf %mul3A_1833, %get3A_1832 : vector<16xf32>
      %add3A_1835 = arith.addf %add3A_1805, %mul3A_1834 : vector<16xf32>
      %add3A_1836 = arith.constant 16 : i32
      %add3A_1837 = arith.addi %mul3A_1323, %add3A_1836 : i32
      %add3A_1838 = arith.constant 16 : i32
      %add3A_1839 = arith.addi %add3A_1837, %add3A_1838 : i32
      %swap3A_1840 = arith.index_cast %add3A_1839 : i32 to index
      %swap3A_1841 = tpu.vector_load %arg31[%swap3A_1840] {strides = array<i32>} : memref<12288xf32, #tpu.memory_space<vmem>>, vector<16xf32>,
      tpu.vector_store %arg31[%swap3A_1840], %add3A_1835 {strides = array<i32>} : memref<12288xf32, #tpu.memory_space<vmem>>, vector<16xf32>,
      %get3A_1842 = arith.constant 0 : index
      %get3A_1843 = tpu.vector_load %arg30[%get3A_1842] {strides = array<i32>} : memref<16xf32, #tpu.memory_space<vmem>>, vector<16xf32>,
      %add3A_1844 = arith.constant 16 : i32
      %add3A_1845 = arith.addi %mul3A_1323, %add3A_1844 : i32
      %add3A_1846 = arith.constant 0 : i32
      %add3A_1847 = arith.addi %add3A_1845, %add3A_1846 : i32
      %broadcast_in_dim3A_1848 = vector.broadcast %add3A_1847 : i32 to vector<16xi32>
      %gather3A_1849 = tpu.vector_load_idx %arg31[%broadcast_in_dim3A_1848] : memref<12288xf32, #tpu.memory_space<vmem>>[vector<16xi32>], vector<16xf32>,
      %get3A_1850 = arith.constant 0 : index
      %get3A_1851 = tpu.vector_load %arg29[%get3A_1850] {strides = array<i32>} : memref<512xf32, #tpu.memory_space<vmem>>, vector<16xf32>,
      %mul3A_1852 = arith.mulf %gather3A_1849, %get3A_1851 : vector<16xf32>
      %add3A_1853 = arith.addf %get3A_1843, %mul3A_1852 : vector<16xf32>
      %add3A_1854 = arith.constant 16 : i32
      %add3A_1855 = arith.addi %mul3A_1323, %add3A_1854 : i32
      %add3A_1856 = arith.constant 1 : i32
      %add3A_1857 = arith.addi %add3A_1855, %add3A_1856 : i32
      %broadcast_in_dim3A_1858 = vector.broadcast %add3A_1857 : i32 to vector<16xi32>
      %gather3A_1859 = tpu.vector_load_idx %arg31[%broadcast_in_dim3A_1858] : memref<12288xf32, #tpu.memory_space<vmem>>[vector<16xi32>], vector<16xf32>,
      %get3A_1860 = arith.constant 16 : index
      %get3A_1861 = tpu.vector_load %arg29[%get3A_1860] {strides = array<i32>} : memref<512xf32, #tpu.memory_space<vmem>>, vector<16xf32>,
      %mul3A_1862 = arith.mulf %gather3A_1859, %get3A_1861 : vector<16xf32>
      %add3A_1863 = arith.addf %add3A_1853, %mul3A_1862 : vector<16xf32>
      %add3A_1864 = arith.constant 16 : i32
      %add3A_1865 = arith.addi %mul3A_1323, %add3A_1864 : i32
      %add3A_1866 = arith.constant 2 : i32
      %add3A_1867 = arith.addi %add3A_1865, %add3A_1866 : i32
      %broadcast_in_dim3A_1868 = vector.broadcast %add3A_1867 : i32 to vector<16xi32>
      %gather3A_1869 = tpu.vector_load_idx %arg31[%broadcast_in_dim3A_1868] : memref<12288xf32, #tpu.memory_space<vmem>>[vector<16xi32>], vector<16xf32>,
      %get3A_1870 = arith.constant 32 : index
      %get3A_1871 = tpu.vector_load %arg29[%get3A_1870] {strides = array<i32>} : memref<512xf32, #tpu.memory_space<vmem>>, vector<16xf32>,
      %mul3A_1872 = arith.mulf %gather3A_1869, %get3A_1871 : vector<16xf32>
      %add3A_1873 = arith.addf %add3A_1863, %mul3A_1872 : vector<16xf32>
      %add3A_1874 = arith.constant 16 : i32
      %add3A_1875 = arith.addi %mul3A_1323, %add3A_1874 : i32
      %add3A_1876 = arith.constant 3 : i32
      %add3A_1877 = arith.addi %add3A_1875, %add3A_1876 : i32
      %broadcast_in_dim3A_1878 = vector.broadcast %add3A_1877 : i32 to vector<16xi32>
      %gather3A_1879 = tpu.vector_load_idx %arg31[%broadcast_in_dim3A_1878] : memref<12288xf32, #tpu.memory_space<vmem>>[vector<16xi32>], vector<16xf32>,
      %get3A_1880 = arith.constant 48 : index
      %get3A_1881 = tpu.vector_load %arg29[%get3A_1880] {strides = array<i32>} : memref<512xf32, #tpu.memory_space<vmem>>, vector<16xf32>,
      %mul3A_1882 = arith.mulf %gather3A_1879, %get3A_1881 : vector<16xf32>
      %add3A_1883 = arith.addf %add3A_1873, %mul3A_1882 : vector<16xf32>
      %add3A_1884 = arith.constant 16 : i32
      %add3A_1885 = arith.addi %mul3A_1323, %add3A_1884 : i32
      %add3A_1886 = arith.constant 4 : i32
      %add3A_1887 = arith.addi %add3A_1885, %add3A_1886 : i32
      %broadcast_in_dim3A_1888 = vector.broadcast %add3A_1887 : i32 to vector<16xi32>
      %gather3A_1889 = tpu.vector_load_idx %arg31[%broadcast_in_dim3A_1888] : memref<12288xf32, #tpu.memory_space<vmem>>[vector<16xi32>], vector<16xf32>,
      %get3A_1890 = arith.constant 64 : index
      %get3A_1891 = tpu.vector_load %arg29[%get3A_1890] {strides = array<i32>} : memref<512xf32, #tpu.memory_space<vmem>>, vector<16xf32>,
      %mul3A_1892 = arith.mulf %gather3A_1889, %get3A_1891 : vector<16xf32>
      %add3A_1893 = arith.addf %add3A_1883, %mul3A_1892 : vector<16xf32>
      %add3A_1894 = arith.constant 16 : i32
      %add3A_1895 = arith.addi %mul3A_1323, %add3A_1894 : i32
      %add3A_1896 = arith.constant 5 : i32
      %add3A_1897 = arith.addi %add3A_1895, %add3A_1896 : i32
      %broadcast_in_dim3A_1898 = vector.broadcast %add3A_1897 : i32 to vector<16xi32>
      %gather3A_1899 = tpu.vector_load_idx %arg31[%broadcast_in_dim3A_1898] : memref<12288xf32, #tpu.memory_space<vmem>>[vector<16xi32>], vector<16xf32>,
      %get3A_1900 = arith.constant 80 : index
      %get3A_1901 = tpu.vector_load %arg29[%get3A_1900] {strides = array<i32>} : memref<512xf32, #tpu.memory_space<vmem>>, vector<16xf32>,
      %mul3A_1902 = arith.mulf %gather3A_1899, %get3A_1901 : vector<16xf32>
      %add3A_1903 = arith.addf %add3A_1893, %mul3A_1902 : vector<16xf32>
      %add3A_1904 = arith.constant 16 : i32
      %add3A_1905 = arith.addi %mul3A_1323, %add3A_1904 : i32
      %add3A_1906 = arith.constant 6 : i32
      %add3A_1907 = arith.addi %add3A_1905, %add3A_1906 : i32
      %broadcast_in_dim3A_1908 = vector.broadcast %add3A_1907 : i32 to vector<16xi32>
      %gather3A_1909 = tpu.vector_load_idx %arg31[%broadcast_in_dim3A_1908] : memref<12288xf32, #tpu.memory_space<vmem>>[vector<16xi32>], vector<16xf32>,
      %get3A_1910 = arith.constant 96 : index
      %get3A_1911 = tpu.vector_load %arg29[%get3A_1910] {strides = array<i32>} : memref<512xf32, #tpu.memory_space<vmem>>, vector<16xf32>,
      %mul3A_1912 = arith.mulf %gather3A_1909, %get3A_1911 : vector<16xf32>
      %add3A_1913 = arith.addf %add3A_1903, %mul3A_1912 : vector<16xf32>
      %add3A_1914 = arith.constant 16 : i32
      %add3A_1915 = arith.addi %mul3A_1323, %add3A_1914 : i32
      %add3A_1916 = arith.constant 7 : i32
      %add3A_1917 = arith.addi %add3A_1915, %add3A_1916 : i32
      %broadcast_in_dim3A_1918 = vector.broadcast %add3A_1917 : i32 to vector<16xi32>
      %gather3A_1919 = tpu.vector_load_idx %arg31[%broadcast_in_dim3A_1918] : memref<12288xf32, #tpu.memory_space<vmem>>[vector<16xi32>], vector<16xf32>,
      %get3A_1920 = arith.constant 112 : index
      %get3A_1921 = tpu.vector_load %arg29[%get3A_1920] {strides = array<i32>} : memref<512xf32, #tpu.memory_space<vmem>>, vector<16xf32>,
      %mul3A_1922 = arith.mulf %gather3A_1919, %get3A_1921 : vector<16xf32>
      %add3A_1923 = arith.addf %add3A_1913, %mul3A_1922 : vector<16xf32>
      %add3A_1924 = arith.constant 16 : i32
      %add3A_1925 = arith.addi %mul3A_1323, %add3A_1924 : i32
      %add3A_1926 = arith.constant 8 : i32
      %add3A_1927 = arith.addi %add3A_1925, %add3A_1926 : i32
      %broadcast_in_dim3A_1928 = vector.broadcast %add3A_1927 : i32 to vector<16xi32>
      %gather3A_1929 = tpu.vector_load_idx %arg31[%broadcast_in_dim3A_1928] : memref<12288xf32, #tpu.memory_space<vmem>>[vector<16xi32>], vector<16xf32>,
      %get3A_1930 = arith.constant 128 : index
      %get3A_1931 = tpu.vector_load %arg29[%get3A_1930] {strides = array<i32>} : memref<512xf32, #tpu.memory_space<vmem>>, vector<16xf32>,
      %mul3A_1932 = arith.mulf %gather3A_1929, %get3A_1931 : vector<16xf32>
      %add3A_1933 = arith.addf %add3A_1923, %mul3A_1932 : vector<16xf32>
      %add3A_1934 = arith.constant 16 : i32
      %add3A_1935 = arith.addi %mul3A_1323, %add3A_1934 : i32
      %add3A_1936 = arith.constant 9 : i32
      %add3A_1937 = arith.addi %add3A_1935, %add3A_1936 : i32
      %broadcast_in_dim3A_1938 = vector.broadcast %add3A_1937 : i32 to vector<16xi32>
      %gather3A_1939 = tpu.vector_load_idx %arg31[%broadcast_in_dim3A_1938] : memref<12288xf32, #tpu.memory_space<vmem>>[vector<16xi32>], vector<16xf32>,
      %get3A_1940 = arith.constant 144 : index
      %get3A_1941 = tpu.vector_load %arg29[%get3A_1940] {strides = array<i32>} : memref<512xf32, #tpu.memory_space<vmem>>, vector<16xf32>,
      %mul3A_1942 = arith.mulf %gather3A_1939, %get3A_1941 : vector<16xf32>
      %add3A_1943 = arith.addf %add3A_1933, %mul3A_1942 : vector<16xf32>
      %add3A_1944 = arith.constant 16 : i32
      %add3A_1945 = arith.addi %mul3A_1323, %add3A_1944 : i32
      %add3A_1946 = arith.constant 10 : i32
      %add3A_1947 = arith.addi %add3A_1945, %add3A_1946 : i32
      %broadcast_in_dim3A_1948 = vector.broadcast %add3A_1947 : i32 to vector<16xi32>
      %gather3A_1949 = tpu.vector_load_idx %arg31[%broadcast_in_dim3A_1948] : memref<12288xf32, #tpu.memory_space<vmem>>[vector<16xi32>], vector<16xf32>,
      %get3A_1950 = arith.constant 160 : index
      %get3A_1951 = tpu.vector_load %arg29[%get3A_1950] {strides = array<i32>} : memref<512xf32, #tpu.memory_space<vmem>>, vector<16xf32>,
      %mul3A_1952 = arith.mulf %gather3A_1949, %get3A_1951 : vector<16xf32>
      %add3A_1953 = arith.addf %add3A_1943, %mul3A_1952 : vector<16xf32>
      %add3A_1954 = arith.constant 16 : i32
      %add3A_1955 = arith.addi %mul3A_1323, %add3A_1954 : i32
      %add3A_1956 = arith.constant 11 : i32
      %add3A_1957 = arith.addi %add3A_1955, %add3A_1956 : i32
      %broadcast_in_dim3A_1958 = vector.broadcast %add3A_1957 : i32 to vector<16xi32>
      %gather3A_1959 = tpu.vector_load_idx %arg31[%broadcast_in_dim3A_1958] : memref<12288xf32, #tpu.memory_space<vmem>>[vector<16xi32>], vector<16xf32>,
      %get3A_1960 = arith.constant 176 : index
      %get3A_1961 = tpu.vector_load %arg29[%get3A_1960] {strides = array<i32>} : memref<512xf32, #tpu.memory_space<vmem>>, vector<16xf32>,
      %mul3A_1962 = arith.mulf %gather3A_1959, %get3A_1961 : vector<16xf32>
      %add3A_1963 = arith.addf %add3A_1953, %mul3A_1962 : vector<16xf32>
      %add3A_1964 = arith.constant 16 : i32
      %add3A_1965 = arith.addi %mul3A_1323, %add3A_1964 : i32
      %add3A_1966 = arith.constant 12 : i32
      %add3A_1967 = arith.addi %add3A_1965, %add3A_1966 : i32
      %broadcast_in_dim3A_1968 = vector.broadcast %add3A_1967 : i32 to vector<16xi32>
      %gather3A_1969 = tpu.vector_load_idx %arg31[%broadcast_in_dim3A_1968] : memref<12288xf32, #tpu.memory_space<vmem>>[vector<16xi32>], vector<16xf32>,
      %get3A_1970 = arith.constant 192 : index
      %get3A_1971 = tpu.vector_load %arg29[%get3A_1970] {strides = array<i32>} : memref<512xf32, #tpu.memory_space<vmem>>, vector<16xf32>,
      %mul3A_1972 = arith.mulf %gather3A_1969, %get3A_1971 : vector<16xf32>
      %add3A_1973 = arith.addf %add3A_1963, %mul3A_1972 : vector<16xf32>
      %add3A_1974 = arith.constant 16 : i32
      %add3A_1975 = arith.addi %mul3A_1323, %add3A_1974 : i32
      %add3A_1976 = arith.constant 13 : i32
      %add3A_1977 = arith.addi %add3A_1975, %add3A_1976 : i32
      %broadcast_in_dim3A_1978 = vector.broadcast %add3A_1977 : i32 to vector<16xi32>
      %gather3A_1979 = tpu.vector_load_idx %arg31[%broadcast_in_dim3A_1978] : memref<12288xf32, #tpu.memory_space<vmem>>[vector<16xi32>], vector<16xf32>,
      %get3A_1980 = arith.constant 208 : index
      %get3A_1981 = tpu.vector_load %arg29[%get3A_1980] {strides = array<i32>} : memref<512xf32, #tpu.memory_space<vmem>>, vector<16xf32>,
      %mul3A_1982 = arith.mulf %gather3A_1979, %get3A_1981 : vector<16xf32>
      %add3A_1983 = arith.addf %add3A_1973, %mul3A_1982 : vector<16xf32>
      %add3A_1984 = arith.constant 16 : i32
      %add3A_1985 = arith.addi %mul3A_1323, %add3A_1984 : i32
      %add3A_1986 = arith.constant 14 : i32
      %add3A_1987 = arith.addi %add3A_1985, %add3A_1986 : i32
      %broadcast_in_dim3A_1988 = vector.broadcast %add3A_1987 : i32 to vector<16xi32>
      %gather3A_1989 = tpu.vector_load_idx %arg31[%broadcast_in_dim3A_1988] : memref<12288xf32, #tpu.memory_space<vmem>>[vector<16xi32>], vector<16xf32>,
      %get3A_1990 = arith.constant 224 : index
      %get3A_1991 = tpu.vector_load %arg29[%get3A_1990] {strides = array<i32>} : memref<512xf32, #tpu.memory_space<vmem>>, vector<16xf32>,
      %mul3A_1992 = arith.mulf %gather3A_1989, %get3A_1991 : vector<16xf32>
      %add3A_1993 = arith.addf %add3A_1983, %mul3A_1992 : vector<16xf32>
      %add3A_1994 = arith.constant 16 : i32
      %add3A_1995 = arith.addi %mul3A_1323, %add3A_1994 : i32
      %add3A_1996 = arith.constant 15 : i32
      %add3A_1997 = arith.addi %add3A_1995, %add3A_1996 : i32
      %broadcast_in_dim3A_1998 = vector.broadcast %add3A_1997 : i32 to vector<16xi32>
      %gather3A_1999 = tpu.vector_load_idx %arg31[%broadcast_in_dim3A_1998] : memref<12288xf32, #tpu.memory_space<vmem>>[vector<16xi32>], vector<16xf32>,
      %get3A_2000 = arith.constant 240 : index
      %get3A_2001 = tpu.vector_load %arg29[%get3A_2000] {strides = array<i32>} : memref<512xf32, #tpu.memory_space<vmem>>, vector<16xf32>,
      %mul3A_2002 = arith.mulf %gather3A_1999, %get3A_2001 : vector<16xf32>
      %add3A_2003 = arith.addf %add3A_1993, %mul3A_2002 : vector<16xf32>
      %add3A_2004 = arith.constant 16 : i32
      %add3A_2005 = arith.addi %mul3A_1323, %add3A_2004 : i32
      %add3A_2006 = arith.constant 16 : i32
      %add3A_2007 = arith.addi %add3A_2005, %add3A_2006 : i32
      %broadcast_in_dim3A_2008 = vector.broadcast %add3A_2007 : i32 to vector<16xi32>
      %gather3A_2009 = tpu.vector_load_idx %arg31[%broadcast_in_dim3A_2008] : memref<12288xf32, #tpu.memory_space<vmem>>[vector<16xi32>], vector<16xf32>,
      %get3A_2010 = arith.constant 256 : index
      %get3A_2011 = tpu.vector_load %arg29[%get3A_2010] {strides = array<i32>} : memref<512xf32, #tpu.memory_space<vmem>>, vector<16xf32>,
      %mul3A_2012 = arith.mulf %gather3A_2009, %get3A_2011 : vector<16xf32>
      %add3A_2013 = arith.addf %add3A_2003, %mul3A_2012 : vector<16xf32>
      %add3A_2014 = arith.constant 16 : i32
      %add3A_2015 = arith.addi %mul3A_1323, %add3A_2014 : i32
      %add3A_2016 = arith.constant 17 : i32
      %add3A_2017 = arith.addi %add3A_2015, %add3A_2016 : i32
      %broadcast_in_dim3A_2018 = vector.broadcast %add3A_2017 : i32 to vector<16xi32>
      %gather3A_2019 = tpu.vector_load_idx %arg31[%broadcast_in_dim3A_2018] : memref<12288xf32, #tpu.memory_space<vmem>>[vector<16xi32>], vector<16xf32>,
      %get3A_2020 = arith.constant 272 : index
      %get3A_2021 = tpu.vector_load %arg29[%get3A_2020] {strides = array<i32>} : memref<512xf32, #tpu.memory_space<vmem>>, vector<16xf32>,
      %mul3A_2022 = arith.mulf %gather3A_2019, %get3A_2021 : vector<16xf32>
      %add3A_2023 = arith.addf %add3A_2013, %mul3A_2022 : vector<16xf32>
      %add3A_2024 = arith.constant 16 : i32
      %add3A_2025 = arith.addi %mul3A_1323, %add3A_2024 : i32
      %add3A_2026 = arith.constant 18 : i32
      %add3A_2027 = arith.addi %add3A_2025, %add3A_2026 : i32
      %broadcast_in_dim3A_2028 = vector.broadcast %add3A_2027 : i32 to vector<16xi32>
      %gather3A_2029 = tpu.vector_load_idx %arg31[%broadcast_in_dim3A_2028] : memref<12288xf32, #tpu.memory_space<vmem>>[vector<16xi32>], vector<16xf32>,
      %get3A_2030 = arith.constant 288 : index
      %get3A_2031 = tpu.vector_load %arg29[%get3A_2030] {strides = array<i32>} : memref<512xf32, #tpu.memory_space<vmem>>, vector<16xf32>,
      %mul3A_2032 = arith.mulf %gather3A_2029, %get3A_2031 : vector<16xf32>
      %add3A_2033 = arith.addf %add3A_2023, %mul3A_2032 : vector<16xf32>
      %add3A_2034 = arith.constant 16 : i32
      %add3A_2035 = arith.addi %mul3A_1323, %add3A_2034 : i32
      %add3A_2036 = arith.constant 19 : i32
      %add3A_2037 = arith.addi %add3A_2035, %add3A_2036 : i32
      %broadcast_in_dim3A_2038 = vector.broadcast %add3A_2037 : i32 to vector<16xi32>
      %gather3A_2039 = tpu.vector_load_idx %arg31[%broadcast_in_dim3A_2038] : memref<12288xf32, #tpu.memory_space<vmem>>[vector<16xi32>], vector<16xf32>,
      %get3A_2040 = arith.constant 304 : index
      %get3A_2041 = tpu.vector_load %arg29[%get3A_2040] {strides = array<i32>} : memref<512xf32, #tpu.memory_space<vmem>>, vector<16xf32>,
      %mul3A_2042 = arith.mulf %gather3A_2039, %get3A_2041 : vector<16xf32>
      %add3A_2043 = arith.addf %add3A_2033, %mul3A_2042 : vector<16xf32>
      %add3A_2044 = arith.constant 16 : i32
      %add3A_2045 = arith.addi %mul3A_1323, %add3A_2044 : i32
      %add3A_2046 = arith.constant 20 : i32
      %add3A_2047 = arith.addi %add3A_2045, %add3A_2046 : i32
      %broadcast_in_dim3A_2048 = vector.broadcast %add3A_2047 : i32 to vector<16xi32>
      %gather3A_2049 = tpu.vector_load_idx %arg31[%broadcast_in_dim3A_2048] : memref<12288xf32, #tpu.memory_space<vmem>>[vector<16xi32>], vector<16xf32>,
      %get3A_2050 = arith.constant 320 : index
      %get3A_2051 = tpu.vector_load %arg29[%get3A_2050] {strides = array<i32>} : memref<512xf32, #tpu.memory_space<vmem>>, vector<16xf32>,
      %mul3A_2052 = arith.mulf %gather3A_2049, %get3A_2051 : vector<16xf32>
      %add3A_2053 = arith.addf %add3A_2043, %mul3A_2052 : vector<16xf32>
      %add3A_2054 = arith.constant 16 : i32
      %add3A_2055 = arith.addi %mul3A_1323, %add3A_2054 : i32
      %add3A_2056 = arith.constant 21 : i32
      %add3A_2057 = arith.addi %add3A_2055, %add3A_2056 : i32
      %broadcast_in_dim3A_2058 = vector.broadcast %add3A_2057 : i32 to vector<16xi32>
      %gather3A_2059 = tpu.vector_load_idx %arg31[%broadcast_in_dim3A_2058] : memref<12288xf32, #tpu.memory_space<vmem>>[vector<16xi32>], vector<16xf32>,
      %get3A_2060 = arith.constant 336 : index
      %get3A_2061 = tpu.vector_load %arg29[%get3A_2060] {strides = array<i32>} : memref<512xf32, #tpu.memory_space<vmem>>, vector<16xf32>,
      %mul3A_2062 = arith.mulf %gather3A_2059, %get3A_2061 : vector<16xf32>
      %add3A_2063 = arith.addf %add3A_2053, %mul3A_2062 : vector<16xf32>
      %add3A_2064 = arith.constant 16 : i32
      %add3A_2065 = arith.addi %mul3A_1323, %add3A_2064 : i32
      %add3A_2066 = arith.constant 22 : i32
      %add3A_2067 = arith.addi %add3A_2065, %add3A_2066 : i32
      %broadcast_in_dim3A_2068 = vector.broadcast %add3A_2067 : i32 to vector<16xi32>
      %gather3A_2069 = tpu.vector_load_idx %arg31[%broadcast_in_dim3A_2068] : memref<12288xf32, #tpu.memory_space<vmem>>[vector<16xi32>], vector<16xf32>,
      %get3A_2070 = arith.constant 352 : index
      %get3A_2071 = tpu.vector_load %arg29[%get3A_2070] {strides = array<i32>} : memref<512xf32, #tpu.memory_space<vmem>>, vector<16xf32>,
      %mul3A_2072 = arith.mulf %gather3A_2069, %get3A_2071 : vector<16xf32>
      %add3A_2073 = arith.addf %add3A_2063, %mul3A_2072 : vector<16xf32>
      %add3A_2074 = arith.constant 16 : i32
      %add3A_2075 = arith.addi %mul3A_1323, %add3A_2074 : i32
      %add3A_2076 = arith.constant 23 : i32
      %add3A_2077 = arith.addi %add3A_2075, %add3A_2076 : i32
      %broadcast_in_dim3A_2078 = vector.broadcast %add3A_2077 : i32 to vector<16xi32>
      %gather3A_2079 = tpu.vector_load_idx %arg31[%broadcast_in_dim3A_2078] : memref<12288xf32, #tpu.memory_space<vmem>>[vector<16xi32>], vector<16xf32>,
      %get3A_2080 = arith.constant 368 : index
      %get3A_2081 = tpu.vector_load %arg29[%get3A_2080] {strides = array<i32>} : memref<512xf32, #tpu.memory_space<vmem>>, vector<16xf32>,
      %mul3A_2082 = arith.mulf %gather3A_2079, %get3A_2081 : vector<16xf32>
      %add3A_2083 = arith.addf %add3A_2073, %mul3A_2082 : vector<16xf32>
      %add3A_2084 = arith.constant 16 : i32
      %add3A_2085 = arith.addi %mul3A_1323, %add3A_2084 : i32
      %add3A_2086 = arith.constant 24 : i32
      %add3A_2087 = arith.addi %add3A_2085, %add3A_2086 : i32
      %broadcast_in_dim3A_2088 = vector.broadcast %add3A_2087 : i32 to vector<16xi32>
      %gather3A_2089 = tpu.vector_load_idx %arg31[%broadcast_in_dim3A_2088] : memref<12288xf32, #tpu.memory_space<vmem>>[vector<16xi32>], vector<16xf32>,
      %get3A_2090 = arith.constant 384 : index
      %get3A_2091 = tpu.vector_load %arg29[%get3A_2090] {strides = array<i32>} : memref<512xf32, #tpu.memory_space<vmem>>, vector<16xf32>,
      %mul3A_2092 = arith.mulf %gather3A_2089, %get3A_2091 : vector<16xf32>
      %add3A_2093 = arith.addf %add3A_2083, %mul3A_2092 : vector<16xf32>
      %add3A_2094 = arith.constant 16 : i32
      %add3A_2095 = arith.addi %mul3A_1323, %add3A_2094 : i32
      %add3A_2096 = arith.constant 25 : i32
      %add3A_2097 = arith.addi %add3A_2095, %add3A_2096 : i32
      %broadcast_in_dim3A_2098 = vector.broadcast %add3A_2097 : i32 to vector<16xi32>
      %gather3A_2099 = tpu.vector_load_idx %arg31[%broadcast_in_dim3A_2098] : memref<12288xf32, #tpu.memory_space<vmem>>[vector<16xi32>], vector<16xf32>,
      %get3A_2100 = arith.constant 400 : index
      %get3A_2101 = tpu.vector_load %arg29[%get3A_2100] {strides = array<i32>} : memref<512xf32, #tpu.memory_space<vmem>>, vector<16xf32>,
      %mul3A_2102 = arith.mulf %gather3A_2099, %get3A_2101 : vector<16xf32>
      %add3A_2103 = arith.addf %add3A_2093, %mul3A_2102 : vector<16xf32>
      %add3A_2104 = arith.constant 16 : i32
      %add3A_2105 = arith.addi %mul3A_1323, %add3A_2104 : i32
      %add3A_2106 = arith.constant 26 : i32
      %add3A_2107 = arith.addi %add3A_2105, %add3A_2106 : i32
      %broadcast_in_dim3A_2108 = vector.broadcast %add3A_2107 : i32 to vector<16xi32>
      %gather3A_2109 = tpu.vector_load_idx %arg31[%broadcast_in_dim3A_2108] : memref<12288xf32, #tpu.memory_space<vmem>>[vector<16xi32>], vector<16xf32>,
      %get3A_2110 = arith.constant 416 : index
      %get3A_2111 = tpu.vector_load %arg29[%get3A_2110] {strides = array<i32>} : memref<512xf32, #tpu.memory_space<vmem>>, vector<16xf32>,
      %mul3A_2112 = arith.mulf %gather3A_2109, %get3A_2111 : vector<16xf32>
      %add3A_2113 = arith.addf %add3A_2103, %mul3A_2112 : vector<16xf32>
      %add3A_2114 = arith.constant 16 : i32
      %add3A_2115 = arith.addi %mul3A_1323, %add3A_2114 : i32
      %add3A_2116 = arith.constant 27 : i32
      %add3A_2117 = arith.addi %add3A_2115, %add3A_2116 : i32
      %broadcast_in_dim3A_2118 = vector.broadcast %add3A_2117 : i32 to vector<16xi32>
      %gather3A_2119 = tpu.vector_load_idx %arg31[%broadcast_in_dim3A_2118] : memref<12288xf32, #tpu.memory_space<vmem>>[vector<16xi32>], vector<16xf32>,
      %get3A_2120 = arith.constant 432 : index
      %get3A_2121 = tpu.vector_load %arg29[%get3A_2120] {strides = array<i32>} : memref<512xf32, #tpu.memory_space<vmem>>, vector<16xf32>,
      %mul3A_2122 = arith.mulf %gather3A_2119, %get3A_2121 : vector<16xf32>
      %add3A_2123 = arith.addf %add3A_2113, %mul3A_2122 : vector<16xf32>
      %add3A_2124 = arith.constant 16 : i32
      %add3A_2125 = arith.addi %mul3A_1323, %add3A_2124 : i32
      %add3A_2126 = arith.constant 28 : i32
      %add3A_2127 = arith.addi %add3A_2125, %add3A_2126 : i32
      %broadcast_in_dim3A_2128 = vector.broadcast %add3A_2127 : i32 to vector<16xi32>
      %gather3A_2129 = tpu.vector_load_idx %arg31[%broadcast_in_dim3A_2128] : memref<12288xf32, #tpu.memory_space<vmem>>[vector<16xi32>], vector<16xf32>,
      %get3A_2130 = arith.constant 448 : index
      %get3A_2131 = tpu.vector_load %arg29[%get3A_2130] {strides = array<i32>} : memref<512xf32, #tpu.memory_space<vmem>>, vector<16xf32>,
      %mul3A_2132 = arith.mulf %gather3A_2129, %get3A_2131 : vector<16xf32>
      %add3A_2133 = arith.addf %add3A_2123, %mul3A_2132 : vector<16xf32>
      %add3A_2134 = arith.constant 16 : i32
      %add3A_2135 = arith.addi %mul3A_1323, %add3A_2134 : i32
      %add3A_2136 = arith.constant 29 : i32
      %add3A_2137 = arith.addi %add3A_2135, %add3A_2136 : i32
      %broadcast_in_dim3A_2138 = vector.broadcast %add3A_2137 : i32 to vector<16xi32>
      %gather3A_2139 = tpu.vector_load_idx %arg31[%broadcast_in_dim3A_2138] : memref<12288xf32, #tpu.memory_space<vmem>>[vector<16xi32>], vector<16xf32>,
      %get3A_2140 = arith.constant 464 : index
      %get3A_2141 = tpu.vector_load %arg29[%get3A_2140] {strides = array<i32>} : memref<512xf32, #tpu.memory_space<vmem>>, vector<16xf32>,
      %mul3A_2142 = arith.mulf %gather3A_2139, %get3A_2141 : vector<16xf32>
      %add3A_2143 = arith.addf %add3A_2133, %mul3A_2142 : vector<16xf32>
      %add3A_2144 = arith.constant 16 : i32
      %add3A_2145 = arith.addi %mul3A_1323, %add3A_2144 : i32
      %add3A_2146 = arith.constant 30 : i32
      %add3A_2147 = arith.addi %add3A_2145, %add3A_2146 : i32
      %broadcast_in_dim3A_2148 = vector.broadcast %add3A_2147 : i32 to vector<16xi32>
      %gather3A_2149 = tpu.vector_load_idx %arg31[%broadcast_in_dim3A_2148] : memref<12288xf32, #tpu.memory_space<vmem>>[vector<16xi32>], vector<16xf32>,
      %get3A_2150 = arith.constant 480 : index
      %get3A_2151 = tpu.vector_load %arg29[%get3A_2150] {strides = array<i32>} : memref<512xf32, #tpu.memory_space<vmem>>, vector<16xf32>,
      %mul3A_2152 = arith.mulf %gather3A_2149, %get3A_2151 : vector<16xf32>
      %add3A_2153 = arith.addf %add3A_2143, %mul3A_2152 : vector<16xf32>
      %add3A_2154 = arith.constant 16 : i32
      %add3A_2155 = arith.addi %mul3A_1323, %add3A_2154 : i32
      %add3A_2156 = arith.constant 31 : i32
      %add3A_2157 = arith.addi %add3A_2155, %add3A_2156 : i32
      %broadcast_in_dim3A_2158 = vector.broadcast %add3A_2157 : i32 to vector<16xi32>
      %gather3A_2159 = tpu.vector_load_idx %arg31[%broadcast_in_dim3A_2158] : memref<12288xf32, #tpu.memory_space<vmem>>[vector<16xi32>], vector<16xf32>,
      %get3A_2160 = arith.constant 496 : index
      %get3A_2161 = tpu.vector_load %arg29[%get3A_2160] {strides = array<i32>} : memref<512xf32, #tpu.memory_space<vmem>>, vector<16xf32>,
      %mul3A_2162 = arith.mulf %gather3A_2159, %get3A_2161 : vector<16xf32>
      %add3A_2163 = arith.addf %add3A_2153, %mul3A_2162 : vector<16xf32>
      %max3A_2164 = arith.constant 0.000000e+00 : f32
      %max3A_2165 = vector.broadcast %max3A_2164 : f32 to vector<16xf32>
      %max3A_2166 = arith.maximumf %add3A_2163, %max3A_2165 : vector<16xf32>
      %swap3A_2167 = arith.index_cast %mul3A_1323 : i32 to index
      %swap3A_2168 = tpu.vector_load %arg31[%swap3A_2167] {strides = array<i32>} : memref<12288xf32, #tpu.memory_space<vmem>>, vector<16xf32>,
      tpu.vector_store %arg31[%swap3A_2167], %max3A_2166 {strides = array<i32>} : memref<12288xf32, #tpu.memory_space<vmem>>, vector<16xf32>,
      %scan3A_2169 = arith.constant 0 : i32
      scf.yield %scan3A_2169 : i32
    }
    %scan3A_1281 = arith.constant 256 : i32
    %mul3A_1282 = arith.constant 4096 : i32
    %mul3A_1283 = arith.muli %arg0, %mul3A_1282 : i32
    %mul3A_1284 = arith.constant 256 : i32
    %mul3A_1285 = arith.muli %arg1, %mul3A_1284 : i32
    %add3A_1286 = arith.addi %mul3A_1283, %mul3A_1285 : i32
    %mul3A_1287 = arith.constant 48 : i32
    %mul3A_1288 = arith.muli %add3A_1286, %mul3A_1287 : i32
    "tpu.region"() ({
      %run_scoped3A = tpu.sem_alloc : memref<!tpu.dma_semaphore, #tpu.memory_space<semaphore_mem>>
      %dma_start3A = tpu.memref_slice %arg13[%mul3A_1288] : memref<393216xf32, #tpu.memory_space<hbm>> -> memref<12288xf32, #tpu.memory_space<hbm>>
      %dma_start3A_1289 = tpu.memref_slice %arg13[%mul3A_1288] : memref<393216xf32, #tpu.memory_space<hbm>> -> memref<12288xf32, #tpu.memory_space<hbm>>
      tpu.enqueue_dma source(%arg31 : memref<12288xf32, #tpu.memory_space<vmem>>) target(%dma_start3A_1289 : memref<12288xf32, #tpu.memory_space<hbm>>) target_semaphore(%run_scoped3A : memref<!tpu.dma_semaphore, #tpu.memory_space<semaphore_mem>>)
      %dma_wait3A = tpu.memref_slice %arg13[%mul3A_1288] : memref<393216xf32, #tpu.memory_space<hbm>> -> memref<12288xf32, #tpu.memory_space<hbm>>
      %dma_wait3A_1290 = tpu.memref_slice %arg13[%mul3A_1288] : memref<393216xf32, #tpu.memory_space<hbm>> -> memref<12288xf32, #tpu.memory_space<hbm>>
      tpu.wait_dma2 semaphore(%run_scoped3A : memref<!tpu.dma_semaphore, #tpu.memory_space<semaphore_mem>>) src(%arg31 : memref<12288xf32, #tpu.memory_space<vmem>>) dst(%dma_wait3A_1290 : memref<12288xf32, #tpu.memory_space<hbm>>)
      tpu.yield
    }) : () -> ()
    return
  }
}

</mosaic_0001>

<sc_bundles>
// kernel: kernel.3.cloned.1.call-start
scs
__scs_entry_jumppad:
0x0: {  	(pc) =	sbr.rel $0x88, $3  }
0x1: {  	(tag) =	ssettag $0x0;
	lr =	simm.s32 $0x1  }
0x2: {  	[smem:$0x3F99] =	sst lr;
	_ =	strace $0xD0000000  }
0x3: {  	_ = 	snop  }
0x4: {  	_ = 	snop  }
0x5: {  	_ = 	snop  }
0x6: {  	_ = 	snop  }
0x7: {  	_ = 	snop  }
__scs_overlays_trampoline_lowered:
0x8: {  	[smem:$0x3FA8] =	sst s0  }
0x9: {  	[smem:$0x3FA9] =	sst s1  }
0xa: {  	[smem:$0x3FAA] =	sst s2  }
0xb: {  	[smem:$0x3FAB] =	sst s3  }
0xc: {  	[smem:$0x3FAC] =	sst s4  }
0xd: {  	[smem:$0x3FAD] =	sst s5  }
0xe: {  	[smem:$0x3FAE] =	sst s6  }
0xf: {  	[smem:$0x3FAF] =	sst s7  }
0x10: {  	[smem:$0x3FB0] =	sst s8  }
0x11: {  	[smem:$0x3FB1] =	sst s9;
	s0 =	simm.s32 @!p0 $0x0  }
0x12: {  	s1 =	sld [smem:$0x3F97];
	s0 =	simm.s32 @p0 $0x1  }
0x13: {  	[smem:$0x3FB2] =	sst s0;
	s0 =	simm.s32 @!p1 $0x0  }
0x14: {  	s2 =	sld [smem:$0x3F96];
	s0 =	simm.s32 @p1 $0x1  }
0x15: {  	[smem:$0x3FB3] =	sst s0;
	s0 =	simm.s32 @!p2 $0x0  }
0x16: {  	s3 =	sld [smem:$0x3FDB];
	s0 =	simm.s32 @p2 $0x1  }
0x17: {  	s4 =	simm.s32 $0x1BF5;
	[smem:$0x3FB5] =	sst s0  }
0x18: {  	s0 =	sld [smem:$0x3F98];
	_ =	swait.ge [sflag:s4], $0x0  }
0x19: {  	s7 =	sld [smem:$0x3F99]  }
0x1a: {  	s8 =	sadd.s32 $0xFFFFE003, lr  }
0x1b: {  	s9 =	sadd.s32 $0xFFFFFEF7, lr;
	s5 =	simm.s32 $0xFFFFFFFF;
	p2 =	slt.u32 s8, $0xFFFFF086  }
0x1c: {  	p1 =	slt.u32 s9, $0xF7A;
	s5 =	simm.s32 @!p2 $0x0  }
0x1d: {  	s5 =	simm.s32 @p1 $0x1;
	p0 =	seq.s32 s7, s2  }
0x1e: {  	s7 =	smul.u32 @!p0 $0xF7A, s2;
	p2 =	seq.s32 @!p0 s5, $0x0  }
0x1f: {  	s9 =	smul.u32 $0xF7A, s1;
	s8 =	simm.s32 @!p0 $0x1BF5;
	p2 =	por !p2, p0  }
0x20: {  	[sflag:s8] =	ssyncset.s32 @!p0 $0xFFFFF086;
	s6 =	sadd.s32 @!p0 s3, s7;
	s7 =	simm.s32 @!p0 $0x108  }
0x21: {  	s3 =	sadd.s32 s3, s9;
	s6 =	sadd.s32 @!p0 $0x88, s6;
	s7 =	simm.s32 @p2 $0x1082  }
0x22: {  	[simem:s7], [sflag:s8] =	dma.local @!p0 [hbm:s6], $0xF7A  }
0x23: {  	s9 =	sor.u32 $0xD0000000, s2;
	s6 =	simm.s32 $0x108;
	_ =	swait.ge @!p0 [sflag:s8], $0x0  }
0x24: {  	s3 =	sadd.s32 $0x88, s3;
	s6 =	simm.s32 @!p1 $0x1082;
	[sflag:s4] =	ssyncset.s32 $0xFFFFF086  }
0x25: {  	[simem:s6], [sflag:s4] =	dma.local [hbm:s3], $0xF7A  }
0x26: {  	[smem:$0x3F99] =	sst s1;
	(tag) =	ssettag s2;
	_ =	strace s9  }
0x27: {  	s1 =	sld [smem:$0x3FA9]  }
0x28: {  	s2 =	sld [smem:$0x3FAA]  }
0x29: {  	s4 =	sld [smem:$0x3FAC]  }
0x2a: {  	p0 =	seq.s32 s5, $0x0;
	s5 =	sld [smem:$0x3FAD]  }
0x2b: {  	s6 =	sld [smem:$0x3FAE]  }
0x2c: {  	s7 =	sld [smem:$0x3FAF]  }
0x2d: {  	s3 =	simm.s32 $0x108;
	s8 =	sld [smem:$0x3FB0]  }
0x2e: {  	s3 =	simm.s32 @!p0 $0x1082;
	s9 =	sld [smem:$0x3FB1]  }
0x2f: {  	lr =	sadd.s32 s0, s3;
	s0 =	sld [smem:$0x3FA8]  }
0x30: {  	s3 =	sld [smem:$0x3FAB]  }
0x31: {  	[smem:$0x3FB4] =	sst s10  }
0x32: {  	s10 =	sld [smem:$0x3FB2];
	_ =	sdelay $0x3  }
0x33: {  	p0 =	seq.s32 s10, $0x1;
	s10 =	sld [smem:$0x3FB4];
	_ =	sdelay $0x3  }
0x34: {  	[smem:$0x3FB4] =	sst s10  }
0x35: {  	s10 =	sld [smem:$0x3FB3];
	_ =	sdelay $0x3  }
0x36: {  	p1 =	seq.s32 s10, $0x1;
	s10 =	sld [smem:$0x3FB4];
	_ =	sdelay $0x3  }
0x37: {  	[smem:$0x3FB4] =	sst s10  }
0x38: {  	s10 =	sld [smem:$0x3FB5]  }
0x39: {  	_ = 	snop;
	(pc) =	sbr.ind lr, $3  }
0x3a: {  	_ = 	snop  }
0x3b: {  	_ = 	snop  }
0x3c: {  	p2 =	seq.s32 s10, $0x1;
	s10 =	sld [smem:$0x3FB4]  }
0x3d: {  	_ =	shalt  }
0x3e: {  	_ =	shalt  }
0x3f: {  	_ =	shalt  }
0x40: {  	_ =	shalt  }
0x41: {  	_ =	shalt  }
0x42: {  	_ =	shalt  }
0x43: {  	_ =	shalt  }
0x44: {  	_ =	shalt  }
0x45: {  	_ =	shalt  }
0x46: {  	_ =	shalt  }
0x47: {  	_ =	shalt  }
0x48: {  	_ =	shalt  }
0x49: {  	_ =	shalt  }
0x4a: {  	_ =	shalt  }
0x4b: {  	_ =	shalt  }
0x4c: {  	_ =	shalt  }
0x4d: {  	_ =	shalt  }
0x4e: {  	_ =	shalt  }
0x4f: {  	_ =	shalt  }
0x50: {  	_ =	shalt  }
0x51: {  	_ =	shalt  }
0x52: {  	_ =	shalt  }
0x53: {  	_ =	shalt  }
0x54: {  	_ =	shalt  }
0x55: {  	_ =	shalt  }
0x56: {  	_ =	shalt  }
0x57: {  	_ =	shalt  }
0x58: {  	_ =	shalt  }
0x59: {  	_ =	shalt  }
0x5a: {  	_ =	shalt  }
0x5b: {  	_ =	shalt  }
0x5c: {  	_ =	shalt  }
0x5d: {  	_ =	shalt  }
0x5e: {  	_ =	shalt  }
0x5f: {  	_ =	shalt  }
0x60: {  	_ =	shalt  }
0x61: {  	_ =	shalt  }
0x62: {  	_ =	shalt  }
0x63: {  	_ =	shalt  }
0x64: {  	_ =	shalt  }
0x65: {  	_ =	shalt  }
0x66: {  	_ =	shalt  }
0x67: {  	_ =	shalt  }
0x68: {  	_ =	shalt  }
0x69: {  	_ =	shalt  }
0x6a: {  	_ =	shalt  }
0x6b: {  	_ =	shalt  }
0x6c: {  	_ =	shalt  }
0x6d: {  	_ =	shalt  }
0x6e: {  	_ =	shalt  }
0x6f: {  	_ =	shalt  }
0x70: {  	_ =	shalt  }
0x71: {  	_ =	shalt  }
0x72: {  	_ =	shalt  }
0x73: {  	_ =	shalt  }
0x74: {  	_ =	shalt  }
0x75: {  	_ =	shalt  }
0x76: {  	_ =	shalt  }
0x77: {  	_ =	shalt  }
0x78: {  	_ =	shalt  }
0x79: {  	_ =	shalt  }
0x7a: {  	_ =	shalt  }
0x7b: {  	_ =	shalt  }
0x7c: {  	_ =	shalt  }
0x7d: {  	_ =	shalt  }
0x7e: {  	_ =	shalt  }
0x7f: {  	_ =	shalt  }
0x80: {  	_ =	shalt  }
0x81: {  	_ =	shalt  }
0x82: {  	_ =	shalt  }
0x83: {  	_ =	shalt  }
0x84: {  	_ =	shalt  }
0x85: {  	_ =	shalt  }
0x86: {  	_ =	shalt  }
0x87: {  	_ =	shalt  }
.Lfunc_end0:
.L_simem_size_0:
called_computation_lowered:
.L_overlay_start_0:
0x88: {  	s2 =	sld [smem:$0x3FD9]  }
0x89: {  	s3 =	sld [smem:$0x3FFE];
	_ =	sdelay $0x1  }
0x8a: {  	s1 =	srdreg.scid  }
0x8b: {  	s0 =	sand.u32 $0x1, s1  }
0x8c: {  	s17 =	sshll.u32 s0, $0xA;
	s2 =	sadd.s32 s3, s2  }
0x8d: {  	s2 =	sadd.s32 s2, s17  }
0x8e: {  	[smem:$0x3FC0] =	sst s2  }
0x8f: {  	_ = 	snop  }
0x90: {  	s2 =	sld [smem:$0x3FC2]  }
0x91: {  	s18 =	sld [smem:$0x3FD0];
	(tm) =	ssettm $0x1  }
0x92: {  	s4 =	sld [smem:$0x3FFB];
	_ =	sdelay $0x3  }
0x93: {  	_ =	strace s4  }
0x94: {  	s4 =	sld [smem:$0x3FFC];
	_ =	sdelay $0x3  }
0x95: {  	_ =	strace s4  }
0x96: {  	s4 =	sld [smem:$0x3FFD];
	_ =	sdelay $0x3  }
0x97: {  	_ =	strace s4  }
0x98: {  	_ =	strace $0x8FFFFFFF  }
0x99: {  	s19 =	sld [smem:$0x3FDB];
	_ =	sdelay $0x1  }
0x9a: {  	s5 =	simm.s32 $_scs_section_size  }
0x9b: {  	s6 =	simm.s32 $_size__tile_overlayer_lowered;
	s7 =	simm.s32 $_tile_overlayer_lowered  }
0x9c: {  	s22 =	simm.s32 $0x1BFF;
	s21 =	sshll.u32 s7, $0x1;
	s4 =	sadd.s32 s5, s19  }
0x9d: {  	s8 =	simm.s32 $0x0;
	s20 =	sshll.u32 s6, $0x1;
	s6 =	sadd.s32 s21, s4  }
0x9e: {  	[timem:s8], [sflag:s22] =	dma.local [hbm:s6], s20  }
0x9f: {  	_ =	swait.ge [sflag:s22], s20  }
0xa0: {  	s5 =	ssub.s32 $0x0, s20;
	[sflag:s22] =	ssyncset.done $0x0  }
0xa1: {  	[sflag:s22] =	ssyncadd.s32 s5;
	_ =	sdelay $0x1  }
0xa2: {  	s23 =	simm.s32 $0x1B8B  }
0xa3: {  	_ =	swait.ge [sflag:s23], $0x1  }
0xa4: {  	[sflag:s23] =	ssyncset.done $0x0  }
0xa5: {  	s25 =	simm.s32 $0x1B8E;
	s24 =	sld [smem:$0x3FFE];
	[sflag:s23] =	ssyncadd.s32 $0xFFFFFFFF  }
0xa6: {  	s26 =	simm.s32 $execute0_lowered;
	[smem:$0x3FD2] =	sst s25  }
0xa7: {  	s6 =	sshll.u32 s26, $0x1;
	_ =	strace $0x80000046;
	[dreg:$0x1] =	wrdreg $0xFFFFFFFF  }
0xa8: {  	s28 =	simm.s32 $_size_execute0_lowered;
	s4 =	sadd.s32 s4, s6;
	[dreg:$0x0] =	wrdreg $0x0  }
0xa9: {  	s6 =	sshll.u32 s28, $0x1;
	[dreg:$0x2] =	wrdreg s4  }
0xaa: {  	[dreg:$0x3] =	wrdreg s6  }
0xab: {  	[dreg:$0x4] =	wrdreg $0xC0  }
0xac: {  	_ =	task [dreg:s8], $0x5FFFF  }
0xad: {  	[dreg:$0x1] =	wrdreg $0xFFFFFFFF  }
0xae: {  	[dreg:$0x0] =	wrdreg $0x60  }
0xaf: {  	[dreg:$0x2] =	wrdreg s24  }
0xb0: {  	[dreg:$0x3] =	wrdreg s2  }
0xb1: {  	[dreg:$0x4] =	wrdreg s18  }
0xb2: {  	[dreg:$0x5] =	wrdreg $0x9  }
0xb3: {  	_ =	task.clear_ibuf [dreg:s8], $0x6FFFF;
	_ =	strace $0x90000046  }
0xb4: {  	s29 =	simm.s32 $0x9;
	_ =	strace $0x80000048  }
0xb5: {  	_ =	swait.ge [sflag:s29], $0x1  }
0xb6: {  	[sflag:s29] =	ssyncadd.s32 $0xFFFFFFFF  }
0xb7: {  	_ =	strace $0x90000048  }
0xb8: {  	_ =	sfence  }
0xb9: {  	s30 =	sld [smem:$0x0];
	_ =	sdelay $0x2  }
0xba: {  	s31 =	sshll.u32 s1, $0xD;
	s1 =	sshrl.u32 s1, $0x2  }
0xbb: {  	s3 =	sand.u32 $0x4000, s31;
	s1 =	sadd.s32 s1, s30  }
0xbc: {  	s0 =	sor.u32 s3, s0;
	s1 =	sshll.u32 s1, $0x11  }
0xbd: {  	s0 =	sor.u32 s1, s0  }
0xbe: {  	s0 =	sadd.s32 $0x8F2B, s0  }
0xbf: {  	[sflag:s0] =	ssyncadd.remote.s32 $0x1  }
0xc0: {  	_ =	sfence.sel $0xFFFF  }
0xc1: {  	[dreg:$0x0] =	wrdreg $0xFFFFFFFF;
	(pc) =	sbr.abs _section_cstart, $3  }
0xc2: {  	[dreg:$0x1] =	wrdreg $0xFFFFFFFF  }
0xc3: {  	_ =	task.clear_ibuf [dreg:s8], $0x2FFFF;
	_ =	strace $0x9FFFFFFF  }
0xc4: {  	(tm) =	ssettm $0x7FFFFFFF  }
0xc5: {  	_ =	shalt  }
tec
execute0_lowered:
.L_overlay_start_1:
0x0: {  	(tag) =	ssettag $0x1  }
0x1: {  	v0 =	vlaneseq.u32  }
0x2: {  	v60 =	vimm.s32 $0x8;
	v61 =	vimm.s32 $0x10;
	v8 =	vimm.s32 $0x12  }
0x3: {  	v9 =	vimm.s32 $0x3;
	v10 =	vimm.s32 $0xB;
	v11 =	vimm.s32 $0x13  }
0x4: {  	s0 =	rddreg [dreg:$0x0];
	v12 =	vimm.s32 $0x4;
	v13 =	vimm.s32 $0xC;
	v14 =	vimm.s32 $0x14  }
0x5: {  	s1 =	rddreg [dreg:$0x2];
	s3 =	srdreg.scid;
	s2 =	simm.s32 $0x0;
	v15 =	vimm.s32 $0x5;
	v16 =	vimm.s32 $0xD;
	v17 =	vimm.s32 $0x15  }
0x6: {  	v18 =	vimm.s32 $0x6;
	s9 =	stileid.u32;
	v19 =	vimm.s32 $0xE;
	v20 =	vimm.s32 $0x16;
	s17 =	simm.s32 $0x1;
	s18 =	simm.s32 $0x1000  }
0x7: {  	v21 =	vimm.s32 $0x7;
	v22 =	vimm.s32 $0xF;
	v23 =	vimm.s32 $0x17;
	s19 =	simm.s32 $0x2000;
	s23 =	simm.s32 $0x7C00;
	s26 =	simm.s32 $0x7E80  }
0x8: {  	v24 =	vimm.s32 $0x18;
	v25 =	vimm.s32 $0x20;
	v26 =	vimm.s32 $0x28;
	s28 =	simm.s32 $0x8080;
	s29 =	simm.s32 $0x8100;
	s30 =	simm.s32 $0x0  }
0x9: {  	v27 =	vimm.s32 $0x19;
	v28 =	vimm.s32 $0x21;
	v29 =	vimm.s32 $0x29;
	s6 =	sand.u32 $0x1, s3;
	[smem:$0x7FF] =	sst s2;
	s4 =	sadd.s32 $0xE00, s0  }
0xa: {  	v30 =	vimm.s32 $0x1A;
	v31 =	vimm.s32 $0x22;
	v32 =	vimm.s32 $0x2A;
	s5 =	sadd.s32 $0xC00, s0;
	s7 =	sadd.s32 $0x2000, s0;
	s8 =	sadd.s32 $0x800, s0  }
0xb: {  	v33 =	vimm.s32 $0x1B;
	v34 =	vimm.s32 $0x23;
	v35 =	vimm.s32 $0x2B;
	s9 =	sshll.u32 s9, $0x8;
	s10 =	sadd.s32 $0xA00, s0;
	s11 =	sadd.s32 $0x1200, s0  }
0xc: {  	v36 =	vimm.s32 $0x1C;
	v37 =	vimm.s32 $0x24;
	v38 =	vimm.s32 $0x2C;
	s3 =	sshll.u32 s6, $0x9;
	s12 =	ssub.s32 $0x2, s6;
	s6 =	sshll.u32 s6, $0xC  }
0xd: {  	v39 =	vimm.s32 $0x1D;
	v40 =	vimm.s32 $0x25;
	v41 =	vimm.s32 $0x2D;
	_ =	strace $0x80000047;
	s14 =	sadd.s32 s3, s0;
	s6 =	sor.u32 s9, s6  }
0xe: {  	v42 =	vimm.s32 $0x1E;
	v43 =	vimm.s32 $0x26;
	v0 =	vmul.u32 $0xFFFFFFFF, v0;
	s3 =	sadd.s32 $0x1000, s0;
	s13 =	sshrl.u32 s12, $0x1;
	s6 =	smul.u32 $0x6, s6  }
0xf: {  	v44 =	vimm.s32 $0x2E;
	v45 =	vimm.s32 $0x1F;
	v46 =	vimm.s32 $0x27;
	s31 =	ssub.s32 s12, s13;
	s12 =	sadd.s32 $0x1C00, s14;
	s13 =	sadd.s32 $0x1800, s14  }
0x10: {  	v47 =	vimm.s32 $0x2F;
	v48 =	vimm.f32 $0.0e+00;
	v2 =	vadd.s32 $0x3E8, v0;
	s14 =	sadd.s32 $0x1400, s14;
	s16 =	smax.u32 s31, $0x1;
	s15 =	sadd.s32 s1, s6  }
.LBB2_1:
0x11: {  	[tilespmem:s2], [sflag:$0x1] =	stream.linear.gather [hbm4b:s12+s2], $0x1000, $0x38;
	[tilespmem:$0xB100] =	vst v63  }
0x12: {  	_ =	swait.ge [sflag:s17], $0x1000  }
0x13: {  	[sflag:s17] =	ssyncset.done $0x0  }
0x14: {  	[sflag:s17] =	ssyncadd.s32 $0xFFFFF000  }
0x15: {  	[tilespmem:s18], [sflag:$0x1] =	stream.linear.gather [hbm4b:s13+s2], $0x1000, $0x38;
	[tilespmem:$0xB100] =	vst v63  }
0x16: {  	_ =	swait.ge [sflag:s17], $0x1000  }
0x17: {  	[sflag:s17] =	ssyncset.done $0x0  }
0x18: {  	[sflag:s17] =	ssyncadd.s32 $0xFFFFF000  }
0x19: {  	[tilespmem:s19], [sflag:$0x1] =	stream.linear.gather [hbm4b:s14+s2], $0x1000, $0x38;
	[tilespmem:$0xB100] =	vst v63  }
0x1a: {  	_ =	swait.ge [sflag:s17], $0x1000  }
0x1b: {  	[sflag:s17] =	ssyncset.done $0x0  }
0x1c: {  	s0 =	simm.s32 $0x7000;
	[sflag:s17] =	ssyncadd.s32 $0xFFFFF000  }
0x1d: {  	[tilespmem:s0], [sflag:$0x1] =	stream.linear.gather [hbm4b:s3+s2], $0x400, $0x38;
	[tilespmem:$0xB100] =	vst v63  }
0x1e: {  	_ =	swait.ge [sflag:s17], $0x400  }
0x1f: {  	[sflag:s17] =	ssyncset.done $0x0  }
0x20: {  	s21 =	simm.s32 $0x7400;
	[sflag:s17] =	ssyncadd.s32 $0xFFFFFC00  }
0x21: {  	[tilespmem:s21], [sflag:$0x1] =	stream.linear.gather [hbm4b:s4+s2], $0x400, $0x38;
	[tilespmem:$0xB100] =	vst v63  }
0x22: {  	_ =	swait.ge [sflag:s17], $0x400  }
0x23: {  	[sflag:s17] =	ssyncset.done $0x0  }
0x24: {  	s22 =	simm.s32 $0x7800;
	[sflag:s17] =	ssyncadd.s32 $0xFFFFFC00  }
0x25: {  	[tilespmem:s22], [sflag:$0x1] =	stream.linear.gather [hbm4b:s5+s2], $0x400, $0x38;
	[tilespmem:$0xB100] =	vst v63  }
0x26: {  	_ =	swait.ge [sflag:s17], $0x400  }
0x27: {  	[sflag:s17] =	ssyncset.done $0x0  }
0x28: {  	[sflag:s17] =	ssyncadd.s32 $0xFFFFFC00  }
0x29: {  	[tilespmem:s23], [sflag:$0x1] =	stream.linear.gather [hbm4b:s7+s2], $0x80, $0x38;
	[tilespmem:$0xB100] =	vst v63  }
0x2a: {  	_ =	swait.ge [sflag:s17], $0x80  }
0x2b: {  	[sflag:s17] =	ssyncset.done $0x0  }
0x2c: {  	s24 =	simm.s32 $0x7C80;
	[sflag:s17] =	ssyncadd.s32 $0xFFFFFF80  }
0x2d: {  	[tilespmem:s24], [sflag:$0x1] =	stream.linear.gather [hbm4b:s8+s2], $0x80, $0x38;
	[tilespmem:$0xB100] =	vst v63  }
0x2e: {  	_ =	swait.ge [sflag:s17], $0x80  }
0x2f: {  	[sflag:s17] =	ssyncset.done $0x0  }
0x30: {  	s25 =	simm.s32 $0x7D00;
	[sflag:s17] =	ssyncadd.s32 $0xFFFFFF80  }
0x31: {  	[tilespmem:s25], [sflag:$0x1] =	stream.linear.gather [hbm4b:s10+s2], $0x80, $0x38;
	[tilespmem:$0xB100] =	vst v63  }
0x32: {  	_ =	swait.ge [sflag:s17], $0x80  }
0x33: {  	[sflag:s17] =	ssyncset.done $0x0  }
0x34: {  	[sflag:s17] =	ssyncadd.s32 $0xFFFFFF80  }
0x35: {  	[tilespmem:s26], [sflag:$0x1] =	stream.linear.gather [hbm4b:s11+s2], $0x200, $0x38;
	[tilespmem:$0xB100] =	vst v63  }
0x36: {  	_ =	swait.ge [sflag:s17], $0x200  }
0x37: {  	[sflag:s17] =	ssyncset.done $0x0  }
0x38: {  	[sflag:s17] =	ssyncadd.s32 $0xFFFFFE00  }
0x39: {  	s31 =	rddreg [dreg:$0x1]  }
0x3a: {  	[tilespmem:s28], [sflag:$0x1] =	stream.linear.gather [hbm4b:s31+s2], $0x80, $0x38;
	[tilespmem:$0xB100] =	vst v63  }
0x3b: {  	_ =	swait.ge [sflag:s17], $0x80  }
0x3c: {  	[sflag:s17] =	ssyncset.done $0x0  }
0x3d: {  	s1 =	simm.s32 $0x0;
	[sflag:s17] =	ssyncadd.s32 $0xFFFFFF80  }
0x3e: {  	v0 =	vld [tilespmem:s1+$0x0]  }
0x3f: {  	v1 =	vld [tilespmem:s1+$0x1000]  }
0x40: {  	v3 =	vld [tilespmem:s1+$0x2000];
	_ =	sdelay $0x3  }
0x41: {  	s0 =	simm.s32 $0x10;
	v49 =	vmul.f32 v0, v0;
	v50 =	vmul.f32 v1, v1;
	v52 =	vshrl.u32 v0, $0x10  }
0x42: {  	v51 =	vld [tilespmem:s0+$0x0];
	v53 =	vshrl.u32 v1, $0x10;
	v59 =	vmul.f32 v3, v3;
	v55 =	vshrl.u32 v3, $0x10  }
0x43: {  	v54 =	vand.u32 $0x1, v52;
	v53 =	vand.u32 $0x1, v53;
	v52 =	vld [tilespmem:s0+$0x1000];
	v49 =	vadd.f32 v50, v49  }
0x44: {  	v62 =	vand.u32 $0x1, v55;
	v0 =	vadd.s32 v54, v0;
	v1 =	vadd.s32 v53, v1  }
0x45: {  	v3 =	vadd.s32 v62, v3;
	v0 =	vadd.s32 $0x7FFF, v0;
	v50 =	vadd.f32 v59, v49;
	v49 =	vld [tilespmem:s0+$0x2000]  }
0x46: {  	v1 =	vadd.s32 $0x7FFF, v1;
	v3 =	vadd.s32 $0x7FFF, v3;
	v0 =	vand.u32 $0xFFFF0000, v0  }
0x47: {  	v63 =	vshrl.u32 v51, $0x10;
	v56 =	vand.u32 $0xFFFF0000, v1;
	v53 =	vand.u32 $0xFFFF0000, v3;
	[tilespmem:s1+$0x3000] =	vst v0  }
0x48: {  	s6 =	simm.s32 $0x20;
	v0 =	vmul.f32 v51, v51;
	[tilespmem:s1+$0x6000] =	vst v50;
	v3 =	vshrl.u32 v52, $0x10;
	v1 =	vmul.f32 v52, v52  }
0x49: {  	s20 =	simm.s32 $0xC0;
	v55 =	vand.u32 $0x1, v63;
	v50 =	vld [tilespmem:s6+$0x0];
	v54 =	vand.u32 $0x1, v3;
	[tilespmem:s1+$0x4000] =	vst v56  }
.LBB2_2:
0x4a: {  	p0 =	sne.s32 s20, $0x3FC0;
	v3 =	vld [tilespmem:s6+$0x1000];
	v0 =	vadd.f32 v1, v0;
	v1 =	vmul.f32 v49, v49;
	v56 =	vshrl.u32 v49, $0x10;
	[tilespmem:s1+$0x5000] =	vst v53;
	s1 =	smov.u32 s0;
	s0 =	smov.u32 s6  }
0x4b: {  	v51 =	vadd.s32 v55, v51;
	v52 =	vadd.s32 v54, v52;
	v53 =	vand.u32 $0x1, v56  }
.Ltmp0:
0x4c: {  	v0 =	vadd.f32 v1, v0;
	v1 =	vadd.s32 $0x7FFF, v51;
	v5 =	vadd.s32 v53, v49;
	v49 =	vld [tilespmem:s0+$0x2000];
	(pc) =	sbr.rel @p0 .LBB2_2-.Ltmp0, $4  }
0x4d: {  	v54 =	vand.u32 $0xFFFF0000, v1;
	v1 =	vadd.s32 $0x7FFF, v52;
	v4 =	vadd.s32 $0x7FFF, v5  }
0x4e: {  	v55 =	vshrl.u32 v50, $0x10;
	[tilespmem:s1+$0x6000] =	vst v0;
	v56 =	vand.u32 $0xFFFF0000, v1;
	v53 =	vand.u32 $0xFFFF0000, v4;
	v51 =	vmovc v50  }
0x4f: {  	s6 =	sshra.s32 s20, $0x2;
	v0 =	vmul.f32 v50, v51;
	v1 =	vmul.f32 v3, v3;
	v57 =	vshrl.u32 v3, $0x10;
	[tilespmem:s1+$0x3000] =	vst v54;
	v52 =	vmovc v3  }
0x50: {  	s20 =	sadd.s32 $0x40, s20;
	v55 =	vand.u32 $0x1, v55;
	v50 =	vld [tilespmem:s6+$0x0];
	v54 =	vand.u32 $0x1, v57;
	[tilespmem:s1+$0x4000] =	vst v56  }
0x51: {  	v3 =	vld [tilespmem:s6+$0x1000];
	v0 =	vadd.f32 v1, v0;
	[tilespmem:s1+$0x5000] =	vst v53;
	v1 =	vmul.f32 v49, v49  }
0x52: {  	v63 =	vshrl.u32 v49, $0x10;
	v51 =	vadd.s32 v55, v51;
	v52 =	vadd.s32 v54, v52;
	v55 =	vld [tilespmem:s6+$0x2000]  }
0x53: {  	v53 =	vand.u32 $0x1, v63;
	v51 =	vadd.s32 $0x7FFF, v51;
	v58 =	vadd.s32 $0x7FFF, v52  }
0x54: {  	v0 =	vadd.f32 v1, v0;
	v1 =	vadd.s32 v53, v49;
	v57 =	vand.u32 $0xFFFF0000, v51  }
0x55: {  	v51 =	vand.u32 $0xFFFF0000, v58;
	v1 =	vadd.s32 $0x7FFF, v1;
	v59 =	vmul.f32 v50, v50  }
0x56: {  	[tilespmem:s0+$0x3000] =	vst v57;
	v63 =	vshrl.u32 v50, $0x10;
	v1 =	vand.u32 $0xFFFF0000, v1;
	v62 =	vmul.f32 v3, v3  }
0x57: {  	[tilespmem:s0+$0x6000] =	vst v0;
	v0 =	vshrl.u32 v3, $0x10;
	v57 =	vand.u32 $0x1, v63;
	v56 =	vmul.f32 v55, v55  }
0x58: {  	v0 =	vand.u32 $0x1, v0;
	v58 =	vshrl.u32 v55, $0x10;
	v49 =	vadd.s32 v57, v50  }
0x59: {  	[tilespmem:s0+$0x4000] =	vst v51;
	v52 =	vadd.f32 v62, v59;
	v0 =	vadd.s32 v0, v3;
	v3 =	vadd.s32 $0x7FFF, v49  }
0x5a: {  	[tilespmem:s0+$0x5000] =	vst v1;
	v1 =	vand.u32 $0x1, v58;
	v3 =	vand.u32 $0xFFFF0000, v3;
	v0 =	vadd.s32 $0x7FFF, v0  }
0x5b: {  	v1 =	vadd.s32 v1, v55;
	v59 =	vadd.f32 v56, v52;
	v0 =	vand.u32 $0xFFFF0000, v0;
	[tilespmem:s6+$0x3000] =	vst v3  }
0x5c: {  	v1 =	vadd.s32 $0x7FFF, v1;
	[tilespmem:s6+$0x4000] =	vst v0  }
0x5d: {  	v1 =	vand.u32 $0xFFFF0000, v1;
	[tilespmem:s6+$0x6000] =	vst v59  }
0x5e: {  	[tilespmem:s6+$0x5000] =	vst v1  }
0x5f: {  	v59 =	vld.msk [tilespmem:s23+$0x0], $0xffff  }
0x60: {  	v57 =	vld.idx.msk [tilespmem:v60+s23+$0x0], $0xffff  }
0x61: {  	s22 =	simm.s32 $0x7000;
	v58 =	vld.idx.msk [tilespmem:v61+s23+$0x0], $0xffff  }
0x62: {  	s24 =	simm.s32 $0x7400;
	v0 =	vld [tilespmem:s22+$0x0]  }
0x63: {  	s25 =	simm.s32 $0x7800;
	v1 =	vld [tilespmem:s24+$0x0]  }
0x64: {  	v3 =	vld [tilespmem:s25+$0x0];
	_ =	sdelay $0x2  }
0x65: {  	s6 =	simm.s32 $0x7410  }
0x66: {  	s1 =	simm.s32 $0x7010;
	v61 =	vld [tilespmem:s6+$0x0];
	v0 =	vmul.f32 v0, v59;
	v1 =	vmul.f32 v1, v57  }
0x67: {  	s20 =	simm.s32 $0x7810;
	v60 =	vld [tilespmem:s1+$0x0];
	v3 =	vmul.f32 v3, v58  }
0x68: {  	v62 =	vld [tilespmem:s20+$0x0];
	v0 =	vmul.f32 v0, v0;
	v1 =	vmul.f32 v1, v1;
	_ =	sdelay $0x1  }
0x69: {  	s21 =	simm.s32 $0x7020;
	v49 =	vld [tilespmem:$0x7C80];
	v3 =	vmul.f32 v3, v3;
	v0 =	vadd.f32 v1, v0  }
0x6a: {  	v55 =	vld [tilespmem:s21+$0x0];
	s22 =	simm.s32 $0x7420;
	v63 =	vmul.f32 v61, v57  }
0x6b: {  	v56 =	vld [tilespmem:s22+$0x0];
	v1 =	vmul.f32 v60, v59;
	v0 =	vadd.f32 v3, v0  }
0x6c: {  	v50 =	vld [tilespmem:$0x7C90];
	v54 =	vmul.f32 v62, v58;
	v60 =	vmul.f32 v63, v63  }
0x6d: {  	v51 =	vld [tilespmem:$0x7CA0];
	s24 =	simm.s32 $0x7820;
	v1 =	vmul.f32 v1, v1;
	v0 =	vmul.f32 $-1.250000000e+01, v0  }
0x6e: {  	v3 =	vld [tilespmem:s24+$0x0]  }
0x6f: {  	v53 =	vld [tilespmem:$0x7CB0];
	v61 =	vmul.f32 v54, v54;
	v1 =	vadd.f32 v60, v1;
	v0 =	vmul.f32 $1.442695020e+00, v0  }
0x70: {  	v52 =	vld [tilespmem:$0x7CC0];
	s25 =	simm.s32 $0x7030;
	v55 =	vmul.f32 v55, v59;
	v60 =	vmul.f32 v56, v57  }
0x71: {  	s21 =	simm.s32 $0x7430;
	v4 =	vld [tilespmem:s25+$0x0];
	v1 =	vadd.f32 v61, v1;
	(erf) = vpow2.f32 v0  }
0x72: {  	s22 =	simm.s32 $0x7830;
	v5 =	vmul.f32 v55, v55;
	v6 =	vmul.f32 v60, v60;
	v61 =	vld [tilespmem:s21+$0x0]  }
0x73: {  	v62 =	vld [tilespmem:s22+$0x0];
	v3 =	vmul.f32 v3, v58;
	v7 =	vmul.f32 $-1.250000000e+01, v1  }
0x74: {  	v54 =	vld [tilespmem:$0x7CD0]  }
0x75: {  	s31 =	simm.s32 $0x7040;
	s0 =	simm.s32 $0x20;
	s1 =	simm.s32 $0x0;
	v55 =	vld [tilespmem:$0x7CF0];
	v1 =	vadd.f32 v6, v5;
	v63 =	vmul.f32 v3, v3;
	v0 =	vmul.f32 $1.442695020e+00, v7  }
0x76: {  	s6 =	simm.s32 $0x10;
	s20 =	simm.s32 $0x30;
	s24 =	simm.s32 $0x40;
	v56 =	vld [tilespmem:$0x7CE0];
	v60 =	vimm.f32 $0.0e+00;
	v3 =	vmul.f32 v4, v59  }
.LBB2_4:
0x77: {  	v4 =	vld [tilespmem:s31+$0x0];
	v5 =	vmul.f32 v61, v57;
	s21 =	sadd.s32 $0x10, s21;
	v1 =	vadd.f32 v63, v1;
	(erf) = vpow2.f32 v0;
	s25 =	smov.u32 s24;
	p0 =	sne.s32 s24, $0x3E0  }
.Ltmp1:
0x78: {  	s24 =	sadd.s32 $0x10, s24;
	s22 =	sadd.s32 $0x10, s22;
	v61 =	vld [tilespmem:s21+$0x0];
	v0 =	vmul.f32 v62, v58;
	v3 =	vmul.f32 v3, v3;
	(pc) =	sbr.rel @p0 .LBB2_4-.Ltmp1, $4  }
0x79: {  	v62 =	vld [tilespmem:s22+$0x0];
	v5 =	vmul.f32 v5, v5;
	v6 =	vmul.f32 $-1.250000000e+01, v1;
	v1 =	vmov s1;
	s1 =	smov.u32 s6;
	s6 =	smov.u32 s0;
	s0 =	smov.u32 s20  }
0x7a: {  	s20 =	smov.u32 s25;
	v63 =	vmul.f32 v0, v0;
	vm0 =	vlt.u32 v1, v2;
	v7 =	vpop (erf)  }
0x7b: {  	v1 =	vadd.f32 v5, v3;
	v0 =	vmul.f32 $1.442695020e+00, v6;
	v5 =	vnsel vm0, $0x0, v7  }
0x7c: {  	s31 =	sadd.s32 $0x10, s31;
	v3 =	vmul.f32 v4, v59;
	v60 =	vadd.f32 v5, v60  }
0x7d: {  	v4 =	vmul.f32 v61, v57  }
0x7e: {  	v5 =	vmul.f32 v62, v58  }
0x7f: {  	v3 =	vmul.f32 v3, v3;
	v4 =	vmul.f32 v4, v4;
	_ =	sdelay $0x1  }
0x80: {  	v1 =	vadd.f32 v63, v1;
	v5 =	vmul.f32 v5, v5;
	v3 =	vadd.f32 v4, v3;
	_ =	sdelay $0x1  }
0x81: {  	v1 =	vmul.f32 $-1.250000000e+01, v1;
	v3 =	vadd.f32 v5, v3  }
0x82: {  	(erf) = vpow2.f32 v0  }
0x83: {  	v0 =	vmul.f32 $1.442695020e+00, v1;
	v1 =	vmul.f32 $-1.250000000e+01, v3;
	_ =	sdelay $0x1  }
0x84: {  	(erf) = vpow2.f32 v0;
	v0 =	vmul.f32 $1.442695020e+00, v1;
	_ =	sdelay $0x1  }
0x85: {  	(erf) = vpow2.f32 v0;
	v0 =	vmov s1  }
0x86: {  	v1 =	vmov s6;
	_ =	sdelay $0x1  }
0x87: {  	vm0 =	vlt.u32 v0, v2;
	v0 =	vpop (erf)  }
0x88: {  	vm13 =	vlt.u32 v1, v2;
	v1 =	vpop (erf)  }
0x89: {  	v0 =	vnsel vm0, $0x0, v0;
	v1 =	vnsel vm13, $0x0, v1  }
0x8a: {  	v0 =	vadd.f32 v0, v60  }
0x8b: {  	v3 =	vmov s0  }
0x8c: {  	vm14 =	vlt.u32 v3, v2;
	v0 =	vadd.f32 v1, v0;
	v1 =	vpop (erf)  }
0x8d: {  	v1 =	vnsel vm14, $0x0, v1;
	_ =	sdelay $0x1  }
0x8e: {  	v3 =	vmov s20  }
0x8f: {  	vm15 =	vlt.u32 v3, v2;
	v3 =	vmax.f32 v49, v50;
	v0 =	vadd.f32 v1, v0;
	v1 =	vpop (erf)  }
0x90: {  	v3 =	vmax.f32 v3, v51;
	v1 =	vnsel vm15, $0x0, v1  }
0x91: {  	v0 =	vadd.f32 v1, v0;
	v1 =	vmax.f32 v3, v53  }
0x92: {  	v1 =	vmax.f32 v1, v52  }
0x93: {  	v1 =	vmax.f32 v1, v54;
	(xrf2) =	vadd.scan.msk.f32 $0xffff, v0  }
0x94: {  	v0 =	vmax.f32 v1, v56  }
0x95: {  	v0 =	vmax.f32 v0, v55  }
0x96: {  	v1 =	vsub.f32 v49, v0  }
0x97: {  	v3 =	vsub.f32 v50, v0  }
0x98: {  	v1 =	vmul.f32 $1.442695020e+00, v1  }
0x99: {  	v4 =	vsub.f32 v51, v0;
	v3 =	vmul.f32 $1.442695020e+00, v3  }
0x9a: {  	(erf) = vpow2.f32 v1  }
0x9b: {  	v1 =	vmul.f32 $1.442695020e+00, v4;
	(erf) = vpow2.f32 v3;
	v3 =	vsub.f32 v53, v0;
	_ =	sdelay $0x1  }
0x9c: {  	(erf) = vpow2.f32 v1;
	v1 =	vmul.f32 $1.442695020e+00, v3;
	v3 =	vsub.f32 v52, v0;
	v4, _, _ =	vpop (xrf2)  }
0x9d: {  	(v2sf) =	vpush v4, $0xF  }
0x9e: {  	(erf) = vpow2.f32 v1;
	v1 =	vmul.f32 $1.442695020e+00, v3;
	v3 =	vsub.f32 v54, v0;
	_ =	sdelay $0x1  }
0x9f: {  	(erf) = vpow2.f32 v1;
	v1 =	vmul.f32 $1.442695020e+00, v3;
	v3 =	vsub.f32 v56, v0;
	_ =	sdelay $0x1  }
0xa0: {  	v0 =	vsub.f32 v55, v0;
	v4 =	vpop (erf);
	(erf) = vpow2.f32 v1;
	v1 =	vmul.f32 $1.442695020e+00, v3  }
0xa1: {  	v56 =	vpop (erf)  }
0xa2: {  	v0 =	vmul.f32 $1.442695020e+00, v0;
	(erf) = vpow2.f32 v1;
	v1 =	vadd.f32 v56, v4  }
0xa3: {  	v55 =	vpop (erf)  }
0xa4: {  	(erf) = vpow2.f32 v0;
	v0 =	vadd.f32 v1, v55  }
0xa5: {  	v54 =	vpop (erf)  }
0xa6: {  	v0 =	vadd.f32 v0, v54  }
0xa7: {  	v53 =	vpop (erf)  }
0xa8: {  	v0 =	vadd.f32 v0, v53  }
0xa9: {  	v52 =	vpop (erf)  }
0xaa: {  	v0 =	vadd.f32 v0, v52;
	s21 =	spop (v2sf)  }
0xab: {  	v51 =	vpop (erf);
	s0 =	smul.f32 $1.000000050e-03, s21  }
0xac: {  	v0 =	vadd.f32 v0, v51  }
0xad: {  	v49 =	vpop (erf);
	v1 =	vmov s0  }
0xae: {  	v0 =	vadd.f32 v0, v49;
	v1 =	vadd.f32 $9.999999930e-09, v1;
	_ =	sdelay $0x1  }
0xaf: {  	v3 =	vsub.s32 $0x7EF311C3, v0;
	v1 =	vbroadcast v1, $0x0  }
0xb0: {  	v5 =	vmul.f32 v3, v0  }
0xb1: {  	v6 =	vsub.s32 $0x7EF311C3, v1  }
0xb2: {  	v5 =	vsub.f32 $2.000000000e+00, v5;
	v7 =	vmul.f32 v6, v1;
	_ =	sdelay $0x1  }
0xb3: {  	v3 =	vmul.f32 v3, v5;
	v5 =	vsub.f32 $2.000000000e+00, v7;
	_ =	sdelay $0x1  }
0xb4: {  	v7 =	vmul.f32 v3, v0;
	v5 =	vmul.f32 v6, v5;
	_ =	sdelay $0x1  }
0xb5: {  	v6 =	vsub.f32 $2.000000000e+00, v7;
	v7 =	vmul.f32 v5, v1;
	_ =	sdelay $0x1  }
0xb6: {  	v3 =	vmul.f32 v6, v3;
	v6 =	vsub.f32 $2.000000000e+00, v7;
	_ =	sdelay $0x1  }
0xb7: {  	v0 =	vmul.f32 v3, v0;
	v5 =	vmul.f32 v6, v5;
	_ =	sdelay $0x1  }
0xb8: {  	v0 =	vsub.f32 $2.000000000e+00, v0;
	v1 =	vmul.f32 v5, v1;
	_ =	sdelay $0x1  }
0xb9: {  	v50 =	vmul.f32 v0, v3;
	v0 =	vsub.f32 $2.000000000e+00, v1;
	_ =	sdelay $0x1  }
0xba: {  	v1 =	vmul.f32 v50, v4;
	v0 =	vmul.f32 v0, v5;
	_ =	sdelay $0x1  }
0xbb: {  	v0 =	vmul.f32 v0, v1;
	_ =	sdelay $0x1  }
0xbc: {  	[tilespmem:$0x7D80] =	vst v0;
	v0 =	vimm.s32 $0x1;
	_ =	sdelay $0x4  }
0xbd: {  	v59 =	vld.idx.msk [tilespmem:v0+s23+$0x0], $0xffff;
	v0 =	vimm.s32 $0x9;
	_ =	sdelay $0x4  }
0xbe: {  	v57 =	vld.idx.msk [tilespmem:v0+s23+$0x0], $0xffff;
	v0 =	vimm.s32 $0x11;
	_ =	sdelay $0x2  }
0xbf: {  	s24 =	simm.s32 $0x7400  }
0xc0: {  	v1 =	vld [tilespmem:s24+$0x0]  }
0xc1: {  	s22 =	simm.s32 $0x7000;
	v58 =	vld.idx.msk [tilespmem:v0+s23+$0x0], $0xffff  }
0xc2: {  	v0 =	vld [tilespmem:s22+$0x0]  }
0xc3: {  	s25 =	simm.s32 $0x7800  }
0xc4: {  	v3 =	vld [tilespmem:s25+$0x0];
	_ =	sdelay $0x1  }
0xc5: {  	s6 =	simm.s32 $0x7410;
	v1 =	vmul.f32 v1, v57  }
0xc6: {  	s1 =	simm.s32 $0x7010;
	v5 =	vld [tilespmem:s6+$0x0];
	v0 =	vmul.f32 v0, v59  }
0xc7: {  	s20 =	simm.s32 $0x7810;
	v4 =	vld [tilespmem:s1+$0x0];
	v1 =	vmul.f32 v1, v1  }
0xc8: {  	v6 =	vld [tilespmem:s20+$0x0];
	v3 =	vmul.f32 v3, v58;
	v0 =	vmul.f32 v0, v0;
	_ =	sdelay $0x1  }
0xc9: {  	v3 =	vmul.f32 v3, v3;
	v0 =	vadd.f32 v1, v0  }
0xca: {  	v5 =	vmul.f32 v5, v57;
	s22 =	simm.s32 $0x7420  }
0xcb: {  	s21 =	simm.s32 $0x7020;
	v7 =	vld [tilespmem:s22+$0x0];
	v1 =	vmul.f32 v4, v59;
	v0 =	vadd.f32 v3, v0  }
0xcc: {  	s24 =	simm.s32 $0x7820;
	v5 =	vmul.f32 v5, v5;
	v6 =	vmul.f32 v6, v58;
	v4 =	vld [tilespmem:s21+$0x0]  }
0xcd: {  	v1 =	vmul.f32 v1, v1;
	v3 =	vld [tilespmem:s24+$0x0];
	v0 =	vmul.f32 $-1.250000000e+01, v0;
	_ =	sdelay $0x1  }
0xce: {  	v6 =	vmul.f32 v6, v6;
	v1 =	vadd.f32 v5, v1;
	v0 =	vmul.f32 $1.442695020e+00, v0  }
0xcf: {  	s25 =	simm.s32 $0x7030;
	v7 =	vmul.f32 v7, v57  }
0xd0: {  	s21 =	simm.s32 $0x7430;
	v5 =	vld [tilespmem:s25+$0x0];
	v4 =	vmul.f32 v4, v59;
	v1 =	vadd.f32 v6, v1;
	(erf) = vpow2.f32 v0  }
0xd1: {  	s22 =	simm.s32 $0x7830;
	v61 =	vld [tilespmem:s21+$0x0];
	v6 =	vmul.f32 v7, v7;
	v3 =	vmul.f32 v3, v58  }
0xd2: {  	v62 =	vld [tilespmem:s22+$0x0];
	v4 =	vmul.f32 v4, v4;
	v7 =	vmul.f32 $-1.250000000e+01, v1;
	_ =	sdelay $0x1  }
0xd3: {  	s31 =	simm.s32 $0x7040;
	s0 =	simm.s32 $0x20;
	s1 =	simm.s32 $0x0;
	v63 =	vmul.f32 v3, v3;
	v1 =	vadd.f32 v6, v4;
	v0 =	vmul.f32 $1.442695020e+00, v7  }
0xd4: {  	v60 =	vimm.f32 $0.0e+00;
	s6 =	simm.s32 $0x10;
	s20 =	simm.s32 $0x30;
	s24 =	simm.s32 $0x40;
	v3 =	vmul.f32 v5, v59  }
.LBB2_6:
0xd5: {  	v4 =	vld [tilespmem:s31+$0x0];
	v5 =	vmul.f32 v61, v57;
	s21 =	sadd.s32 $0x10, s21;
	v1 =	vadd.f32 v63, v1;
	(erf) = vpow2.f32 v0;
	s25 =	smov.u32 s24;
	p0 =	sne.s32 s24, $0x3E0  }
.Ltmp2:
0xd6: {  	s24 =	sadd.s32 $0x10, s24;
	s22 =	sadd.s32 $0x10, s22;
	v61 =	vld [tilespmem:s21+$0x0];
	v0 =	vmul.f32 v62, v58;
	v3 =	vmul.f32 v3, v3;
	(pc) =	sbr.rel @p0 .LBB2_6-.Ltmp2, $4  }
0xd7: {  	v62 =	vld [tilespmem:s22+$0x0];
	v5 =	vmul.f32 v5, v5;
	v6 =	vmul.f32 $-1.250000000e+01, v1;
	v1 =	vmov s1;
	s1 =	smov.u32 s6;
	s6 =	smov.u32 s0;
	s0 =	smov.u32 s20  }
0xd8: {  	s20 =	smov.u32 s25;
	v63 =	vmul.f32 v0, v0;
	vm0 =	vlt.u32 v1, v2;
	v7 =	vpop (erf)  }
0xd9: {  	v1 =	vadd.f32 v5, v3;
	v0 =	vmul.f32 $1.442695020e+00, v6;
	v5 =	vnsel vm0, $0x0, v7  }
0xda: {  	s31 =	sadd.s32 $0x10, s31;
	v3 =	vmul.f32 v4, v59;
	v60 =	vadd.f32 v5, v60  }
0xdb: {  	v4 =	vmul.f32 v61, v57  }
0xdc: {  	v5 =	vmul.f32 v62, v58  }
0xdd: {  	v3 =	vmul.f32 v3, v3;
	v4 =	vmul.f32 v4, v4;
	_ =	sdelay $0x1  }
0xde: {  	v1 =	vadd.f32 v63, v1;
	v5 =	vmul.f32 v5, v5;
	v3 =	vadd.f32 v4, v3;
	_ =	sdelay $0x1  }
0xdf: {  	(erf) = vpow2.f32 v0;
	v1 =	vmul.f32 $-1.250000000e+01, v1;
	v3 =	vadd.f32 v5, v3;
	_ =	sdelay $0x1  }
0xe0: {  	v0 =	vmul.f32 $1.442695020e+00, v1;
	v1 =	vmul.f32 $-1.250000000e+01, v3;
	_ =	sdelay $0x1  }
0xe1: {  	(erf) = vpow2.f32 v0;
	v0 =	vmul.f32 $1.442695020e+00, v1;
	_ =	sdelay $0x1  }
0xe2: {  	(erf) = vpow2.f32 v0;
	v0 =	vmov s1  }
0xe3: {  	v1 =	vpop (erf);
	vm0 =	vlt.u32 v0, v2  }
0xe4: {  	v0 =	vnsel vm0, $0x0, v1;
	v1 =	vmov s6  }
0xe5: {  	v3 =	vpop (erf);
	vm13 =	vlt.u32 v1, v2  }
0xe6: {  	v1 =	vnsel vm13, $0x0, v3  }
0xe7: {  	v0 =	vadd.f32 v0, v60  }
0xe8: {  	v3 =	vmov s0  }
0xe9: {  	v0 =	vadd.f32 v1, v0;
	vm14 =	vlt.u32 v3, v2;
	v1 =	vpop (erf)  }
0xea: {  	v1 =	vnsel vm14, $0x0, v1;
	_ =	sdelay $0x1  }
0xeb: {  	v3 =	vmov s20  }
0xec: {  	vm15 =	vlt.u32 v3, v2;
	v0 =	vadd.f32 v1, v0;
	v1 =	vpop (erf)  }
0xed: {  	v1 =	vnsel vm15, $0x0, v1  }
0xee: {  	v0 =	vadd.f32 v1, v0;
	_ =	sdelay $0x1  }
0xef: {  	(xrf2) =	vadd.scan.msk.f32 $0xffff, v0;
	_ =	sdelay $0x9  }
0xf0: {  	v0, _, _ =	vpop (xrf2)  }
0xf1: {  	(v2sf) =	vpush v0, $0xF;
	_ =	sdelay $0xe  }
0xf2: {  	s21 =	spop (v2sf)  }
0xf3: {  	s0 =	smul.f32 $1.000000050e-03, s21;
	_ =	sdelay $0x1  }
0xf4: {  	v0 =	vmov s0  }
0xf5: {  	v0 =	vadd.f32 $9.999999930e-09, v0;
	_ =	sdelay $0x1  }
0xf6: {  	v0 =	vbroadcast v0, $0x0;
	_ =	sdelay $0x1  }
0xf7: {  	v1 =	vsub.s32 $0x7EF311C3, v0  }
0xf8: {  	v3 =	vmul.f32 v1, v0;
	_ =	sdelay $0x1  }
0xf9: {  	v3 =	vsub.f32 $2.000000000e+00, v3;
	_ =	sdelay $0x1  }
0xfa: {  	v1 =	vmul.f32 v1, v3;
	_ =	sdelay $0x1  }
0xfb: {  	v3 =	vmul.f32 v1, v0;
	_ =	sdelay $0x1  }
0xfc: {  	v3 =	vsub.f32 $2.000000000e+00, v3;
	_ =	sdelay $0x1  }
0xfd: {  	v1 =	vmul.f32 v3, v1;
	_ =	sdelay $0x1  }
0xfe: {  	v0 =	vmul.f32 v1, v0;
	_ =	sdelay $0x1  }
0xff: {  	v0 =	vsub.f32 $2.000000000e+00, v0;
	_ =	sdelay $0x1  }
0x100: {  	v3 =	vmul.f32 v50, v56;
	v0 =	vmul.f32 v0, v1;
	_ =	sdelay $0x1  }
0x101: {  	v0 =	vmul.f32 v0, v3;
	_ =	sdelay $0x1  }
0x102: {  	[tilespmem:$0x7D90] =	vst v0;
	v0 =	vimm.s32 $0x2;
	_ =	sdelay $0x4  }
0x103: {  	v58 =	vld.idx.msk [tilespmem:v0+s23+$0x0], $0xffff;
	v0 =	vimm.s32 $0xA;
	_ =	sdelay $0x2  }
0x104: {  	s24 =	simm.s32 $0x7400;
	v57 =	vld.idx.msk [tilespmem:v8+s23+$0x0], $0xffff  }
0x105: {  	v1 =	vld [tilespmem:s24+$0x0]  }
0x106: {  	s22 =	simm.s32 $0x7000;
	v56 =	vld.idx.msk [tilespmem:v0+s23+$0x0], $0xffff  }
0x107: {  	s25 =	simm.s32 $0x7800;
	v0 =	vld [tilespmem:s22+$0x0]  }
0x108: {  	v3 =	vld [tilespmem:s25+$0x0];
	_ =	sdelay $0x2  }
0x109: {  	s6 =	simm.s32 $0x7410  }
0x10a: {  	s1 =	simm.s32 $0x7010;
	v5 =	vld [tilespmem:s6+$0x0];
	v0 =	vmul.f32 v0, v58;
	v1 =	vmul.f32 v1, v56  }
0x10b: {  	s20 =	simm.s32 $0x7810;
	v4 =	vld [tilespmem:s1+$0x0];
	v3 =	vmul.f32 v3, v57  }
0x10c: {  	v6 =	vld [tilespmem:s20+$0x0];
	v0 =	vmul.f32 v0, v0;
	v1 =	vmul.f32 v1, v1;
	_ =	sdelay $0x1  }
0x10d: {  	v3 =	vmul.f32 v3, v3;
	v0 =	vadd.f32 v1, v0  }
0x10e: {  	s22 =	simm.s32 $0x7420;
	v5 =	vmul.f32 v5, v56  }
0x10f: {  	s21 =	simm.s32 $0x7020;
	v7 =	vld [tilespmem:s22+$0x0];
	v1 =	vmul.f32 v4, v58;
	v0 =	vadd.f32 v3, v0  }
0x110: {  	s24 =	simm.s32 $0x7820;
	v6 =	vmul.f32 v6, v57;
	v5 =	vmul.f32 v5, v5;
	v4 =	vld [tilespmem:s21+$0x0]  }
0x111: {  	v1 =	vmul.f32 v1, v1;
	v3 =	vld [tilespmem:s24+$0x0];
	v0 =	vmul.f32 $-1.250000000e+01, v0;
	_ =	sdelay $0x1  }
0x112: {  	v6 =	vmul.f32 v6, v6;
	v1 =	vadd.f32 v5, v1;
	v0 =	vmul.f32 $1.442695020e+00, v0  }
0x113: {  	s25 =	simm.s32 $0x7030;
	v7 =	vmul.f32 v7, v56  }
0x114: {  	s21 =	simm.s32 $0x7430;
	v5 =	vld [tilespmem:s25+$0x0];
	v4 =	vmul.f32 v4, v58;
	v1 =	vadd.f32 v6, v1;
	(erf) = vpow2.f32 v0  }
0x115: {  	s22 =	simm.s32 $0x7830;
	v60 =	vld [tilespmem:s21+$0x0];
	v6 =	vmul.f32 v7, v7;
	v3 =	vmul.f32 v3, v57  }
0x116: {  	v61 =	vld [tilespmem:s22+$0x0];
	v4 =	vmul.f32 v4, v4;
	v7 =	vmul.f32 $-1.250000000e+01, v1;
	_ =	sdelay $0x1  }
0x117: {  	s31 =	simm.s32 $0x7040;
	s0 =	simm.s32 $0x20;
	s1 =	simm.s32 $0x0;
	v62 =	vmul.f32 v3, v3;
	v1 =	vadd.f32 v6, v4;
	v0 =	vmul.f32 $1.442695020e+00, v7  }
0x118: {  	v59 =	vimm.f32 $0.0e+00;
	s6 =	simm.s32 $0x10;
	s20 =	simm.s32 $0x30;
	s24 =	simm.s32 $0x40;
	v3 =	vmul.f32 v5, v58  }
.LBB2_8:
0x119: {  	v4 =	vld [tilespmem:s31+$0x0];
	v5 =	vmul.f32 v60, v56;
	s21 =	sadd.s32 $0x10, s21;
	v1 =	vadd.f32 v62, v1;
	(erf) = vpow2.f32 v0;
	s25 =	smov.u32 s24;
	p0 =	sne.s32 s24, $0x3E0  }
.Ltmp3:
0x11a: {  	s24 =	sadd.s32 $0x10, s24;
	s22 =	sadd.s32 $0x10, s22;
	v60 =	vld [tilespmem:s21+$0x0];
	v0 =	vmul.f32 v61, v57;
	v3 =	vmul.f32 v3, v3;
	(pc) =	sbr.rel @p0 .LBB2_8-.Ltmp3, $4  }
0x11b: {  	v61 =	vld [tilespmem:s22+$0x0];
	v5 =	vmul.f32 v5, v5;
	v6 =	vmul.f32 $-1.250000000e+01, v1;
	v1 =	vmov s1;
	s1 =	smov.u32 s6;
	s6 =	smov.u32 s0;
	s0 =	smov.u32 s20  }
0x11c: {  	s20 =	smov.u32 s25;
	v62 =	vmul.f32 v0, v0;
	vm0 =	vlt.u32 v1, v2;
	v7 =	vpop (erf)  }
0x11d: {  	v1 =	vadd.f32 v5, v3;
	v0 =	vmul.f32 $1.442695020e+00, v6;
	v5 =	vnsel vm0, $0x0, v7  }
0x11e: {  	s31 =	sadd.s32 $0x10, s31;
	v3 =	vmul.f32 v4, v58;
	v59 =	vadd.f32 v5, v59  }
0x11f: {  	v4 =	vmul.f32 v60, v56  }
0x120: {  	v5 =	vmul.f32 v61, v57  }
0x121: {  	v3 =	vmul.f32 v3, v3;
	v4 =	vmul.f32 v4, v4;
	_ =	sdelay $0x1  }
0x122: {  	v1 =	vadd.f32 v62, v1;
	v5 =	vmul.f32 v5, v5;
	v3 =	vadd.f32 v4, v3;
	_ =	sdelay $0x1  }
0x123: {  	(erf) = vpow2.f32 v0;
	v1 =	vmul.f32 $-1.250000000e+01, v1;
	v3 =	vadd.f32 v5, v3;
	_ =	sdelay $0x1  }
0x124: {  	v0 =	vmul.f32 $1.442695020e+00, v1;
	v1 =	vmul.f32 $-1.250000000e+01, v3;
	_ =	sdelay $0x1  }
0x125: {  	(erf) = vpow2.f32 v0;
	v0 =	vmul.f32 $1.442695020e+00, v1;
	_ =	sdelay $0x1  }
0x126: {  	(erf) = vpow2.f32 v0;
	v0 =	vmov s1  }
0x127: {  	v1 =	vpop (erf);
	vm0 =	vlt.u32 v0, v2  }
0x128: {  	v0 =	vnsel vm0, $0x0, v1;
	v1 =	vmov s6  }
0x129: {  	v3 =	vpop (erf);
	vm13 =	vlt.u32 v1, v2  }
0x12a: {  	v1 =	vnsel vm13, $0x0, v3  }
0x12b: {  	v0 =	vadd.f32 v0, v59  }
0x12c: {  	v3 =	vmov s0  }
0x12d: {  	v0 =	vadd.f32 v1, v0;
	vm14 =	vlt.u32 v3, v2;
	v1 =	vpop (erf)  }
0x12e: {  	v1 =	vnsel vm14, $0x0, v1;
	_ =	sdelay $0x1  }
0x12f: {  	v3 =	vmov s20  }
0x130: {  	vm15 =	vlt.u32 v3, v2;
	v0 =	vadd.f32 v1, v0;
	v1 =	vpop (erf)  }
0x131: {  	v1 =	vnsel vm15, $0x0, v1  }
0x132: {  	v0 =	vadd.f32 v1, v0;
	_ =	sdelay $0x1  }
0x133: {  	(xrf2) =	vadd.scan.msk.f32 $0xffff, v0;
	_ =	sdelay $0x9  }
0x134: {  	v0, _, _ =	vpop (xrf2)  }
0x135: {  	(v2sf) =	vpush v0, $0xF;
	_ =	sdelay $0xe  }
0x136: {  	s21 =	spop (v2sf)  }
0x137: {  	s0 =	smul.f32 $1.000000050e-03, s21;
	_ =	sdelay $0x1  }
0x138: {  	v0 =	vmov s0  }
0x139: {  	v0 =	vadd.f32 $9.999999930e-09, v0;
	_ =	sdelay $0x1  }
0x13a: {  	v0 =	vbroadcast v0, $0x0;
	_ =	sdelay $0x1  }
0x13b: {  	v1 =	vsub.s32 $0x7EF311C3, v0  }
0x13c: {  	v3 =	vmul.f32 v1, v0;
	_ =	sdelay $0x1  }
0x13d: {  	v3 =	vsub.f32 $2.000000000e+00, v3;
	_ =	sdelay $0x1  }
0x13e: {  	v1 =	vmul.f32 v1, v3;
	_ =	sdelay $0x1  }
0x13f: {  	v3 =	vmul.f32 v1, v0;
	_ =	sdelay $0x1  }
0x140: {  	v3 =	vsub.f32 $2.000000000e+00, v3;
	_ =	sdelay $0x1  }
0x141: {  	v1 =	vmul.f32 v3, v1;
	_ =	sdelay $0x1  }
0x142: {  	v0 =	vmul.f32 v1, v0;
	_ =	sdelay $0x1  }
0x143: {  	v0 =	vsub.f32 $2.000000000e+00, v0;
	_ =	sdelay $0x1  }
0x144: {  	v3 =	vmul.f32 v50, v55;
	v0 =	vmul.f32 v0, v1;
	_ =	sdelay $0x1  }
0x145: {  	v0 =	vmul.f32 v0, v3;
	_ =	sdelay $0x1  }
0x146: {  	[tilespmem:$0x7DA0] =	vst v0  }
0x147: {  	v57 =	vld.idx.msk [tilespmem:v9+s23+$0x0], $0xffff  }
0x148: {  	v55 =	vld.idx.msk [tilespmem:v10+s23+$0x0], $0xffff  }
0x149: {  	s22 =	simm.s32 $0x7000;
	v56 =	vld.idx.msk [tilespmem:v11+s23+$0x0], $0xffff  }
0x14a: {  	s24 =	simm.s32 $0x7400;
	v0 =	vld [tilespmem:s22+$0x0]  }
0x14b: {  	s25 =	simm.s32 $0x7800;
	v1 =	vld [tilespmem:s24+$0x0]  }
0x14c: {  	v3 =	vld [tilespmem:s25+$0x0];
	_ =	sdelay $0x2  }
0x14d: {  	s6 =	simm.s32 $0x7410  }
0x14e: {  	s1 =	simm.s32 $0x7010;
	v5 =	vld [tilespmem:s6+$0x0];
	v0 =	vmul.f32 v0, v57;
	v1 =	vmul.f32 v1, v55  }
0x14f: {  	s20 =	simm.s32 $0x7810;
	v4 =	vld [tilespmem:s1+$0x0];
	v3 =	vmul.f32 v3, v56  }
0x150: {  	v6 =	vld [tilespmem:s20+$0x0];
	v0 =	vmul.f32 v0, v0;
	v1 =	vmul.f32 v1, v1;
	_ =	sdelay $0x1  }
0x151: {  	v3 =	vmul.f32 v3, v3;
	v0 =	vadd.f32 v1, v0  }
0x152: {  	s22 =	simm.s32 $0x7420;
	v5 =	vmul.f32 v5, v55  }
0x153: {  	s21 =	simm.s32 $0x7020;
	v7 =	vld [tilespmem:s22+$0x0];
	v1 =	vmul.f32 v4, v57;
	v0 =	vadd.f32 v3, v0  }
0x154: {  	s24 =	simm.s32 $0x7820;
	v6 =	vmul.f32 v6, v56;
	v5 =	vmul.f32 v5, v5;
	v4 =	vld [tilespmem:s21+$0x0]  }
0x155: {  	v1 =	vmul.f32 v1, v1;
	v3 =	vld [tilespmem:s24+$0x0];
	v0 =	vmul.f32 $-1.250000000e+01, v0;
	_ =	sdelay $0x1  }
0x156: {  	v6 =	vmul.f32 v6, v6;
	v1 =	vadd.f32 v5, v1;
	v0 =	vmul.f32 $1.442695020e+00, v0  }
0x157: {  	s25 =	simm.s32 $0x7030;
	v7 =	vmul.f32 v7, v55  }
0x158: {  	s21 =	simm.s32 $0x7430;
	v5 =	vld [tilespmem:s25+$0x0];
	v4 =	vmul.f32 v4, v57;
	v1 =	vadd.f32 v6, v1;
	(erf) = vpow2.f32 v0  }
0x159: {  	s22 =	simm.s32 $0x7830;
	v59 =	vld [tilespmem:s21+$0x0];
	v6 =	vmul.f32 v7, v7;
	v3 =	vmul.f32 v3, v56  }
0x15a: {  	v60 =	vld [tilespmem:s22+$0x0];
	v4 =	vmul.f32 v4, v4;
	v7 =	vmul.f32 $-1.250000000e+01, v1;
	_ =	sdelay $0x1  }
0x15b: {  	s31 =	simm.s32 $0x7040;
	s0 =	simm.s32 $0x20;
	s1 =	simm.s32 $0x0;
	v61 =	vmul.f32 v3, v3;
	v1 =	vadd.f32 v6, v4;
	v0 =	vmul.f32 $1.442695020e+00, v7  }
0x15c: {  	v58 =	vimm.f32 $0.0e+00;
	s6 =	simm.s32 $0x10;
	s20 =	simm.s32 $0x30;
	s24 =	simm.s32 $0x40;
	v3 =	vmul.f32 v5, v57  }
.LBB2_10:
0x15d: {  	v4 =	vld [tilespmem:s31+$0x0];
	v5 =	vmul.f32 v59, v55;
	s21 =	sadd.s32 $0x10, s21;
	v1 =	vadd.f32 v61, v1;
	(erf) = vpow2.f32 v0;
	s25 =	smov.u32 s24;
	p0 =	sne.s32 s24, $0x3E0  }
.Ltmp4:
0x15e: {  	s24 =	sadd.s32 $0x10, s24;
	s22 =	sadd.s32 $0x10, s22;
	v59 =	vld [tilespmem:s21+$0x0];
	v0 =	vmul.f32 v60, v56;
	v3 =	vmul.f32 v3, v3;
	(pc) =	sbr.rel @p0 .LBB2_10-.Ltmp4, $4  }
0x15f: {  	v60 =	vld [tilespmem:s22+$0x0];
	v5 =	vmul.f32 v5, v5;
	v6 =	vmul.f32 $-1.250000000e+01, v1;
	v1 =	vmov s1;
	s1 =	smov.u32 s6;
	s6 =	smov.u32 s0;
	s0 =	smov.u32 s20  }
0x160: {  	s20 =	smov.u32 s25;
	v61 =	vmul.f32 v0, v0;
	vm0 =	vlt.u32 v1, v2;
	v7 =	vpop (erf)  }
0x161: {  	v1 =	vadd.f32 v5, v3;
	v0 =	vmul.f32 $1.442695020e+00, v6;
	v5 =	vnsel vm0, $0x0, v7  }
0x162: {  	s31 =	sadd.s32 $0x10, s31;
	v3 =	vmul.f32 v4, v57;
	v58 =	vadd.f32 v5, v58  }
0x163: {  	v4 =	vmul.f32 v59, v55  }
0x164: {  	v5 =	vmul.f32 v60, v56  }
0x165: {  	v3 =	vmul.f32 v3, v3;
	v4 =	vmul.f32 v4, v4;
	_ =	sdelay $0x1  }
0x166: {  	v1 =	vadd.f32 v61, v1;
	v5 =	vmul.f32 v5, v5;
	v3 =	vadd.f32 v4, v3;
	_ =	sdelay $0x1  }
0x167: {  	(erf) = vpow2.f32 v0;
	v1 =	vmul.f32 $-1.250000000e+01, v1;
	v3 =	vadd.f32 v5, v3;
	_ =	sdelay $0x1  }
0x168: {  	v0 =	vmul.f32 $1.442695020e+00, v1;
	v1 =	vmul.f32 $-1.250000000e+01, v3;
	_ =	sdelay $0x1  }
0x169: {  	(erf) = vpow2.f32 v0;
	v0 =	vmul.f32 $1.442695020e+00, v1;
	_ =	sdelay $0x1  }
0x16a: {  	(erf) = vpow2.f32 v0;
	v0 =	vmov s1  }
0x16b: {  	v1 =	vpop (erf);
	vm0 =	vlt.u32 v0, v2  }
0x16c: {  	v0 =	vnsel vm0, $0x0, v1;
	v1 =	vmov s6  }
0x16d: {  	v3 =	vpop (erf);
	vm13 =	vlt.u32 v1, v2  }
0x16e: {  	v1 =	vnsel vm13, $0x0, v3  }
0x16f: {  	v0 =	vadd.f32 v0, v58  }
0x170: {  	v3 =	vmov s0  }
0x171: {  	v0 =	vadd.f32 v1, v0;
	vm14 =	vlt.u32 v3, v2;
	v1 =	vpop (erf)  }
0x172: {  	v1 =	vnsel vm14, $0x0, v1;
	_ =	sdelay $0x1  }
0x173: {  	v3 =	vmov s20  }
0x174: {  	vm15 =	vlt.u32 v3, v2;
	v0 =	vadd.f32 v1, v0;
	v1 =	vpop (erf)  }
0x175: {  	v1 =	vnsel vm15, $0x0, v1  }
0x176: {  	v0 =	vadd.f32 v1, v0;
	_ =	sdelay $0x1  }
0x177: {  	(xrf2) =	vadd.scan.msk.f32 $0xffff, v0;
	_ =	sdelay $0x9  }
0x178: {  	v0, _, _ =	vpop (xrf2)  }
0x179: {  	(v2sf) =	vpush v0, $0xF;
	_ =	sdelay $0xe  }
0x17a: {  	s21 =	spop (v2sf)  }
0x17b: {  	s0 =	smul.f32 $1.000000050e-03, s21;
	_ =	sdelay $0x1  }
0x17c: {  	v0 =	vmov s0  }
0x17d: {  	v0 =	vadd.f32 $9.999999930e-09, v0;
	_ =	sdelay $0x1  }
0x17e: {  	v0 =	vbroadcast v0, $0x0;
	_ =	sdelay $0x1  }
0x17f: {  	v1 =	vsub.s32 $0x7EF311C3, v0  }
0x180: {  	v3 =	vmul.f32 v1, v0;
	_ =	sdelay $0x1  }
0x181: {  	v3 =	vsub.f32 $2.000000000e+00, v3;
	_ =	sdelay $0x1  }
0x182: {  	v1 =	vmul.f32 v1, v3;
	_ =	sdelay $0x1  }
0x183: {  	v3 =	vmul.f32 v1, v0;
	_ =	sdelay $0x1  }
0x184: {  	v3 =	vsub.f32 $2.000000000e+00, v3;
	_ =	sdelay $0x1  }
0x185: {  	v1 =	vmul.f32 v3, v1;
	_ =	sdelay $0x1  }
0x186: {  	v0 =	vmul.f32 v1, v0;
	_ =	sdelay $0x1  }
0x187: {  	v0 =	vsub.f32 $2.000000000e+00, v0;
	_ =	sdelay $0x1  }
0x188: {  	v3 =	vmul.f32 v50, v54;
	v0 =	vmul.f32 v0, v1;
	_ =	sdelay $0x1  }
0x189: {  	v0 =	vmul.f32 v0, v3;
	_ =	sdelay $0x1  }
0x18a: {  	[tilespmem:$0x7DB0] =	vst v0  }
0x18b: {  	v56 =	vld.idx.msk [tilespmem:v12+s23+$0x0], $0xffff  }
0x18c: {  	v54 =	vld.idx.msk [tilespmem:v13+s23+$0x0], $0xffff  }
0x18d: {  	s22 =	simm.s32 $0x7000;
	v55 =	vld.idx.msk [tilespmem:v14+s23+$0x0], $0xffff  }
0x18e: {  	s24 =	simm.s32 $0x7400;
	v0 =	vld [tilespmem:s22+$0x0]  }
0x18f: {  	s25 =	simm.s32 $0x7800;
	v1 =	vld [tilespmem:s24+$0x0]  }
0x190: {  	v3 =	vld [tilespmem:s25+$0x0];
	_ =	sdelay $0x2  }
0x191: {  	s6 =	simm.s32 $0x7410  }
0x192: {  	s1 =	simm.s32 $0x7010;
	v5 =	vld [tilespmem:s6+$0x0];
	v0 =	vmul.f32 v0, v56;
	v1 =	vmul.f32 v1, v54  }
0x193: {  	s20 =	simm.s32 $0x7810;
	v4 =	vld [tilespmem:s1+$0x0];
	v3 =	vmul.f32 v3, v55  }
0x194: {  	v6 =	vld [tilespmem:s20+$0x0];
	v0 =	vmul.f32 v0, v0;
	v1 =	vmul.f32 v1, v1;
	_ =	sdelay $0x1  }
0x195: {  	v3 =	vmul.f32 v3, v3;
	v0 =	vadd.f32 v1, v0  }
0x196: {  	s22 =	simm.s32 $0x7420;
	v5 =	vmul.f32 v5, v54  }
0x197: {  	s21 =	simm.s32 $0x7020;
	v7 =	vld [tilespmem:s22+$0x0];
	v1 =	vmul.f32 v4, v56;
	v0 =	vadd.f32 v3, v0  }
0x198: {  	s24 =	simm.s32 $0x7820;
	v6 =	vmul.f32 v6, v55;
	v5 =	vmul.f32 v5, v5;
	v4 =	vld [tilespmem:s21+$0x0]  }
0x199: {  	v1 =	vmul.f32 v1, v1;
	v3 =	vld [tilespmem:s24+$0x0];
	v0 =	vmul.f32 $-1.250000000e+01, v0;
	_ =	sdelay $0x1  }
0x19a: {  	v6 =	vmul.f32 v6, v6;
	v1 =	vadd.f32 v5, v1;
	v0 =	vmul.f32 $1.442695020e+00, v0  }
0x19b: {  	s25 =	simm.s32 $0x7030;
	v7 =	vmul.f32 v7, v54  }
0x19c: {  	s21 =	simm.s32 $0x7430;
	v5 =	vld [tilespmem:s25+$0x0];
	v4 =	vmul.f32 v4, v56;
	v1 =	vadd.f32 v6, v1;
	(erf) = vpow2.f32 v0  }
0x19d: {  	s22 =	simm.s32 $0x7830;
	v58 =	vld [tilespmem:s21+$0x0];
	v6 =	vmul.f32 v7, v7;
	v3 =	vmul.f32 v3, v55  }
0x19e: {  	v59 =	vld [tilespmem:s22+$0x0];
	v4 =	vmul.f32 v4, v4;
	v7 =	vmul.f32 $-1.250000000e+01, v1;
	_ =	sdelay $0x1  }
0x19f: {  	s31 =	simm.s32 $0x7040;
	s0 =	simm.s32 $0x20;
	s1 =	simm.s32 $0x0;
	v60 =	vmul.f32 v3, v3;
	v1 =	vadd.f32 v6, v4;
	v0 =	vmul.f32 $1.442695020e+00, v7  }
0x1a0: {  	v57 =	vimm.f32 $0.0e+00;
	s6 =	simm.s32 $0x10;
	s20 =	simm.s32 $0x30;
	s24 =	simm.s32 $0x40;
	v3 =	vmul.f32 v5, v56  }
.LBB2_12:
0x1a1: {  	v4 =	vld [tilespmem:s31+$0x0];
	v5 =	vmul.f32 v58, v54;
	s21 =	sadd.s32 $0x10, s21;
	v1 =	vadd.f32 v60, v1;
	(erf) = vpow2.f32 v0;
	s25 =	smov.u32 s24;
	p0 =	sne.s32 s24, $0x3E0  }
.Ltmp5:
0x1a2: {  	s24 =	sadd.s32 $0x10, s24;
	s22 =	sadd.s32 $0x10, s22;
	v58 =	vld [tilespmem:s21+$0x0];
	v0 =	vmul.f32 v59, v55;
	v3 =	vmul.f32 v3, v3;
	(pc) =	sbr.rel @p0 .LBB2_12-.Ltmp5, $4  }
0x1a3: {  	v59 =	vld [tilespmem:s22+$0x0];
	v5 =	vmul.f32 v5, v5;
	v6 =	vmul.f32 $-1.250000000e+01, v1;
	v1 =	vmov s1;
	s1 =	smov.u32 s6;
	s6 =	smov.u32 s0;
	s0 =	smov.u32 s20  }
0x1a4: {  	s20 =	smov.u32 s25;
	v60 =	vmul.f32 v0, v0;
	vm0 =	vlt.u32 v1, v2;
	v7 =	vpop (erf)  }
0x1a5: {  	v1 =	vadd.f32 v5, v3;
	v0 =	vmul.f32 $1.442695020e+00, v6;
	v5 =	vnsel vm0, $0x0, v7  }
0x1a6: {  	s31 =	sadd.s32 $0x10, s31;
	v3 =	vmul.f32 v4, v56;
	v57 =	vadd.f32 v5, v57  }
0x1a7: {  	v4 =	vmul.f32 v58, v54  }
0x1a8: {  	v5 =	vmul.f32 v59, v55  }
0x1a9: {  	v3 =	vmul.f32 v3, v3;
	v4 =	vmul.f32 v4, v4;
	_ =	sdelay $0x1  }
0x1aa: {  	v1 =	vadd.f32 v60, v1;
	v5 =	vmul.f32 v5, v5;
	v3 =	vadd.f32 v4, v3;
	_ =	sdelay $0x1  }
0x1ab: {  	(erf) = vpow2.f32 v0;
	v1 =	vmul.f32 $-1.250000000e+01, v1;
	v3 =	vadd.f32 v5, v3;
	_ =	sdelay $0x1  }
0x1ac: {  	v0 =	vmul.f32 $1.442695020e+00, v1;
	v1 =	vmul.f32 $-1.250000000e+01, v3;
	_ =	sdelay $0x1  }
0x1ad: {  	(erf) = vpow2.f32 v0;
	v0 =	vmul.f32 $1.442695020e+00, v1;
	_ =	sdelay $0x1  }
0x1ae: {  	(erf) = vpow2.f32 v0;
	v0 =	vmov s1  }
0x1af: {  	v1 =	vpop (erf);
	vm0 =	vlt.u32 v0, v2  }
0x1b0: {  	v0 =	vnsel vm0, $0x0, v1;
	v1 =	vmov s6  }
0x1b1: {  	v3 =	vpop (erf);
	vm13 =	vlt.u32 v1, v2  }
0x1b2: {  	v1 =	vnsel vm13, $0x0, v3  }
0x1b3: {  	v0 =	vadd.f32 v0, v57  }
0x1b4: {  	v3 =	vmov s0  }
0x1b5: {  	v0 =	vadd.f32 v1, v0;
	vm14 =	vlt.u32 v3, v2;
	v1 =	vpop (erf)  }
0x1b6: {  	v1 =	vnsel vm14, $0x0, v1;
	_ =	sdelay $0x1  }
0x1b7: {  	v3 =	vmov s20  }
0x1b8: {  	vm15 =	vlt.u32 v3, v2;
	v0 =	vadd.f32 v1, v0;
	v1 =	vpop (erf)  }
0x1b9: {  	v1 =	vnsel vm15, $0x0, v1  }
0x1ba: {  	v0 =	vadd.f32 v1, v0;
	_ =	sdelay $0x1  }
0x1bb: {  	(xrf2) =	vadd.scan.msk.f32 $0xffff, v0;
	_ =	sdelay $0x9  }
0x1bc: {  	v0, _, _ =	vpop (xrf2)  }
0x1bd: {  	(v2sf) =	vpush v0, $0xF;
	_ =	sdelay $0xe  }
0x1be: {  	s21 =	spop (v2sf)  }
0x1bf: {  	s0 =	smul.f32 $1.000000050e-03, s21;
	_ =	sdelay $0x1  }
0x1c0: {  	v0 =	vmov s0  }
0x1c1: {  	v0 =	vadd.f32 $9.999999930e-09, v0;
	_ =	sdelay $0x1  }
0x1c2: {  	v0 =	vbroadcast v0, $0x0;
	_ =	sdelay $0x1  }
0x1c3: {  	v1 =	vsub.s32 $0x7EF311C3, v0  }
0x1c4: {  	v3 =	vmul.f32 v1, v0;
	_ =	sdelay $0x1  }
0x1c5: {  	v3 =	vsub.f32 $2.000000000e+00, v3;
	_ =	sdelay $0x1  }
0x1c6: {  	v1 =	vmul.f32 v1, v3;
	_ =	sdelay $0x1  }
0x1c7: {  	v3 =	vmul.f32 v1, v0;
	_ =	sdelay $0x1  }
0x1c8: {  	v3 =	vsub.f32 $2.000000000e+00, v3;
	_ =	sdelay $0x1  }
0x1c9: {  	v1 =	vmul.f32 v3, v1;
	_ =	sdelay $0x1  }
0x1ca: {  	v0 =	vmul.f32 v1, v0;
	_ =	sdelay $0x1  }
0x1cb: {  	v0 =	vsub.f32 $2.000000000e+00, v0;
	_ =	sdelay $0x1  }
0x1cc: {  	v3 =	vmul.f32 v50, v53;
	v0 =	vmul.f32 v0, v1;
	_ =	sdelay $0x1  }
0x1cd: {  	v0 =	vmul.f32 v0, v3;
	_ =	sdelay $0x1  }
0x1ce: {  	[tilespmem:$0x7DC0] =	vst v0  }
0x1cf: {  	v55 =	vld.idx.msk [tilespmem:v15+s23+$0x0], $0xffff  }
0x1d0: {  	v53 =	vld.idx.msk [tilespmem:v16+s23+$0x0], $0xffff  }
0x1d1: {  	s22 =	simm.s32 $0x7000;
	v54 =	vld.idx.msk [tilespmem:v17+s23+$0x0], $0xffff  }
0x1d2: {  	s24 =	simm.s32 $0x7400;
	v0 =	vld [tilespmem:s22+$0x0]  }
0x1d3: {  	s25 =	simm.s32 $0x7800;
	v1 =	vld [tilespmem:s24+$0x0]  }
0x1d4: {  	v3 =	vld [tilespmem:s25+$0x0];
	_ =	sdelay $0x2  }
0x1d5: {  	s6 =	simm.s32 $0x7410  }
0x1d6: {  	s1 =	simm.s32 $0x7010;
	v5 =	vld [tilespmem:s6+$0x0];
	v0 =	vmul.f32 v0, v55;
	v1 =	vmul.f32 v1, v53  }
0x1d7: {  	s20 =	simm.s32 $0x7810;
	v4 =	vld [tilespmem:s1+$0x0];
	v3 =	vmul.f32 v3, v54  }
0x1d8: {  	v6 =	vld [tilespmem:s20+$0x0];
	v0 =	vmul.f32 v0, v0;
	v1 =	vmul.f32 v1, v1;
	_ =	sdelay $0x1  }
0x1d9: {  	v3 =	vmul.f32 v3, v3;
	v0 =	vadd.f32 v1, v0  }
0x1da: {  	s22 =	simm.s32 $0x7420;
	v5 =	vmul.f32 v5, v53  }
0x1db: {  	s21 =	simm.s32 $0x7020;
	v7 =	vld [tilespmem:s22+$0x0];
	v1 =	vmul.f32 v4, v55;
	v0 =	vadd.f32 v3, v0  }
0x1dc: {  	s24 =	simm.s32 $0x7820;
	v6 =	vmul.f32 v6, v54;
	v5 =	vmul.f32 v5, v5;
	v4 =	vld [tilespmem:s21+$0x0]  }
0x1dd: {  	v1 =	vmul.f32 v1, v1;
	v3 =	vld [tilespmem:s24+$0x0];
	v0 =	vmul.f32 $-1.250000000e+01, v0;
	_ =	sdelay $0x1  }
0x1de: {  	v6 =	vmul.f32 v6, v6;
	v1 =	vadd.f32 v5, v1;
	v0 =	vmul.f32 $1.442695020e+00, v0  }
0x1df: {  	s25 =	simm.s32 $0x7030;
	v7 =	vmul.f32 v7, v53  }
0x1e0: {  	s21 =	simm.s32 $0x7430;
	v5 =	vld [tilespmem:s25+$0x0];
	v4 =	vmul.f32 v4, v55;
	v1 =	vadd.f32 v6, v1;
	(erf) = vpow2.f32 v0  }
0x1e1: {  	s22 =	simm.s32 $0x7830;
	v57 =	vld [tilespmem:s21+$0x0];
	v6 =	vmul.f32 v7, v7;
	v3 =	vmul.f32 v3, v54  }
0x1e2: {  	v58 =	vld [tilespmem:s22+$0x0];
	v4 =	vmul.f32 v4, v4;
	v7 =	vmul.f32 $-1.250000000e+01, v1;
	_ =	sdelay $0x1  }
0x1e3: {  	s31 =	simm.s32 $0x7040;
	s0 =	simm.s32 $0x20;
	s1 =	simm.s32 $0x0;
	v59 =	vmul.f32 v3, v3;
	v1 =	vadd.f32 v6, v4;
	v0 =	vmul.f32 $1.442695020e+00, v7  }
0x1e4: {  	v56 =	vimm.f32 $0.0e+00;
	s6 =	simm.s32 $0x10;
	s20 =	simm.s32 $0x30;
	s24 =	simm.s32 $0x40;
	v3 =	vmul.f32 v5, v55  }
.LBB2_14:
0x1e5: {  	v4 =	vld [tilespmem:s31+$0x0];
	v5 =	vmul.f32 v57, v53;
	s21 =	sadd.s32 $0x10, s21;
	v1 =	vadd.f32 v59, v1;
	(erf) = vpow2.f32 v0;
	s25 =	smov.u32 s24;
	p0 =	sne.s32 s24, $0x3E0  }
.Ltmp6:
0x1e6: {  	s24 =	sadd.s32 $0x10, s24;
	s22 =	sadd.s32 $0x10, s22;
	v57 =	vld [tilespmem:s21+$0x0];
	v0 =	vmul.f32 v58, v54;
	v3 =	vmul.f32 v3, v3;
	(pc) =	sbr.rel @p0 .LBB2_14-.Ltmp6, $4  }
0x1e7: {  	v58 =	vld [tilespmem:s22+$0x0];
	v5 =	vmul.f32 v5, v5;
	v6 =	vmul.f32 $-1.250000000e+01, v1;
	v1 =	vmov s1;
	s1 =	smov.u32 s6;
	s6 =	smov.u32 s0;
	s0 =	smov.u32 s20  }
0x1e8: {  	s20 =	smov.u32 s25;
	v59 =	vmul.f32 v0, v0;
	vm0 =	vlt.u32 v1, v2;
	v7 =	vpop (erf)  }
0x1e9: {  	v1 =	vadd.f32 v5, v3;
	v0 =	vmul.f32 $1.442695020e+00, v6;
	v5 =	vnsel vm0, $0x0, v7  }
0x1ea: {  	s31 =	sadd.s32 $0x10, s31;
	v3 =	vmul.f32 v4, v55;
	v56 =	vadd.f32 v5, v56  }
0x1eb: {  	v4 =	vmul.f32 v57, v53  }
0x1ec: {  	v5 =	vmul.f32 v58, v54  }
0x1ed: {  	v3 =	vmul.f32 v3, v3;
	v4 =	vmul.f32 v4, v4;
	_ =	sdelay $0x1  }
0x1ee: {  	v1 =	vadd.f32 v59, v1;
	v5 =	vmul.f32 v5, v5;
	v3 =	vadd.f32 v4, v3;
	_ =	sdelay $0x1  }
0x1ef: {  	(erf) = vpow2.f32 v0;
	v1 =	vmul.f32 $-1.250000000e+01, v1;
	v3 =	vadd.f32 v5, v3;
	_ =	sdelay $0x1  }
0x1f0: {  	v0 =	vmul.f32 $1.442695020e+00, v1;
	v1 =	vmul.f32 $-1.250000000e+01, v3;
	_ =	sdelay $0x1  }
0x1f1: {  	(erf) = vpow2.f32 v0;
	v0 =	vmul.f32 $1.442695020e+00, v1;
	_ =	sdelay $0x1  }
0x1f2: {  	(erf) = vpow2.f32 v0;
	v0 =	vmov s1  }
0x1f3: {  	v1 =	vpop (erf);
	vm0 =	vlt.u32 v0, v2  }
0x1f4: {  	v0 =	vnsel vm0, $0x0, v1;
	v1 =	vmov s6  }
0x1f5: {  	v3 =	vpop (erf);
	vm13 =	vlt.u32 v1, v2  }
0x1f6: {  	v1 =	vnsel vm13, $0x0, v3  }
0x1f7: {  	v0 =	vadd.f32 v0, v56  }
0x1f8: {  	v3 =	vmov s0  }
0x1f9: {  	v0 =	vadd.f32 v1, v0;
	vm14 =	vlt.u32 v3, v2;
	v1 =	vpop (erf)  }
0x1fa: {  	v1 =	vnsel vm14, $0x0, v1;
	_ =	sdelay $0x1  }
0x1fb: {  	v3 =	vmov s20  }
0x1fc: {  	vm15 =	vlt.u32 v3, v2;
	v0 =	vadd.f32 v1, v0;
	v1 =	vpop (erf)  }
0x1fd: {  	v1 =	vnsel vm15, $0x0, v1  }
0x1fe: {  	v0 =	vadd.f32 v1, v0;
	_ =	sdelay $0x1  }
0x1ff: {  	(xrf2) =	vadd.scan.msk.f32 $0xffff, v0;
	_ =	sdelay $0x9  }
0x200: {  	v0, _, _ =	vpop (xrf2)  }
0x201: {  	(v2sf) =	vpush v0, $0xF;
	_ =	sdelay $0xe  }
0x202: {  	s21 =	spop (v2sf)  }
0x203: {  	s0 =	smul.f32 $1.000000050e-03, s21;
	_ =	sdelay $0x1  }
0x204: {  	v0 =	vmov s0  }
0x205: {  	v0 =	vadd.f32 $9.999999930e-09, v0;
	_ =	sdelay $0x1  }
0x206: {  	v0 =	vbroadcast v0, $0x0;
	_ =	sdelay $0x1  }
0x207: {  	v1 =	vsub.s32 $0x7EF311C3, v0  }
0x208: {  	v3 =	vmul.f32 v1, v0;
	_ =	sdelay $0x1  }
0x209: {  	v3 =	vsub.f32 $2.000000000e+00, v3;
	_ =	sdelay $0x1  }
0x20a: {  	v1 =	vmul.f32 v1, v3;
	_ =	sdelay $0x1  }
0x20b: {  	v3 =	vmul.f32 v1, v0;
	_ =	sdelay $0x1  }
0x20c: {  	v3 =	vsub.f32 $2.000000000e+00, v3;
	_ =	sdelay $0x1  }
0x20d: {  	v1 =	vmul.f32 v3, v1;
	_ =	sdelay $0x1  }
0x20e: {  	v0 =	vmul.f32 v1, v0;
	_ =	sdelay $0x1  }
0x20f: {  	v0 =	vsub.f32 $2.000000000e+00, v0;
	_ =	sdelay $0x1  }
0x210: {  	v3 =	vmul.f32 v50, v52;
	v0 =	vmul.f32 v0, v1;
	_ =	sdelay $0x1  }
0x211: {  	v0 =	vmul.f32 v0, v3;
	_ =	sdelay $0x1  }
0x212: {  	[tilespmem:$0x7DD0] =	vst v0  }
0x213: {  	v54 =	vld.idx.msk [tilespmem:v18+s23+$0x0], $0xffff  }
0x214: {  	v52 =	vld.idx.msk [tilespmem:v19+s23+$0x0], $0xffff  }
0x215: {  	s22 =	simm.s32 $0x7000;
	v53 =	vld.idx.msk [tilespmem:v20+s23+$0x0], $0xffff  }
0x216: {  	s24 =	simm.s32 $0x7400;
	v0 =	vld [tilespmem:s22+$0x0]  }
0x217: {  	s25 =	simm.s32 $0x7800;
	v1 =	vld [tilespmem:s24+$0x0]  }
0x218: {  	v3 =	vld [tilespmem:s25+$0x0];
	_ =	sdelay $0x2  }
0x219: {  	s6 =	simm.s32 $0x7410  }
0x21a: {  	s1 =	simm.s32 $0x7010;
	v5 =	vld [tilespmem:s6+$0x0];
	v0 =	vmul.f32 v0, v54;
	v1 =	vmul.f32 v1, v52  }
0x21b: {  	s20 =	simm.s32 $0x7810;
	v4 =	vld [tilespmem:s1+$0x0];
	v3 =	vmul.f32 v3, v53  }
0x21c: {  	v6 =	vld [tilespmem:s20+$0x0];
	v0 =	vmul.f32 v0, v0;
	v1 =	vmul.f32 v1, v1;
	_ =	sdelay $0x1  }
0x21d: {  	v3 =	vmul.f32 v3, v3;
	v0 =	vadd.f32 v1, v0  }
0x21e: {  	s22 =	simm.s32 $0x7420;
	v5 =	vmul.f32 v5, v52  }
0x21f: {  	s21 =	simm.s32 $0x7020;
	v7 =	vld [tilespmem:s22+$0x0];
	v1 =	vmul.f32 v4, v54;
	v0 =	vadd.f32 v3, v0  }
0x220: {  	s24 =	simm.s32 $0x7820;
	v6 =	vmul.f32 v6, v53;
	v5 =	vmul.f32 v5, v5;
	v4 =	vld [tilespmem:s21+$0x0]  }
0x221: {  	v1 =	vmul.f32 v1, v1;
	v3 =	vld [tilespmem:s24+$0x0];
	v0 =	vmul.f32 $-1.250000000e+01, v0;
	_ =	sdelay $0x1  }
0x222: {  	v6 =	vmul.f32 v6, v6;
	v1 =	vadd.f32 v5, v1;
	v0 =	vmul.f32 $1.442695020e+00, v0  }
0x223: {  	s25 =	simm.s32 $0x7030;
	v7 =	vmul.f32 v7, v52  }
0x224: {  	s21 =	simm.s32 $0x7430;
	v5 =	vld [tilespmem:s25+$0x0];
	v4 =	vmul.f32 v4, v54;
	v1 =	vadd.f32 v6, v1;
	(erf) = vpow2.f32 v0  }
0x225: {  	s22 =	simm.s32 $0x7830;
	v56 =	vld [tilespmem:s21+$0x0];
	v6 =	vmul.f32 v7, v7;
	v3 =	vmul.f32 v3, v53  }
0x226: {  	v57 =	vld [tilespmem:s22+$0x0];
	v4 =	vmul.f32 v4, v4;
	v7 =	vmul.f32 $-1.250000000e+01, v1;
	_ =	sdelay $0x1  }
0x227: {  	s31 =	simm.s32 $0x7040;
	s0 =	simm.s32 $0x20;
	s1 =	simm.s32 $0x0;
	v58 =	vmul.f32 v3, v3;
	v1 =	vadd.f32 v6, v4;
	v0 =	vmul.f32 $1.442695020e+00, v7  }
0x228: {  	v55 =	vimm.f32 $0.0e+00;
	s6 =	simm.s32 $0x10;
	s20 =	simm.s32 $0x30;
	s24 =	simm.s32 $0x40;
	v3 =	vmul.f32 v5, v54  }
.LBB2_16:
0x229: {  	v4 =	vld [tilespmem:s31+$0x0];
	v5 =	vmul.f32 v56, v52;
	s21 =	sadd.s32 $0x10, s21;
	v1 =	vadd.f32 v58, v1;
	(erf) = vpow2.f32 v0;
	s25 =	smov.u32 s24;
	p0 =	sne.s32 s24, $0x3E0  }
.Ltmp7:
0x22a: {  	s24 =	sadd.s32 $0x10, s24;
	s22 =	sadd.s32 $0x10, s22;
	v56 =	vld [tilespmem:s21+$0x0];
	v0 =	vmul.f32 v57, v53;
	v3 =	vmul.f32 v3, v3;
	(pc) =	sbr.rel @p0 .LBB2_16-.Ltmp7, $4  }
0x22b: {  	v57 =	vld [tilespmem:s22+$0x0];
	v5 =	vmul.f32 v5, v5;
	v6 =	vmul.f32 $-1.250000000e+01, v1;
	v1 =	vmov s1;
	s1 =	smov.u32 s6;
	s6 =	smov.u32 s0;
	s0 =	smov.u32 s20  }
0x22c: {  	s20 =	smov.u32 s25;
	v58 =	vmul.f32 v0, v0;
	vm0 =	vlt.u32 v1, v2;
	v7 =	vpop (erf)  }
0x22d: {  	v1 =	vadd.f32 v5, v3;
	v0 =	vmul.f32 $1.442695020e+00, v6;
	v5 =	vnsel vm0, $0x0, v7  }
0x22e: {  	s31 =	sadd.s32 $0x10, s31;
	v3 =	vmul.f32 v4, v54;
	v55 =	vadd.f32 v5, v55  }
0x22f: {  	v4 =	vmul.f32 v56, v52  }
0x230: {  	v5 =	vmul.f32 v57, v53  }
0x231: {  	v3 =	vmul.f32 v3, v3;
	v4 =	vmul.f32 v4, v4;
	_ =	sdelay $0x1  }
0x232: {  	v1 =	vadd.f32 v58, v1;
	v5 =	vmul.f32 v5, v5;
	v3 =	vadd.f32 v4, v3;
	_ =	sdelay $0x1  }
0x233: {  	(erf) = vpow2.f32 v0;
	v1 =	vmul.f32 $-1.250000000e+01, v1;
	v3 =	vadd.f32 v5, v3;
	_ =	sdelay $0x1  }
0x234: {  	v0 =	vmul.f32 $1.442695020e+00, v1;
	v1 =	vmul.f32 $-1.250000000e+01, v3;
	_ =	sdelay $0x1  }
0x235: {  	(erf) = vpow2.f32 v0;
	v0 =	vmul.f32 $1.442695020e+00, v1;
	_ =	sdelay $0x1  }
0x236: {  	(erf) = vpow2.f32 v0;
	v0 =	vmov s1  }
0x237: {  	v1 =	vpop (erf);
	vm0 =	vlt.u32 v0, v2  }
0x238: {  	v0 =	vnsel vm0, $0x0, v1;
	v1 =	vmov s6  }
0x239: {  	v3 =	vpop (erf);
	vm13 =	vlt.u32 v1, v2  }
0x23a: {  	v1 =	vnsel vm13, $0x0, v3  }
0x23b: {  	v0 =	vadd.f32 v0, v55  }
0x23c: {  	v3 =	vmov s0  }
0x23d: {  	v0 =	vadd.f32 v1, v0;
	vm14 =	vlt.u32 v3, v2;
	v1 =	vpop (erf)  }
0x23e: {  	v1 =	vnsel vm14, $0x0, v1;
	_ =	sdelay $0x1  }
0x23f: {  	v3 =	vmov s20  }
0x240: {  	vm15 =	vlt.u32 v3, v2;
	v0 =	vadd.f32 v1, v0;
	v1 =	vpop (erf)  }
0x241: {  	v1 =	vnsel vm15, $0x0, v1  }
0x242: {  	v0 =	vadd.f32 v1, v0;
	_ =	sdelay $0x1  }
0x243: {  	(xrf2) =	vadd.scan.msk.f32 $0xffff, v0;
	_ =	sdelay $0x9  }
0x244: {  	v0, _, _ =	vpop (xrf2)  }
0x245: {  	(v2sf) =	vpush v0, $0xF;
	_ =	sdelay $0xe  }
0x246: {  	s21 =	spop (v2sf)  }
0x247: {  	s0 =	smul.f32 $1.000000050e-03, s21;
	_ =	sdelay $0x1  }
0x248: {  	v0 =	vmov s0  }
0x249: {  	v0 =	vadd.f32 $9.999999930e-09, v0;
	_ =	sdelay $0x1  }
0x24a: {  	v0 =	vbroadcast v0, $0x0;
	_ =	sdelay $0x1  }
0x24b: {  	v1 =	vsub.s32 $0x7EF311C3, v0  }
0x24c: {  	v3 =	vmul.f32 v1, v0;
	_ =	sdelay $0x1  }
0x24d: {  	v3 =	vsub.f32 $2.000000000e+00, v3;
	_ =	sdelay $0x1  }
0x24e: {  	v1 =	vmul.f32 v1, v3;
	_ =	sdelay $0x1  }
0x24f: {  	v3 =	vmul.f32 v1, v0;
	_ =	sdelay $0x1  }
0x250: {  	v3 =	vsub.f32 $2.000000000e+00, v3;
	_ =	sdelay $0x1  }
0x251: {  	v1 =	vmul.f32 v3, v1;
	_ =	sdelay $0x1  }
0x252: {  	v0 =	vmul.f32 v1, v0;
	_ =	sdelay $0x1  }
0x253: {  	v0 =	vsub.f32 $2.000000000e+00, v0;
	_ =	sdelay $0x1  }
0x254: {  	v3 =	vmul.f32 v50, v51;
	v0 =	vmul.f32 v0, v1;
	_ =	sdelay $0x1  }
0x255: {  	v0 =	vmul.f32 v0, v3;
	_ =	sdelay $0x1  }
0x256: {  	[tilespmem:$0x7DE0] =	vst v0  }
0x257: {  	v53 =	vld.idx.msk [tilespmem:v21+s23+$0x0], $0xffff  }
0x258: {  	v51 =	vld.idx.msk [tilespmem:v22+s23+$0x0], $0xffff  }
0x259: {  	s22 =	simm.s32 $0x7000;
	v52 =	vld.idx.msk [tilespmem:v23+s23+$0x0], $0xffff  }
0x25a: {  	s24 =	simm.s32 $0x7400;
	v0 =	vld [tilespmem:s22+$0x0]  }
0x25b: {  	s25 =	simm.s32 $0x7800;
	v1 =	vld [tilespmem:s24+$0x0]  }
0x25c: {  	v3 =	vld [tilespmem:s25+$0x0];
	_ =	sdelay $0x2  }
0x25d: {  	s6 =	simm.s32 $0x7410  }
0x25e: {  	s1 =	simm.s32 $0x7010;
	v5 =	vld [tilespmem:s6+$0x0];
	v0 =	vmul.f32 v0, v53;
	v1 =	vmul.f32 v1, v51  }
0x25f: {  	s20 =	simm.s32 $0x7810;
	v4 =	vld [tilespmem:s1+$0x0];
	v3 =	vmul.f32 v3, v52  }
0x260: {  	v6 =	vld [tilespmem:s20+$0x0];
	v0 =	vmul.f32 v0, v0;
	v1 =	vmul.f32 v1, v1;
	_ =	sdelay $0x1  }
0x261: {  	v3 =	vmul.f32 v3, v3;
	v0 =	vadd.f32 v1, v0  }
0x262: {  	s22 =	simm.s32 $0x7420;
	v5 =	vmul.f32 v5, v51  }
0x263: {  	s21 =	simm.s32 $0x7020;
	v7 =	vld [tilespmem:s22+$0x0];
	v1 =	vmul.f32 v4, v53;
	v0 =	vadd.f32 v3, v0  }
0x264: {  	s24 =	simm.s32 $0x7820;
	v6 =	vmul.f32 v6, v52;
	v5 =	vmul.f32 v5, v5;
	v4 =	vld [tilespmem:s21+$0x0]  }
0x265: {  	v1 =	vmul.f32 v1, v1;
	v3 =	vld [tilespmem:s24+$0x0];
	v0 =	vmul.f32 $-1.250000000e+01, v0;
	_ =	sdelay $0x1  }
0x266: {  	v6 =	vmul.f32 v6, v6;
	v1 =	vadd.f32 v5, v1;
	v0 =	vmul.f32 $1.442695020e+00, v0  }
0x267: {  	s25 =	simm.s32 $0x7030;
	v7 =	vmul.f32 v7, v51  }
0x268: {  	s21 =	simm.s32 $0x7430;
	v5 =	vld [tilespmem:s25+$0x0];
	v4 =	vmul.f32 v4, v53;
	v1 =	vadd.f32 v6, v1;
	(erf) = vpow2.f32 v0  }
0x269: {  	s22 =	simm.s32 $0x7830;
	v55 =	vld [tilespmem:s21+$0x0];
	v6 =	vmul.f32 v7, v7;
	v3 =	vmul.f32 v3, v52  }
0x26a: {  	v56 =	vld [tilespmem:s22+$0x0];
	v4 =	vmul.f32 v4, v4;
	v7 =	vmul.f32 $-1.250000000e+01, v1;
	_ =	sdelay $0x1  }
0x26b: {  	s31 =	simm.s32 $0x7040;
	s0 =	simm.s32 $0x20;
	s1 =	simm.s32 $0x0;
	v57 =	vmul.f32 v3, v3;
	v1 =	vadd.f32 v6, v4;
	v0 =	vmul.f32 $1.442695020e+00, v7  }
0x26c: {  	v54 =	vimm.f32 $0.0e+00;
	s6 =	simm.s32 $0x10;
	s20 =	simm.s32 $0x30;
	s24 =	simm.s32 $0x40;
	v3 =	vmul.f32 v5, v53  }
.LBB2_18:
0x26d: {  	v4 =	vld [tilespmem:s31+$0x0];
	v5 =	vmul.f32 v55, v51;
	s21 =	sadd.s32 $0x10, s21;
	v1 =	vadd.f32 v57, v1;
	(erf) = vpow2.f32 v0;
	s25 =	smov.u32 s24;
	p0 =	sne.s32 s24, $0x3E0  }
.Ltmp8:
0x26e: {  	s24 =	sadd.s32 $0x10, s24;
	s22 =	sadd.s32 $0x10, s22;
	v55 =	vld [tilespmem:s21+$0x0];
	v0 =	vmul.f32 v56, v52;
	v3 =	vmul.f32 v3, v3;
	(pc) =	sbr.rel @p0 .LBB2_18-.Ltmp8, $4  }
0x26f: {  	v56 =	vld [tilespmem:s22+$0x0];
	v5 =	vmul.f32 v5, v5;
	v6 =	vmul.f32 $-1.250000000e+01, v1;
	v1 =	vmov s1;
	s1 =	smov.u32 s6;
	s6 =	smov.u32 s0;
	s0 =	smov.u32 s20  }
0x270: {  	s20 =	smov.u32 s25;
	v57 =	vmul.f32 v0, v0;
	vm0 =	vlt.u32 v1, v2;
	v7 =	vpop (erf)  }
0x271: {  	v1 =	vadd.f32 v5, v3;
	v0 =	vmul.f32 $1.442695020e+00, v6;
	v5 =	vnsel vm0, $0x0, v7  }
0x272: {  	s31 =	sadd.s32 $0x10, s31;
	v3 =	vmul.f32 v4, v53;
	v54 =	vadd.f32 v5, v54  }
0x273: {  	v4 =	vmul.f32 v55, v51  }
0x274: {  	v5 =	vmul.f32 v56, v52  }
0x275: {  	v3 =	vmul.f32 v3, v3;
	v4 =	vmul.f32 v4, v4;
	_ =	sdelay $0x1  }
0x276: {  	v1 =	vadd.f32 v57, v1;
	v5 =	vmul.f32 v5, v5;
	v3 =	vadd.f32 v4, v3;
	_ =	sdelay $0x1  }
0x277: {  	(erf) = vpow2.f32 v0;
	v1 =	vmul.f32 $-1.250000000e+01, v1;
	v3 =	vadd.f32 v5, v3;
	_ =	sdelay $0x1  }
0x278: {  	v0 =	vmul.f32 $1.442695020e+00, v1;
	v1 =	vmul.f32 $-1.250000000e+01, v3;
	_ =	sdelay $0x1  }
0x279: {  	(erf) = vpow2.f32 v0;
	v0 =	vmul.f32 $1.442695020e+00, v1;
	_ =	sdelay $0x1  }
0x27a: {  	(erf) = vpow2.f32 v0;
	v0 =	vmov s1  }
0x27b: {  	v1 =	vpop (erf);
	vm0 =	vlt.u32 v0, v2  }
0x27c: {  	v0 =	vnsel vm0, $0x0, v1;
	v1 =	vmov s6  }
0x27d: {  	v3 =	vpop (erf);
	vm13 =	vlt.u32 v1, v2  }
0x27e: {  	v1 =	vnsel vm13, $0x0, v3  }
0x27f: {  	v0 =	vadd.f32 v0, v54  }
0x280: {  	v3 =	vmov s0  }
0x281: {  	v0 =	vadd.f32 v1, v0;
	vm14 =	vlt.u32 v3, v2;
	v1 =	vpop (erf)  }
0x282: {  	v1 =	vnsel vm14, $0x0, v1;
	_ =	sdelay $0x1  }
0x283: {  	v3 =	vmov s20  }
0x284: {  	vm15 =	vlt.u32 v3, v2;
	v0 =	vadd.f32 v1, v0;
	v1 =	vpop (erf)  }
0x285: {  	v1 =	vnsel vm15, $0x0, v1  }
0x286: {  	v0 =	vadd.f32 v1, v0;
	_ =	sdelay $0x1  }
0x287: {  	(xrf2) =	vadd.scan.msk.f32 $0xffff, v0;
	_ =	sdelay $0x9  }
0x288: {  	v0, _, _ =	vpop (xrf2)  }
0x289: {  	(v2sf) =	vpush v0, $0xF;
	_ =	sdelay $0xe  }
0x28a: {  	s21 =	spop (v2sf)  }
0x28b: {  	s0 =	smul.f32 $1.000000050e-03, s21;
	_ =	sdelay $0x1  }
0x28c: {  	v0 =	vmov s0  }
0x28d: {  	v0 =	vadd.f32 $9.999999930e-09, v0;
	_ =	sdelay $0x1  }
0x28e: {  	v0 =	vbroadcast v0, $0x0;
	_ =	sdelay $0x1  }
0x28f: {  	v1 =	vsub.s32 $0x7EF311C3, v0  }
0x290: {  	v3 =	vmul.f32 v1, v0;
	_ =	sdelay $0x1  }
0x291: {  	v3 =	vsub.f32 $2.000000000e+00, v3;
	_ =	sdelay $0x1  }
0x292: {  	v1 =	vmul.f32 v1, v3;
	_ =	sdelay $0x1  }
0x293: {  	v3 =	vmul.f32 v1, v0;
	_ =	sdelay $0x1  }
0x294: {  	v3 =	vsub.f32 $2.000000000e+00, v3;
	_ =	sdelay $0x1  }
0x295: {  	v1 =	vmul.f32 v3, v1;
	_ =	sdelay $0x1  }
0x296: {  	v0 =	vmul.f32 v1, v0;
	_ =	sdelay $0x1  }
0x297: {  	v0 =	vsub.f32 $2.000000000e+00, v0;
	_ =	sdelay $0x1  }
0x298: {  	v3 =	vmul.f32 v50, v49;
	v0 =	vmul.f32 v0, v1;
	_ =	sdelay $0x1  }
0x299: {  	v0 =	vmul.f32 v0, v3;
	_ =	sdelay $0x1  }
0x29a: {  	[tilespmem:$0x7DF0] =	vst v0  }
0x29b: {  	v59 =	vld.idx.msk [tilespmem:v24+s23+$0x0], $0xffff  }
0x29c: {  	v57 =	vld.idx.msk [tilespmem:v25+s23+$0x0], $0xffff  }
0x29d: {  	s22 =	simm.s32 $0x7000;
	v58 =	vld.idx.msk [tilespmem:v26+s23+$0x0], $0xffff  }
0x29e: {  	s24 =	simm.s32 $0x7400;
	v0 =	vld [tilespmem:s22+$0x0]  }
0x29f: {  	s25 =	simm.s32 $0x7800;
	v1 =	vld [tilespmem:s24+$0x0]  }
0x2a0: {  	v3 =	vld [tilespmem:s25+$0x0];
	_ =	sdelay $0x2  }
0x2a1: {  	s6 =	simm.s32 $0x7410  }
0x2a2: {  	s1 =	simm.s32 $0x7010;
	v5 =	vld [tilespmem:s6+$0x0];
	v0 =	vmul.f32 v0, v59;
	v1 =	vmul.f32 v1, v57  }
0x2a3: {  	s20 =	simm.s32 $0x7810;
	v4 =	vld [tilespmem:s1+$0x0];
	v3 =	vmul.f32 v3, v58  }
0x2a4: {  	v6 =	vld [tilespmem:s20+$0x0];
	v0 =	vmul.f32 v0, v0;
	v1 =	vmul.f32 v1, v1;
	_ =	sdelay $0x1  }
0x2a5: {  	v51 =	vld [tilespmem:$0x7D20];
	v3 =	vmul.f32 v3, v3;
	v0 =	vadd.f32 v1, v0  }
0x2a6: {  	v53 =	vld [tilespmem:$0x7D30];
	s22 =	simm.s32 $0x7420;
	v5 =	vmul.f32 v5, v57  }
0x2a7: {  	s21 =	simm.s32 $0x7020;
	v7 =	vld [tilespmem:s22+$0x0];
	v1 =	vmul.f32 v4, v59;
	v0 =	vadd.f32 v3, v0  }
0x2a8: {  	s24 =	simm.s32 $0x7820;
	v6 =	vmul.f32 v6, v58;
	v5 =	vmul.f32 v5, v5;
	v4 =	vld [tilespmem:s21+$0x0]  }
0x2a9: {  	v1 =	vmul.f32 v1, v1;
	v3 =	vld [tilespmem:s24+$0x0];
	v0 =	vmul.f32 $-1.250000000e+01, v0  }
0x2aa: {  	v55 =	vld [tilespmem:$0x7D70]  }
0x2ab: {  	v52 =	vld [tilespmem:$0x7D40];
	v6 =	vmul.f32 v6, v6;
	v1 =	vadd.f32 v5, v1;
	v0 =	vmul.f32 $1.442695020e+00, v0  }
0x2ac: {  	v56 =	vld [tilespmem:$0x7D60];
	s25 =	simm.s32 $0x7030;
	v7 =	vmul.f32 v7, v57  }
0x2ad: {  	s21 =	simm.s32 $0x7430;
	v5 =	vld [tilespmem:s25+$0x0];
	v4 =	vmul.f32 v4, v59;
	v1 =	vadd.f32 v6, v1;
	(erf) = vpow2.f32 v0  }
0x2ae: {  	s22 =	simm.s32 $0x7830;
	v61 =	vld [tilespmem:s21+$0x0];
	v6 =	vmul.f32 v7, v7;
	v3 =	vmul.f32 v3, v58  }
0x2af: {  	v62 =	vld [tilespmem:s22+$0x0];
	v4 =	vmul.f32 v4, v4;
	v7 =	vmul.f32 $-1.250000000e+01, v1  }
0x2b0: {  	v54 =	vld [tilespmem:$0x7D50]  }
0x2b1: {  	s31 =	simm.s32 $0x7040;
	s0 =	simm.s32 $0x20;
	v49 =	vld [tilespmem:$0x7D00];
	s1 =	simm.s32 $0x0;
	v63 =	vmul.f32 v3, v3;
	v1 =	vadd.f32 v6, v4;
	v0 =	vmul.f32 $1.442695020e+00, v7  }
0x2b2: {  	v60 =	vimm.f32 $0.0e+00;
	v50 =	vld [tilespmem:$0x7D10];
	s6 =	simm.s32 $0x10;
	s20 =	simm.s32 $0x30;
	s24 =	simm.s32 $0x40;
	v3 =	vmul.f32 v5, v59  }
.LBB2_20:
0x2b3: {  	v4 =	vld [tilespmem:s31+$0x0];
	v5 =	vmul.f32 v61, v57;
	s21 =	sadd.s32 $0x10, s21;
	v1 =	vadd.f32 v63, v1;
	(erf) = vpow2.f32 v0;
	s25 =	smov.u32 s24;
	p0 =	sne.s32 s24, $0x3E0  }
.Ltmp9:
0x2b4: {  	s24 =	sadd.s32 $0x10, s24;
	s22 =	sadd.s32 $0x10, s22;
	v61 =	vld [tilespmem:s21+$0x0];
	v0 =	vmul.f32 v62, v58;
	v3 =	vmul.f32 v3, v3;
	(pc) =	sbr.rel @p0 .LBB2_20-.Ltmp9, $4  }
0x2b5: {  	v62 =	vld [tilespmem:s22+$0x0];
	v5 =	vmul.f32 v5, v5;
	v6 =	vmul.f32 $-1.250000000e+01, v1;
	v1 =	vmov s1;
	s1 =	smov.u32 s6;
	s6 =	smov.u32 s0;
	s0 =	smov.u32 s20  }
0x2b6: {  	s20 =	smov.u32 s25;
	v63 =	vmul.f32 v0, v0;
	vm0 =	vlt.u32 v1, v2;
	v7 =	vpop (erf)  }
0x2b7: {  	v1 =	vadd.f32 v5, v3;
	v0 =	vmul.f32 $1.442695020e+00, v6;
	v5 =	vnsel vm0, $0x0, v7  }
0x2b8: {  	s31 =	sadd.s32 $0x10, s31;
	v3 =	vmul.f32 v4, v59;
	v60 =	vadd.f32 v5, v60  }
0x2b9: {  	v4 =	vmul.f32 v61, v57  }
0x2ba: {  	v5 =	vmul.f32 v62, v58  }
0x2bb: {  	v3 =	vmul.f32 v3, v3;
	v4 =	vmul.f32 v4, v4;
	_ =	sdelay $0x1  }
0x2bc: {  	v1 =	vadd.f32 v63, v1;
	v5 =	vmul.f32 v5, v5;
	v3 =	vadd.f32 v4, v3;
	_ =	sdelay $0x1  }
0x2bd: {  	v1 =	vmul.f32 $-1.250000000e+01, v1;
	v3 =	vadd.f32 v5, v3  }
0x2be: {  	(erf) = vpow2.f32 v0  }
0x2bf: {  	v0 =	vmul.f32 $1.442695020e+00, v1;
	v1 =	vmul.f32 $-1.250000000e+01, v3;
	_ =	sdelay $0x1  }
0x2c0: {  	(erf) = vpow2.f32 v0;
	v0 =	vmul.f32 $1.442695020e+00, v1;
	_ =	sdelay $0x1  }
0x2c1: {  	(erf) = vpow2.f32 v0;
	v0 =	vmov s1  }
0x2c2: {  	v1 =	vmov s6;
	_ =	sdelay $0x1  }
0x2c3: {  	vm0 =	vlt.u32 v0, v2;
	v0 =	vpop (erf)  }
0x2c4: {  	vm13 =	vlt.u32 v1, v2;
	v1 =	vpop (erf)  }
0x2c5: {  	v0 =	vnsel vm0, $0x0, v0;
	v1 =	vnsel vm13, $0x0, v1  }
0x2c6: {  	v0 =	vadd.f32 v0, v60  }
0x2c7: {  	v3 =	vmov s0  }
0x2c8: {  	vm14 =	vlt.u32 v3, v2;
	v0 =	vadd.f32 v1, v0;
	v1 =	vpop (erf)  }
0x2c9: {  	v1 =	vnsel vm14, $0x0, v1;
	_ =	sdelay $0x1  }
0x2ca: {  	v3 =	vmov s20  }
0x2cb: {  	vm15 =	vlt.u32 v3, v2;
	v3 =	vmax.f32 v49, v50;
	v0 =	vadd.f32 v1, v0;
	v1 =	vpop (erf)  }
0x2cc: {  	v3 =	vmax.f32 v3, v51;
	v1 =	vnsel vm15, $0x0, v1  }
0x2cd: {  	v0 =	vadd.f32 v1, v0;
	v1 =	vmax.f32 v3, v53  }
0x2ce: {  	v1 =	vmax.f32 v1, v52  }
0x2cf: {  	v1 =	vmax.f32 v1, v54;
	(xrf2) =	vadd.scan.msk.f32 $0xffff, v0  }
0x2d0: {  	v0 =	vmax.f32 v1, v56  }
0x2d1: {  	v0 =	vmax.f32 v0, v55  }
0x2d2: {  	v1 =	vsub.f32 v49, v0  }
0x2d3: {  	v3 =	vsub.f32 v50, v0  }
0x2d4: {  	v1 =	vmul.f32 $1.442695020e+00, v1  }
0x2d5: {  	v4 =	vsub.f32 v51, v0;
	v3 =	vmul.f32 $1.442695020e+00, v3  }
0x2d6: {  	(erf) = vpow2.f32 v1  }
0x2d7: {  	v1 =	vmul.f32 $1.442695020e+00, v4;
	(erf) = vpow2.f32 v3;
	v3 =	vsub.f32 v53, v0;
	_ =	sdelay $0x1  }
0x2d8: {  	(erf) = vpow2.f32 v1;
	v1 =	vmul.f32 $1.442695020e+00, v3;
	v3 =	vsub.f32 v52, v0;
	v4, _, _ =	vpop (xrf2)  }
0x2d9: {  	(v2sf) =	vpush v4, $0xF  }
0x2da: {  	(erf) = vpow2.f32 v1;
	v1 =	vmul.f32 $1.442695020e+00, v3;
	v3 =	vsub.f32 v54, v0;
	_ =	sdelay $0x1  }
0x2db: {  	(erf) = vpow2.f32 v1;
	v1 =	vmul.f32 $1.442695020e+00, v3;
	v3 =	vsub.f32 v56, v0;
	_ =	sdelay $0x1  }
0x2dc: {  	v0 =	vsub.f32 v55, v0;
	v4 =	vpop (erf);
	(erf) = vpow2.f32 v1;
	v1 =	vmul.f32 $1.442695020e+00, v3  }
0x2dd: {  	v56 =	vpop (erf)  }
0x2de: {  	v0 =	vmul.f32 $1.442695020e+00, v0;
	(erf) = vpow2.f32 v1;
	v1 =	vadd.f32 v56, v4  }
0x2df: {  	v55 =	vpop (erf)  }
0x2e0: {  	(erf) = vpow2.f32 v0;
	v0 =	vadd.f32 v1, v55  }
0x2e1: {  	v54 =	vpop (erf)  }
0x2e2: {  	v0 =	vadd.f32 v0, v54  }
0x2e3: {  	v53 =	vpop (erf)  }
0x2e4: {  	v0 =	vadd.f32 v0, v53  }
0x2e5: {  	v52 =	vpop (erf)  }
0x2e6: {  	v0 =	vadd.f32 v0, v52;
	s21 =	spop (v2sf)  }
0x2e7: {  	v51 =	vpop (erf);
	s0 =	smul.f32 $1.000000050e-03, s21  }
0x2e8: {  	v0 =	vadd.f32 v0, v51  }
0x2e9: {  	v49 =	vpop (erf);
	v1 =	vmov s0  }
0x2ea: {  	v0 =	vadd.f32 v0, v49;
	v1 =	vadd.f32 $9.999999930e-09, v1;
	_ =	sdelay $0x1  }
0x2eb: {  	v3 =	vsub.s32 $0x7EF311C3, v0;
	v1 =	vbroadcast v1, $0x0  }
0x2ec: {  	v5 =	vmul.f32 v3, v0  }
0x2ed: {  	v6 =	vsub.s32 $0x7EF311C3, v1  }
0x2ee: {  	v5 =	vsub.f32 $2.000000000e+00, v5;
	v7 =	vmul.f32 v6, v1;
	_ =	sdelay $0x1  }
0x2ef: {  	v3 =	vmul.f32 v3, v5;
	v5 =	vsub.f32 $2.000000000e+00, v7;
	_ =	sdelay $0x1  }
0x2f0: {  	v7 =	vmul.f32 v3, v0;
	v5 =	vmul.f32 v6, v5;
	_ =	sdelay $0x1  }
0x2f1: {  	v6 =	vsub.f32 $2.000000000e+00, v7;
	v7 =	vmul.f32 v5, v1;
	_ =	sdelay $0x1  }
0x2f2: {  	v3 =	vmul.f32 v6, v3;
	v6 =	vsub.f32 $2.000000000e+00, v7;
	_ =	sdelay $0x1  }
0x2f3: {  	v0 =	vmul.f32 v3, v0;
	v5 =	vmul.f32 v6, v5;
	_ =	sdelay $0x1  }
0x2f4: {  	v0 =	vsub.f32 $2.000000000e+00, v0;
	v1 =	vmul.f32 v5, v1;
	_ =	sdelay $0x1  }
0x2f5: {  	v50 =	vmul.f32 v0, v3;
	v0 =	vsub.f32 $2.000000000e+00, v1;
	_ =	sdelay $0x1  }
0x2f6: {  	v1 =	vmul.f32 v50, v4;
	v0 =	vmul.f32 v0, v5;
	_ =	sdelay $0x1  }
0x2f7: {  	v0 =	vmul.f32 v0, v1;
	_ =	sdelay $0x1  }
0x2f8: {  	v0 =	vmul.f32 $5.000000000e-01, v0;
	_ =	sdelay $0x1  }
0x2f9: {  	[tilespmem:$0x7E00] =	vst v0  }
0x2fa: {  	v59 =	vld.idx.msk [tilespmem:v27+s23+$0x0], $0xffff  }
0x2fb: {  	v57 =	vld.idx.msk [tilespmem:v28+s23+$0x0], $0xffff  }
0x2fc: {  	s22 =	simm.s32 $0x7000;
	v58 =	vld.idx.msk [tilespmem:v29+s23+$0x0], $0xffff  }
0x2fd: {  	s24 =	simm.s32 $0x7400;
	v0 =	vld [tilespmem:s22+$0x0]  }
0x2fe: {  	s25 =	simm.s32 $0x7800;
	v1 =	vld [tilespmem:s24+$0x0]  }
0x2ff: {  	v3 =	vld [tilespmem:s25+$0x0];
	_ =	sdelay $0x2  }
0x300: {  	s6 =	simm.s32 $0x7410  }
0x301: {  	s1 =	simm.s32 $0x7010;
	v5 =	vld [tilespmem:s6+$0x0];
	v0 =	vmul.f32 v0, v59;
	v1 =	vmul.f32 v1, v57  }
0x302: {  	s20 =	simm.s32 $0x7810;
	v4 =	vld [tilespmem:s1+$0x0];
	v3 =	vmul.f32 v3, v58  }
0x303: {  	v6 =	vld [tilespmem:s20+$0x0];
	v0 =	vmul.f32 v0, v0;
	v1 =	vmul.f32 v1, v1;
	_ =	sdelay $0x1  }
0x304: {  	v3 =	vmul.f32 v3, v3;
	v0 =	vadd.f32 v1, v0  }
0x305: {  	s22 =	simm.s32 $0x7420;
	v5 =	vmul.f32 v5, v57  }
0x306: {  	s21 =	simm.s32 $0x7020;
	v7 =	vld [tilespmem:s22+$0x0];
	v1 =	vmul.f32 v4, v59;
	v0 =	vadd.f32 v3, v0  }
0x307: {  	s24 =	simm.s32 $0x7820;
	v6 =	vmul.f32 v6, v58;
	v5 =	vmul.f32 v5, v5;
	v4 =	vld [tilespmem:s21+$0x0]  }
0x308: {  	v1 =	vmul.f32 v1, v1;
	v3 =	vld [tilespmem:s24+$0x0];
	v0 =	vmul.f32 $-1.250000000e+01, v0;
	_ =	sdelay $0x1  }
0x309: {  	v6 =	vmul.f32 v6, v6;
	v1 =	vadd.f32 v5, v1;
	v0 =	vmul.f32 $1.442695020e+00, v0  }
0x30a: {  	s25 =	simm.s32 $0x7030;
	v7 =	vmul.f32 v7, v57  }
0x30b: {  	s21 =	simm.s32 $0x7430;
	v5 =	vld [tilespmem:s25+$0x0];
	v4 =	vmul.f32 v4, v59;
	v1 =	vadd.f32 v6, v1;
	(erf) = vpow2.f32 v0  }
0x30c: {  	s22 =	simm.s32 $0x7830;
	v61 =	vld [tilespmem:s21+$0x0];
	v6 =	vmul.f32 v7, v7;
	v3 =	vmul.f32 v3, v58  }
0x30d: {  	v62 =	vld [tilespmem:s22+$0x0];
	v4 =	vmul.f32 v4, v4;
	v7 =	vmul.f32 $-1.250000000e+01, v1;
	_ =	sdelay $0x1  }
0x30e: {  	s31 =	simm.s32 $0x7040;
	s0 =	simm.s32 $0x20;
	s1 =	simm.s32 $0x0;
	v63 =	vmul.f32 v3, v3;
	v1 =	vadd.f32 v6, v4;
	v0 =	vmul.f32 $1.442695020e+00, v7  }
0x30f: {  	v60 =	vimm.f32 $0.0e+00;
	s6 =	simm.s32 $0x10;
	s20 =	simm.s32 $0x30;
	s24 =	simm.s32 $0x40;
	v3 =	vmul.f32 v5, v59  }
.LBB2_22:
0x310: {  	v4 =	vld [tilespmem:s31+$0x0];
	v5 =	vmul.f32 v61, v57;
	s21 =	sadd.s32 $0x10, s21;
	v1 =	vadd.f32 v63, v1;
	(erf) = vpow2.f32 v0;
	s25 =	smov.u32 s24;
	p0 =	sne.s32 s24, $0x3E0  }
.Ltmp10:
0x311: {  	s24 =	sadd.s32 $0x10, s24;
	s22 =	sadd.s32 $0x10, s22;
	v61 =	vld [tilespmem:s21+$0x0];
	v0 =	vmul.f32 v62, v58;
	v3 =	vmul.f32 v3, v3;
	(pc) =	sbr.rel @p0 .LBB2_22-.Ltmp10, $4  }
0x312: {  	v62 =	vld [tilespmem:s22+$0x0];
	v5 =	vmul.f32 v5, v5;
	v6 =	vmul.f32 $-1.250000000e+01, v1;
	v1 =	vmov s1;
	s1 =	smov.u32 s6;
	s6 =	smov.u32 s0;
	s0 =	smov.u32 s20  }
0x313: {  	s20 =	smov.u32 s25;
	v63 =	vmul.f32 v0, v0;
	vm0 =	vlt.u32 v1, v2;
	v7 =	vpop (erf)  }
0x314: {  	v1 =	vadd.f32 v5, v3;
	v0 =	vmul.f32 $1.442695020e+00, v6;
	v5 =	vnsel vm0, $0x0, v7  }
0x315: {  	s31 =	sadd.s32 $0x10, s31;
	v3 =	vmul.f32 v4, v59;
	v60 =	vadd.f32 v5, v60  }
0x316: {  	v4 =	vmul.f32 v61, v57  }
0x317: {  	v5 =	vmul.f32 v62, v58  }
0x318: {  	v3 =	vmul.f32 v3, v3;
	v4 =	vmul.f32 v4, v4;
	_ =	sdelay $0x1  }
0x319: {  	v1 =	vadd.f32 v63, v1;
	v5 =	vmul.f32 v5, v5;
	v3 =	vadd.f32 v4, v3;
	_ =	sdelay $0x1  }
0x31a: {  	(erf) = vpow2.f32 v0;
	v1 =	vmul.f32 $-1.250000000e+01, v1;
	v3 =	vadd.f32 v5, v3;
	_ =	sdelay $0x1  }
0x31b: {  	v0 =	vmul.f32 $1.442695020e+00, v1;
	v1 =	vmul.f32 $-1.250000000e+01, v3;
	_ =	sdelay $0x1  }
0x31c: {  	(erf) = vpow2.f32 v0;
	v0 =	vmul.f32 $1.442695020e+00, v1;
	_ =	sdelay $0x1  }
0x31d: {  	(erf) = vpow2.f32 v0;
	v0 =	vmov s1  }
0x31e: {  	v1 =	vpop (erf);
	vm0 =	vlt.u32 v0, v2  }
0x31f: {  	v0 =	vnsel vm0, $0x0, v1;
	v1 =	vmov s6  }
0x320: {  	v3 =	vpop (erf);
	vm13 =	vlt.u32 v1, v2  }
0x321: {  	v1 =	vnsel vm13, $0x0, v3  }
0x322: {  	v0 =	vadd.f32 v0, v60  }
0x323: {  	v3 =	vmov s0  }
0x324: {  	v0 =	vadd.f32 v1, v0;
	vm14 =	vlt.u32 v3, v2;
	v1 =	vpop (erf)  }
0x325: {  	v1 =	vnsel vm14, $0x0, v1;
	_ =	sdelay $0x1  }
0x326: {  	v3 =	vmov s20  }
0x327: {  	vm15 =	vlt.u32 v3, v2;
	v0 =	vadd.f32 v1, v0;
	v1 =	vpop (erf)  }
0x328: {  	v1 =	vnsel vm15, $0x0, v1  }
0x329: {  	v0 =	vadd.f32 v1, v0;
	_ =	sdelay $0x1  }
0x32a: {  	(xrf2) =	vadd.scan.msk.f32 $0xffff, v0;
	_ =	sdelay $0x9  }
0x32b: {  	v0, _, _ =	vpop (xrf2)  }
0x32c: {  	(v2sf) =	vpush v0, $0xF;
	_ =	sdelay $0xe  }
0x32d: {  	s21 =	spop (v2sf)  }
0x32e: {  	s0 =	smul.f32 $1.000000050e-03, s21;
	_ =	sdelay $0x1  }
0x32f: {  	v0 =	vmov s0  }
0x330: {  	v0 =	vadd.f32 $9.999999930e-09, v0;
	_ =	sdelay $0x1  }
0x331: {  	v0 =	vbroadcast v0, $0x0;
	_ =	sdelay $0x1  }
0x332: {  	v1 =	vsub.s32 $0x7EF311C3, v0  }
0x333: {  	v3 =	vmul.f32 v1, v0;
	_ =	sdelay $0x1  }
0x334: {  	v3 =	vsub.f32 $2.000000000e+00, v3;
	_ =	sdelay $0x1  }
0x335: {  	v1 =	vmul.f32 v1, v3;
	_ =	sdelay $0x1  }
0x336: {  	v3 =	vmul.f32 v1, v0;
	_ =	sdelay $0x1  }
0x337: {  	v3 =	vsub.f32 $2.000000000e+00, v3;
	_ =	sdelay $0x1  }
0x338: {  	v1 =	vmul.f32 v3, v1;
	_ =	sdelay $0x1  }
0x339: {  	v0 =	vmul.f32 v1, v0;
	_ =	sdelay $0x1  }
0x33a: {  	v0 =	vsub.f32 $2.000000000e+00, v0;
	_ =	sdelay $0x1  }
0x33b: {  	v3 =	vmul.f32 v50, v56;
	v0 =	vmul.f32 v0, v1;
	_ =	sdelay $0x1  }
0x33c: {  	v0 =	vmul.f32 v0, v3;
	_ =	sdelay $0x1  }
0x33d: {  	v0 =	vmul.f32 $5.000000000e-01, v0;
	_ =	sdelay $0x1  }
0x33e: {  	[tilespmem:$0x7E10] =	vst v0  }
0x33f: {  	v58 =	vld.idx.msk [tilespmem:v30+s23+$0x0], $0xffff  }
0x340: {  	v56 =	vld.idx.msk [tilespmem:v31+s23+$0x0], $0xffff  }
0x341: {  	s22 =	simm.s32 $0x7000;
	v57 =	vld.idx.msk [tilespmem:v32+s23+$0x0], $0xffff  }
0x342: {  	s24 =	simm.s32 $0x7400;
	v0 =	vld [tilespmem:s22+$0x0]  }
0x343: {  	s25 =	simm.s32 $0x7800;
	v1 =	vld [tilespmem:s24+$0x0]  }
0x344: {  	v3 =	vld [tilespmem:s25+$0x0];
	_ =	sdelay $0x2  }
0x345: {  	s6 =	simm.s32 $0x7410  }
0x346: {  	s1 =	simm.s32 $0x7010;
	v5 =	vld [tilespmem:s6+$0x0];
	v0 =	vmul.f32 v0, v58;
	v1 =	vmul.f32 v1, v56  }
0x347: {  	s20 =	simm.s32 $0x7810;
	v4 =	vld [tilespmem:s1+$0x0];
	v3 =	vmul.f32 v3, v57  }
0x348: {  	v6 =	vld [tilespmem:s20+$0x0];
	v0 =	vmul.f32 v0, v0;
	v1 =	vmul.f32 v1, v1;
	_ =	sdelay $0x1  }
0x349: {  	v3 =	vmul.f32 v3, v3;
	v0 =	vadd.f32 v1, v0  }
0x34a: {  	s22 =	simm.s32 $0x7420;
	v5 =	vmul.f32 v5, v56  }
0x34b: {  	s21 =	simm.s32 $0x7020;
	v7 =	vld [tilespmem:s22+$0x0];
	v1 =	vmul.f32 v4, v58;
	v0 =	vadd.f32 v3, v0  }
0x34c: {  	s24 =	simm.s32 $0x7820;
	v6 =	vmul.f32 v6, v57;
	v5 =	vmul.f32 v5, v5;
	v4 =	vld [tilespmem:s21+$0x0]  }
0x34d: {  	v1 =	vmul.f32 v1, v1;
	v3 =	vld [tilespmem:s24+$0x0];
	v0 =	vmul.f32 $-1.250000000e+01, v0;
	_ =	sdelay $0x1  }
0x34e: {  	v6 =	vmul.f32 v6, v6;
	v1 =	vadd.f32 v5, v1;
	v0 =	vmul.f32 $1.442695020e+00, v0  }
0x34f: {  	s25 =	simm.s32 $0x7030;
	v7 =	vmul.f32 v7, v56  }
0x350: {  	s21 =	simm.s32 $0x7430;
	v5 =	vld [tilespmem:s25+$0x0];
	v4 =	vmul.f32 v4, v58;
	v1 =	vadd.f32 v6, v1;
	(erf) = vpow2.f32 v0  }
0x351: {  	s22 =	simm.s32 $0x7830;
	v60 =	vld [tilespmem:s21+$0x0];
	v6 =	vmul.f32 v7, v7;
	v3 =	vmul.f32 v3, v57  }
0x352: {  	v61 =	vld [tilespmem:s22+$0x0];
	v4 =	vmul.f32 v4, v4;
	v7 =	vmul.f32 $-1.250000000e+01, v1;
	_ =	sdelay $0x1  }
0x353: {  	s31 =	simm.s32 $0x7040;
	s0 =	simm.s32 $0x20;
	s1 =	simm.s32 $0x0;
	v62 =	vmul.f32 v3, v3;
	v1 =	vadd.f32 v6, v4;
	v0 =	vmul.f32 $1.442695020e+00, v7  }
0x354: {  	v59 =	vimm.f32 $0.0e+00;
	s6 =	simm.s32 $0x10;
	s20 =	simm.s32 $0x30;
	s24 =	simm.s32 $0x40;
	v3 =	vmul.f32 v5, v58  }
.LBB2_24:
0x355: {  	v4 =	vld [tilespmem:s31+$0x0];
	v5 =	vmul.f32 v60, v56;
	s21 =	sadd.s32 $0x10, s21;
	v1 =	vadd.f32 v62, v1;
	(erf) = vpow2.f32 v0;
	s25 =	smov.u32 s24;
	p0 =	sne.s32 s24, $0x3E0  }
.Ltmp11:
0x356: {  	s24 =	sadd.s32 $0x10, s24;
	s22 =	sadd.s32 $0x10, s22;
	v60 =	vld [tilespmem:s21+$0x0];
	v0 =	vmul.f32 v61, v57;
	v3 =	vmul.f32 v3, v3;
	(pc) =	sbr.rel @p0 .LBB2_24-.Ltmp11, $4  }
0x357: {  	v61 =	vld [tilespmem:s22+$0x0];
	v5 =	vmul.f32 v5, v5;
	v6 =	vmul.f32 $-1.250000000e+01, v1;
	v1 =	vmov s1;
	s1 =	smov.u32 s6;
	s6 =	smov.u32 s0;
	s0 =	smov.u32 s20  }
0x358: {  	s20 =	smov.u32 s25;
	v62 =	vmul.f32 v0, v0;
	vm0 =	vlt.u32 v1, v2;
	v7 =	vpop (erf)  }
0x359: {  	v1 =	vadd.f32 v5, v3;
	v0 =	vmul.f32 $1.442695020e+00, v6;
	v5 =	vnsel vm0, $0x0, v7  }
0x35a: {  	s31 =	sadd.s32 $0x10, s31;
	v3 =	vmul.f32 v4, v58;
	v59 =	vadd.f32 v5, v59  }
0x35b: {  	v4 =	vmul.f32 v60, v56  }
0x35c: {  	v5 =	vmul.f32 v61, v57  }
0x35d: {  	v3 =	vmul.f32 v3, v3;
	v4 =	vmul.f32 v4, v4;
	_ =	sdelay $0x1  }
0x35e: {  	v1 =	vadd.f32 v62, v1;
	v5 =	vmul.f32 v5, v5;
	v3 =	vadd.f32 v4, v3;
	_ =	sdelay $0x1  }
0x35f: {  	(erf) = vpow2.f32 v0;
	v1 =	vmul.f32 $-1.250000000e+01, v1;
	v3 =	vadd.f32 v5, v3;
	_ =	sdelay $0x1  }
0x360: {  	v0 =	vmul.f32 $1.442695020e+00, v1;
	v1 =	vmul.f32 $-1.250000000e+01, v3;
	_ =	sdelay $0x1  }
0x361: {  	(erf) = vpow2.f32 v0;
	v0 =	vmul.f32 $1.442695020e+00, v1;
	_ =	sdelay $0x1  }
0x362: {  	(erf) = vpow2.f32 v0;
	v0 =	vmov s1  }
0x363: {  	v1 =	vpop (erf);
	vm0 =	vlt.u32 v0, v2  }
0x364: {  	v0 =	vnsel vm0, $0x0, v1;
	v1 =	vmov s6  }
0x365: {  	v3 =	vpop (erf);
	vm13 =	vlt.u32 v1, v2  }
0x366: {  	v1 =	vnsel vm13, $0x0, v3  }
0x367: {  	v0 =	vadd.f32 v0, v59  }
0x368: {  	v3 =	vmov s0  }
0x369: {  	v0 =	vadd.f32 v1, v0;
	vm14 =	vlt.u32 v3, v2;
	v1 =	vpop (erf)  }
0x36a: {  	v1 =	vnsel vm14, $0x0, v1;
	_ =	sdelay $0x1  }
0x36b: {  	v3 =	vmov s20  }
0x36c: {  	vm15 =	vlt.u32 v3, v2;
	v0 =	vadd.f32 v1, v0;
	v1 =	vpop (erf)  }
0x36d: {  	v1 =	vnsel vm15, $0x0, v1  }
0x36e: {  	v0 =	vadd.f32 v1, v0;
	_ =	sdelay $0x1  }
0x36f: {  	(xrf2) =	vadd.scan.msk.f32 $0xffff, v0;
	_ =	sdelay $0x9  }
0x370: {  	v0, _, _ =	vpop (xrf2)  }
0x371: {  	(v2sf) =	vpush v0, $0xF;
	_ =	sdelay $0xe  }
0x372: {  	s21 =	spop (v2sf)  }
0x373: {  	s0 =	smul.f32 $1.000000050e-03, s21;
	_ =	sdelay $0x1  }
0x374: {  	v0 =	vmov s0  }
0x375: {  	v0 =	vadd.f32 $9.999999930e-09, v0;
	_ =	sdelay $0x1  }
0x376: {  	v0 =	vbroadcast v0, $0x0;
	_ =	sdelay $0x1  }
0x377: {  	v1 =	vsub.s32 $0x7EF311C3, v0  }
0x378: {  	v3 =	vmul.f32 v1, v0;
	_ =	sdelay $0x1  }
0x379: {  	v3 =	vsub.f32 $2.000000000e+00, v3;
	_ =	sdelay $0x1  }
0x37a: {  	v1 =	vmul.f32 v1, v3;
	_ =	sdelay $0x1  }
0x37b: {  	v3 =	vmul.f32 v1, v0;
	_ =	sdelay $0x1  }
0x37c: {  	v3 =	vsub.f32 $2.000000000e+00, v3;
	_ =	sdelay $0x1  }
0x37d: {  	v1 =	vmul.f32 v3, v1;
	_ =	sdelay $0x1  }
0x37e: {  	v0 =	vmul.f32 v1, v0;
	_ =	sdelay $0x1  }
0x37f: {  	v0 =	vsub.f32 $2.000000000e+00, v0;
	_ =	sdelay $0x1  }
0x380: {  	v3 =	vmul.f32 v50, v55;
	v0 =	vmul.f32 v0, v1;
	_ =	sdelay $0x1  }
0x381: {  	v0 =	vmul.f32 v0, v3;
	_ =	sdelay $0x1  }
0x382: {  	v0 =	vmul.f32 $5.000000000e-01, v0;
	_ =	sdelay $0x1  }
0x383: {  	[tilespmem:$0x7E20] =	vst v0  }
0x384: {  	v57 =	vld.idx.msk [tilespmem:v33+s23+$0x0], $0xffff  }
0x385: {  	v55 =	vld.idx.msk [tilespmem:v34+s23+$0x0], $0xffff  }
0x386: {  	s22 =	simm.s32 $0x7000;
	v56 =	vld.idx.msk [tilespmem:v35+s23+$0x0], $0xffff  }
0x387: {  	s24 =	simm.s32 $0x7400;
	v0 =	vld [tilespmem:s22+$0x0]  }
0x388: {  	s25 =	simm.s32 $0x7800;
	v1 =	vld [tilespmem:s24+$0x0]  }
0x389: {  	v3 =	vld [tilespmem:s25+$0x0];
	_ =	sdelay $0x2  }
0x38a: {  	s6 =	simm.s32 $0x7410  }
0x38b: {  	s1 =	simm.s32 $0x7010;
	v5 =	vld [tilespmem:s6+$0x0];
	v0 =	vmul.f32 v0, v57;
	v1 =	vmul.f32 v1, v55  }
0x38c: {  	s20 =	simm.s32 $0x7810;
	v4 =	vld [tilespmem:s1+$0x0];
	v3 =	vmul.f32 v3, v56  }
0x38d: {  	v6 =	vld [tilespmem:s20+$0x0];
	v0 =	vmul.f32 v0, v0;
	v1 =	vmul.f32 v1, v1;
	_ =	sdelay $0x1  }
0x38e: {  	v3 =	vmul.f32 v3, v3;
	v0 =	vadd.f32 v1, v0  }
0x38f: {  	s22 =	simm.s32 $0x7420;
	v5 =	vmul.f32 v5, v55  }
0x390: {  	s21 =	simm.s32 $0x7020;
	v7 =	vld [tilespmem:s22+$0x0];
	v1 =	vmul.f32 v4, v57;
	v0 =	vadd.f32 v3, v0  }
0x391: {  	s24 =	simm.s32 $0x7820;
	v6 =	vmul.f32 v6, v56;
	v5 =	vmul.f32 v5, v5;
	v4 =	vld [tilespmem:s21+$0x0]  }
0x392: {  	v1 =	vmul.f32 v1, v1;
	v3 =	vld [tilespmem:s24+$0x0];
	v0 =	vmul.f32 $-1.250000000e+01, v0;
	_ =	sdelay $0x1  }
0x393: {  	v6 =	vmul.f32 v6, v6;
	v1 =	vadd.f32 v5, v1;
	v0 =	vmul.f32 $1.442695020e+00, v0  }
0x394: {  	s25 =	simm.s32 $0x7030;
	v7 =	vmul.f32 v7, v55  }
0x395: {  	s21 =	simm.s32 $0x7430;
	v5 =	vld [tilespmem:s25+$0x0];
	v4 =	vmul.f32 v4, v57;
	v1 =	vadd.f32 v6, v1;
	(erf) = vpow2.f32 v0  }
0x396: {  	s22 =	simm.s32 $0x7830;
	v59 =	vld [tilespmem:s21+$0x0];
	v6 =	vmul.f32 v7, v7;
	v3 =	vmul.f32 v3, v56  }
0x397: {  	v60 =	vld [tilespmem:s22+$0x0];
	v4 =	vmul.f32 v4, v4;
	v7 =	vmul.f32 $-1.250000000e+01, v1;
	_ =	sdelay $0x1  }
0x398: {  	s31 =	simm.s32 $0x7040;
	s0 =	simm.s32 $0x20;
	s1 =	simm.s32 $0x0;
	v61 =	vmul.f32 v3, v3;
	v1 =	vadd.f32 v6, v4;
	v0 =	vmul.f32 $1.442695020e+00, v7  }
0x399: {  	v58 =	vimm.f32 $0.0e+00;
	v63 =	vimm.s32 $0x11;
	s6 =	simm.s32 $0x10;
	s20 =	simm.s32 $0x30;
	s24 =	simm.s32 $0x40;
	v3 =	vmul.f32 v5, v57  }
.LBB2_26:
0x39a: {  	v4 =	vld [tilespmem:s31+$0x0];
	v5 =	vmul.f32 v59, v55;
	s21 =	sadd.s32 $0x10, s21;
	v1 =	vadd.f32 v61, v1;
	(erf) = vpow2.f32 v0;
	s25 =	smov.u32 s24;
	p0 =	sne.s32 s24, $0x3E0  }
.Ltmp12:
0x39b: {  	s24 =	sadd.s32 $0x10, s24;
	s22 =	sadd.s32 $0x10, s22;
	v59 =	vld [tilespmem:s21+$0x0];
	v0 =	vmul.f32 v60, v56;
	v3 =	vmul.f32 v3, v3;
	(pc) =	sbr.rel @p0 .LBB2_26-.Ltmp12, $4  }
0x39c: {  	v60 =	vld [tilespmem:s22+$0x0];
	v5 =	vmul.f32 v5, v5;
	v6 =	vmul.f32 $-1.250000000e+01, v1;
	v1 =	vmov s1;
	s1 =	smov.u32 s6;
	s6 =	smov.u32 s0;
	s0 =	smov.u32 s20  }
0x39d: {  	s20 =	smov.u32 s25;
	v61 =	vmul.f32 v0, v0;
	vm0 =	vlt.u32 v1, v2;
	v7 =	vpop (erf)  }
0x39e: {  	v1 =	vadd.f32 v5, v3;
	v0 =	vmul.f32 $1.442695020e+00, v6;
	v5 =	vnsel vm0, $0x0, v7  }
0x39f: {  	s31 =	sadd.s32 $0x10, s31;
	v3 =	vmul.f32 v4, v57;
	v58 =	vadd.f32 v5, v58  }
0x3a0: {  	v4 =	vmul.f32 v59, v55  }
0x3a1: {  	v5 =	vmul.f32 v60, v56  }
0x3a2: {  	v3 =	vmul.f32 v3, v3;
	v4 =	vmul.f32 v4, v4;
	_ =	sdelay $0x1  }
0x3a3: {  	v1 =	vadd.f32 v61, v1;
	v5 =	vmul.f32 v5, v5;
	v3 =	vadd.f32 v4, v3;
	_ =	sdelay $0x1  }
0x3a4: {  	(erf) = vpow2.f32 v0;
	v1 =	vmul.f32 $-1.250000000e+01, v1;
	v3 =	vadd.f32 v5, v3;
	_ =	sdelay $0x1  }
0x3a5: {  	v0 =	vmul.f32 $1.442695020e+00, v1;
	v1 =	vmul.f32 $-1.250000000e+01, v3;
	_ =	sdelay $0x1  }
0x3a6: {  	(erf) = vpow2.f32 v0;
	v0 =	vmul.f32 $1.442695020e+00, v1;
	_ =	sdelay $0x1  }
0x3a7: {  	(erf) = vpow2.f32 v0;
	v0 =	vmov s1  }
0x3a8: {  	v1 =	vpop (erf);
	vm0 =	vlt.u32 v0, v2  }
0x3a9: {  	v0 =	vnsel vm0, $0x0, v1;
	v1 =	vmov s6  }
0x3aa: {  	v3 =	vpop (erf);
	vm13 =	vlt.u32 v1, v2  }
0x3ab: {  	v1 =	vnsel vm13, $0x0, v3  }
0x3ac: {  	v0 =	vadd.f32 v0, v58  }
0x3ad: {  	v3 =	vmov s0  }
0x3ae: {  	v0 =	vadd.f32 v1, v0;
	vm14 =	vlt.u32 v3, v2;
	v1 =	vpop (erf)  }
0x3af: {  	v1 =	vnsel vm14, $0x0, v1;
	_ =	sdelay $0x1  }
0x3b0: {  	v3 =	vmov s20  }
0x3b1: {  	vm15 =	vlt.u32 v3, v2;
	v0 =	vadd.f32 v1, v0;
	v1 =	vpop (erf)  }
0x3b2: {  	v1 =	vnsel vm15, $0x0, v1  }
0x3b3: {  	v0 =	vadd.f32 v1, v0;
	_ =	sdelay $0x1  }
0x3b4: {  	(xrf2) =	vadd.scan.msk.f32 $0xffff, v0;
	_ =	sdelay $0x9  }
0x3b5: {  	v0, _, _ =	vpop (xrf2)  }
0x3b6: {  	(v2sf) =	vpush v0, $0xF;
	_ =	sdelay $0xe  }
0x3b7: {  	s21 =	spop (v2sf)  }
0x3b8: {  	s0 =	smul.f32 $1.000000050e-03, s21;
	_ =	sdelay $0x1  }
0x3b9: {  	v0 =	vmov s0  }
0x3ba: {  	v0 =	vadd.f32 $9.999999930e-09, v0;
	_ =	sdelay $0x1  }
0x3bb: {  	v0 =	vbroadcast v0, $0x0;
	_ =	sdelay $0x1  }
0x3bc: {  	v1 =	vsub.s32 $0x7EF311C3, v0  }
0x3bd: {  	v3 =	vmul.f32 v1, v0;
	_ =	sdelay $0x1  }
0x3be: {  	v3 =	vsub.f32 $2.000000000e+00, v3;
	_ =	sdelay $0x1  }
0x3bf: {  	v1 =	vmul.f32 v1, v3;
	_ =	sdelay $0x1  }
0x3c0: {  	v3 =	vmul.f32 v1, v0;
	_ =	sdelay $0x1  }
0x3c1: {  	v3 =	vsub.f32 $2.000000000e+00, v3;
	_ =	sdelay $0x1  }
0x3c2: {  	v1 =	vmul.f32 v3, v1;
	_ =	sdelay $0x1  }
0x3c3: {  	v0 =	vmul.f32 v1, v0;
	_ =	sdelay $0x1  }
0x3c4: {  	v0 =	vsub.f32 $2.000000000e+00, v0;
	_ =	sdelay $0x1  }
0x3c5: {  	v3 =	vmul.f32 v50, v54;
	v0 =	vmul.f32 v0, v1;
	_ =	sdelay $0x1  }
0x3c6: {  	v0 =	vmul.f32 v0, v3;
	_ =	sdelay $0x1  }
0x3c7: {  	v0 =	vmul.f32 $5.000000000e-01, v0;
	_ =	sdelay $0x1  }
0x3c8: {  	[tilespmem:$0x7E30] =	vst v0  }
0x3c9: {  	v56 =	vld.idx.msk [tilespmem:v36+s23+$0x0], $0xffff  }
0x3ca: {  	v54 =	vld.idx.msk [tilespmem:v37+s23+$0x0], $0xffff  }
0x3cb: {  	s22 =	simm.s32 $0x7000;
	v55 =	vld.idx.msk [tilespmem:v38+s23+$0x0], $0xffff  }
0x3cc: {  	s24 =	simm.s32 $0x7400;
	v0 =	vld [tilespmem:s22+$0x0]  }
0x3cd: {  	s25 =	simm.s32 $0x7800;
	v1 =	vld [tilespmem:s24+$0x0]  }
0x3ce: {  	v3 =	vld [tilespmem:s25+$0x0];
	_ =	sdelay $0x2  }
0x3cf: {  	s6 =	simm.s32 $0x7410  }
0x3d0: {  	s1 =	simm.s32 $0x7010;
	v5 =	vld [tilespmem:s6+$0x0];
	v0 =	vmul.f32 v0, v56;
	v1 =	vmul.f32 v1, v54  }
0x3d1: {  	s20 =	simm.s32 $0x7810;
	v4 =	vld [tilespmem:s1+$0x0];
	v3 =	vmul.f32 v3, v55  }
0x3d2: {  	v6 =	vld [tilespmem:s20+$0x0];
	v0 =	vmul.f32 v0, v0;
	v1 =	vmul.f32 v1, v1;
	_ =	sdelay $0x1  }
0x3d3: {  	v3 =	vmul.f32 v3, v3;
	v0 =	vadd.f32 v1, v0  }
0x3d4: {  	s22 =	simm.s32 $0x7420;
	v5 =	vmul.f32 v5, v54  }
0x3d5: {  	s21 =	simm.s32 $0x7020;
	v7 =	vld [tilespmem:s22+$0x0];
	v1 =	vmul.f32 v4, v56;
	v0 =	vadd.f32 v3, v0  }
0x3d6: {  	s24 =	simm.s32 $0x7820;
	v6 =	vmul.f32 v6, v55;
	v5 =	vmul.f32 v5, v5;
	v4 =	vld [tilespmem:s21+$0x0]  }
0x3d7: {  	v1 =	vmul.f32 v1, v1;
	v3 =	vld [tilespmem:s24+$0x0];
	v0 =	vmul.f32 $-1.250000000e+01, v0;
	_ =	sdelay $0x1  }
0x3d8: {  	v6 =	vmul.f32 v6, v6;
	v1 =	vadd.f32 v5, v1;
	v0 =	vmul.f32 $1.442695020e+00, v0  }
0x3d9: {  	s25 =	simm.s32 $0x7030;
	v7 =	vmul.f32 v7, v54  }
0x3da: {  	s21 =	simm.s32 $0x7430;
	v5 =	vld [tilespmem:s25+$0x0];
	v4 =	vmul.f32 v4, v56;
	v1 =	vadd.f32 v6, v1;
	(erf) = vpow2.f32 v0  }
0x3db: {  	s22 =	simm.s32 $0x7830;
	v58 =	vld [tilespmem:s21+$0x0];
	v6 =	vmul.f32 v7, v7;
	v3 =	vmul.f32 v3, v55  }
0x3dc: {  	v59 =	vld [tilespmem:s22+$0x0];
	v4 =	vmul.f32 v4, v4;
	v7 =	vmul.f32 $-1.250000000e+01, v1;
	_ =	sdelay $0x1  }
0x3dd: {  	s31 =	simm.s32 $0x7040;
	s0 =	simm.s32 $0x20;
	s1 =	simm.s32 $0x0;
	v60 =	vmul.f32 v3, v3;
	v1 =	vadd.f32 v6, v4;
	v0 =	vmul.f32 $1.442695020e+00, v7  }
0x3de: {  	v57 =	vimm.f32 $0.0e+00;
	v62 =	vimm.s32 $0x9;
	s6 =	simm.s32 $0x10;
	s20 =	simm.s32 $0x30;
	s24 =	simm.s32 $0x40;
	v3 =	vmul.f32 v5, v56  }
.LBB2_28:
0x3df: {  	v4 =	vld [tilespmem:s31+$0x0];
	v5 =	vmul.f32 v58, v54;
	s21 =	sadd.s32 $0x10, s21;
	v1 =	vadd.f32 v60, v1;
	(erf) = vpow2.f32 v0;
	s25 =	smov.u32 s24;
	p0 =	sne.s32 s24, $0x3E0  }
.Ltmp13:
0x3e0: {  	s24 =	sadd.s32 $0x10, s24;
	s22 =	sadd.s32 $0x10, s22;
	v58 =	vld [tilespmem:s21+$0x0];
	v0 =	vmul.f32 v59, v55;
	v3 =	vmul.f32 v3, v3;
	(pc) =	sbr.rel @p0 .LBB2_28-.Ltmp13, $4  }
0x3e1: {  	v59 =	vld [tilespmem:s22+$0x0];
	v5 =	vmul.f32 v5, v5;
	v6 =	vmul.f32 $-1.250000000e+01, v1;
	v1 =	vmov s1;
	s1 =	smov.u32 s6;
	s6 =	smov.u32 s0;
	s0 =	smov.u32 s20  }
0x3e2: {  	s20 =	smov.u32 s25;
	v60 =	vmul.f32 v0, v0;
	vm0 =	vlt.u32 v1, v2;
	v7 =	vpop (erf)  }
0x3e3: {  	v1 =	vadd.f32 v5, v3;
	v0 =	vmul.f32 $1.442695020e+00, v6;
	v5 =	vnsel vm0, $0x0, v7  }
0x3e4: {  	s31 =	sadd.s32 $0x10, s31;
	v3 =	vmul.f32 v4, v56;
	v57 =	vadd.f32 v5, v57  }
0x3e5: {  	v4 =	vmul.f32 v58, v54  }
0x3e6: {  	v5 =	vmul.f32 v59, v55  }
0x3e7: {  	v3 =	vmul.f32 v3, v3;
	v4 =	vmul.f32 v4, v4;
	_ =	sdelay $0x1  }
0x3e8: {  	v1 =	vadd.f32 v60, v1;
	v5 =	vmul.f32 v5, v5;
	v3 =	vadd.f32 v4, v3;
	_ =	sdelay $0x1  }
0x3e9: {  	(erf) = vpow2.f32 v0;
	v1 =	vmul.f32 $-1.250000000e+01, v1;
	v3 =	vadd.f32 v5, v3;
	_ =	sdelay $0x1  }
0x3ea: {  	v0 =	vmul.f32 $1.442695020e+00, v1;
	v1 =	vmul.f32 $-1.250000000e+01, v3;
	_ =	sdelay $0x1  }
0x3eb: {  	(erf) = vpow2.f32 v0;
	v0 =	vmul.f32 $1.442695020e+00, v1;
	_ =	sdelay $0x1  }
0x3ec: {  	(erf) = vpow2.f32 v0;
	v0 =	vmov s1  }
0x3ed: {  	v1 =	vpop (erf);
	vm0 =	vlt.u32 v0, v2  }
0x3ee: {  	v0 =	vnsel vm0, $0x0, v1;
	v1 =	vmov s6  }
0x3ef: {  	v3 =	vpop (erf);
	vm13 =	vlt.u32 v1, v2  }
0x3f0: {  	v1 =	vnsel vm13, $0x0, v3  }
0x3f1: {  	v0 =	vadd.f32 v0, v57  }
0x3f2: {  	v3 =	vmov s0  }
0x3f3: {  	v0 =	vadd.f32 v1, v0;
	vm14 =	vlt.u32 v3, v2;
	v1 =	vpop (erf)  }
0x3f4: {  	v1 =	vnsel vm14, $0x0, v1;
	_ =	sdelay $0x1  }
0x3f5: {  	v3 =	vmov s20  }
0x3f6: {  	vm15 =	vlt.u32 v3, v2;
	v0 =	vadd.f32 v1, v0;
	v1 =	vpop (erf)  }
0x3f7: {  	v1 =	vnsel vm15, $0x0, v1  }
0x3f8: {  	v0 =	vadd.f32 v1, v0;
	_ =	sdelay $0x1  }
0x3f9: {  	(xrf2) =	vadd.scan.msk.f32 $0xffff, v0;
	_ =	sdelay $0x9  }
0x3fa: {  	v0, _, _ =	vpop (xrf2)  }
0x3fb: {  	(v2sf) =	vpush v0, $0xF;
	_ =	sdelay $0xe  }
0x3fc: {  	s21 =	spop (v2sf)  }
0x3fd: {  	s0 =	smul.f32 $1.000000050e-03, s21;
	_ =	sdelay $0x1  }
0x3fe: {  	v0 =	vmov s0  }
0x3ff: {  	v0 =	vadd.f32 $9.999999930e-09, v0;
	_ =	sdelay $0x1  }
0x400: {  	v0 =	vbroadcast v0, $0x0;
	_ =	sdelay $0x1  }
0x401: {  	v1 =	vsub.s32 $0x7EF311C3, v0  }
0x402: {  	v3 =	vmul.f32 v1, v0;
	_ =	sdelay $0x1  }
0x403: {  	v3 =	vsub.f32 $2.000000000e+00, v3;
	_ =	sdelay $0x1  }
0x404: {  	v1 =	vmul.f32 v1, v3;
	_ =	sdelay $0x1  }
0x405: {  	v3 =	vmul.f32 v1, v0;
	_ =	sdelay $0x1  }
0x406: {  	v3 =	vsub.f32 $2.000000000e+00, v3;
	_ =	sdelay $0x1  }
0x407: {  	v1 =	vmul.f32 v3, v1;
	_ =	sdelay $0x1  }
0x408: {  	v0 =	vmul.f32 v1, v0;
	_ =	sdelay $0x1  }
0x409: {  	v0 =	vsub.f32 $2.000000000e+00, v0;
	_ =	sdelay $0x1  }
0x40a: {  	v3 =	vmul.f32 v50, v53;
	v0 =	vmul.f32 v0, v1;
	_ =	sdelay $0x1  }
0x40b: {  	v0 =	vmul.f32 v0, v3;
	_ =	sdelay $0x1  }
0x40c: {  	v0 =	vmul.f32 $5.000000000e-01, v0;
	_ =	sdelay $0x1  }
0x40d: {  	[tilespmem:$0x7E40] =	vst v0  }
0x40e: {  	v55 =	vld.idx.msk [tilespmem:v39+s23+$0x0], $0xffff  }
0x40f: {  	v53 =	vld.idx.msk [tilespmem:v40+s23+$0x0], $0xffff  }
0x410: {  	s22 =	simm.s32 $0x7000;
	v54 =	vld.idx.msk [tilespmem:v41+s23+$0x0], $0xffff  }
0x411: {  	s24 =	simm.s32 $0x7400;
	v0 =	vld [tilespmem:s22+$0x0]  }
0x412: {  	s25 =	simm.s32 $0x7800;
	v1 =	vld [tilespmem:s24+$0x0]  }
0x413: {  	v3 =	vld [tilespmem:s25+$0x0];
	_ =	sdelay $0x2  }
0x414: {  	s6 =	simm.s32 $0x7410  }
0x415: {  	s1 =	simm.s32 $0x7010;
	v5 =	vld [tilespmem:s6+$0x0];
	v0 =	vmul.f32 v0, v55;
	v1 =	vmul.f32 v1, v53  }
0x416: {  	s20 =	simm.s32 $0x7810;
	v4 =	vld [tilespmem:s1+$0x0];
	v3 =	vmul.f32 v3, v54  }
0x417: {  	v6 =	vld [tilespmem:s20+$0x0];
	v0 =	vmul.f32 v0, v0;
	v1 =	vmul.f32 v1, v1;
	_ =	sdelay $0x1  }
0x418: {  	v3 =	vmul.f32 v3, v3;
	v0 =	vadd.f32 v1, v0  }
0x419: {  	s22 =	simm.s32 $0x7420;
	v5 =	vmul.f32 v5, v53  }
0x41a: {  	s21 =	simm.s32 $0x7020;
	v7 =	vld [tilespmem:s22+$0x0];
	v1 =	vmul.f32 v4, v55;
	v0 =	vadd.f32 v3, v0  }
0x41b: {  	s24 =	simm.s32 $0x7820;
	v6 =	vmul.f32 v6, v54;
	v5 =	vmul.f32 v5, v5;
	v4 =	vld [tilespmem:s21+$0x0]  }
0x41c: {  	v1 =	vmul.f32 v1, v1;
	v3 =	vld [tilespmem:s24+$0x0];
	v0 =	vmul.f32 $-1.250000000e+01, v0;
	_ =	sdelay $0x1  }
0x41d: {  	v6 =	vmul.f32 v6, v6;
	v1 =	vadd.f32 v5, v1;
	v0 =	vmul.f32 $1.442695020e+00, v0  }
0x41e: {  	s25 =	simm.s32 $0x7030;
	v7 =	vmul.f32 v7, v53  }
0x41f: {  	s21 =	simm.s32 $0x7430;
	v5 =	vld [tilespmem:s25+$0x0];
	v4 =	vmul.f32 v4, v55;
	v1 =	vadd.f32 v6, v1;
	(erf) = vpow2.f32 v0  }
0x420: {  	s22 =	simm.s32 $0x7830;
	v57 =	vld [tilespmem:s21+$0x0];
	v6 =	vmul.f32 v7, v7;
	v3 =	vmul.f32 v3, v54  }
0x421: {  	v58 =	vld [tilespmem:s22+$0x0];
	v4 =	vmul.f32 v4, v4;
	v7 =	vmul.f32 $-1.250000000e+01, v1;
	_ =	sdelay $0x1  }
0x422: {  	s31 =	simm.s32 $0x7040;
	s0 =	simm.s32 $0x20;
	s1 =	simm.s32 $0x0;
	v59 =	vmul.f32 v3, v3;
	v1 =	vadd.f32 v6, v4;
	v0 =	vmul.f32 $1.442695020e+00, v7  }
0x423: {  	v56 =	vimm.f32 $0.0e+00;
	v61 =	vimm.s32 $0x10;
	s6 =	simm.s32 $0x10;
	s20 =	simm.s32 $0x30;
	s24 =	simm.s32 $0x40;
	v3 =	vmul.f32 v5, v55  }
.LBB2_30:
0x424: {  	v4 =	vld [tilespmem:s31+$0x0];
	v5 =	vmul.f32 v57, v53;
	s21 =	sadd.s32 $0x10, s21;
	v1 =	vadd.f32 v59, v1;
	(erf) = vpow2.f32 v0;
	s25 =	smov.u32 s24;
	p0 =	sne.s32 s24, $0x3E0  }
.Ltmp14:
0x425: {  	s24 =	sadd.s32 $0x10, s24;
	s22 =	sadd.s32 $0x10, s22;
	v57 =	vld [tilespmem:s21+$0x0];
	v0 =	vmul.f32 v58, v54;
	v3 =	vmul.f32 v3, v3;
	(pc) =	sbr.rel @p0 .LBB2_30-.Ltmp14, $4  }
0x426: {  	v58 =	vld [tilespmem:s22+$0x0];
	v5 =	vmul.f32 v5, v5;
	v6 =	vmul.f32 $-1.250000000e+01, v1;
	v1 =	vmov s1;
	s1 =	smov.u32 s6;
	s6 =	smov.u32 s0;
	s0 =	smov.u32 s20  }
0x427: {  	s20 =	smov.u32 s25;
	v59 =	vmul.f32 v0, v0;
	vm0 =	vlt.u32 v1, v2;
	v7 =	vpop (erf)  }
0x428: {  	v1 =	vadd.f32 v5, v3;
	v0 =	vmul.f32 $1.442695020e+00, v6;
	v5 =	vnsel vm0, $0x0, v7  }
0x429: {  	s31 =	sadd.s32 $0x10, s31;
	v3 =	vmul.f32 v4, v55;
	v56 =	vadd.f32 v5, v56  }
0x42a: {  	v4 =	vmul.f32 v57, v53  }
0x42b: {  	v5 =	vmul.f32 v58, v54  }
0x42c: {  	v3 =	vmul.f32 v3, v3;
	v4 =	vmul.f32 v4, v4;
	_ =	sdelay $0x1  }
0x42d: {  	v1 =	vadd.f32 v59, v1;
	v5 =	vmul.f32 v5, v5;
	v3 =	vadd.f32 v4, v3;
	_ =	sdelay $0x1  }
0x42e: {  	(erf) = vpow2.f32 v0;
	v1 =	vmul.f32 $-1.250000000e+01, v1;
	v3 =	vadd.f32 v5, v3;
	_ =	sdelay $0x1  }
0x42f: {  	v0 =	vmul.f32 $1.442695020e+00, v1;
	v1 =	vmul.f32 $-1.250000000e+01, v3;
	_ =	sdelay $0x1  }
0x430: {  	(erf) = vpow2.f32 v0;
	v0 =	vmul.f32 $1.442695020e+00, v1;
	_ =	sdelay $0x1  }
0x431: {  	(erf) = vpow2.f32 v0;
	v0 =	vmov s1  }
0x432: {  	v1 =	vpop (erf);
	vm0 =	vlt.u32 v0, v2  }
0x433: {  	v0 =	vnsel vm0, $0x0, v1;
	v1 =	vmov s6  }
0x434: {  	v3 =	vpop (erf);
	vm13 =	vlt.u32 v1, v2  }
0x435: {  	v1 =	vnsel vm13, $0x0, v3  }
0x436: {  	v0 =	vadd.f32 v0, v56  }
0x437: {  	v3 =	vmov s0  }
0x438: {  	v0 =	vadd.f32 v1, v0;
	vm14 =	vlt.u32 v3, v2;
	v1 =	vpop (erf)  }
0x439: {  	v1 =	vnsel vm14, $0x0, v1;
	_ =	sdelay $0x1  }
0x43a: {  	v3 =	vmov s20  }
0x43b: {  	vm15 =	vlt.u32 v3, v2;
	v0 =	vadd.f32 v1, v0;
	v1 =	vpop (erf)  }
0x43c: {  	v1 =	vnsel vm15, $0x0, v1  }
0x43d: {  	v0 =	vadd.f32 v1, v0;
	_ =	sdelay $0x1  }
0x43e: {  	(xrf2) =	vadd.scan.msk.f32 $0xffff, v0;
	_ =	sdelay $0x9  }
0x43f: {  	v0, _, _ =	vpop (xrf2)  }
0x440: {  	(v2sf) =	vpush v0, $0xF;
	_ =	sdelay $0xe  }
0x441: {  	s21 =	spop (v2sf)  }
0x442: {  	s0 =	smul.f32 $1.000000050e-03, s21;
	_ =	sdelay $0x1  }
0x443: {  	v0 =	vmov s0  }
0x444: {  	v0 =	vadd.f32 $9.999999930e-09, v0;
	_ =	sdelay $0x1  }
0x445: {  	v0 =	vbroadcast v0, $0x0;
	_ =	sdelay $0x1  }
0x446: {  	v1 =	vsub.s32 $0x7EF311C3, v0  }
0x447: {  	v3 =	vmul.f32 v1, v0;
	_ =	sdelay $0x1  }
0x448: {  	v3 =	vsub.f32 $2.000000000e+00, v3;
	_ =	sdelay $0x1  }
0x449: {  	v1 =	vmul.f32 v1, v3;
	_ =	sdelay $0x1  }
0x44a: {  	v3 =	vmul.f32 v1, v0;
	_ =	sdelay $0x1  }
0x44b: {  	v3 =	vsub.f32 $2.000000000e+00, v3;
	_ =	sdelay $0x1  }
0x44c: {  	v1 =	vmul.f32 v3, v1;
	_ =	sdelay $0x1  }
0x44d: {  	v0 =	vmul.f32 v1, v0;
	_ =	sdelay $0x1  }
0x44e: {  	v0 =	vsub.f32 $2.000000000e+00, v0;
	_ =	sdelay $0x1  }
0x44f: {  	v3 =	vmul.f32 v50, v52;
	v0 =	vmul.f32 v0, v1;
	_ =	sdelay $0x1  }
0x450: {  	v0 =	vmul.f32 v0, v3;
	_ =	sdelay $0x1  }
0x451: {  	v0 =	vmul.f32 $5.000000000e-01, v0;
	_ =	sdelay $0x1  }
0x452: {  	[tilespmem:$0x7E50] =	vst v0  }
0x453: {  	v54 =	vld.idx.msk [tilespmem:v42+s23+$0x0], $0xffff  }
0x454: {  	v52 =	vld.idx.msk [tilespmem:v43+s23+$0x0], $0xffff  }
0x455: {  	s22 =	simm.s32 $0x7000;
	v53 =	vld.idx.msk [tilespmem:v44+s23+$0x0], $0xffff  }
0x456: {  	s24 =	simm.s32 $0x7400;
	v0 =	vld [tilespmem:s22+$0x0]  }
0x457: {  	s25 =	simm.s32 $0x7800;
	v1 =	vld [tilespmem:s24+$0x0]  }
0x458: {  	v3 =	vld [tilespmem:s25+$0x0];
	_ =	sdelay $0x2  }
0x459: {  	s6 =	simm.s32 $0x7410  }
0x45a: {  	s1 =	simm.s32 $0x7010;
	v5 =	vld [tilespmem:s6+$0x0];
	v0 =	vmul.f32 v0, v54;
	v1 =	vmul.f32 v1, v52  }
0x45b: {  	s20 =	simm.s32 $0x7810;
	v4 =	vld [tilespmem:s1+$0x0];
	v3 =	vmul.f32 v3, v53  }
0x45c: {  	v6 =	vld [tilespmem:s20+$0x0];
	v0 =	vmul.f32 v0, v0;
	v1 =	vmul.f32 v1, v1;
	_ =	sdelay $0x1  }
0x45d: {  	v3 =	vmul.f32 v3, v3;
	v0 =	vadd.f32 v1, v0  }
0x45e: {  	s22 =	simm.s32 $0x7420;
	v5 =	vmul.f32 v5, v52  }
0x45f: {  	s21 =	simm.s32 $0x7020;
	v7 =	vld [tilespmem:s22+$0x0];
	v1 =	vmul.f32 v4, v54;
	v0 =	vadd.f32 v3, v0  }
0x460: {  	s24 =	simm.s32 $0x7820;
	v6 =	vmul.f32 v6, v53;
	v5 =	vmul.f32 v5, v5;
	v4 =	vld [tilespmem:s21+$0x0]  }
0x461: {  	v1 =	vmul.f32 v1, v1;
	v3 =	vld [tilespmem:s24+$0x0];
	v0 =	vmul.f32 $-1.250000000e+01, v0;
	_ =	sdelay $0x1  }
0x462: {  	v6 =	vmul.f32 v6, v6;
	v1 =	vadd.f32 v5, v1;
	v0 =	vmul.f32 $1.442695020e+00, v0  }
0x463: {  	s25 =	simm.s32 $0x7030;
	v7 =	vmul.f32 v7, v52  }
0x464: {  	s21 =	simm.s32 $0x7430;
	v5 =	vld [tilespmem:s25+$0x0];
	v4 =	vmul.f32 v4, v54;
	v1 =	vadd.f32 v6, v1;
	(erf) = vpow2.f32 v0  }
0x465: {  	s22 =	simm.s32 $0x7830;
	v56 =	vld [tilespmem:s21+$0x0];
	v6 =	vmul.f32 v7, v7;
	v3 =	vmul.f32 v3, v53  }
0x466: {  	v57 =	vld [tilespmem:s22+$0x0];
	v4 =	vmul.f32 v4, v4;
	v7 =	vmul.f32 $-1.250000000e+01, v1;
	_ =	sdelay $0x1  }
0x467: {  	s31 =	simm.s32 $0x7040;
	s0 =	simm.s32 $0x20;
	s1 =	simm.s32 $0x0;
	v58 =	vmul.f32 v3, v3;
	v1 =	vadd.f32 v6, v4;
	v0 =	vmul.f32 $1.442695020e+00, v7  }
0x468: {  	v55 =	vimm.f32 $0.0e+00;
	v60 =	vimm.s32 $0x8;
	s6 =	simm.s32 $0x10;
	s20 =	simm.s32 $0x30;
	s24 =	simm.s32 $0x40;
	v3 =	vmul.f32 v5, v54  }
.LBB2_32:
0x469: {  	v4 =	vld [tilespmem:s31+$0x0];
	v5 =	vmul.f32 v56, v52;
	s21 =	sadd.s32 $0x10, s21;
	v1 =	vadd.f32 v58, v1;
	(erf) = vpow2.f32 v0;
	s25 =	smov.u32 s24;
	p0 =	sne.s32 s24, $0x3E0  }
.Ltmp15:
0x46a: {  	s24 =	sadd.s32 $0x10, s24;
	s22 =	sadd.s32 $0x10, s22;
	v56 =	vld [tilespmem:s21+$0x0];
	v0 =	vmul.f32 v57, v53;
	v3 =	vmul.f32 v3, v3;
	(pc) =	sbr.rel @p0 .LBB2_32-.Ltmp15, $4  }
0x46b: {  	v57 =	vld [tilespmem:s22+$0x0];
	v5 =	vmul.f32 v5, v5;
	v6 =	vmul.f32 $-1.250000000e+01, v1;
	v1 =	vmov s1;
	s1 =	smov.u32 s6;
	s6 =	smov.u32 s0;
	s0 =	smov.u32 s20  }
0x46c: {  	s20 =	smov.u32 s25;
	v58 =	vmul.f32 v0, v0;
	vm0 =	vlt.u32 v1, v2;
	v7 =	vpop (erf)  }
0x46d: {  	v1 =	vadd.f32 v5, v3;
	v0 =	vmul.f32 $1.442695020e+00, v6;
	v5 =	vnsel vm0, $0x0, v7  }
0x46e: {  	s31 =	sadd.s32 $0x10, s31;
	v3 =	vmul.f32 v4, v54;
	v55 =	vadd.f32 v5, v55  }
0x46f: {  	v4 =	vmul.f32 v56, v52  }
0x470: {  	v5 =	vmul.f32 v57, v53  }
0x471: {  	v3 =	vmul.f32 v3, v3;
	v4 =	vmul.f32 v4, v4;
	_ =	sdelay $0x1  }
0x472: {  	v1 =	vadd.f32 v58, v1;
	v5 =	vmul.f32 v5, v5;
	v3 =	vadd.f32 v4, v3;
	_ =	sdelay $0x1  }
0x473: {  	(erf) = vpow2.f32 v0;
	v1 =	vmul.f32 $-1.250000000e+01, v1;
	v3 =	vadd.f32 v5, v3;
	_ =	sdelay $0x1  }
0x474: {  	v0 =	vmul.f32 $1.442695020e+00, v1;
	v1 =	vmul.f32 $-1.250000000e+01, v3;
	_ =	sdelay $0x1  }
0x475: {  	(erf) = vpow2.f32 v0;
	v0 =	vmul.f32 $1.442695020e+00, v1;
	_ =	sdelay $0x1  }
0x476: {  	(erf) = vpow2.f32 v0;
	v0 =	vmov s1  }
0x477: {  	v1 =	vpop (erf);
	vm0 =	vlt.u32 v0, v2  }
0x478: {  	v0 =	vnsel vm0, $0x0, v1;
	v1 =	vmov s6  }
0x479: {  	v3 =	vpop (erf);
	vm13 =	vlt.u32 v1, v2  }
0x47a: {  	v1 =	vnsel vm13, $0x0, v3  }
0x47b: {  	v0 =	vadd.f32 v0, v55  }
0x47c: {  	v3 =	vmov s0  }
0x47d: {  	v0 =	vadd.f32 v1, v0;
	vm14 =	vlt.u32 v3, v2;
	v1 =	vpop (erf)  }
0x47e: {  	v1 =	vnsel vm14, $0x0, v1;
	_ =	sdelay $0x1  }
0x47f: {  	v3 =	vmov s20  }
0x480: {  	vm15 =	vlt.u32 v3, v2;
	v0 =	vadd.f32 v1, v0;
	v1 =	vpop (erf)  }
0x481: {  	v1 =	vnsel vm15, $0x0, v1  }
0x482: {  	v0 =	vadd.f32 v1, v0;
	_ =	sdelay $0x1  }
0x483: {  	(xrf2) =	vadd.scan.msk.f32 $0xffff, v0;
	_ =	sdelay $0x9  }
0x484: {  	v0, _, _ =	vpop (xrf2)  }
0x485: {  	(v2sf) =	vpush v0, $0xF;
	_ =	sdelay $0xe  }
0x486: {  	s21 =	spop (v2sf)  }
0x487: {  	s0 =	smul.f32 $1.000000050e-03, s21;
	_ =	sdelay $0x1  }
0x488: {  	v0 =	vmov s0  }
0x489: {  	v0 =	vadd.f32 $9.999999930e-09, v0;
	_ =	sdelay $0x1  }
0x48a: {  	v0 =	vbroadcast v0, $0x0;
	_ =	sdelay $0x1  }
0x48b: {  	v1 =	vsub.s32 $0x7EF311C3, v0  }
0x48c: {  	v3 =	vmul.f32 v1, v0;
	_ =	sdelay $0x1  }
0x48d: {  	v3 =	vsub.f32 $2.000000000e+00, v3;
	_ =	sdelay $0x1  }
0x48e: {  	v1 =	vmul.f32 v1, v3;
	_ =	sdelay $0x1  }
0x48f: {  	v3 =	vmul.f32 v1, v0;
	_ =	sdelay $0x1  }
0x490: {  	v3 =	vsub.f32 $2.000000000e+00, v3;
	_ =	sdelay $0x1  }
0x491: {  	v1 =	vmul.f32 v3, v1;
	_ =	sdelay $0x1  }
0x492: {  	v0 =	vmul.f32 v1, v0;
	_ =	sdelay $0x1  }
0x493: {  	v0 =	vsub.f32 $2.000000000e+00, v0;
	_ =	sdelay $0x1  }
0x494: {  	v3 =	vmul.f32 v50, v51;
	v0 =	vmul.f32 v0, v1;
	_ =	sdelay $0x1  }
0x495: {  	v0 =	vmul.f32 v0, v3;
	_ =	sdelay $0x1  }
0x496: {  	v0 =	vmul.f32 $5.000000000e-01, v0;
	_ =	sdelay $0x1  }
0x497: {  	[tilespmem:$0x7E60] =	vst v0  }
0x498: {  	v53 =	vld.idx.msk [tilespmem:v45+s23+$0x0], $0xffff  }
0x499: {  	v51 =	vld.idx.msk [tilespmem:v46+s23+$0x0], $0xffff  }
0x49a: {  	s22 =	simm.s32 $0x7000;
	v52 =	vld.idx.msk [tilespmem:v47+s23+$0x0], $0xffff  }
0x49b: {  	s24 =	simm.s32 $0x7400;
	v0 =	vld [tilespmem:s22+$0x0]  }
0x49c: {  	s25 =	simm.s32 $0x7800;
	v1 =	vld [tilespmem:s24+$0x0]  }
0x49d: {  	v3 =	vld [tilespmem:s25+$0x0];
	_ =	sdelay $0x2  }
0x49e: {  	s6 =	simm.s32 $0x7410  }
0x49f: {  	s1 =	simm.s32 $0x7010;
	v5 =	vld [tilespmem:s6+$0x0];
	v0 =	vmul.f32 v0, v53;
	v1 =	vmul.f32 v1, v51  }
0x4a0: {  	s20 =	simm.s32 $0x7810;
	v4 =	vld [tilespmem:s1+$0x0];
	v3 =	vmul.f32 v3, v52  }
0x4a1: {  	v6 =	vld [tilespmem:s20+$0x0];
	v0 =	vmul.f32 v0, v0;
	v1 =	vmul.f32 v1, v1;
	_ =	sdelay $0x1  }
0x4a2: {  	v3 =	vmul.f32 v3, v3;
	v0 =	vadd.f32 v1, v0  }
0x4a3: {  	s22 =	simm.s32 $0x7420;
	v5 =	vmul.f32 v5, v51  }
0x4a4: {  	s21 =	simm.s32 $0x7020;
	v7 =	vld [tilespmem:s22+$0x0];
	v1 =	vmul.f32 v4, v53;
	v0 =	vadd.f32 v3, v0  }
0x4a5: {  	s24 =	simm.s32 $0x7820;
	v6 =	vmul.f32 v6, v52;
	v5 =	vmul.f32 v5, v5;
	v4 =	vld [tilespmem:s21+$0x0]  }
0x4a6: {  	v1 =	vmul.f32 v1, v1;
	v3 =	vld [tilespmem:s24+$0x0];
	v0 =	vmul.f32 $-1.250000000e+01, v0;
	_ =	sdelay $0x1  }
0x4a7: {  	v6 =	vmul.f32 v6, v6;
	v1 =	vadd.f32 v5, v1;
	v0 =	vmul.f32 $1.442695020e+00, v0  }
0x4a8: {  	s25 =	simm.s32 $0x7030;
	v7 =	vmul.f32 v7, v51  }
0x4a9: {  	s21 =	simm.s32 $0x7430;
	v5 =	vld [tilespmem:s25+$0x0];
	v4 =	vmul.f32 v4, v53;
	v1 =	vadd.f32 v6, v1;
	(erf) = vpow2.f32 v0  }
0x4aa: {  	s22 =	simm.s32 $0x7830;
	v55 =	vld [tilespmem:s21+$0x0];
	v6 =	vmul.f32 v7, v7;
	v3 =	vmul.f32 v3, v52  }
0x4ab: {  	v56 =	vld [tilespmem:s22+$0x0];
	v4 =	vmul.f32 v4, v4;
	v7 =	vmul.f32 $-1.250000000e+01, v1;
	_ =	sdelay $0x1  }
0x4ac: {  	s31 =	simm.s32 $0x7040;
	s0 =	simm.s32 $0x20;
	s1 =	simm.s32 $0x0;
	v57 =	vmul.f32 v3, v3;
	v1 =	vadd.f32 v6, v4;
	v0 =	vmul.f32 $1.442695020e+00, v7  }
0x4ad: {  	v54 =	vimm.f32 $0.0e+00;
	v59 =	vimm.s32 $0x1;
	s6 =	simm.s32 $0x10;
	s20 =	simm.s32 $0x30;
	s24 =	simm.s32 $0x40;
	v3 =	vmul.f32 v5, v53  }
.LBB2_34:
0x4ae: {  	v4 =	vld [tilespmem:s31+$0x0];
	v5 =	vmul.f32 v55, v51;
	s21 =	sadd.s32 $0x10, s21;
	v1 =	vadd.f32 v57, v1;
	(erf) = vpow2.f32 v0;
	s25 =	smov.u32 s24;
	p0 =	sne.s32 s24, $0x3E0  }
.Ltmp16:
0x4af: {  	s24 =	sadd.s32 $0x10, s24;
	s22 =	sadd.s32 $0x10, s22;
	v55 =	vld [tilespmem:s21+$0x0];
	v0 =	vmul.f32 v56, v52;
	v3 =	vmul.f32 v3, v3;
	(pc) =	sbr.rel @p0 .LBB2_34-.Ltmp16, $4  }
0x4b0: {  	v56 =	vld [tilespmem:s22+$0x0];
	v5 =	vmul.f32 v5, v5;
	v6 =	vmul.f32 $-1.250000000e+01, v1;
	v1 =	vmov s1;
	s1 =	smov.u32 s6;
	s6 =	smov.u32 s0;
	s0 =	smov.u32 s20  }
0x4b1: {  	s20 =	smov.u32 s25;
	v57 =	vmul.f32 v0, v0;
	vm0 =	vlt.u32 v1, v2;
	v7 =	vpop (erf)  }
0x4b2: {  	v1 =	vadd.f32 v5, v3;
	v0 =	vmul.f32 $1.442695020e+00, v6;
	v5 =	vnsel vm0, $0x0, v7  }
0x4b3: {  	s31 =	sadd.s32 $0x10, s31;
	v3 =	vmul.f32 v4, v53;
	v54 =	vadd.f32 v5, v54  }
0x4b4: {  	v4 =	vmul.f32 v55, v51  }
0x4b5: {  	v5 =	vmul.f32 v56, v52  }
0x4b6: {  	v3 =	vmul.f32 v3, v3;
	v4 =	vmul.f32 v4, v4;
	_ =	sdelay $0x1  }
0x4b7: {  	v1 =	vadd.f32 v57, v1;
	v5 =	vmul.f32 v5, v5;
	v3 =	vadd.f32 v4, v3;
	_ =	sdelay $0x1  }
0x4b8: {  	(erf) = vpow2.f32 v0;
	v1 =	vmul.f32 $-1.250000000e+01, v1;
	v3 =	vadd.f32 v5, v3;
	_ =	sdelay $0x1  }
0x4b9: {  	v0 =	vmul.f32 $1.442695020e+00, v1;
	v1 =	vmul.f32 $-1.250000000e+01, v3;
	_ =	sdelay $0x1  }
0x4ba: {  	(erf) = vpow2.f32 v0;
	v0 =	vmul.f32 $1.442695020e+00, v1;
	_ =	sdelay $0x1  }
0x4bb: {  	(erf) = vpow2.f32 v0;
	v0 =	vmov s1  }
0x4bc: {  	v1 =	vpop (erf);
	vm0 =	vlt.u32 v0, v2  }
0x4bd: {  	v0 =	vnsel vm0, $0x0, v1;
	v1 =	vmov s6  }
0x4be: {  	v3 =	vpop (erf);
	vm13 =	vlt.u32 v1, v2  }
0x4bf: {  	v1 =	vnsel vm13, $0x0, v3  }
0x4c0: {  	v0 =	vadd.f32 v0, v54  }
0x4c1: {  	v3 =	vmov s0  }
0x4c2: {  	v0 =	vadd.f32 v1, v0;
	vm14 =	vlt.u32 v3, v2;
	v1 =	vpop (erf)  }
0x4c3: {  	v1 =	vnsel vm14, $0x0, v1;
	_ =	sdelay $0x1  }
0x4c4: {  	v3 =	vmov s20  }
0x4c5: {  	vm15 =	vlt.u32 v3, v2;
	v0 =	vadd.f32 v1, v0;
	v1 =	vpop (erf)  }
0x4c6: {  	v1 =	vnsel vm15, $0x0, v1  }
0x4c7: {  	v0 =	vadd.f32 v1, v0;
	_ =	sdelay $0x1  }
0x4c8: {  	(xrf2) =	vadd.scan.msk.f32 $0xffff, v0;
	_ =	sdelay $0x9  }
0x4c9: {  	v0, _, _ =	vpop (xrf2)  }
0x4ca: {  	(v2sf) =	vpush v0, $0xF;
	_ =	sdelay $0xe  }
0x4cb: {  	s25 =	spop (v2sf)  }
0x4cc: {  	s0 =	smul.f32 $1.000000050e-03, s25;
	_ =	sdelay $0x1  }
0x4cd: {  	v0 =	vmov s0  }
0x4ce: {  	v0 =	vadd.f32 $9.999999930e-09, v0;
	_ =	sdelay $0x1  }
0x4cf: {  	v0 =	vbroadcast v0, $0x0;
	_ =	sdelay $0x1  }
0x4d0: {  	v1 =	vsub.s32 $0x7EF311C3, v0  }
0x4d1: {  	v3 =	vmul.f32 v1, v0;
	_ =	sdelay $0x1  }
0x4d2: {  	v3 =	vsub.f32 $2.000000000e+00, v3;
	_ =	sdelay $0x1  }
0x4d3: {  	v1 =	vmul.f32 v1, v3;
	_ =	sdelay $0x1  }
0x4d4: {  	v3 =	vmul.f32 v1, v0;
	_ =	sdelay $0x1  }
0x4d5: {  	v3 =	vsub.f32 $2.000000000e+00, v3;
	_ =	sdelay $0x1  }
0x4d6: {  	v1 =	vmul.f32 v3, v1;
	_ =	sdelay $0x1  }
0x4d7: {  	v0 =	vmul.f32 v1, v0;
	_ =	sdelay $0x1  }
0x4d8: {  	v0 =	vsub.f32 $2.000000000e+00, v0;
	_ =	sdelay $0x1  }
0x4d9: {  	v3 =	vmul.f32 v50, v49;
	v0 =	vmul.f32 v0, v1;
	_ =	sdelay $0x1  }
0x4da: {  	v0 =	vmul.f32 v0, v3;
	_ =	sdelay $0x1  }
0x4db: {  	v0 =	vmul.f32 $5.000000000e-01, v0;
	_ =	sdelay $0x1  }
0x4dc: {  	s31 =	simm.s32 $0x0;
	s1 =	simm.s32 $0x0;
	[tilespmem:$0x7E70] =	vst v0  }
.LBB2_36:
0x4dd: {  	s0 =	sadd.s32 s9, s1  }
0x4de: {  	v0 =	vmov s0;
	_ =	sdelay $0x1  }
0x4df: {  	s25 =	simm.s32 $0x3000  }
0x4e0: {  	s6 =	simm.s32 $0x4000;
	v1 =	vld [tilespmem:s25+$0x0]  }
0x4e1: {  	v3 =	vld [tilespmem:s6+$0x0]  }
0x4e2: {  	v50 =	vld.idx.msk [tilespmem:v0+s31+$0x0], $0xffff  }
0x4e3: {  	v52 =	vld.idx.msk [tilespmem:v0+s18+$0x0], $0xffff  }
0x4e4: {  	v53 =	vld.idx.msk [tilespmem:v0+s19+$0x0], $0xffff  }
0x4e5: {  	v49 =	vld.idx.msk [tilespmem:v0+s25+$0x0], $0xffff  }
0x4e6: {  	s0 =	simm.s32 $0x5000;
	v51 =	vld.idx.msk [tilespmem:v0+s6+$0x0], $0xffff  }
0x4e7: {  	v54 =	vld.idx.msk [tilespmem:v0+s0+$0x0], $0xffff  }
0x4e8: {  	v0 =	vld [tilespmem:s0+$0x0];
	_ =	sdelay $0x1  }
0x4e9: {  	v4 =	vmul.f32 v50, v50;
	v5 =	vmul.f32 v52, v52  }
0x4ea: {  	s20 =	simm.s32 $0x6000;
	v1 =	vmul.f32 v1, v49;
	v3 =	vmul.f32 v3, v51  }
0x4eb: {  	v58 =	vld [tilespmem:s20+$0x0];
	v6 =	vmul.f32 v53, v53  }
0x4ec: {  	v0 =	vmul.f32 v0, v54;
	v4 =	vadd.f32 v5, v4;
	v1 =	vadd.f32 v3, v1;
	_ =	sdelay $0x1  }
0x4ed: {  	v55 =	vadd.f32 v6, v4;
	v0 =	vadd.f32 v0, v1;
	_ =	sdelay $0x1  }
0x4ee: {  	v1 =	vadd.f32 v58, v55;
	v0 =	vadd.f32 v0, v0;
	_ =	sdelay $0x1  }
0x4ef: {  	v0 =	vsub.f32 v1, v0  }
0x4f0: {  	v56 =	vimm.f32 $+Inf  }
0x4f1: {  	vm0 =	vlt.f32 v0, v56  }
0x4f2: {  	v1 =	vsel vm0, $0x3F800000, v48  }
0x4f3: {  	(xrf0) =	vmax.scan.msk.f32 $0xffff, v1;
	_ =	sdelay $0x5  }
0x4f4: {  	v1, _, _ =	vpop (xrf0)  }
0x4f5: {  	(v2sf) =	vpush v1, $0xF;
	_ =	sdelay $0xe  }
0x4f6: {  	s21 =	spop (v2sf)  }
0x4f7: {  	p0 =	sgt.f32 s21, $0.0e+00;
	_ =	sdelay $0x1  }
0x4f8: {  	v1 =	vlaneseq.u32 @p0  }
0x4f9: {  	v3 =	vor.u32 @p0 s31, v1  }
0x4fa: {  	(xrf1) =	vsort.ascd.msk.f32 @p0 $0xffff, v0, v3;
	_ =	sdelay $0xb  }
0x4fb: {  	v0 =	vmul.u32 @p0 $0xFFFFFFFF, v1;
	_ =	sdelay $0x1  }
0x4fc: {  	v0 =	vadd.s32 @p0 $0xF, v0;
	v1, v3, _ =	vpop @p0 (xrf1)  }
0x4fd: {  	v1 =	vperm.xlane @p0 v1, v0  }
0x4fe: {  	v0 =	vperm.xlane @p0 v3, v0  }
0x4ff: {  	v57 =	vimm.s32 $0x0;
	vm0 =	vlt.f32 @p0 v1, v56  }
0x500: {  	v1 =	vsel @p0 vm0, v1, v56;
	v0 =	vsel @p0 vm0, v0, v57  }
0x501: {  	(xrf1) =	vsort.ascd.msk.f32 @p0 $0xffff, v1, v0;
	_ =	sdelay $0x7  }
0x502: {  	s22 =	simm.s32 $0x3010;
	v58 =	vimm.f32 $+Inf;
	s21 =	simm.s32 $0x10  }
.LBB2_37:
0x503: {  	v0 =	vld [tilespmem:s22+$0x0];
	s6 =	sadd.s32 $0x10, s6;
	s24 =	smov.u32 s21  }
0x504: {  	s21 =	sadd.s32 $0x10, s21;
	v1 =	vld [tilespmem:s6+$0x0]  }
0x505: {  	s0 =	sadd.s32 $0x10, s0;
	p1 =	sne.s32 s21, $0x1000  }
0x506: {  	v3 =	vld [tilespmem:s0+$0x0];
	_ =	sdelay $0x1  }
0x507: {  	v0 =	vmul.f32 v0, v49;
	v4, v5, _ =	vpop @p0 (xrf1)  }
0x508: {  	s20 =	sadd.s32 $0x10, s20;
	v1 =	vmul.f32 v1, v51;
	v56 =	vpsel p0, v4, v56;
	v57 =	vpsel p0, v5, v57;
	(xrf0) =	vmax.scan.msk.f32 @p0 $0xffff, v4  }
0x509: {  	v4 =	vld [tilespmem:s20+$0x0]  }
0x50a: {  	v0 =	vadd.f32 v1, v0;
	v1 =	vmul.f32 v3, v54;
	_ =	sdelay $0x1  }
0x50b: {  	v0 =	vadd.f32 v1, v0;
	_ =	sdelay $0x1  }
0x50c: {  	v1 =	vadd.f32 v4, v55;
	v0 =	vadd.f32 v0, v0;
	v3, _, _ =	vpop @p0 (xrf0)  }
0x50d: {  	v3 =	vbroadcast @p0 v3, $0xF  }
0x50e: {  	v0 =	vsub.f32 v1, v0  }
0x50f: {  	v58 =	vpsel p0, v3, v58  }
0x510: {  	vm0 =	vlt.f32 v0, v58  }
0x511: {  	v1 =	vsel vm0, $0x3F800000, v48  }
0x512: {  	(xrf0) =	vmax.scan.msk.f32 $0xffff, v1;
	_ =	sdelay $0x5  }
0x513: {  	v1, _, _ =	vpop (xrf0)  }
0x514: {  	(v2sf) =	vpush v1, $0xF;
	_ =	sdelay $0xe  }
0x515: {  	s25 =	spop (v2sf)  }
0x516: {  	p0 =	sgt.f32 s25, $0.0e+00;
	_ =	sdelay $0x1  }
0x517: {  	v1 =	vlaneseq.u32 @p0  }
0x518: {  	v3 =	vor.u32 @p0 s24, v1  }
0x519: {  	(xrf1) =	vsort.ascd.msk.f32 @p0 $0xffff, v0, v3;
	_ =	sdelay $0xb  }
0x51a: {  	v0 =	vmul.u32 @p0 $0xFFFFFFFF, v1;
	_ =	sdelay $0x1  }
0x51b: {  	v0 =	vadd.s32 @p0 $0xF, v0;
	v1, v3, _ =	vpop @p0 (xrf1)  }
0x51c: {  	v1 =	vperm.xlane @p0 v1, v0  }
0x51d: {  	v0 =	vperm.xlane @p0 v3, v0  }
0x51e: {  	vm0 =	vlt.f32 @p0 v1, v56  }
0x51f: {  	v1 =	vsel @p0 vm0, v1, v56;
	v0 =	vsel @p0 vm0, v0, v57  }
0x520: {  	(xrf1) =	vsort.ascd.msk.f32 @p0 $0xffff, v1, v0;
	_ =	sdelay $0x3  }
.Ltmp17:
0x521: {  	(pc) =	sbr.rel @p1 .LBB2_37-.Ltmp17, $2  }
0x522: {  	_ =	sdelay $0x2  }
0x523: {  	s22 =	sadd.s32 $0x10, s22  }
0x524: {  	_ =	sdelay $0x4  }
0x525: {  	v49, v0, _ =	vpop @p0 (xrf1)  }
0x526: {  	v0 =	vpsel p0, v0, v57;
	_ =	sdelay $0x3  }
0x527: {  	v4 =	vld.msk [tilespmem:s23+$0x0], $0xffff  }
0x528: {  	v1 =	vld.idx.msk [tilespmem:v0+s2+$0x0], $0xffff  }
0x529: {  	v3 =	vld.idx.msk [tilespmem:v0+s18+$0x0], $0xffff  }
0x52a: {  	v0 =	vld.idx.msk [tilespmem:v0+s19+$0x0], $0xffff  }
0x52b: {  	v5 =	vld.idx.msk [tilespmem:v60+s23+$0x0], $0xffff;
	v7 =	vimm.s32 $0xA  }
0x52c: {  	v6 =	vld.idx.msk [tilespmem:v61+s23+$0x0], $0xffff;
	_ =	sdelay $0x1  }
0x52d: {  	v51 =	vsub.f32 v1, v50;
	v52 =	vsub.f32 v3, v52  }
0x52e: {  	v50 =	vsub.f32 v0, v53  }
0x52f: {  	v7 =	vld.idx.msk [tilespmem:v7+s23+$0x0], $0xffff;
	v0 =	vmul.f32 v4, v51;
	v1 =	vmul.f32 v5, v52  }
0x530: {  	v3 =	vmul.f32 v6, v50  }
0x531: {  	v54 =	vld.idx.msk [tilespmem:v10+s23+$0x0], $0xffff;
	v0 =	vmul.f32 v0, v0;
	v1 =	vmul.f32 v1, v1  }
0x532: {  	v57 =	vld.idx.msk [tilespmem:v9+s23+$0x0], $0xffff  }
0x533: {  	v55 =	vld.idx.msk [tilespmem:v59+s23+$0x0], $0xffff;
	v0 =	vadd.f32 v1, v0;
	v1 =	vmul.f32 v3, v3;
	v3 =	vimm.s32 $0x2  }
0x534: {  	v56 =	vld.idx.msk [tilespmem:v62+s23+$0x0], $0xffff;
	v7 =	vmul.f32 v7, v52  }
0x535: {  	v6 =	vld.idx.msk [tilespmem:v63+s23+$0x0], $0xffff  }
0x536: {  	v58 =	vmul.f32 v7, v7  }
0x537: {  	v7 =	vmul.f32 v57, v51;
	v57 =	vmul.f32 v54, v52;
	v54 =	vld.idx.msk [tilespmem:v12+s23+$0x0], $0xffff  }
0x538: {  	v3 =	vld.idx.msk [tilespmem:v3+s23+$0x0], $0xffff  }
0x539: {  	v4 =	vmul.f32 v55, v51;
	v5 =	vmul.f32 v56, v52;
	v0 =	vadd.f32 v1, v0;
	v1 =	vld.idx.msk [tilespmem:v8+s23+$0x0], $0xffff  }
0x53a: {  	v55 =	vld.idx.msk [tilespmem:v11+s23+$0x0], $0xffff;
	v6 =	vmul.f32 v6, v50  }
0x53b: {  	v4 =	vmul.f32 v4, v4;
	v5 =	vmul.f32 v5, v5  }
0x53c: {  	v6 =	vmul.f32 v6, v6  }
0x53d: {  	v4 =	vadd.f32 v5, v4;
	v56 =	vmul.f32 v54, v51;
	v3 =	vmul.f32 v3, v51  }
0x53e: {  	v0 =	vmul.f32 $-1.250000000e+01, v0;
	v1 =	vmul.f32 v1, v50  }
0x53f: {  	v4 =	vadd.f32 v6, v4;
	v6 =	vmul.f32 v55, v50;
	v55 =	vld.idx.msk [tilespmem:v14+s23+$0x0], $0xffff;
	v3 =	vmul.f32 v3, v3  }
0x540: {  	v0 =	vmul.f32 $1.442695020e+00, v0;
	v1 =	vmul.f32 v1, v1  }
0x541: {  	v3 =	vadd.f32 v58, v3;
	v58 =	vmul.f32 v7, v7;
	v7 =	vmul.f32 v57, v57;
	v57 =	vld.idx.msk [tilespmem:v13+s23+$0x0], $0xffff  }
0x542: {  	v4 =	vmul.f32 $-1.250000000e+01, v4;
	(erf) = vpow2.f32 v0  }
0x543: {  	v1 =	vadd.f32 v1, v3;
	v3 =	vadd.f32 v7, v58;
	v58 =	vmul.f32 v6, v6  }
0x544: {  	v0 =	vmul.f32 $1.442695020e+00, v4;
	v6 =	vmul.f32 v55, v50;
	v7 =	vld.idx.msk [tilespmem:v15+s23+$0x0], $0xffff  }
0x545: {  	v4 =	vmul.f32 v56, v56;
	v1 =	vmul.f32 $-1.250000000e+01, v1;
	v3 =	vadd.f32 v58, v3;
	v58 =	vld.idx.msk [tilespmem:v16+s23+$0x0], $0xffff  }
0x546: {  	v56 =	vmul.f32 v6, v6;
	v6 =	vld.idx.msk [tilespmem:v18+s23+$0x0], $0xffff;
	v57 =	vmul.f32 v57, v52  }
0x547: {  	(erf) = vpow2.f32 v0;
	v0 =	vmul.f32 $1.442695020e+00, v1;
	v1 =	vld.idx.msk [tilespmem:v17+s23+$0x0], $0xffff  }
0x548: {  	v53 =	vld.idx.msk [tilespmem:v21+s23+$0x0], $0xffff;
	v3 =	vmul.f32 $-1.250000000e+01, v3;
	v5 =	vmul.f32 v57, v57  }
0x549: {  	v57 =	vmul.f32 v7, v51;
	(erf) = vpow2.f32 v0;
	v0 =	vld.idx.msk [tilespmem:v19+s23+$0x0], $0xffff  }
0x54a: {  	v3 =	vmul.f32 $1.442695020e+00, v3;
	v4 =	vadd.f32 v5, v4;
	v7 =	vmul.f32 v58, v52;
	v58 =	vld.idx.msk [tilespmem:v22+s23+$0x0], $0xffff  }
0x54b: {  	v5 =	vmul.f32 v57, v57;
	v57 =	vld.idx.msk [tilespmem:v23+s23+$0x0], $0xffff;
	v6 =	vmul.f32 v6, v51  }
0x54c: {  	(erf) = vpow2.f32 v3;
	v3 =	vadd.f32 v56, v4;
	v4 =	vld.idx.msk [tilespmem:v20+s23+$0x0], $0xffff;
	v1 =	vmul.f32 v1, v50  }
0x54d: {  	v7 =	vmul.f32 v7, v7;
	v6 =	vmul.f32 v6, v6  }
0x54e: {  	v3 =	vmul.f32 $-1.250000000e+01, v3;
	v0 =	vmul.f32 v0, v52  }
0x54f: {  	v1 =	vmul.f32 v1, v1;
	v5 =	vadd.f32 v7, v5;
	v7 =	vmul.f32 v53, v51  }
0x550: {  	v58 =	vmul.f32 v58, v52;
	v0 =	vmul.f32 v0, v0  }
0x551: {  	v54 =	vmul.f32 v57, v50;
	v4 =	vmul.f32 v4, v50  }
0x552: {  	v1 =	vadd.f32 v1, v5;
	v0 =	vadd.f32 v0, v6;
	v6 =	vmul.f32 v7, v7  }
0x553: {  	v7 =	vmul.f32 v58, v58;
	v4 =	vmul.f32 v4, v4  }
0x554: {  	v3 =	vmul.f32 $1.442695020e+00, v3;
	v1 =	vmul.f32 $-1.250000000e+01, v1  }
0x555: {  	v5 =	vmul.f32 v54, v54;
	v55 =	vadd.f32 v7, v6;
	v0 =	vadd.f32 v4, v0  }
0x556: {  	v1 =	vmul.f32 $1.442695020e+00, v1  }
0x557: {  	v6 =	vpop (erf);
	(erf) = vpow2.f32 v3;
	v3 =	vadd.f32 v5, v55;
	v0 =	vmul.f32 $-1.250000000e+01, v0;
	_ =	sdelay $0x1  }
0x558: {  	v3 =	vmul.f32 $-1.250000000e+01, v3;
	v0 =	vmul.f32 $1.442695020e+00, v0  }
0x559: {  	vm0 =	vmmov $0xff;
	(erf) = vpow2.f32 v1;
	v1 =	vpop (erf)  }
0x55a: {  	v1 =	vnsel vm0, $0x0, v1;
	(erf) = vpow2.f32 v0;
	v0 =	vmul.f32 $1.442695020e+00, v3  }
0x55b: {  	v56 =	vnsel vm0, $0x0, v6  }
0x55c: {  	(xrf2) =	vadd.scan.msk.f32 $0xffff, v56  }
0x55d: {  	(xrf2) =	vadd.scan.msk.f32 $0xffff, v1;
	v1 =	vpop (erf)  }
0x55e: {  	(erf) = vpow2.f32 v0;
	v0 =	vpop (erf)  }
0x55f: {  	v0 =	vnsel vm0, $0x0, v0  }
0x560: {  	v1 =	vnsel vm0, $0x0, v1  }
0x561: {  	(xrf2) =	vadd.scan.msk.f32 $0xffff, v1  }
0x562: {  	(xrf2) =	vadd.scan.msk.f32 $0xffff, v0;
	v0 =	vpop (erf)  }
0x563: {  	v0 =	vnsel vm0, $0x0, v0;
	_ =	sdelay $0x2  }
0x564: {  	(xrf2) =	vadd.scan.msk.f32 $0xffff, v0;
	v0 =	vpop (erf)  }
0x565: {  	v0 =	vnsel vm0, $0x0, v0;
	_ =	sdelay $0x1  }
0x566: {  	v3, _, _ =	vpop (xrf2)  }
0x567: {  	v1 =	vld [tilespmem:$0x7D80];
	(xrf2) =	vadd.scan.msk.f32 $0xffff, v0;
	v0 =	vpop (erf)  }
0x568: {  	v0 =	vnsel vm0, $0x0, v0  }
0x569: {  	v57 =	vld [tilespmem:$0x7D90]  }
0x56a: {  	v3 =	vbroadcast v3, $0xF;
	v58, _, _ =	vpop (xrf2)  }
0x56b: {  	v6 =	vld [tilespmem:$0x7DA0];
	(xrf2) =	vadd.scan.msk.f32 $0xffff, v0;
	v0 =	vpop (erf)  }
0x56c: {  	v1 =	vmul.f32 v3, v1;
	v3 =	vbroadcast v58, $0xF;
	v0 =	vnsel vm0, $0x0, v0  }
0x56d: {  	v7 =	vld [tilespmem:$0x7DB0];
	v53, _, _ =	vpop (xrf2);
	(xrf2) =	vadd.scan.msk.f32 $0xffff, v0  }
0x56e: {  	v0 =	vadd.f32 $0.0e+00, v1;
	v1 =	vmul.f32 v3, v57;
	v3 =	vbroadcast v53, $0xF  }
0x56f: {  	v55 =	vld [tilespmem:$0x7DC0];
	v54, _, _ =	vpop (xrf2)  }
0x570: {  	v0 =	vadd.f32 v1, v0;
	v1 =	vmul.f32 v3, v6;
	v3 =	vbroadcast v54, $0xF  }
0x571: {  	v56, _, _ =	vpop (xrf2);
	v6 =	vld [tilespmem:$0x7DD0]  }
0x572: {  	v0 =	vadd.f32 v1, v0;
	v1 =	vmul.f32 v3, v7;
	v3 =	vbroadcast v56, $0xF  }
0x573: {  	v57, _, _ =	vpop (xrf2);
	v7 =	vld [tilespmem:$0x7DE0]  }
0x574: {  	v0 =	vadd.f32 v1, v0;
	v1 =	vmul.f32 v3, v55;
	v3 =	vbroadcast v57, $0xF  }
0x575: {  	v53 =	vld [tilespmem:$0x7DF0];
	v58, _, _ =	vpop (xrf2)  }
0x576: {  	v0 =	vadd.f32 v1, v0;
	v1 =	vmul.f32 v3, v6;
	v3 =	vbroadcast v58, $0xF  }
0x577: {  	v54, _, _ =	vpop (xrf2)  }
0x578: {  	v0 =	vadd.f32 v1, v0;
	v1 =	vmul.f32 v3, v7;
	v3 =	vbroadcast v54, $0xF;
	_ =	sdelay $0x1  }
0x579: {  	v0 =	vadd.f32 v1, v0;
	v1 =	vmul.f32 v3, v53;
	_ =	sdelay $0x1  }
0x57a: {  	s6 =	smul.u32 $0x30, s1;
	v0 =	vadd.f32 v1, v0;
	_ =	sdelay $0x1  }
0x57b: {  	[tilespmem:s6+$0x8110] =	vst v0  }
0x57c: {  	v0 =	vld.idx.msk [tilespmem:v24+s23+$0x0], $0xffff  }
0x57d: {  	v1 =	vld.idx.msk [tilespmem:v25+s23+$0x0], $0xffff  }
0x57e: {  	v3 =	vld.idx.msk [tilespmem:v26+s23+$0x0], $0xffff;
	_ =	sdelay $0x1  }
0x57f: {  	v55 =	vld.idx.msk [tilespmem:v27+s23+$0x0], $0xffff  }
0x580: {  	v56 =	vld.idx.msk [tilespmem:v28+s23+$0x0], $0xffff  }
0x581: {  	v6 =	vld.idx.msk [tilespmem:v29+s23+$0x0], $0xffff;
	v0 =	vmul.f32 v0, v51;
	v1 =	vmul.f32 v1, v52  }
0x582: {  	v7 =	vld.idx.msk [tilespmem:v31+s23+$0x0], $0xffff;
	v3 =	vmul.f32 v3, v50  }
0x583: {  	v53 =	vld.idx.msk [tilespmem:v33+s23+$0x0], $0xffff;
	v0 =	vmul.f32 v0, v0;
	v1 =	vmul.f32 v1, v1  }
0x584: {  	v57 =	vld.idx.msk [tilespmem:v34+s23+$0x0], $0xffff;
	v4 =	vmul.f32 v55, v51  }
0x585: {  	v5 =	vmul.f32 v56, v52;
	v55 =	vld.idx.msk [tilespmem:v35+s23+$0x0], $0xffff;
	v0 =	vadd.f32 v1, v0;
	v1 =	vmul.f32 v3, v3  }
0x586: {  	v6 =	vmul.f32 v6, v50;
	v3 =	vld.idx.msk [tilespmem:v30+s23+$0x0], $0xffff  }
0x587: {  	v4 =	vmul.f32 v4, v4;
	v5 =	vmul.f32 v5, v5;
	v0 =	vadd.f32 v1, v0;
	v1 =	vld.idx.msk [tilespmem:v32+s23+$0x0], $0xffff  }
0x588: {  	v7 =	vmul.f32 v7, v52  }
0x589: {  	v57 =	vmul.f32 v57, v52;
	v6 =	vmul.f32 v6, v6;
	v4 =	vadd.f32 v5, v4  }
0x58a: {  	v58 =	vmul.f32 v7, v7;
	v7 =	vmul.f32 v53, v51  }
0x58b: {  	v4 =	vadd.f32 v6, v4;
	v6 =	vmul.f32 v55, v50;
	v3 =	vmul.f32 v3, v51  }
0x58c: {  	v54 =	vld.idx.msk [tilespmem:v36+s23+$0x0], $0xffff;
	v0 =	vmul.f32 $-1.250000000e+01, v0;
	v1 =	vmul.f32 v1, v50  }
0x58d: {  	v53 =	vld.idx.msk [tilespmem:v37+s23+$0x0], $0xffff;
	v4 =	vmul.f32 $-1.250000000e+01, v4;
	v3 =	vmul.f32 v3, v3  }
0x58e: {  	v55 =	vld.idx.msk [tilespmem:v38+s23+$0x0], $0xffff;
	v0 =	vmul.f32 $1.442695020e+00, v0;
	v1 =	vmul.f32 v1, v1  }
0x58f: {  	v3 =	vadd.f32 v58, v3;
	v58 =	vmul.f32 v7, v7;
	v7 =	vmul.f32 v57, v57  }
0x590: {  	(erf) = vpow2.f32 v0;
	v0 =	vmul.f32 $1.442695020e+00, v4  }
0x591: {  	v57 =	vmul.f32 v6, v6;
	v1 =	vadd.f32 v1, v3;
	v3 =	vadd.f32 v7, v58  }
0x592: {  	v58 =	vmul.f32 v54, v51;
	v54 =	vmul.f32 v53, v52;
	v7 =	vld.idx.msk [tilespmem:v39+s23+$0x0], $0xffff  }
0x593: {  	v56 =	vld.idx.msk [tilespmem:v40+s23+$0x0], $0xffff;
	v6 =	vmul.f32 v55, v50;
	v1 =	vmul.f32 $-1.250000000e+01, v1;
	v3 =	vadd.f32 v57, v3  }
0x594: {  	v4 =	vmul.f32 v58, v58;
	v5 =	vmul.f32 v54, v54  }
0x595: {  	v57 =	vmul.f32 v6, v6;
	v6 =	vld.idx.msk [tilespmem:v42+s23+$0x0], $0xffff;
	v3 =	vmul.f32 $-1.250000000e+01, v3  }
0x596: {  	(erf) = vpow2.f32 v0;
	v0 =	vmul.f32 $1.442695020e+00, v1;
	v1 =	vld.idx.msk [tilespmem:v41+s23+$0x0], $0xffff  }
0x597: {  	v53 =	vld.idx.msk [tilespmem:v45+s23+$0x0], $0xffff;
	v4 =	vadd.f32 v5, v4;
	v58 =	vmul.f32 v7, v51;
	v3 =	vmul.f32 $1.442695020e+00, v3  }
0x598: {  	v7 =	vmul.f32 v56, v52;
	(erf) = vpow2.f32 v0;
	v0 =	vld.idx.msk [tilespmem:v43+s23+$0x0], $0xffff  }
0x599: {  	v5 =	vmul.f32 v58, v58;
	(erf) = vpow2.f32 v3;
	v3 =	vadd.f32 v57, v4;
	v4 =	vld.idx.msk [tilespmem:v44+s23+$0x0], $0xffff  }
0x59a: {  	v7 =	vmul.f32 v7, v7;
	v6 =	vmul.f32 v6, v51;
	v57 =	vld.idx.msk [tilespmem:v46+s23+$0x0], $0xffff  }
0x59b: {  	v58 =	vld.idx.msk [tilespmem:v47+s23+$0x0], $0xffff;
	v1 =	vmul.f32 v1, v50  }
0x59c: {  	v5 =	vadd.f32 v7, v5;
	v6 =	vmul.f32 v6, v6;
	v7 =	vmul.f32 v53, v51  }
0x59d: {  	v3 =	vmul.f32 $-1.250000000e+01, v3;
	v0 =	vmul.f32 v0, v52  }
0x59e: {  	v1 =	vmul.f32 v1, v1;
	v4 =	vmul.f32 v4, v50  }
0x59f: {  	v0 =	vmul.f32 v0, v0;
	v56 =	vmul.f32 v57, v52  }
0x5a0: {  	v1 =	vadd.f32 v1, v5;
	v57 =	vmul.f32 v58, v50;
	v4 =	vmul.f32 v4, v4  }
0x5a1: {  	v0 =	vadd.f32 v0, v6;
	v6 =	vmul.f32 v7, v7;
	v7 =	vmul.f32 v56, v56  }
0x5a2: {  	v3 =	vmul.f32 $1.442695020e+00, v3;
	v1 =	vmul.f32 $-1.250000000e+01, v1  }
0x5a3: {  	v5 =	vmul.f32 v57, v57;
	v0 =	vadd.f32 v4, v0;
	v58 =	vadd.f32 v7, v6  }
0x5a4: {  	v1 =	vmul.f32 $1.442695020e+00, v1  }
0x5a5: {  	v50 =	vpop (erf);
	(erf) = vpow2.f32 v3;
	v0 =	vmul.f32 $-1.250000000e+01, v0;
	v3 =	vadd.f32 v5, v58  }
0x5a6: {  	(xrf2) =	vadd.scan.msk.f32 $0xffff, v50;
	(erf) = vpow2.f32 v1  }
0x5a7: {  	v0 =	vmul.f32 $1.442695020e+00, v0;
	v1 =	vmul.f32 $-1.250000000e+01, v3;
	_ =	sdelay $0x1  }
0x5a8: {  	v3 =	vpop (erf);
	(erf) = vpow2.f32 v0;
	v0 =	vmul.f32 $1.442695020e+00, v1  }
0x5a9: {  	(xrf2) =	vadd.scan.msk.f32 $0xffff, v3  }
0x5aa: {  	v1 =	vpop (erf)  }
0x5ab: {  	(erf) = vpow2.f32 v0;
	(xrf2) =	vadd.scan.msk.f32 $0xffff, v1  }
0x5ac: {  	v0 =	vpop (erf)  }
0x5ad: {  	(xrf2) =	vadd.scan.msk.f32 $0xffff, v0  }
0x5ae: {  	v0 =	vpop (erf)  }
0x5af: {  	v3, _, _ =	vpop (xrf2);
	v1 =	vld [tilespmem:$0x7E00];
	(xrf2) =	vadd.scan.msk.f32 $0xffff, v0  }
0x5b0: {  	v3 =	vbroadcast v3, $0xF;
	v0 =	vpop (erf)  }
0x5b1: {  	v51 =	vld [tilespmem:$0x7E10];
	(xrf2) =	vadd.scan.msk.f32 $0xffff, v0  }
0x5b2: {  	v0 =	vpop (erf)  }
0x5b3: {  	v6 =	vld [tilespmem:$0x7E20];
	v52, _, _ =	vpop (xrf2);
	(xrf2) =	vadd.scan.msk.f32 $0xffff, v0  }
0x5b4: {  	v0 =	vmul.f32 v3, v1;
	v3 =	vpop (erf);
	v1 =	vbroadcast v52, $0xF  }
0x5b5: {  	v7 =	vld [tilespmem:$0x7E30];
	v53, _, _ =	vpop (xrf2);
	(xrf2) =	vadd.scan.msk.f32 $0xffff, v3  }
0x5b6: {  	v0 =	vadd.f32 $0.0e+00, v0;
	v1 =	vmul.f32 v1, v51;
	v3 =	vbroadcast v53, $0xF  }
0x5b7: {  	v55 =	vld [tilespmem:$0x7E40];
	v54, _, _ =	vpop (xrf2)  }
0x5b8: {  	v0 =	vadd.f32 v1, v0;
	v1 =	vmul.f32 v3, v6;
	v3 =	vbroadcast v54, $0xF  }
0x5b9: {  	v56, _, _ =	vpop (xrf2);
	v6 =	vld [tilespmem:$0x7E50]  }
0x5ba: {  	v0 =	vadd.f32 v1, v0;
	v1 =	vmul.f32 v3, v7;
	v3 =	vbroadcast v56, $0xF  }
0x5bb: {  	v57, _, _ =	vpop (xrf2);
	v7 =	vld [tilespmem:$0x7E60]  }
0x5bc: {  	v0 =	vadd.f32 v1, v0;
	v1 =	vmul.f32 v3, v55;
	v3 =	vbroadcast v57, $0xF  }
0x5bd: {  	v50 =	vld [tilespmem:$0x7E70];
	v58, _, _ =	vpop (xrf2)  }
0x5be: {  	v0 =	vadd.f32 v1, v0;
	v1 =	vmul.f32 v3, v6;
	v3 =	vbroadcast v58, $0xF  }
0x5bf: {  	v51, _, _ =	vpop (xrf2)  }
0x5c0: {  	v0 =	vadd.f32 v1, v0;
	v1 =	vmul.f32 v3, v7;
	v3 =	vbroadcast v51, $0xF  }
0x5c1: {  	s0 =	sadd.s32 $0x10, s6  }
0x5c2: {  	v52 =	vmov s0;
	v0 =	vadd.f32 v1, v0;
	v1 =	vmul.f32 v3, v50  }
0x5c3: {  	s20 =	sadd.s32 $0x11, s6;
	v3 =	vbroadcast v52, $0x0  }
0x5c4: {  	v53 =	vmov s20;
	v0 =	vadd.f32 v1, v0  }
0x5c5: {  	s21 =	sadd.s32 $0x12, s6;
	v1 =	vbroadcast v53, $0x0  }
0x5c6: {  	s22 =	sadd.s32 $0x13, s6;
	v54 =	vmov s21;
	[tilespmem:s6+$0x8120] =	vst v0  }
0x5c7: {  	v55 =	vmov s22;
	v0 =	vbroadcast v54, $0x0;
	v4 =	vld [tilespmem:$0x8080]  }
0x5c8: {  	s24 =	sadd.s32 $0x14, s6;
	v5 =	vbroadcast v55, $0x0;
	v6 =	vld [tilespmem:$0x7E80]  }
0x5c9: {  	v7 =	vmov s24;
	v3 =	vld.idx.msk [tilespmem:v3+s29+$0x0], $0xffff  }
0x5ca: {  	s25 =	sadd.s32 $0x15, s6;
	v7 =	vbroadcast v7, $0x0;
	v50 =	vld [tilespmem:$0x7E90]  }
0x5cb: {  	v56 =	vmov s25;
	v1 =	vld.idx.msk [tilespmem:v1+s29+$0x0], $0xffff  }
0x5cc: {  	s20 =	sadd.s32 $0x16, s6;
	v51 =	vbroadcast v56, $0x0;
	v52 =	vld [tilespmem:$0x7EA0]  }
0x5cd: {  	v57 =	vmov s20;
	v0 =	vld.idx.msk [tilespmem:v0+s29+$0x0], $0xffff  }
0x5ce: {  	s21 =	sadd.s32 $0x17, s6;
	v5 =	vld.idx.msk [tilespmem:v5+s29+$0x0], $0xffff;
	v3 =	vmul.f32 v6, v3;
	v6 =	vbroadcast v57, $0x0  }
0x5cf: {  	v58 =	vmov s21;
	v53 =	vld [tilespmem:$0x7EB0]  }
0x5d0: {  	s22 =	sadd.s32 $0x18, s6;
	v3 =	vadd.f32 v3, v4;
	v1 =	vmul.f32 v50, v1;
	v4 =	vld.idx.msk [tilespmem:v7+s29+$0x0], $0xffff;
	v7 =	vbroadcast v58, $0x0  }
0x5d1: {  	v57 =	vmov s22;
	v50 =	vld [tilespmem:$0x7EC0]  }
0x5d2: {  	s24 =	sadd.s32 $0x19, s6;
	v1 =	vadd.f32 v1, v3;
	v0 =	vmul.f32 v52, v0;
	v3 =	vld.idx.msk [tilespmem:v51+s29+$0x0], $0xffff;
	v51 =	vbroadcast v57, $0x0  }
0x5d3: {  	v58 =	vmov s24;
	v52 =	vld [tilespmem:$0x7ED0]  }
0x5d4: {  	s25 =	sadd.s32 $0x1A, s6;
	v0 =	vadd.f32 v0, v1;
	v1 =	vmul.f32 v53, v5;
	v5 =	vld.idx.msk [tilespmem:v6+s29+$0x0], $0xffff;
	v6 =	vbroadcast v58, $0x0  }
0x5d5: {  	v57 =	vmov s25;
	v53 =	vld [tilespmem:$0x7EE0]  }
0x5d6: {  	s20 =	sadd.s32 $0x1B, s6;
	v0 =	vadd.f32 v1, v0;
	v1 =	vmul.f32 v50, v4;
	v4 =	vld.idx.msk [tilespmem:v7+s29+$0x0], $0xffff;
	v7 =	vbroadcast v57, $0x0  }
0x5d7: {  	v58 =	vmov s20;
	v50 =	vld [tilespmem:$0x7EF0]  }
0x5d8: {  	s21 =	sadd.s32 $0x1C, s6;
	v0 =	vadd.f32 v1, v0;
	v1 =	vmul.f32 v52, v3;
	v3 =	vld.idx.msk [tilespmem:v51+s29+$0x0], $0xffff;
	v51 =	vbroadcast v58, $0x0  }
0x5d9: {  	v57 =	vmov s21;
	v52 =	vld [tilespmem:$0x7F00]  }
0x5da: {  	s22 =	sadd.s32 $0x1D, s6;
	v0 =	vadd.f32 v1, v0;
	v1 =	vmul.f32 v53, v5;
	v5 =	vld.idx.msk [tilespmem:v6+s29+$0x0], $0xffff;
	v6 =	vbroadcast v57, $0x0  }
0x5db: {  	v58 =	vmov s22;
	v53 =	vld [tilespmem:$0x7F10]  }
0x5dc: {  	s24 =	sadd.s32 $0x1E, s6;
	v0 =	vadd.f32 v1, v0;
	v1 =	vmul.f32 v50, v4;
	v4 =	vld.idx.msk [tilespmem:v7+s29+$0x0], $0xffff;
	v7 =	vbroadcast v58, $0x0  }
0x5dd: {  	v57 =	vmov s24;
	v50 =	vld [tilespmem:$0x7F20]  }
0x5de: {  	v0 =	vadd.f32 v1, v0;
	v1 =	vmul.f32 v52, v3;
	v3 =	vld.idx.msk [tilespmem:v51+s29+$0x0], $0xffff;
	v51 =	vbroadcast v57, $0x0  }
0x5df: {  	v52 =	vld [tilespmem:$0x7F30]  }
0x5e0: {  	s25 =	sadd.s32 $0x20, s6;
	s20 =	sadd.s32 $0x1F, s6;
	v0 =	vadd.f32 v1, v0;
	v1 =	vmul.f32 v53, v5;
	v5 =	vld.idx.msk [tilespmem:v6+s29+$0x0], $0xffff  }
0x5e1: {  	v58 =	vmov s25;
	v6 =	vld [tilespmem:$0x7F40];
	v53 =	vmov s20  }
0x5e2: {  	s20 =	sadd.s32 $0x21, s6;
	v0 =	vadd.f32 v1, v0;
	v1 =	vmul.f32 v50, v4;
	v4 =	vld.idx.msk [tilespmem:v7+s29+$0x0], $0xffff;
	v7 =	vbroadcast v58, $0x0  }
0x5e3: {  	v57 =	vmov s20;
	v50 =	vld [tilespmem:$0x7F50]  }
0x5e4: {  	s21 =	sadd.s32 $0x22, s6;
	v0 =	vadd.f32 v1, v0;
	v1 =	vmul.f32 v52, v3;
	v3 =	vld.idx.msk [tilespmem:v51+s29+$0x0], $0xffff;
	v51 =	vbroadcast v57, $0x0  }
0x5e5: {  	v58 =	vmov s21;
	v52 =	vld [tilespmem:$0x7F60]  }
0x5e6: {  	s22 =	sadd.s32 $0x23, s6;
	v0 =	vadd.f32 v1, v0;
	v1 =	vmul.f32 v6, v5;
	v5 =	vld.idx.msk [tilespmem:v53+s29+$0x0], $0xffff;
	v6 =	vbroadcast v58, $0x0  }
0x5e7: {  	v57 =	vmov s22;
	v53 =	vld [tilespmem:$0x7F70]  }
0x5e8: {  	s24 =	sadd.s32 $0x24, s6;
	v0 =	vadd.f32 v1, v0;
	v1 =	vmul.f32 v50, v4;
	v4 =	vld.idx.msk [tilespmem:v7+s29+$0x0], $0xffff;
	v7 =	vbroadcast v57, $0x0  }
0x5e9: {  	v58 =	vmov s24;
	v50 =	vld [tilespmem:$0x7F80]  }
0x5ea: {  	s25 =	sadd.s32 $0x25, s6;
	v0 =	vadd.f32 v1, v0;
	v1 =	vmul.f32 v52, v3;
	v3 =	vld.idx.msk [tilespmem:v51+s29+$0x0], $0xffff;
	v51 =	vbroadcast v58, $0x0  }
0x5eb: {  	v57 =	vmov s25;
	v52 =	vld [tilespmem:$0x7F90]  }
0x5ec: {  	s20 =	sadd.s32 $0x26, s6;
	v0 =	vadd.f32 v1, v0;
	v1 =	vmul.f32 v53, v5;
	v5 =	vld.idx.msk [tilespmem:v6+s29+$0x0], $0xffff;
	v6 =	vbroadcast v57, $0x0  }
0x5ed: {  	v58 =	vmov s20;
	v53 =	vld [tilespmem:$0x7FA0]  }
0x5ee: {  	s21 =	sadd.s32 $0x27, s6;
	v0 =	vadd.f32 v1, v0;
	v1 =	vmul.f32 v50, v4;
	v4 =	vld.idx.msk [tilespmem:v7+s29+$0x0], $0xffff;
	v7 =	vbroadcast v58, $0x0  }
0x5ef: {  	v57 =	vmov s21;
	v50 =	vld [tilespmem:$0x7FB0]  }
0x5f0: {  	s22 =	sadd.s32 $0x28, s6;
	v0 =	vadd.f32 v1, v0;
	v1 =	vmul.f32 v52, v3;
	v3 =	vld.idx.msk [tilespmem:v51+s29+$0x0], $0xffff;
	v51 =	vbroadcast v57, $0x0  }
0x5f1: {  	v58 =	vmov s22;
	v52 =	vld [tilespmem:$0x7FC0]  }
0x5f2: {  	s24 =	sadd.s32 $0x29, s6;
	v0 =	vadd.f32 v1, v0;
	v1 =	vmul.f32 v53, v5;
	v5 =	vld.idx.msk [tilespmem:v6+s29+$0x0], $0xffff;
	v6 =	vbroadcast v58, $0x0  }
0x5f3: {  	v57 =	vmov s24;
	v53 =	vld [tilespmem:$0x7FD0]  }
0x5f4: {  	s25 =	sadd.s32 $0x2A, s6;
	v0 =	vadd.f32 v1, v0;
	v1 =	vmul.f32 v50, v4;
	v4 =	vld.idx.msk [tilespmem:v7+s29+$0x0], $0xffff;
	v7 =	vbroadcast v57, $0x0  }
0x5f5: {  	v58 =	vmov s25;
	v50 =	vld [tilespmem:$0x7FE0]  }
0x5f6: {  	s20 =	sadd.s32 $0x2B, s6;
	v0 =	vadd.f32 v1, v0;
	v1 =	vmul.f32 v52, v3;
	v3 =	vld.idx.msk [tilespmem:v51+s29+$0x0], $0xffff;
	v51 =	vbroadcast v58, $0x0  }
0x5f7: {  	v57 =	vmov s20;
	v52 =	vld [tilespmem:$0x7FF0]  }
0x5f8: {  	s21 =	sadd.s32 $0x2C, s6;
	v0 =	vadd.f32 v1, v0;
	v1 =	vmul.f32 v53, v5;
	v5 =	vld.idx.msk [tilespmem:v6+s29+$0x0], $0xffff;
	v6 =	vbroadcast v57, $0x0  }
0x5f9: {  	v58 =	vmov s21;
	v53 =	vld [tilespmem:$0x8000]  }
0x5fa: {  	v0 =	vadd.f32 v1, v0;
	v1 =	vmul.f32 v50, v4;
	v4 =	vld.idx.msk [tilespmem:v7+s29+$0x0], $0xffff;
	v7 =	vbroadcast v58, $0x0  }
0x5fb: {  	s22 =	sadd.s32 $0x2D, s6;
	v50 =	vld [tilespmem:$0x8010]  }
0x5fc: {  	s24 =	sadd.s32 $0x2E, s6;
	v57 =	vmov s22;
	v0 =	vadd.f32 v1, v0;
	v1 =	vmul.f32 v52, v3;
	v3 =	vld.idx.msk [tilespmem:v51+s29+$0x0], $0xffff  }
0x5fd: {  	v58 =	vmov s24;
	v51 =	vbroadcast v57, $0x0;
	v52 =	vld [tilespmem:$0x8020]  }
0x5fe: {  	v0 =	vadd.f32 v1, v0;
	v1 =	vmul.f32 v53, v5;
	v57 =	vld.idx.msk [tilespmem:v6+s29+$0x0], $0xffff;
	v6 =	vbroadcast v58, $0x0  }
0x5ff: {  	v58 =	vld [tilespmem:$0x8030]  }
0x600: {  	s25 =	sadd.s32 $0x2F, s6;
	v0 =	vadd.f32 v1, v0;
	v1 =	vmul.f32 v50, v4;
	v54 =	vld.idx.msk [tilespmem:v7+s29+$0x0], $0xffff  }
0x601: {  	v55 =	vmov s25;
	v7 =	vld [tilespmem:$0x8040]  }
0x602: {  	v56 =	vld [tilespmem:$0x8050];
	v0 =	vadd.f32 v1, v0;
	v1 =	vmul.f32 v52, v3  }
0x603: {  	v3 =	vld.idx.msk [tilespmem:v51+s29+$0x0], $0xffff  }
0x604: {  	v0 =	vadd.f32 v1, v0;
	v1 =	vmul.f32 v58, v57;
	v57 =	vld.idx.msk [tilespmem:v6+s29+$0x0], $0xffff  }
0x605: {  	v6 =	vld [tilespmem:$0x8060]  }
0x606: {  	v58 =	vld.idx.msk [tilespmem:v55+s29+$0x0], $0xffff;
	v0 =	vadd.f32 v1, v0;
	v1 =	vmul.f32 v7, v54  }
0x607: {  	v7 =	vld [tilespmem:$0x8070]  }
0x608: {  	v0 =	vadd.f32 v1, v0;
	v1 =	vmul.f32 v56, v3;
	_ =	sdelay $0x1  }
0x609: {  	v0 =	vadd.f32 v1, v0;
	v1 =	vmul.f32 v6, v57  }
0x60a: {  	s1 =	sadd.s32 $0x1, s1;
	(xrf0) =	vmax.scan.msk.f32 @p0 $0xffff, v49  }
0x60b: {  	p1 =	sne.s32 s1, $0x100;
	v0 =	vadd.f32 v1, v0;
	v1 =	vmul.f32 v7, v58  }
.Ltmp18:
0x60c: {  	_ = 	snop;
	(pc) =	sbr.rel @p1 .LBB2_36-.Ltmp18, $3  }
0x60d: {  	v0 =	vadd.f32 v1, v0;
	_ =	sdelay $0x1  }
0x60e: {  	v0 =	vmax.f32 v0, $0.0e+00  }
0x60f: {  	v1, _, _ =	vpop @p0 (xrf0);
	[tilespmem:s6+$0x8100] =	vst v0  }
0x610: {  	s30 =	sadd.s32 $0x1, s30  }
0x611: {  	p0 =	sne.s32 s30, s16  }
.Ltmp19:
0x612: {  	_ = 	snop;
	(pc) =	sbr.rel @p0 .LBB2_1-.Ltmp19, $4  }
0x613: {  	[hbm4b:s15+s2] =	stream.linear.scatter [tilespmem:s29], [sflag:$0x1], $0x3000, $0x38;
	[tilespmem:$0xB100] =	vst v63  }
0x614: {  	_ =	swait.ge [sflag:s17], $0x3000  }
0x615: {  	[sflag:s17] =	ssyncset.done $0x0  }
0x616: {  	[sflag:s17] =	ssyncadd.s32 $0xFFFFD000  }
0x617: {  	_ =	sfence.sel $0x180000  }
0x618: {  	[bflag:$0x0] =	sbarrier.arrive $0xFFFF  }
0x619: {  	_ =	strace $0x90000047  }
0x61a: {  	s0 =	stileid.u32;
	[bflag:$0x2] =	sbarrier.arrive $0xFFFF  }
0x61b: {  	p0 =	sne.s32 s0, $0x0;
	s0 =	rddreg [dreg:$0x3]  }
0x61c: {  	s0 =	sadd.s32 @!p0 $0x100000, s0  }
0x61d: {  	[sflag:s0] =	ssyncadd.tile.s32 @!p0 $0x1;
	_ =	shalt  }
.Lfunc_end2:
_tile_overlayer_lowered:
.L_overlay_start_2:
0x61e: {  	(tag) =	ssettag $0x2  }
0x61f: {  	s0 =	rddreg [dreg:$0x0];
	s2 =	stileid.u32  }
0x620: {  	s1 =	rddreg [dreg:$0x1];
	p0 =	sne.s32 s2, $0x0  }
0x621: {  	s3 =	rddreg [dreg:$0x2];
	[bflag:$0x3] =	sbarrier.arrive $0xFFFF;
	s2 =	simm.s32 @!p0 $0x1C01  }
0x622: {  	[timem:s3], [sflag:s2] =	dma.local @!p0 [hbm:s0], s1  }
0x623: {  	s0 =	simm.s32 @!p0 $0x1  }
0x624: {  	_ =	swait.ge @!p0 [sflag:s0], s1  }
0x625: {  	s1 =	ssub.s32 @!p0 $0x0, s1;
	[sflag:s0] =	ssyncset.done @!p0 $0x0  }
0x626: {  	[sflag:s0] =	ssyncadd.s32 @!p0 s1  }
0x627: {  	[bflag:$0x3] =	sbarrier.arrive $0xFFFF  }
0x628: {  	_ =	shalt  }

</sc_bundles>
